<compile_context>
chip_gen: v7x
topology: tpu7x:2x2x1
jax: 0.10.2.dev20260603
libtpu: 0.0.44.dev20260713+nightly
codegen_flags: <defaults>
</compile_context>

<pallas_src>
import functools

import jax
import jax.numpy as jnp
from jax import lax
from jax.experimental import pallas as pl
from jax.experimental.pallas import tpu as pltpu
from jax.experimental.pallas import tpu_sc as plsc

N = 10000
E = 320000

_NC = 2
_NS = 16
_NW = _NC * _NS
_CH = 128
_NCH = E // _CH
_CPT = _NCH // _NW
_EPT = _CPT * _CH
_XCH = _NCH - _CPT * _NW
_GRP = 5
_NPAD = 10240
_RPT = _NPAD // _NS

_W = 8


def _sc_body(edges_hbm, pidx_hbm, zeros_hbm, vrep_hbm,
             acc_hbm, eout_hbm,
             ebuf, pidx, sb, rb, vbuf, obuf, tbuf, acc_s, acc_r, stage, sem):
    cid = lax.axis_index("c")
    sid = lax.axis_index("s")
    wid = cid * _NS + sid
    extra = wid < _XCH
    pltpu.sync_copy(zeros_hbm, stage)
    pltpu.sync_copy(stage, acc_s.at[pl.ds(sid * _RPT, _RPT)])
    pltpu.sync_copy(stage, acc_r.at[pl.ds(sid * _RPT, _RPT)])
    plsc.subcore_barrier()
    pltpu.sync_copy(edges_hbm.at[pl.ds(wid * _EPT, _EPT)],
                    ebuf.at[pl.ds(0, _EPT)])
    pltpu.sync_copy(pidx_hbm.at[pl.ds(wid * _CPT, _CPT)],
                    pidx.at[pl.ds(0, _CPT)])
    pltpu.sync_copy(vrep_hbm, vbuf)

    @pl.when(extra)
    def _():
        xrow = (_CPT * _NW + wid) * _CH
        pltpu.sync_copy(edges_hbm.at[pl.ds(xrow, _CH)],
                        ebuf.at[pl.ds(_EPT, _CH)])
        pltpu.sync_copy(pidx_hbm.at[pl.ds(_CPT * _NW + wid, 1)],
                        pidx.at[pl.ds(_CPT, 1)])

    lane = lax.iota(jnp.int32, 16)

    def do_group(j0, nch):
        for t in range(nch):
            for c in range(_CH // 16):
                p = pidx[j0 + t, pl.ds(c * 16, 16)]
                sb[t, pl.ds(c * 16, 16)] = lax.bitwise_and(p, 0xFFFF)
                rb[t, pl.ds(c * 16, 16)] = lax.shift_right_logical(p, 16)
        descs = []
        for t in range(nch):
            src = ebuf.at[pl.ds((j0 + t) * _CH, _CH)]
            descs.append(
                pltpu.async_copy(src, acc_s.at[sb.at[t]], sem, add=True))
            descs.append(
                pltpu.async_copy(src, acc_r.at[rb.at[t]], sem, add=True))

        @pl.loop(0, nch * _CH // 16)
        def _dec(k):
            base = j0 * _CH + k * 16
            rows = base + lane
            r16 = vbuf[4]
            for f in range(4):
                cols = jnp.full((16,), f, jnp.int32)
                r16 = r16 + plsc.load_gather(ebuf, [rows, cols]) * vbuf[f]
            obuf[pl.ds(base, 16)] = r16

        for d in descs:
            d.wait()

    @pl.loop(0, 15)
    def _group(g):
        do_group(g * _GRP, _GRP)

    do_group(15 * _GRP, _CPT - 15 * _GRP)

    @pl.when(extra)
    def _():
        do_group(_CPT, 1)

    pltpu.sync_copy(obuf.at[pl.ds(0, _EPT)],
                    eout_hbm.at[pl.ds(wid * _EPT, _EPT)])

    @pl.when(extra)
    def _():
        xrow = (_CPT * _NW + wid) * _CH
        pltpu.sync_copy(obuf.at[pl.ds(_EPT, _CH)],
                        eout_hbm.at[pl.ds(xrow, _CH)])

    plsc.subcore_barrier()
    for t, acc in ((0, acc_s), (1, acc_r)):
        pltpu.sync_copy(acc.at[pl.ds(sid * _RPT, _RPT)], stage)
        for f in range(_W):
            @pl.loop(0, _RPT // 16)
            def _tp(k, _f=f):
                rows = k * 16 + lane
                cols = jnp.full((16,), _f, jnp.int32)
                tbuf[_f, pl.ds(k * 16, 16)] = plsc.load_gather(
                    stage, [rows, cols])
            pltpu.sync_copy(tbuf.at[f],
                            acc_hbm.at[(cid * 2 + t) * _W + f, sid])


@functools.cache
def _sc_graph():
  return pl.kernel(
    _sc_body,
    out_type=(jax.ShapeDtypeStruct((_NC * 2 * _W, _NS, _RPT), jnp.float32),
              jax.ShapeDtypeStruct((E,), jnp.float32)),
    mesh=plsc.VectorSubcoreMesh(core_axis_name="c", subcore_axis_name="s",
                                num_cores=_NC, num_subcores=_NS),
    scratch_types=[
        pltpu.VMEM((_EPT + _CH, _W), jnp.float32),
        pltpu.VMEM((_CPT + 1, _CH), jnp.int32),
        pltpu.VMEM((_GRP, _CH), jnp.int32),
        pltpu.VMEM((_GRP, _CH), jnp.int32),
        pltpu.VMEM((_W, 16), jnp.float32),
        pltpu.VMEM((_EPT + _CH,), jnp.float32),
        pltpu.VMEM((_W, _RPT), jnp.float32),
        pltpu.VMEM_SHARED((_NPAD, _W), jnp.float32),
        pltpu.VMEM_SHARED((_NPAD, _W), jnp.float32),
        pltpu.VMEM((_RPT, _W), jnp.float32),
        pltpu.SemaphoreType.DMA,
    ],
    compiler_params=pltpu.CompilerParams(use_tc_tiling_on_sc=False,
                                         needs_layout_passes=False),
  )


def _node_body(nodes_ref, accT_ref, g_ref, Wn_ref, bn_ref, We_ref, be_ref,
               W1a_ref, W1s_ref, W1r_ref, W1g_ref, b1_ref,
               W2_ref, b2_ref, wd_ref, bd_ref, out_ref):
    f32 = jnp.float32
    W1a = W1a_ref[...]
    zero3 = jnp.zeros((3, 10), f32)
    A = jnp.dot(Wn_ref[...], W1a, preferred_element_type=f32)
    Bs = jnp.concatenate(
        [jnp.dot(We_ref[...], W1s_ref[...], preferred_element_type=f32),
         jnp.dot(be_ref[...], W1s_ref[...], preferred_element_type=f32),
         zero3], axis=0)
    Br = jnp.concatenate(
        [jnp.dot(We_ref[...], W1r_ref[...], preferred_element_type=f32),
         jnp.dot(be_ref[...], W1r_ref[...], preferred_element_type=f32),
         zero3], axis=0)
    const = (jnp.dot(bn_ref[...], W1a, preferred_element_type=f32)
             + jnp.dot(g_ref[...], W1g_ref[...], preferred_element_type=f32)
             + b1_ref[...])
    sT = accT_ref[0, 0] + accT_ref[1, 0]
    rT = accT_ref[0, 1] + accT_ref[1, 1]
    dn = (((0,), (0,)), ((), ()))
    segs = lax.dot_general(sT, Bs, dimension_numbers=dn, preferred_element_type=f32)
    segr = lax.dot_general(rT, Br, dimension_numbers=dn, preferred_element_type=f32)
    h = (jnp.dot(nodes_ref[...], A, preferred_element_type=f32)
         + segs[:N] + segr[:N] + const)
    h = jnp.maximum(h, 0.0)
    w2d = jnp.dot(W2_ref[...], wd_ref[...], preferred_element_type=f32)
    cout = jnp.dot(b2_ref[...], wd_ref[...], preferred_element_type=f32) + bd_ref[...]
    out_ref[...] = jnp.dot(h, w2d, preferred_element_type=f32) + cout


def kernel(nodes, edges, senders, receivers, globals_,
           enc_node_W, enc_node_b, enc_edge_W, enc_edge_b,
           mlp_W1, mlp_b1, mlp_W2, mlp_b2,
           dec_node_W, dec_node_b, dec_edge_W, dec_edge_b):
    f32 = jnp.float32
    edges = edges.astype(f32)
    edges8 = jnp.concatenate(
        [edges, jnp.ones((E, 1), f32), jnp.zeros((E, 3), f32)], axis=1)
    pk = ((receivers.astype(jnp.int32) << 16)
          | senders.astype(jnp.int32)).reshape(_NCH, _CH)
    zeros = jnp.zeros((_RPT, _W), f32)
    v4 = jnp.dot(enc_edge_W, dec_edge_W)[:, 0]
    ebias = jnp.dot(enc_edge_b, dec_edge_W)[0] + dec_edge_b[0]
    vrep = jnp.zeros((_W, 16), f32)
    vrep = vrep.at[0:4].set(jnp.broadcast_to(v4[:, None], (4, 16)))
    vrep = vrep.at[4].set(jnp.broadcast_to(ebias, (16,)))

    acc, eout = _sc_graph()(edges8, pk, zeros, vrep)
    accT = acc.reshape(_NC, 2, _W, _NPAD)
    edges_out = eout.reshape(E, 1)

    bn = enc_node_b.reshape(1, -1)
    be = enc_edge_b.reshape(1, -1)
    b1 = mlp_b1.reshape(1, -1)
    b2 = mlp_b2.reshape(1, -1)
    bd = dec_node_b.reshape(1, 1)
    W1a, W1s, W1r, W1g = (mlp_W1[0:10], mlp_W1[10:20], mlp_W1[20:30],
                          mlp_W1[30:34])

    nodes_out = pl.pallas_call(
        _node_body,
        out_shape=jax.ShapeDtypeStruct((N, 1), f32),
    )(nodes, accT, globals_, enc_node_W, bn, enc_edge_W, be,
      W1a, W1s, W1r, W1g, b1, mlp_W2, b2, dec_node_W, bd)

    return nodes_out, edges_out, globals_

# --- scband reference (transcript-rebuilt; emitter-appended) ---
"""Pipeline reference for scband-graph-net-25288767439626 (READ-ONLY COPY).

The authoritative reference and input builder live on the scoring server;
editing this copy changes nothing except your own understanding.
"""

import jax, jax.numpy as jnp
import numpy as np

N = 10000
E = 320000
D_NODE = 128
D_EDGE = 4
G = 4
LATENT = 10


def _glorot(key, shape):
    fan_in, fan_out = shape[0], shape[1]
    lim = jnp.sqrt(6.0 / (fan_in + fan_out))
    return jax.random.uniform(key, shape, jnp.float32, -lim, lim)


def setup_inputs(seed: int = 0) -> dict:
    key = jax.random.key(seed)
    ks = jax.random.split(key, 16)
    nodes = jax.random.normal(ks[0], (N, D_NODE), jnp.float32)
    edges = jax.random.normal(ks[1], (E, D_EDGE), jnp.float32)
    senders = jax.random.randint(ks[2], (E,), 0, N).astype(jnp.int64)
    receivers = jax.random.randint(ks[3], (E,), 0, N).astype(jnp.int64)
    globals_ = jax.random.normal(ks[4], (1, G), jnp.float32)
    # encoder dense layers
    enc_node_W = _glorot(ks[5], (D_NODE, LATENT)); enc_node_b = jnp.zeros((LATENT,), jnp.float32)
    enc_edge_W = _glorot(ks[6], (D_EDGE, LATENT)); enc_edge_b = jnp.zeros((LATENT,), jnp.float32)
    # node-update MLP: input = latent(nodes) + latent(sent) + latent(recv) + G(globals) = 34
    in_dim = 3 * LATENT + G
    mlp_W1 = _glorot(ks[7], (in_dim, LATENT)); mlp_b1 = jnp.zeros((LATENT,), jnp.float32)
    mlp_W2 = _glorot(ks[8], (LATENT, LATENT)); mlp_b2 = jnp.zeros((LATENT,), jnp.float32)
    # decoder dense layers (node_output_size=1, edge_output_size=1)
    dec_node_W = _glorot(ks[9], (LATENT, 1)); dec_node_b = jnp.zeros((1,), jnp.float32)
    dec_edge_W = _glorot(ks[10], (LATENT, 1)); dec_edge_b = jnp.zeros((1,), jnp.float32)
    return {
        'nodes': nodes, 'edges': edges, 'senders': senders, 'receivers': receivers,
        'globals_': globals_,
        'enc_node_W': enc_node_W, 'enc_node_b': enc_node_b,
        'enc_edge_W': enc_edge_W, 'enc_edge_b': enc_edge_b,
        'mlp_W1': mlp_W1, 'mlp_b1': mlp_b1, 'mlp_W2': mlp_W2, 'mlp_b2': mlp_b2,
        'dec_node_W': dec_node_W, 'dec_node_b': dec_node_b,
        'dec_edge_W': dec_edge_W, 'dec_edge_b': dec_edge_b,
    }


def reference(nodes, edges, senders, receivers, globals_,
              enc_node_W, enc_node_b, enc_edge_W, enc_edge_b,
              mlp_W1, mlp_b1, mlp_W2, mlp_b2,
              dec_node_W, dec_node_b, dec_edge_W, dec_edge_b):
    # --- encoder (GraphMapFeatures with Dense embeds) ---
    h_n = nodes @ enc_node_W + enc_node_b
    h_e = edges @ enc_edge_W + enc_edge_b
    g = globals_
    # --- GraphNetwork, num_message_passing_steps=1, update_edge_fn=None ---
    for _ in range(1):
        # aggregate edge features to nodes (jraph default: segment_sum)
        sent_attrs = jax.ops.segment_sum(h_e, senders, num_segments=N)
        recv_attrs = jax.ops.segment_sum(h_e, receivers, num_segments=N)
        # broadcast globals to each node (single graph)
        g_nodes = jnp.repeat(g, N, axis=0)
        # update_node_fn: MLP([latent, latent], relu) on concat
        inp = jnp.concatenate((h_n, sent_attrs, recv_attrs, g_nodes), axis=1)
        h = jax.nn.relu(inp @ mlp_W1 + mlp_b1)
        h_n = h @ mlp_W2 + mlp_b2
        # update_global_fn: splits time / static params and re-concats (identity-like)
        time = g[0]
        static_params = g[1:]
        g = jnp.concatenate((jnp.expand_dims(time, 0), static_params), axis=0)
    # --- decoder ---
    nodes_out = h_n @ dec_node_W + dec_node_b
    edges_out = h_e @ dec_edge_W + dec_edge_b
    return nodes_out, edges_out, g

if __name__ == "__main__":
    import jax
    _d = setup_inputs()
    print(jax.jit(kernel)(*tuple(_d.values())))

</pallas_src>

<mosaic_0001>
#map = affine_map<(d0, d1) -> (0, 0)>
#map1 = affine_map<(d0, d1) -> (0, 0, 0)>
#map2 = affine_map<(d0, d1) -> (0)>
module attributes {stable_mosaic.version = 14 : i64} {
  func.func @_sc_body(%arg0: i32, %arg1: i32, %arg2: memref<320000x8xf32, #tpu.memory_space<hbm>>, %arg3: memref<2500x128xi32, #tpu.memory_space<hbm>>, %arg4: memref<640x8xf32, #tpu.memory_space<hbm>>, %arg5: memref<8x16xf32, #tpu.memory_space<hbm>>, %arg6: memref<32x16x640xf32, #tpu.memory_space<hbm>>, %arg7: memref<320000xf32, #tpu.memory_space<hbm>>, %arg8: memref<10112x8xf32, #tpu.memory_space<vmem>>, %arg9: memref<79x128xi32, #tpu.memory_space<vmem>>, %arg10: memref<5x128xi32, #tpu.memory_space<vmem>>, %arg11: memref<5x128xi32, #tpu.memory_space<vmem>>, %arg12: memref<8x16xf32, #tpu.memory_space<vmem>>, %arg13: memref<10112xf32, #tpu.memory_space<vmem>>, %arg14: memref<8x640xf32, #tpu.memory_space<vmem>>, %arg15: memref<10240x8xf32, #tpu.memory_space<vmem_shared>>, %arg16: memref<10240x8xf32, #tpu.memory_space<vmem_shared>>, %arg17: memref<640x8xf32, #tpu.memory_space<vmem>>, %arg18: memref<!tpu.dma_semaphore, #tpu.memory_space<semaphore_mem>>) attributes {dimension_semantics = [#tpu.dimension_semantics<core_parallel>, #tpu.dimension_semantics<subcore_parallel>], iteration_bounds = array<i64: 2, 16>, scalar_prefetch = 0 : i64, scratch_operands = 11 : i64, tpu.core_type = #tpu.core_type<sc_vector_subcore>, window_params = [{transform_indices = #map}, {transform_indices = #map}, {transform_indices = #map}, {transform_indices = #map}, {transform_indices = #map1}, {transform_indices = #map2}]} {
    %mul3A = arith.constant 16 : i32
    %mul3A_0 = arith.muli %arg0, %mul3A : i32
    %add3A = arith.addi %mul3A_0, %arg1 : i32
    %lt3A = arith.constant 4 : i32
    %lt3A_1 = arith.cmpi slt, %add3A, %lt3A : i32
    "tpu.region"() ({
      %run_scoped3A_802 = tpu.sem_alloc : memref<!tpu.dma_semaphore, #tpu.memory_space<semaphore_mem>>
      tpu.enqueue_dma source(%arg4 : memref<640x8xf32, #tpu.memory_space<hbm>>) target(%arg17 : memref<640x8xf32, #tpu.memory_space<vmem>>) target_semaphore(%run_scoped3A_802 : memref<!tpu.dma_semaphore, #tpu.memory_space<semaphore_mem>>)
      tpu.wait_dma2 semaphore(%run_scoped3A_802 : memref<!tpu.dma_semaphore, #tpu.memory_space<semaphore_mem>>) src(%arg4 : memref<640x8xf32, #tpu.memory_space<hbm>>) dst(%arg17 : memref<640x8xf32, #tpu.memory_space<vmem>>)
      tpu.yield
    }) : () -> ()
    %mul3A_2 = arith.constant 640 : i32
    %mul3A_3 = arith.muli %arg1, %mul3A_2 : i32
    "tpu.region"() ({
      %run_scoped3A_802 = tpu.sem_alloc : memref<!tpu.dma_semaphore, #tpu.memory_space<semaphore_mem>>
      %dma_start3A_803 = arith.constant 0 : i32
      %dma_start3A_804 = tpu.memref_slice %arg15[%mul3A_3, %dma_start3A_803] : memref<10240x8xf32, #tpu.memory_space<vmem_shared>> -> memref<640x8xf32, #tpu.memory_space<vmem_shared>>
      %dma_start3A_805 = arith.constant 0 : i32
      %dma_start3A_806 = tpu.memref_slice %arg15[%mul3A_3, %dma_start3A_805] : memref<10240x8xf32, #tpu.memory_space<vmem_shared>> -> memref<640x8xf32, #tpu.memory_space<vmem_shared>>
      tpu.enqueue_dma source(%arg17 : memref<640x8xf32, #tpu.memory_space<vmem>>) target(%dma_start3A_806 : memref<640x8xf32, #tpu.memory_space<vmem_shared>>) target_semaphore(%run_scoped3A_802 : memref<!tpu.dma_semaphore, #tpu.memory_space<semaphore_mem>>)
      %dma_wait3A_807 = arith.constant 0 : i32
      %dma_wait3A_808 = tpu.memref_slice %arg15[%mul3A_3, %dma_wait3A_807] : memref<10240x8xf32, #tpu.memory_space<vmem_shared>> -> memref<640x8xf32, #tpu.memory_space<vmem_shared>>
      %dma_wait3A_809 = arith.constant 0 : i32
      %dma_wait3A_810 = tpu.memref_slice %arg15[%mul3A_3, %dma_wait3A_809] : memref<10240x8xf32, #tpu.memory_space<vmem_shared>> -> memref<640x8xf32, #tpu.memory_space<vmem_shared>>
      tpu.wait_dma2 semaphore(%run_scoped3A_802 : memref<!tpu.dma_semaphore, #tpu.memory_space<semaphore_mem>>) src(%arg17 : memref<640x8xf32, #tpu.memory_space<vmem>>) dst(%dma_wait3A_810 : memref<640x8xf32, #tpu.memory_space<vmem_shared>>)
      tpu.yield
    }) : () -> ()
    %mul3A_4 = arith.constant 640 : i32
    %mul3A_5 = arith.muli %arg1, %mul3A_4 : i32
    "tpu.region"() ({
      %run_scoped3A_802 = tpu.sem_alloc : memref<!tpu.dma_semaphore, #tpu.memory_space<semaphore_mem>>
      %dma_start3A_803 = arith.constant 0 : i32
      %dma_start3A_804 = tpu.memref_slice %arg16[%mul3A_5, %dma_start3A_803] : memref<10240x8xf32, #tpu.memory_space<vmem_shared>> -> memref<640x8xf32, #tpu.memory_space<vmem_shared>>
      %dma_start3A_805 = arith.constant 0 : i32
      %dma_start3A_806 = tpu.memref_slice %arg16[%mul3A_5, %dma_start3A_805] : memref<10240x8xf32, #tpu.memory_space<vmem_shared>> -> memref<640x8xf32, #tpu.memory_space<vmem_shared>>
      tpu.enqueue_dma source(%arg17 : memref<640x8xf32, #tpu.memory_space<vmem>>) target(%dma_start3A_806 : memref<640x8xf32, #tpu.memory_space<vmem_shared>>) target_semaphore(%run_scoped3A_802 : memref<!tpu.dma_semaphore, #tpu.memory_space<semaphore_mem>>)
      %dma_wait3A_807 = arith.constant 0 : i32
      %dma_wait3A_808 = tpu.memref_slice %arg16[%mul3A_5, %dma_wait3A_807] : memref<10240x8xf32, #tpu.memory_space<vmem_shared>> -> memref<640x8xf32, #tpu.memory_space<vmem_shared>>
      %dma_wait3A_809 = arith.constant 0 : i32
      %dma_wait3A_810 = tpu.memref_slice %arg16[%mul3A_5, %dma_wait3A_809] : memref<10240x8xf32, #tpu.memory_space<vmem_shared>> -> memref<640x8xf32, #tpu.memory_space<vmem_shared>>
      tpu.wait_dma2 semaphore(%run_scoped3A_802 : memref<!tpu.dma_semaphore, #tpu.memory_space<semaphore_mem>>) src(%arg17 : memref<640x8xf32, #tpu.memory_space<vmem>>) dst(%dma_wait3A_810 : memref<640x8xf32, #tpu.memory_space<vmem_shared>>)
      tpu.yield
    }) : () -> ()
    %barrier3A = arith.constant 0 : index
    tpu.barrier barrier_id(%barrier3A)
    %mul3A_6 = arith.constant 9984 : i32
    %mul3A_7 = arith.muli %add3A, %mul3A_6 : i32
    "tpu.region"() ({
      %run_scoped3A_802 = tpu.sem_alloc : memref<!tpu.dma_semaphore, #tpu.memory_space<semaphore_mem>>
      %dma_start3A_803 = arith.constant 0 : i32
      %dma_start3A_804 = arith.constant 0 : i32
      %dma_start3A_805 = tpu.memref_slice %arg8[%dma_start3A_803, %dma_start3A_804] : memref<10112x8xf32, #tpu.memory_space<vmem>> -> memref<9984x8xf32, #tpu.memory_space<vmem>>
      %dma_start3A_806 = arith.constant 0 : i32
      %dma_start3A_807 = tpu.memref_slice %arg2[%mul3A_7, %dma_start3A_806] : memref<320000x8xf32, #tpu.memory_space<hbm>> -> memref<9984x8xf32, #tpu.memory_space<hbm>>
      %dma_start3A_808 = arith.constant 0 : i32
      %dma_start3A_809 = arith.constant 0 : i32
      %dma_start3A_810 = tpu.memref_slice %arg8[%dma_start3A_808, %dma_start3A_809] : memref<10112x8xf32, #tpu.memory_space<vmem>> -> memref<9984x8xf32, #tpu.memory_space<vmem>>
      %dma_start3A_811 = arith.constant 0 : i32
      %dma_start3A_812 = tpu.memref_slice %arg2[%mul3A_7, %dma_start3A_811] : memref<320000x8xf32, #tpu.memory_space<hbm>> -> memref<9984x8xf32, #tpu.memory_space<hbm>>
      tpu.enqueue_dma source(%dma_start3A_812 : memref<9984x8xf32, #tpu.memory_space<hbm>>) target(%dma_start3A_810 : memref<9984x8xf32, #tpu.memory_space<vmem>>) target_semaphore(%run_scoped3A_802 : memref<!tpu.dma_semaphore, #tpu.memory_space<semaphore_mem>>)
      %dma_wait3A_813 = arith.constant 0 : i32
      %dma_wait3A_814 = arith.constant 0 : i32
      %dma_wait3A_815 = tpu.memref_slice %arg8[%dma_wait3A_813, %dma_wait3A_814] : memref<10112x8xf32, #tpu.memory_space<vmem>> -> memref<9984x8xf32, #tpu.memory_space<vmem>>
      %dma_wait3A_816 = arith.constant 0 : i32
      %dma_wait3A_817 = tpu.memref_slice %arg2[%mul3A_7, %dma_wait3A_816] : memref<320000x8xf32, #tpu.memory_space<hbm>> -> memref<9984x8xf32, #tpu.memory_space<hbm>>
      %dma_wait3A_818 = arith.constant 0 : i32
      %dma_wait3A_819 = arith.constant 0 : i32
      %dma_wait3A_820 = tpu.memref_slice %arg8[%dma_wait3A_818, %dma_wait3A_819] : memref<10112x8xf32, #tpu.memory_space<vmem>> -> memref<9984x8xf32, #tpu.memory_space<vmem>>
      %dma_wait3A_821 = arith.constant 0 : i32
      %dma_wait3A_822 = tpu.memref_slice %arg2[%mul3A_7, %dma_wait3A_821] : memref<320000x8xf32, #tpu.memory_space<hbm>> -> memref<9984x8xf32, #tpu.memory_space<hbm>>
      tpu.wait_dma2 semaphore(%run_scoped3A_802 : memref<!tpu.dma_semaphore, #tpu.memory_space<semaphore_mem>>) src(%dma_wait3A_822 : memref<9984x8xf32, #tpu.memory_space<hbm>>) dst(%dma_wait3A_820 : memref<9984x8xf32, #tpu.memory_space<vmem>>)
      tpu.yield
    }) : () -> ()
    %mul3A_8 = arith.constant 78 : i32
    %mul3A_9 = arith.muli %add3A, %mul3A_8 : i32
    "tpu.region"() ({
      %run_scoped3A_802 = tpu.sem_alloc : memref<!tpu.dma_semaphore, #tpu.memory_space<semaphore_mem>>
      %dma_start3A_803 = arith.constant 0 : i32
      %dma_start3A_804 = arith.constant 0 : i32
      %dma_start3A_805 = tpu.memref_slice %arg9[%dma_start3A_803, %dma_start3A_804] : memref<79x128xi32, #tpu.memory_space<vmem>> -> memref<78x128xi32, #tpu.memory_space<vmem>>
      %dma_start3A_806 = arith.constant 0 : i32
      %dma_start3A_807 = tpu.memref_slice %arg3[%mul3A_9, %dma_start3A_806] : memref<2500x128xi32, #tpu.memory_space<hbm>> -> memref<78x128xi32, #tpu.memory_space<hbm>>
      %dma_start3A_808 = arith.constant 0 : i32
      %dma_start3A_809 = arith.constant 0 : i32
      %dma_start3A_810 = tpu.memref_slice %arg9[%dma_start3A_808, %dma_start3A_809] : memref<79x128xi32, #tpu.memory_space<vmem>> -> memref<78x128xi32, #tpu.memory_space<vmem>>
      %dma_start3A_811 = arith.constant 0 : i32
      %dma_start3A_812 = tpu.memref_slice %arg3[%mul3A_9, %dma_start3A_811] : memref<2500x128xi32, #tpu.memory_space<hbm>> -> memref<78x128xi32, #tpu.memory_space<hbm>>
      tpu.enqueue_dma source(%dma_start3A_812 : memref<78x128xi32, #tpu.memory_space<hbm>>) target(%dma_start3A_810 : memref<78x128xi32, #tpu.memory_space<vmem>>) target_semaphore(%run_scoped3A_802 : memref<!tpu.dma_semaphore, #tpu.memory_space<semaphore_mem>>)
      %dma_wait3A_813 = arith.constant 0 : i32
      %dma_wait3A_814 = arith.constant 0 : i32
      %dma_wait3A_815 = tpu.memref_slice %arg9[%dma_wait3A_813, %dma_wait3A_814] : memref<79x128xi32, #tpu.memory_space<vmem>> -> memref<78x128xi32, #tpu.memory_space<vmem>>
      %dma_wait3A_816 = arith.constant 0 : i32
      %dma_wait3A_817 = tpu.memref_slice %arg3[%mul3A_9, %dma_wait3A_816] : memref<2500x128xi32, #tpu.memory_space<hbm>> -> memref<78x128xi32, #tpu.memory_space<hbm>>
      %dma_wait3A_818 = arith.constant 0 : i32
      %dma_wait3A_819 = arith.constant 0 : i32
      %dma_wait3A_820 = tpu.memref_slice %arg9[%dma_wait3A_818, %dma_wait3A_819] : memref<79x128xi32, #tpu.memory_space<vmem>> -> memref<78x128xi32, #tpu.memory_space<vmem>>
      %dma_wait3A_821 = arith.constant 0 : i32
      %dma_wait3A_822 = tpu.memref_slice %arg3[%mul3A_9, %dma_wait3A_821] : memref<2500x128xi32, #tpu.memory_space<hbm>> -> memref<78x128xi32, #tpu.memory_space<hbm>>
      tpu.wait_dma2 semaphore(%run_scoped3A_802 : memref<!tpu.dma_semaphore, #tpu.memory_space<semaphore_mem>>) src(%dma_wait3A_822 : memref<78x128xi32, #tpu.memory_space<hbm>>) dst(%dma_wait3A_820 : memref<78x128xi32, #tpu.memory_space<vmem>>)
      tpu.yield
    }) : () -> ()
    "tpu.region"() ({
      %run_scoped3A_802 = tpu.sem_alloc : memref<!tpu.dma_semaphore, #tpu.memory_space<semaphore_mem>>
      tpu.enqueue_dma source(%arg5 : memref<8x16xf32, #tpu.memory_space<hbm>>) target(%arg12 : memref<8x16xf32, #tpu.memory_space<vmem>>) target_semaphore(%run_scoped3A_802 : memref<!tpu.dma_semaphore, #tpu.memory_space<semaphore_mem>>)
      tpu.wait_dma2 semaphore(%run_scoped3A_802 : memref<!tpu.dma_semaphore, #tpu.memory_space<semaphore_mem>>) src(%arg5 : memref<8x16xf32, #tpu.memory_space<hbm>>) dst(%arg12 : memref<8x16xf32, #tpu.memory_space<vmem>>)
      tpu.yield
    }) : () -> ()
    %convert_element_type3A = arith.extui %lt3A_1 : i1 to i32
    %cond3A = arith.constant 0 : i32
    %cond3A_10 = arith.cmpi ne, %convert_element_type3A, %cond3A : i32
    scf.if %cond3A_10 {
      %add3A_802 = arith.constant 2496 : i32
      %add3A_803 = arith.addi %add3A_802, %add3A : i32
      %mul3A_804 = arith.constant 128 : i32
      %mul3A_805 = arith.muli %add3A_803, %mul3A_804 : i32
      "tpu.region"() ({
        %run_scoped3A_808 = tpu.sem_alloc : memref<!tpu.dma_semaphore, #tpu.memory_space<semaphore_mem>>
        %dma_start3A_809 = arith.constant 9984 : i32
        %dma_start3A_810 = arith.constant 0 : i32
        %dma_start3A_811 = tpu.memref_slice %arg8[%dma_start3A_809, %dma_start3A_810] : memref<10112x8xf32, #tpu.memory_space<vmem>> -> memref<128x8xf32, #tpu.memory_space<vmem>>
        %dma_start3A_812 = arith.constant 0 : i32
        %dma_start3A_813 = tpu.memref_slice %arg2[%mul3A_805, %dma_start3A_812] : memref<320000x8xf32, #tpu.memory_space<hbm>> -> memref<128x8xf32, #tpu.memory_space<hbm>>
        %dma_start3A_814 = arith.constant 9984 : i32
        %dma_start3A_815 = arith.constant 0 : i32
        %dma_start3A_816 = tpu.memref_slice %arg8[%dma_start3A_814, %dma_start3A_815] : memref<10112x8xf32, #tpu.memory_space<vmem>> -> memref<128x8xf32, #tpu.memory_space<vmem>>
        %dma_start3A_817 = arith.constant 0 : i32
        %dma_start3A_818 = tpu.memref_slice %arg2[%mul3A_805, %dma_start3A_817] : memref<320000x8xf32, #tpu.memory_space<hbm>> -> memref<128x8xf32, #tpu.memory_space<hbm>>
        tpu.enqueue_dma source(%dma_start3A_818 : memref<128x8xf32, #tpu.memory_space<hbm>>) target(%dma_start3A_816 : memref<128x8xf32, #tpu.memory_space<vmem>>) target_semaphore(%run_scoped3A_808 : memref<!tpu.dma_semaphore, #tpu.memory_space<semaphore_mem>>)
        %dma_wait3A_819 = arith.constant 9984 : i32
        %dma_wait3A_820 = arith.constant 0 : i32
        %dma_wait3A_821 = tpu.memref_slice %arg8[%dma_wait3A_819, %dma_wait3A_820] : memref<10112x8xf32, #tpu.memory_space<vmem>> -> memref<128x8xf32, #tpu.memory_space<vmem>>
        %dma_wait3A_822 = arith.constant 0 : i32
        %dma_wait3A_823 = tpu.memref_slice %arg2[%mul3A_805, %dma_wait3A_822] : memref<320000x8xf32, #tpu.memory_space<hbm>> -> memref<128x8xf32, #tpu.memory_space<hbm>>
        %dma_wait3A_824 = arith.constant 9984 : i32
        %dma_wait3A_825 = arith.constant 0 : i32
        %dma_wait3A_826 = tpu.memref_slice %arg8[%dma_wait3A_824, %dma_wait3A_825] : memref<10112x8xf32, #tpu.memory_space<vmem>> -> memref<128x8xf32, #tpu.memory_space<vmem>>
        %dma_wait3A_827 = arith.constant 0 : i32
        %dma_wait3A_828 = tpu.memref_slice %arg2[%mul3A_805, %dma_wait3A_827] : memref<320000x8xf32, #tpu.memory_space<hbm>> -> memref<128x8xf32, #tpu.memory_space<hbm>>
        tpu.wait_dma2 semaphore(%run_scoped3A_808 : memref<!tpu.dma_semaphore, #tpu.memory_space<semaphore_mem>>) src(%dma_wait3A_828 : memref<128x8xf32, #tpu.memory_space<hbm>>) dst(%dma_wait3A_826 : memref<128x8xf32, #tpu.memory_space<vmem>>)
        tpu.yield
      }) : () -> ()
      %add3A_806 = arith.constant 2496 : i32
      %add3A_807 = arith.addi %add3A_806, %add3A : i32
      "tpu.region"() ({
        %run_scoped3A_808 = tpu.sem_alloc : memref<!tpu.dma_semaphore, #tpu.memory_space<semaphore_mem>>
        %dma_start3A_809 = arith.constant 78 : i32
        %dma_start3A_810 = arith.constant 0 : i32
        %dma_start3A_811 = tpu.memref_slice %arg9[%dma_start3A_809, %dma_start3A_810] : memref<79x128xi32, #tpu.memory_space<vmem>> -> memref<1x128xi32, #tpu.memory_space<vmem>>
        %dma_start3A_812 = arith.constant 0 : i32
        %dma_start3A_813 = tpu.memref_slice %arg3[%add3A_807, %dma_start3A_812] : memref<2500x128xi32, #tpu.memory_space<hbm>> -> memref<1x128xi32, #tpu.memory_space<hbm>>
        %dma_start3A_814 = arith.constant 78 : i32
        %dma_start3A_815 = arith.constant 0 : i32
        %dma_start3A_816 = tpu.memref_slice %arg9[%dma_start3A_814, %dma_start3A_815] : memref<79x128xi32, #tpu.memory_space<vmem>> -> memref<1x128xi32, #tpu.memory_space<vmem>>
        %dma_start3A_817 = arith.constant 0 : i32
        %dma_start3A_818 = tpu.memref_slice %arg3[%add3A_807, %dma_start3A_817] : memref<2500x128xi32, #tpu.memory_space<hbm>> -> memref<1x128xi32, #tpu.memory_space<hbm>>
        tpu.enqueue_dma source(%dma_start3A_818 : memref<1x128xi32, #tpu.memory_space<hbm>>) target(%dma_start3A_816 : memref<1x128xi32, #tpu.memory_space<vmem>>) target_semaphore(%run_scoped3A_808 : memref<!tpu.dma_semaphore, #tpu.memory_space<semaphore_mem>>)
        %dma_wait3A_819 = arith.constant 78 : i32
        %dma_wait3A_820 = arith.constant 0 : i32
        %dma_wait3A_821 = tpu.memref_slice %arg9[%dma_wait3A_819, %dma_wait3A_820] : memref<79x128xi32, #tpu.memory_space<vmem>> -> memref<1x128xi32, #tpu.memory_space<vmem>>
        %dma_wait3A_822 = arith.constant 0 : i32
        %dma_wait3A_823 = tpu.memref_slice %arg3[%add3A_807, %dma_wait3A_822] : memref<2500x128xi32, #tpu.memory_space<hbm>> -> memref<1x128xi32, #tpu.memory_space<hbm>>
        %dma_wait3A_824 = arith.constant 78 : i32
        %dma_wait3A_825 = arith.constant 0 : i32
        %dma_wait3A_826 = tpu.memref_slice %arg9[%dma_wait3A_824, %dma_wait3A_825] : memref<79x128xi32, #tpu.memory_space<vmem>> -> memref<1x128xi32, #tpu.memory_space<vmem>>
        %dma_wait3A_827 = arith.constant 0 : i32
        %dma_wait3A_828 = tpu.memref_slice %arg3[%add3A_807, %dma_wait3A_827] : memref<2500x128xi32, #tpu.memory_space<hbm>> -> memref<1x128xi32, #tpu.memory_space<hbm>>
        tpu.wait_dma2 semaphore(%run_scoped3A_808 : memref<!tpu.dma_semaphore, #tpu.memory_space<semaphore_mem>>) src(%dma_wait3A_828 : memref<1x128xi32, #tpu.memory_space<hbm>>) dst(%dma_wait3A_826 : memref<1x128xi32, #tpu.memory_space<vmem>>)
        tpu.yield
      }) : () -> ()
    } else {
    }
    %iota3A = tpu.iota {dimensions = array<i32: 0>} : vector<16xi32>
    %scan3A = arith.constant 0 : i32
    %scan3A_11 = arith.constant 15 : i32
    %scan3A_12 = arith.addi %scan3A, %scan3A_11 : i32
    %scan3A_13 = arith.constant 1 : i32
    scf.for %scan3A_802 = %scan3A to %scan3A_12 step %scan3A_13  : i32 {
      %mul3A_803 = arith.constant 1 : i32
      %mul3A_804 = arith.muli %scan3A_802, %mul3A_803 : i32
      %add3A_805 = arith.constant 0 : i32
      %add3A_806 = arith.addi %add3A_805, %mul3A_804 : i32
      %mul3A_807 = arith.constant 5 : i32
      %mul3A_808 = arith.muli %add3A_806, %mul3A_807 : i32
      %add3A_809 = arith.constant 0 : i32
      %add3A_810 = arith.addi %mul3A_808, %add3A_809 : i32
      %get3A_811 = arith.index_cast %add3A_810 : i32 to index
      %get3A_812 = arith.constant 0 : index
      %get3A_813 = tpu.vector_load %arg9[%get3A_811, %get3A_812] {strides = array<i32>} : memref<79x128xi32, #tpu.memory_space<vmem>>, vector<16xi32>,
      %and3A_814 = arith.constant 65535 : i32
      %and3A_815 = vector.broadcast %and3A_814 : i32 to vector<16xi32>
      %and3A_816 = arith.andi %get3A_813, %and3A_815 : vector<16xi32>
      %swap3A_817 = arith.constant 0 : i32
      %swap3A_818 = arith.index_cast %swap3A_817 : i32 to index
      %swap3A_819 = arith.constant 0 : index
      %swap3A_820 = tpu.vector_load %arg10[%swap3A_818, %swap3A_819] {strides = array<i32>} : memref<5x128xi32, #tpu.memory_space<vmem>>, vector<16xi32>,
      tpu.vector_store %arg10[%swap3A_818, %swap3A_819], %and3A_816 {strides = array<i32>} : memref<5x128xi32, #tpu.memory_space<vmem>>, vector<16xi32>,
      %shift_right_logical3A_821 = arith.constant 16 : i32
      %shift_right_logical3A_822 = vector.broadcast %shift_right_logical3A_821 : i32 to vector<16xi32>
      %shift_right_logical3A_823 = arith.shrui %get3A_813, %shift_right_logical3A_822 : vector<16xi32>
      %swap3A_824 = arith.constant 0 : i32
      %swap3A_825 = arith.index_cast %swap3A_824 : i32 to index
      %swap3A_826 = arith.constant 0 : index
      %swap3A_827 = tpu.vector_load %arg11[%swap3A_825, %swap3A_826] {strides = array<i32>} : memref<5x128xi32, #tpu.memory_space<vmem>>, vector<16xi32>,
      tpu.vector_store %arg11[%swap3A_825, %swap3A_826], %shift_right_logical3A_823 {strides = array<i32>} : memref<5x128xi32, #tpu.memory_space<vmem>>, vector<16xi32>,
      %add3A_828 = arith.constant 0 : i32
      %add3A_829 = arith.addi %mul3A_808, %add3A_828 : i32
      %get3A_830 = arith.index_cast %add3A_829 : i32 to index
      %get3A_831 = arith.constant 16 : index
      %get3A_832 = tpu.vector_load %arg9[%get3A_830, %get3A_831] {strides = array<i32>} : memref<79x128xi32, #tpu.memory_space<vmem>>, vector<16xi32>,
      %and3A_833 = arith.constant 65535 : i32
      %and3A_834 = vector.broadcast %and3A_833 : i32 to vector<16xi32>
      %and3A_835 = arith.andi %get3A_832, %and3A_834 : vector<16xi32>
      %swap3A_836 = arith.constant 0 : i32
      %swap3A_837 = arith.index_cast %swap3A_836 : i32 to index
      %swap3A_838 = arith.constant 16 : index
      %swap3A_839 = tpu.vector_load %arg10[%swap3A_837, %swap3A_838] {strides = array<i32>} : memref<5x128xi32, #tpu.memory_space<vmem>>, vector<16xi32>,
      tpu.vector_store %arg10[%swap3A_837, %swap3A_838], %and3A_835 {strides = array<i32>} : memref<5x128xi32, #tpu.memory_space<vmem>>, vector<16xi32>,
      %shift_right_logical3A_840 = arith.constant 16 : i32
      %shift_right_logical3A_841 = vector.broadcast %shift_right_logical3A_840 : i32 to vector<16xi32>
      %shift_right_logical3A_842 = arith.shrui %get3A_832, %shift_right_logical3A_841 : vector<16xi32>
      %swap3A_843 = arith.constant 0 : i32
      %swap3A_844 = arith.index_cast %swap3A_843 : i32 to index
      %swap3A_845 = arith.constant 16 : index
      %swap3A_846 = tpu.vector_load %arg11[%swap3A_844, %swap3A_845] {strides = array<i32>} : memref<5x128xi32, #tpu.memory_space<vmem>>, vector<16xi32>,
      tpu.vector_store %arg11[%swap3A_844, %swap3A_845], %shift_right_logical3A_842 {strides = array<i32>} : memref<5x128xi32, #tpu.memory_space<vmem>>, vector<16xi32>,
      %add3A_847 = arith.constant 0 : i32
      %add3A_848 = arith.addi %mul3A_808, %add3A_847 : i32
      %get3A_849 = arith.index_cast %add3A_848 : i32 to index
      %get3A_850 = arith.constant 32 : index
      %get3A_851 = tpu.vector_load %arg9[%get3A_849, %get3A_850] {strides = array<i32>} : memref<79x128xi32, #tpu.memory_space<vmem>>, vector<16xi32>,
      %and3A_852 = arith.constant 65535 : i32
      %and3A_853 = vector.broadcast %and3A_852 : i32 to vector<16xi32>
      %and3A_854 = arith.andi %get3A_851, %and3A_853 : vector<16xi32>
      %swap3A_855 = arith.constant 0 : i32
      %swap3A_856 = arith.index_cast %swap3A_855 : i32 to index
      %swap3A_857 = arith.constant 32 : index
      %swap3A_858 = tpu.vector_load %arg10[%swap3A_856, %swap3A_857] {strides = array<i32>} : memref<5x128xi32, #tpu.memory_space<vmem>>, vector<16xi32>,
      tpu.vector_store %arg10[%swap3A_856, %swap3A_857], %and3A_854 {strides = array<i32>} : memref<5x128xi32, #tpu.memory_space<vmem>>, vector<16xi32>,
      %shift_right_logical3A_859 = arith.constant 16 : i32
      %shift_right_logical3A_860 = vector.broadcast %shift_right_logical3A_859 : i32 to vector<16xi32>
      %shift_right_logical3A_861 = arith.shrui %get3A_851, %shift_right_logical3A_860 : vector<16xi32>
      %swap3A_862 = arith.constant 0 : i32
      %swap3A_863 = arith.index_cast %swap3A_862 : i32 to index
      %swap3A_864 = arith.constant 32 : index
      %swap3A_865 = tpu.vector_load %arg11[%swap3A_863, %swap3A_864] {strides = array<i32>} : memref<5x128xi32, #tpu.memory_space<vmem>>, vector<16xi32>,
      tpu.vector_store %arg11[%swap3A_863, %swap3A_864], %shift_right_logical3A_861 {strides = array<i32>} : memref<5x128xi32, #tpu.memory_space<vmem>>, vector<16xi32>,
      %add3A_866 = arith.constant 0 : i32
      %add3A_867 = arith.addi %mul3A_808, %add3A_866 : i32
      %get3A_868 = arith.index_cast %add3A_867 : i32 to index
      %get3A_869 = arith.constant 48 : index
      %get3A_870 = tpu.vector_load %arg9[%get3A_868, %get3A_869] {strides = array<i32>} : memref<79x128xi32, #tpu.memory_space<vmem>>, vector<16xi32>,
      %and3A_871 = arith.constant 65535 : i32
      %and3A_872 = vector.broadcast %and3A_871 : i32 to vector<16xi32>
      %and3A_873 = arith.andi %get3A_870, %and3A_872 : vector<16xi32>
      %swap3A_874 = arith.constant 0 : i32
      %swap3A_875 = arith.index_cast %swap3A_874 : i32 to index
      %swap3A_876 = arith.constant 48 : index
      %swap3A_877 = tpu.vector_load %arg10[%swap3A_875, %swap3A_876] {strides = array<i32>} : memref<5x128xi32, #tpu.memory_space<vmem>>, vector<16xi32>,
      tpu.vector_store %arg10[%swap3A_875, %swap3A_876], %and3A_873 {strides = array<i32>} : memref<5x128xi32, #tpu.memory_space<vmem>>, vector<16xi32>,
      %shift_right_logical3A_878 = arith.constant 16 : i32
      %shift_right_logical3A_879 = vector.broadcast %shift_right_logical3A_878 : i32 to vector<16xi32>
      %shift_right_logical3A_880 = arith.shrui %get3A_870, %shift_right_logical3A_879 : vector<16xi32>
      %swap3A_881 = arith.constant 0 : i32
      %swap3A_882 = arith.index_cast %swap3A_881 : i32 to index
      %swap3A_883 = arith.constant 48 : index
      %swap3A_884 = tpu.vector_load %arg11[%swap3A_882, %swap3A_883] {strides = array<i32>} : memref<5x128xi32, #tpu.memory_space<vmem>>, vector<16xi32>,
      tpu.vector_store %arg11[%swap3A_882, %swap3A_883], %shift_right_logical3A_880 {strides = array<i32>} : memref<5x128xi32, #tpu.memory_space<vmem>>, vector<16xi32>,
      %add3A_885 = arith.constant 0 : i32
      %add3A_886 = arith.addi %mul3A_808, %add3A_885 : i32
      %get3A_887 = arith.index_cast %add3A_886 : i32 to index
      %get3A_888 = arith.constant 64 : index
      %get3A_889 = tpu.vector_load %arg9[%get3A_887, %get3A_888] {strides = array<i32>} : memref<79x128xi32, #tpu.memory_space<vmem>>, vector<16xi32>,
      %and3A_890 = arith.constant 65535 : i32
      %and3A_891 = vector.broadcast %and3A_890 : i32 to vector<16xi32>
      %and3A_892 = arith.andi %get3A_889, %and3A_891 : vector<16xi32>
      %swap3A_893 = arith.constant 0 : i32
      %swap3A_894 = arith.index_cast %swap3A_893 : i32 to index
      %swap3A_895 = arith.constant 64 : index
      %swap3A_896 = tpu.vector_load %arg10[%swap3A_894, %swap3A_895] {strides = array<i32>} : memref<5x128xi32, #tpu.memory_space<vmem>>, vector<16xi32>,
      tpu.vector_store %arg10[%swap3A_894, %swap3A_895], %and3A_892 {strides = array<i32>} : memref<5x128xi32, #tpu.memory_space<vmem>>, vector<16xi32>,
      %shift_right_logical3A_897 = arith.constant 16 : i32
      %shift_right_logical3A_898 = vector.broadcast %shift_right_logical3A_897 : i32 to vector<16xi32>
      %shift_right_logical3A_899 = arith.shrui %get3A_889, %shift_right_logical3A_898 : vector<16xi32>
      %swap3A_900 = arith.constant 0 : i32
      %swap3A_901 = arith.index_cast %swap3A_900 : i32 to index
      %swap3A_902 = arith.constant 64 : index
      %swap3A_903 = tpu.vector_load %arg11[%swap3A_901, %swap3A_902] {strides = array<i32>} : memref<5x128xi32, #tpu.memory_space<vmem>>, vector<16xi32>,
      tpu.vector_store %arg11[%swap3A_901, %swap3A_902], %shift_right_logical3A_899 {strides = array<i32>} : memref<5x128xi32, #tpu.memory_space<vmem>>, vector<16xi32>,
      %add3A_904 = arith.constant 0 : i32
      %add3A_905 = arith.addi %mul3A_808, %add3A_904 : i32
      %get3A_906 = arith.index_cast %add3A_905 : i32 to index
      %get3A_907 = arith.constant 80 : index
      %get3A_908 = tpu.vector_load %arg9[%get3A_906, %get3A_907] {strides = array<i32>} : memref<79x128xi32, #tpu.memory_space<vmem>>, vector<16xi32>,
      %and3A_909 = arith.constant 65535 : i32
      %and3A_910 = vector.broadcast %and3A_909 : i32 to vector<16xi32>
      %and3A_911 = arith.andi %get3A_908, %and3A_910 : vector<16xi32>
      %swap3A_912 = arith.constant 0 : i32
      %swap3A_913 = arith.index_cast %swap3A_912 : i32 to index
      %swap3A_914 = arith.constant 80 : index
      %swap3A_915 = tpu.vector_load %arg10[%swap3A_913, %swap3A_914] {strides = array<i32>} : memref<5x128xi32, #tpu.memory_space<vmem>>, vector<16xi32>,
      tpu.vector_store %arg10[%swap3A_913, %swap3A_914], %and3A_911 {strides = array<i32>} : memref<5x128xi32, #tpu.memory_space<vmem>>, vector<16xi32>,
      %shift_right_logical3A_916 = arith.constant 16 : i32
      %shift_right_logical3A_917 = vector.broadcast %shift_right_logical3A_916 : i32 to vector<16xi32>
      %shift_right_logical3A_918 = arith.shrui %get3A_908, %shift_right_logical3A_917 : vector<16xi32>
      %swap3A_919 = arith.constant 0 : i32
      %swap3A_920 = arith.index_cast %swap3A_919 : i32 to index
      %swap3A_921 = arith.constant 80 : index
      %swap3A_922 = tpu.vector_load %arg11[%swap3A_920, %swap3A_921] {strides = array<i32>} : memref<5x128xi32, #tpu.memory_space<vmem>>, vector<16xi32>,
      tpu.vector_store %arg11[%swap3A_920, %swap3A_921], %shift_right_logical3A_918 {strides = array<i32>} : memref<5x128xi32, #tpu.memory_space<vmem>>, vector<16xi32>,
      %add3A_923 = arith.constant 0 : i32
      %add3A_924 = arith.addi %mul3A_808, %add3A_923 : i32
      %get3A_925 = arith.index_cast %add3A_924 : i32 to index
      %get3A_926 = arith.constant 96 : index
      %get3A_927 = tpu.vector_load %arg9[%get3A_925, %get3A_926] {strides = array<i32>} : memref<79x128xi32, #tpu.memory_space<vmem>>, vector<16xi32>,
      %and3A_928 = arith.constant 65535 : i32
      %and3A_929 = vector.broadcast %and3A_928 : i32 to vector<16xi32>
      %and3A_930 = arith.andi %get3A_927, %and3A_929 : vector<16xi32>
      %swap3A_931 = arith.constant 0 : i32
      %swap3A_932 = arith.index_cast %swap3A_931 : i32 to index
      %swap3A_933 = arith.constant 96 : index
      %swap3A_934 = tpu.vector_load %arg10[%swap3A_932, %swap3A_933] {strides = array<i32>} : memref<5x128xi32, #tpu.memory_space<vmem>>, vector<16xi32>,
      tpu.vector_store %arg10[%swap3A_932, %swap3A_933], %and3A_930 {strides = array<i32>} : memref<5x128xi32, #tpu.memory_space<vmem>>, vector<16xi32>,
      %shift_right_logical3A_935 = arith.constant 16 : i32
      %shift_right_logical3A_936 = vector.broadcast %shift_right_logical3A_935 : i32 to vector<16xi32>
      %shift_right_logical3A_937 = arith.shrui %get3A_927, %shift_right_logical3A_936 : vector<16xi32>
      %swap3A_938 = arith.constant 0 : i32
      %swap3A_939 = arith.index_cast %swap3A_938 : i32 to index
      %swap3A_940 = arith.constant 96 : index
      %swap3A_941 = tpu.vector_load %arg11[%swap3A_939, %swap3A_940] {strides = array<i32>} : memref<5x128xi32, #tpu.memory_space<vmem>>, vector<16xi32>,
      tpu.vector_store %arg11[%swap3A_939, %swap3A_940], %shift_right_logical3A_937 {strides = array<i32>} : memref<5x128xi32, #tpu.memory_space<vmem>>, vector<16xi32>,
      %add3A_942 = arith.constant 0 : i32
      %add3A_943 = arith.addi %mul3A_808, %add3A_942 : i32
      %get3A_944 = arith.index_cast %add3A_943 : i32 to index
      %get3A_945 = arith.constant 112 : index
      %get3A_946 = tpu.vector_load %arg9[%get3A_944, %get3A_945] {strides = array<i32>} : memref<79x128xi32, #tpu.memory_space<vmem>>, vector<16xi32>,
      %and3A_947 = arith.constant 65535 : i32
      %and3A_948 = vector.broadcast %and3A_947 : i32 to vector<16xi32>
      %and3A_949 = arith.andi %get3A_946, %and3A_948 : vector<16xi32>
      %swap3A_950 = arith.constant 0 : i32
      %swap3A_951 = arith.index_cast %swap3A_950 : i32 to index
      %swap3A_952 = arith.constant 112 : index
      %swap3A_953 = tpu.vector_load %arg10[%swap3A_951, %swap3A_952] {strides = array<i32>} : memref<5x128xi32, #tpu.memory_space<vmem>>, vector<16xi32>,
      tpu.vector_store %arg10[%swap3A_951, %swap3A_952], %and3A_949 {strides = array<i32>} : memref<5x128xi32, #tpu.memory_space<vmem>>, vector<16xi32>,
      %shift_right_logical3A_954 = arith.constant 16 : i32
      %shift_right_logical3A_955 = vector.broadcast %shift_right_logical3A_954 : i32 to vector<16xi32>
      %shift_right_logical3A_956 = arith.shrui %get3A_946, %shift_right_logical3A_955 : vector<16xi32>
      %swap3A_957 = arith.constant 0 : i32
      %swap3A_958 = arith.index_cast %swap3A_957 : i32 to index
      %swap3A_959 = arith.constant 112 : index
      %swap3A_960 = tpu.vector_load %arg11[%swap3A_958, %swap3A_959] {strides = array<i32>} : memref<5x128xi32, #tpu.memory_space<vmem>>, vector<16xi32>,
      tpu.vector_store %arg11[%swap3A_958, %swap3A_959], %shift_right_logical3A_956 {strides = array<i32>} : memref<5x128xi32, #tpu.memory_space<vmem>>, vector<16xi32>,
      %add3A_961 = arith.constant 1 : i32
      %add3A_962 = arith.addi %mul3A_808, %add3A_961 : i32
      %get3A_963 = arith.index_cast %add3A_962 : i32 to index
      %get3A_964 = arith.constant 0 : index
      %get3A_965 = tpu.vector_load %arg9[%get3A_963, %get3A_964] {strides = array<i32>} : memref<79x128xi32, #tpu.memory_space<vmem>>, vector<16xi32>,
      %and3A_966 = arith.constant 65535 : i32
      %and3A_967 = vector.broadcast %and3A_966 : i32 to vector<16xi32>
      %and3A_968 = arith.andi %get3A_965, %and3A_967 : vector<16xi32>
      %swap3A_969 = arith.constant 1 : i32
      %swap3A_970 = arith.index_cast %swap3A_969 : i32 to index
      %swap3A_971 = arith.constant 0 : index
      %swap3A_972 = tpu.vector_load %arg10[%swap3A_970, %swap3A_971] {strides = array<i32>} : memref<5x128xi32, #tpu.memory_space<vmem>>, vector<16xi32>,
      tpu.vector_store %arg10[%swap3A_970, %swap3A_971], %and3A_968 {strides = array<i32>} : memref<5x128xi32, #tpu.memory_space<vmem>>, vector<16xi32>,
      %shift_right_logical3A_973 = arith.constant 16 : i32
      %shift_right_logical3A_974 = vector.broadcast %shift_right_logical3A_973 : i32 to vector<16xi32>
      %shift_right_logical3A_975 = arith.shrui %get3A_965, %shift_right_logical3A_974 : vector<16xi32>
      %swap3A_976 = arith.constant 1 : i32
      %swap3A_977 = arith.index_cast %swap3A_976 : i32 to index
      %swap3A_978 = arith.constant 0 : index
      %swap3A_979 = tpu.vector_load %arg11[%swap3A_977, %swap3A_978] {strides = array<i32>} : memref<5x128xi32, #tpu.memory_space<vmem>>, vector<16xi32>,
      tpu.vector_store %arg11[%swap3A_977, %swap3A_978], %shift_right_logical3A_975 {strides = array<i32>} : memref<5x128xi32, #tpu.memory_space<vmem>>, vector<16xi32>,
      %add3A_980 = arith.constant 1 : i32
      %add3A_981 = arith.addi %mul3A_808, %add3A_980 : i32
      %get3A_982 = arith.index_cast %add3A_981 : i32 to index
      %get3A_983 = arith.constant 16 : index
      %get3A_984 = tpu.vector_load %arg9[%get3A_982, %get3A_983] {strides = array<i32>} : memref<79x128xi32, #tpu.memory_space<vmem>>, vector<16xi32>,
      %and3A_985 = arith.constant 65535 : i32
      %and3A_986 = vector.broadcast %and3A_985 : i32 to vector<16xi32>
      %and3A_987 = arith.andi %get3A_984, %and3A_986 : vector<16xi32>
      %swap3A_988 = arith.constant 1 : i32
      %swap3A_989 = arith.index_cast %swap3A_988 : i32 to index
      %swap3A_990 = arith.constant 16 : index
      %swap3A_991 = tpu.vector_load %arg10[%swap3A_989, %swap3A_990] {strides = array<i32>} : memref<5x128xi32, #tpu.memory_space<vmem>>, vector<16xi32>,
      tpu.vector_store %arg10[%swap3A_989, %swap3A_990], %and3A_987 {strides = array<i32>} : memref<5x128xi32, #tpu.memory_space<vmem>>, vector<16xi32>,
      %shift_right_logical3A_992 = arith.constant 16 : i32
      %shift_right_logical3A_993 = vector.broadcast %shift_right_logical3A_992 : i32 to vector<16xi32>
      %shift_right_logical3A_994 = arith.shrui %get3A_984, %shift_right_logical3A_993 : vector<16xi32>
      %swap3A_995 = arith.constant 1 : i32
      %swap3A_996 = arith.index_cast %swap3A_995 : i32 to index
      %swap3A_997 = arith.constant 16 : index
      %swap3A_998 = tpu.vector_load %arg11[%swap3A_996, %swap3A_997] {strides = array<i32>} : memref<5x128xi32, #tpu.memory_space<vmem>>, vector<16xi32>,
      tpu.vector_store %arg11[%swap3A_996, %swap3A_997], %shift_right_logical3A_994 {strides = array<i32>} : memref<5x128xi32, #tpu.memory_space<vmem>>, vector<16xi32>,
      %add3A_999 = arith.constant 1 : i32
      %add3A_1000 = arith.addi %mul3A_808, %add3A_999 : i32
      %get3A_1001 = arith.index_cast %add3A_1000 : i32 to index
      %get3A_1002 = arith.constant 32 : index
      %get3A_1003 = tpu.vector_load %arg9[%get3A_1001, %get3A_1002] {strides = array<i32>} : memref<79x128xi32, #tpu.memory_space<vmem>>, vector<16xi32>,
      %and3A_1004 = arith.constant 65535 : i32
      %and3A_1005 = vector.broadcast %and3A_1004 : i32 to vector<16xi32>
      %and3A_1006 = arith.andi %get3A_1003, %and3A_1005 : vector<16xi32>
      %swap3A_1007 = arith.constant 1 : i32
      %swap3A_1008 = arith.index_cast %swap3A_1007 : i32 to index
      %swap3A_1009 = arith.constant 32 : index
      %swap3A_1010 = tpu.vector_load %arg10[%swap3A_1008, %swap3A_1009] {strides = array<i32>} : memref<5x128xi32, #tpu.memory_space<vmem>>, vector<16xi32>,
      tpu.vector_store %arg10[%swap3A_1008, %swap3A_1009], %and3A_1006 {strides = array<i32>} : memref<5x128xi32, #tpu.memory_space<vmem>>, vector<16xi32>,
      %shift_right_logical3A_1011 = arith.constant 16 : i32
      %shift_right_logical3A_1012 = vector.broadcast %shift_right_logical3A_1011 : i32 to vector<16xi32>
      %shift_right_logical3A_1013 = arith.shrui %get3A_1003, %shift_right_logical3A_1012 : vector<16xi32>
      %swap3A_1014 = arith.constant 1 : i32
      %swap3A_1015 = arith.index_cast %swap3A_1014 : i32 to index
      %swap3A_1016 = arith.constant 32 : index
      %swap3A_1017 = tpu.vector_load %arg11[%swap3A_1015, %swap3A_1016] {strides = array<i32>} : memref<5x128xi32, #tpu.memory_space<vmem>>, vector<16xi32>,
      tpu.vector_store %arg11[%swap3A_1015, %swap3A_1016], %shift_right_logical3A_1013 {strides = array<i32>} : memref<5x128xi32, #tpu.memory_space<vmem>>, vector<16xi32>,
      %add3A_1018 = arith.constant 1 : i32
      %add3A_1019 = arith.addi %mul3A_808, %add3A_1018 : i32
      %get3A_1020 = arith.index_cast %add3A_1019 : i32 to index
      %get3A_1021 = arith.constant 48 : index
      %get3A_1022 = tpu.vector_load %arg9[%get3A_1020, %get3A_1021] {strides = array<i32>} : memref<79x128xi32, #tpu.memory_space<vmem>>, vector<16xi32>,
      %and3A_1023 = arith.constant 65535 : i32
      %and3A_1024 = vector.broadcast %and3A_1023 : i32 to vector<16xi32>
      %and3A_1025 = arith.andi %get3A_1022, %and3A_1024 : vector<16xi32>
      %swap3A_1026 = arith.constant 1 : i32
      %swap3A_1027 = arith.index_cast %swap3A_1026 : i32 to index
      %swap3A_1028 = arith.constant 48 : index
      %swap3A_1029 = tpu.vector_load %arg10[%swap3A_1027, %swap3A_1028] {strides = array<i32>} : memref<5x128xi32, #tpu.memory_space<vmem>>, vector<16xi32>,
      tpu.vector_store %arg10[%swap3A_1027, %swap3A_1028], %and3A_1025 {strides = array<i32>} : memref<5x128xi32, #tpu.memory_space<vmem>>, vector<16xi32>,
      %shift_right_logical3A_1030 = arith.constant 16 : i32
      %shift_right_logical3A_1031 = vector.broadcast %shift_right_logical3A_1030 : i32 to vector<16xi32>
      %shift_right_logical3A_1032 = arith.shrui %get3A_1022, %shift_right_logical3A_1031 : vector<16xi32>
      %swap3A_1033 = arith.constant 1 : i32
      %swap3A_1034 = arith.index_cast %swap3A_1033 : i32 to index
      %swap3A_1035 = arith.constant 48 : index
      %swap3A_1036 = tpu.vector_load %arg11[%swap3A_1034, %swap3A_1035] {strides = array<i32>} : memref<5x128xi32, #tpu.memory_space<vmem>>, vector<16xi32>,
      tpu.vector_store %arg11[%swap3A_1034, %swap3A_1035], %shift_right_logical3A_1032 {strides = array<i32>} : memref<5x128xi32, #tpu.memory_space<vmem>>, vector<16xi32>,
      %add3A_1037 = arith.constant 1 : i32
      %add3A_1038 = arith.addi %mul3A_808, %add3A_1037 : i32
      %get3A_1039 = arith.index_cast %add3A_1038 : i32 to index
      %get3A_1040 = arith.constant 64 : index
      %get3A_1041 = tpu.vector_load %arg9[%get3A_1039, %get3A_1040] {strides = array<i32>} : memref<79x128xi32, #tpu.memory_space<vmem>>, vector<16xi32>,
      %and3A_1042 = arith.constant 65535 : i32
      %and3A_1043 = vector.broadcast %and3A_1042 : i32 to vector<16xi32>
      %and3A_1044 = arith.andi %get3A_1041, %and3A_1043 : vector<16xi32>
      %swap3A_1045 = arith.constant 1 : i32
      %swap3A_1046 = arith.index_cast %swap3A_1045 : i32 to index
      %swap3A_1047 = arith.constant 64 : index
      %swap3A_1048 = tpu.vector_load %arg10[%swap3A_1046, %swap3A_1047] {strides = array<i32>} : memref<5x128xi32, #tpu.memory_space<vmem>>, vector<16xi32>,
      tpu.vector_store %arg10[%swap3A_1046, %swap3A_1047], %and3A_1044 {strides = array<i32>} : memref<5x128xi32, #tpu.memory_space<vmem>>, vector<16xi32>,
      %shift_right_logical3A_1049 = arith.constant 16 : i32
      %shift_right_logical3A_1050 = vector.broadcast %shift_right_logical3A_1049 : i32 to vector<16xi32>
      %shift_right_logical3A_1051 = arith.shrui %get3A_1041, %shift_right_logical3A_1050 : vector<16xi32>
      %swap3A_1052 = arith.constant 1 : i32
      %swap3A_1053 = arith.index_cast %swap3A_1052 : i32 to index
      %swap3A_1054 = arith.constant 64 : index
      %swap3A_1055 = tpu.vector_load %arg11[%swap3A_1053, %swap3A_1054] {strides = array<i32>} : memref<5x128xi32, #tpu.memory_space<vmem>>, vector<16xi32>,
      tpu.vector_store %arg11[%swap3A_1053, %swap3A_1054], %shift_right_logical3A_1051 {strides = array<i32>} : memref<5x128xi32, #tpu.memory_space<vmem>>, vector<16xi32>,
      %add3A_1056 = arith.constant 1 : i32
      %add3A_1057 = arith.addi %mul3A_808, %add3A_1056 : i32
      %get3A_1058 = arith.index_cast %add3A_1057 : i32 to index
      %get3A_1059 = arith.constant 80 : index
      %get3A_1060 = tpu.vector_load %arg9[%get3A_1058, %get3A_1059] {strides = array<i32>} : memref<79x128xi32, #tpu.memory_space<vmem>>, vector<16xi32>,
      %and3A_1061 = arith.constant 65535 : i32
      %and3A_1062 = vector.broadcast %and3A_1061 : i32 to vector<16xi32>
      %and3A_1063 = arith.andi %get3A_1060, %and3A_1062 : vector<16xi32>
      %swap3A_1064 = arith.constant 1 : i32
      %swap3A_1065 = arith.index_cast %swap3A_1064 : i32 to index
      %swap3A_1066 = arith.constant 80 : index
      %swap3A_1067 = tpu.vector_load %arg10[%swap3A_1065, %swap3A_1066] {strides = array<i32>} : memref<5x128xi32, #tpu.memory_space<vmem>>, vector<16xi32>,
      tpu.vector_store %arg10[%swap3A_1065, %swap3A_1066], %and3A_1063 {strides = array<i32>} : memref<5x128xi32, #tpu.memory_space<vmem>>, vector<16xi32>,
      %shift_right_logical3A_1068 = arith.constant 16 : i32
      %shift_right_logical3A_1069 = vector.broadcast %shift_right_logical3A_1068 : i32 to vector<16xi32>
      %shift_right_logical3A_1070 = arith.shrui %get3A_1060, %shift_right_logical3A_1069 : vector<16xi32>
      %swap3A_1071 = arith.constant 1 : i32
      %swap3A_1072 = arith.index_cast %swap3A_1071 : i32 to index
      %swap3A_1073 = arith.constant 80 : index
      %swap3A_1074 = tpu.vector_load %arg11[%swap3A_1072, %swap3A_1073] {strides = array<i32>} : memref<5x128xi32, #tpu.memory_space<vmem>>, vector<16xi32>,
      tpu.vector_store %arg11[%swap3A_1072, %swap3A_1073], %shift_right_logical3A_1070 {strides = array<i32>} : memref<5x128xi32, #tpu.memory_space<vmem>>, vector<16xi32>,
      %add3A_1075 = arith.constant 1 : i32
      %add3A_1076 = arith.addi %mul3A_808, %add3A_1075 : i32
      %get3A_1077 = arith.index_cast %add3A_1076 : i32 to index
      %get3A_1078 = arith.constant 96 : index
      %get3A_1079 = tpu.vector_load %arg9[%get3A_1077, %get3A_1078] {strides = array<i32>} : memref<79x128xi32, #tpu.memory_space<vmem>>, vector<16xi32>,
      %and3A_1080 = arith.constant 65535 : i32
      %and3A_1081 = vector.broadcast %and3A_1080 : i32 to vector<16xi32>
      %and3A_1082 = arith.andi %get3A_1079, %and3A_1081 : vector<16xi32>
      %swap3A_1083 = arith.constant 1 : i32
      %swap3A_1084 = arith.index_cast %swap3A_1083 : i32 to index
      %swap3A_1085 = arith.constant 96 : index
      %swap3A_1086 = tpu.vector_load %arg10[%swap3A_1084, %swap3A_1085] {strides = array<i32>} : memref<5x128xi32, #tpu.memory_space<vmem>>, vector<16xi32>,
      tpu.vector_store %arg10[%swap3A_1084, %swap3A_1085], %and3A_1082 {strides = array<i32>} : memref<5x128xi32, #tpu.memory_space<vmem>>, vector<16xi32>,
      %shift_right_logical3A_1087 = arith.constant 16 : i32
      %shift_right_logical3A_1088 = vector.broadcast %shift_right_logical3A_1087 : i32 to vector<16xi32>
      %shift_right_logical3A_1089 = arith.shrui %get3A_1079, %shift_right_logical3A_1088 : vector<16xi32>
      %swap3A_1090 = arith.constant 1 : i32
      %swap3A_1091 = arith.index_cast %swap3A_1090 : i32 to index
      %swap3A_1092 = arith.constant 96 : index
      %swap3A_1093 = tpu.vector_load %arg11[%swap3A_1091, %swap3A_1092] {strides = array<i32>} : memref<5x128xi32, #tpu.memory_space<vmem>>, vector<16xi32>,
      tpu.vector_store %arg11[%swap3A_1091, %swap3A_1092], %shift_right_logical3A_1089 {strides = array<i32>} : memref<5x128xi32, #tpu.memory_space<vmem>>, vector<16xi32>,
      %add3A_1094 = arith.constant 1 : i32
      %add3A_1095 = arith.addi %mul3A_808, %add3A_1094 : i32
      %get3A_1096 = arith.index_cast %add3A_1095 : i32 to index
      %get3A_1097 = arith.constant 112 : index
      %get3A_1098 = tpu.vector_load %arg9[%get3A_1096, %get3A_1097] {strides = array<i32>} : memref<79x128xi32, #tpu.memory_space<vmem>>, vector<16xi32>,
      %and3A_1099 = arith.constant 65535 : i32
      %and3A_1100 = vector.broadcast %and3A_1099 : i32 to vector<16xi32>
      %and3A_1101 = arith.andi %get3A_1098, %and3A_1100 : vector<16xi32>
      %swap3A_1102 = arith.constant 1 : i32
      %swap3A_1103 = arith.index_cast %swap3A_1102 : i32 to index
      %swap3A_1104 = arith.constant 112 : index
      %swap3A_1105 = tpu.vector_load %arg10[%swap3A_1103, %swap3A_1104] {strides = array<i32>} : memref<5x128xi32, #tpu.memory_space<vmem>>, vector<16xi32>,
      tpu.vector_store %arg10[%swap3A_1103, %swap3A_1104], %and3A_1101 {strides = array<i32>} : memref<5x128xi32, #tpu.memory_space<vmem>>, vector<16xi32>,
      %shift_right_logical3A_1106 = arith.constant 16 : i32
      %shift_right_logical3A_1107 = vector.broadcast %shift_right_logical3A_1106 : i32 to vector<16xi32>
      %shift_right_logical3A_1108 = arith.shrui %get3A_1098, %shift_right_logical3A_1107 : vector<16xi32>
      %swap3A_1109 = arith.constant 1 : i32
      %swap3A_1110 = arith.index_cast %swap3A_1109 : i32 to index
      %swap3A_1111 = arith.constant 112 : index
      %swap3A_1112 = tpu.vector_load %arg11[%swap3A_1110, %swap3A_1111] {strides = array<i32>} : memref<5x128xi32, #tpu.memory_space<vmem>>, vector<16xi32>,
      tpu.vector_store %arg11[%swap3A_1110, %swap3A_1111], %shift_right_logical3A_1108 {strides = array<i32>} : memref<5x128xi32, #tpu.memory_space<vmem>>, vector<16xi32>,
      %add3A_1113 = arith.constant 2 : i32
      %add3A_1114 = arith.addi %mul3A_808, %add3A_1113 : i32
      %get3A_1115 = arith.index_cast %add3A_1114 : i32 to index
      %get3A_1116 = arith.constant 0 : index
      %get3A_1117 = tpu.vector_load %arg9[%get3A_1115, %get3A_1116] {strides = array<i32>} : memref<79x128xi32, #tpu.memory_space<vmem>>, vector<16xi32>,
      %and3A_1118 = arith.constant 65535 : i32
      %and3A_1119 = vector.broadcast %and3A_1118 : i32 to vector<16xi32>
      %and3A_1120 = arith.andi %get3A_1117, %and3A_1119 : vector<16xi32>
      %swap3A_1121 = arith.constant 2 : i32
      %swap3A_1122 = arith.index_cast %swap3A_1121 : i32 to index
      %swap3A_1123 = arith.constant 0 : index
      %swap3A_1124 = tpu.vector_load %arg10[%swap3A_1122, %swap3A_1123] {strides = array<i32>} : memref<5x128xi32, #tpu.memory_space<vmem>>, vector<16xi32>,
      tpu.vector_store %arg10[%swap3A_1122, %swap3A_1123], %and3A_1120 {strides = array<i32>} : memref<5x128xi32, #tpu.memory_space<vmem>>, vector<16xi32>,
      %shift_right_logical3A_1125 = arith.constant 16 : i32
      %shift_right_logical3A_1126 = vector.broadcast %shift_right_logical3A_1125 : i32 to vector<16xi32>
      %shift_right_logical3A_1127 = arith.shrui %get3A_1117, %shift_right_logical3A_1126 : vector<16xi32>
      %swap3A_1128 = arith.constant 2 : i32
      %swap3A_1129 = arith.index_cast %swap3A_1128 : i32 to index
      %swap3A_1130 = arith.constant 0 : index
      %swap3A_1131 = tpu.vector_load %arg11[%swap3A_1129, %swap3A_1130] {strides = array<i32>} : memref<5x128xi32, #tpu.memory_space<vmem>>, vector<16xi32>,
      tpu.vector_store %arg11[%swap3A_1129, %swap3A_1130], %shift_right_logical3A_1127 {strides = array<i32>} : memref<5x128xi32, #tpu.memory_space<vmem>>, vector<16xi32>,
      %add3A_1132 = arith.constant 2 : i32
      %add3A_1133 = arith.addi %mul3A_808, %add3A_1132 : i32
      %get3A_1134 = arith.index_cast %add3A_1133 : i32 to index
      %get3A_1135 = arith.constant 16 : index
      %get3A_1136 = tpu.vector_load %arg9[%get3A_1134, %get3A_1135] {strides = array<i32>} : memref<79x128xi32, #tpu.memory_space<vmem>>, vector<16xi32>,
      %and3A_1137 = arith.constant 65535 : i32
      %and3A_1138 = vector.broadcast %and3A_1137 : i32 to vector<16xi32>
      %and3A_1139 = arith.andi %get3A_1136, %and3A_1138 : vector<16xi32>
      %swap3A_1140 = arith.constant 2 : i32
      %swap3A_1141 = arith.index_cast %swap3A_1140 : i32 to index
      %swap3A_1142 = arith.constant 16 : index
      %swap3A_1143 = tpu.vector_load %arg10[%swap3A_1141, %swap3A_1142] {strides = array<i32>} : memref<5x128xi32, #tpu.memory_space<vmem>>, vector<16xi32>,
      tpu.vector_store %arg10[%swap3A_1141, %swap3A_1142], %and3A_1139 {strides = array<i32>} : memref<5x128xi32, #tpu.memory_space<vmem>>, vector<16xi32>,
      %shift_right_logical3A_1144 = arith.constant 16 : i32
      %shift_right_logical3A_1145 = vector.broadcast %shift_right_logical3A_1144 : i32 to vector<16xi32>
      %shift_right_logical3A_1146 = arith.shrui %get3A_1136, %shift_right_logical3A_1145 : vector<16xi32>
      %swap3A_1147 = arith.constant 2 : i32
      %swap3A_1148 = arith.index_cast %swap3A_1147 : i32 to index
      %swap3A_1149 = arith.constant 16 : index
      %swap3A_1150 = tpu.vector_load %arg11[%swap3A_1148, %swap3A_1149] {strides = array<i32>} : memref<5x128xi32, #tpu.memory_space<vmem>>, vector<16xi32>,
      tpu.vector_store %arg11[%swap3A_1148, %swap3A_1149], %shift_right_logical3A_1146 {strides = array<i32>} : memref<5x128xi32, #tpu.memory_space<vmem>>, vector<16xi32>,
      %add3A_1151 = arith.constant 2 : i32
      %add3A_1152 = arith.addi %mul3A_808, %add3A_1151 : i32
      %get3A_1153 = arith.index_cast %add3A_1152 : i32 to index
      %get3A_1154 = arith.constant 32 : index
      %get3A_1155 = tpu.vector_load %arg9[%get3A_1153, %get3A_1154] {strides = array<i32>} : memref<79x128xi32, #tpu.memory_space<vmem>>, vector<16xi32>,
      %and3A_1156 = arith.constant 65535 : i32
      %and3A_1157 = vector.broadcast %and3A_1156 : i32 to vector<16xi32>
      %and3A_1158 = arith.andi %get3A_1155, %and3A_1157 : vector<16xi32>
      %swap3A_1159 = arith.constant 2 : i32
      %swap3A_1160 = arith.index_cast %swap3A_1159 : i32 to index
      %swap3A_1161 = arith.constant 32 : index
      %swap3A_1162 = tpu.vector_load %arg10[%swap3A_1160, %swap3A_1161] {strides = array<i32>} : memref<5x128xi32, #tpu.memory_space<vmem>>, vector<16xi32>,
      tpu.vector_store %arg10[%swap3A_1160, %swap3A_1161], %and3A_1158 {strides = array<i32>} : memref<5x128xi32, #tpu.memory_space<vmem>>, vector<16xi32>,
      %shift_right_logical3A_1163 = arith.constant 16 : i32
      %shift_right_logical3A_1164 = vector.broadcast %shift_right_logical3A_1163 : i32 to vector<16xi32>
      %shift_right_logical3A_1165 = arith.shrui %get3A_1155, %shift_right_logical3A_1164 : vector<16xi32>
      %swap3A_1166 = arith.constant 2 : i32
      %swap3A_1167 = arith.index_cast %swap3A_1166 : i32 to index
      %swap3A_1168 = arith.constant 32 : index
      %swap3A_1169 = tpu.vector_load %arg11[%swap3A_1167, %swap3A_1168] {strides = array<i32>} : memref<5x128xi32, #tpu.memory_space<vmem>>, vector<16xi32>,
      tpu.vector_store %arg11[%swap3A_1167, %swap3A_1168], %shift_right_logical3A_1165 {strides = array<i32>} : memref<5x128xi32, #tpu.memory_space<vmem>>, vector<16xi32>,
      %add3A_1170 = arith.constant 2 : i32
      %add3A_1171 = arith.addi %mul3A_808, %add3A_1170 : i32
      %get3A_1172 = arith.index_cast %add3A_1171 : i32 to index
      %get3A_1173 = arith.constant 48 : index
      %get3A_1174 = tpu.vector_load %arg9[%get3A_1172, %get3A_1173] {strides = array<i32>} : memref<79x128xi32, #tpu.memory_space<vmem>>, vector<16xi32>,
      %and3A_1175 = arith.constant 65535 : i32
      %and3A_1176 = vector.broadcast %and3A_1175 : i32 to vector<16xi32>
      %and3A_1177 = arith.andi %get3A_1174, %and3A_1176 : vector<16xi32>
      %swap3A_1178 = arith.constant 2 : i32
      %swap3A_1179 = arith.index_cast %swap3A_1178 : i32 to index
      %swap3A_1180 = arith.constant 48 : index
      %swap3A_1181 = tpu.vector_load %arg10[%swap3A_1179, %swap3A_1180] {strides = array<i32>} : memref<5x128xi32, #tpu.memory_space<vmem>>, vector<16xi32>,
      tpu.vector_store %arg10[%swap3A_1179, %swap3A_1180], %and3A_1177 {strides = array<i32>} : memref<5x128xi32, #tpu.memory_space<vmem>>, vector<16xi32>,
      %shift_right_logical3A_1182 = arith.constant 16 : i32
      %shift_right_logical3A_1183 = vector.broadcast %shift_right_logical3A_1182 : i32 to vector<16xi32>
      %shift_right_logical3A_1184 = arith.shrui %get3A_1174, %shift_right_logical3A_1183 : vector<16xi32>
      %swap3A_1185 = arith.constant 2 : i32
      %swap3A_1186 = arith.index_cast %swap3A_1185 : i32 to index
      %swap3A_1187 = arith.constant 48 : index
      %swap3A_1188 = tpu.vector_load %arg11[%swap3A_1186, %swap3A_1187] {strides = array<i32>} : memref<5x128xi32, #tpu.memory_space<vmem>>, vector<16xi32>,
      tpu.vector_store %arg11[%swap3A_1186, %swap3A_1187], %shift_right_logical3A_1184 {strides = array<i32>} : memref<5x128xi32, #tpu.memory_space<vmem>>, vector<16xi32>,
      %add3A_1189 = arith.constant 2 : i32
      %add3A_1190 = arith.addi %mul3A_808, %add3A_1189 : i32
      %get3A_1191 = arith.index_cast %add3A_1190 : i32 to index
      %get3A_1192 = arith.constant 64 : index
      %get3A_1193 = tpu.vector_load %arg9[%get3A_1191, %get3A_1192] {strides = array<i32>} : memref<79x128xi32, #tpu.memory_space<vmem>>, vector<16xi32>,
      %and3A_1194 = arith.constant 65535 : i32
      %and3A_1195 = vector.broadcast %and3A_1194 : i32 to vector<16xi32>
      %and3A_1196 = arith.andi %get3A_1193, %and3A_1195 : vector<16xi32>
      %swap3A_1197 = arith.constant 2 : i32
      %swap3A_1198 = arith.index_cast %swap3A_1197 : i32 to index
      %swap3A_1199 = arith.constant 64 : index
      %swap3A_1200 = tpu.vector_load %arg10[%swap3A_1198, %swap3A_1199] {strides = array<i32>} : memref<5x128xi32, #tpu.memory_space<vmem>>, vector<16xi32>,
      tpu.vector_store %arg10[%swap3A_1198, %swap3A_1199], %and3A_1196 {strides = array<i32>} : memref<5x128xi32, #tpu.memory_space<vmem>>, vector<16xi32>,
      %shift_right_logical3A_1201 = arith.constant 16 : i32
      %shift_right_logical3A_1202 = vector.broadcast %shift_right_logical3A_1201 : i32 to vector<16xi32>
      %shift_right_logical3A_1203 = arith.shrui %get3A_1193, %shift_right_logical3A_1202 : vector<16xi32>
      %swap3A_1204 = arith.constant 2 : i32
      %swap3A_1205 = arith.index_cast %swap3A_1204 : i32 to index
      %swap3A_1206 = arith.constant 64 : index
      %swap3A_1207 = tpu.vector_load %arg11[%swap3A_1205, %swap3A_1206] {strides = array<i32>} : memref<5x128xi32, #tpu.memory_space<vmem>>, vector<16xi32>,
      tpu.vector_store %arg11[%swap3A_1205, %swap3A_1206], %shift_right_logical3A_1203 {strides = array<i32>} : memref<5x128xi32, #tpu.memory_space<vmem>>, vector<16xi32>,
      %add3A_1208 = arith.constant 2 : i32
      %add3A_1209 = arith.addi %mul3A_808, %add3A_1208 : i32
      %get3A_1210 = arith.index_cast %add3A_1209 : i32 to index
      %get3A_1211 = arith.constant 80 : index
      %get3A_1212 = tpu.vector_load %arg9[%get3A_1210, %get3A_1211] {strides = array<i32>} : memref<79x128xi32, #tpu.memory_space<vmem>>, vector<16xi32>,
      %and3A_1213 = arith.constant 65535 : i32
      %and3A_1214 = vector.broadcast %and3A_1213 : i32 to vector<16xi32>
      %and3A_1215 = arith.andi %get3A_1212, %and3A_1214 : vector<16xi32>
      %swap3A_1216 = arith.constant 2 : i32
      %swap3A_1217 = arith.index_cast %swap3A_1216 : i32 to index
      %swap3A_1218 = arith.constant 80 : index
      %swap3A_1219 = tpu.vector_load %arg10[%swap3A_1217, %swap3A_1218] {strides = array<i32>} : memref<5x128xi32, #tpu.memory_space<vmem>>, vector<16xi32>,
      tpu.vector_store %arg10[%swap3A_1217, %swap3A_1218], %and3A_1215 {strides = array<i32>} : memref<5x128xi32, #tpu.memory_space<vmem>>, vector<16xi32>,
      %shift_right_logical3A_1220 = arith.constant 16 : i32
      %shift_right_logical3A_1221 = vector.broadcast %shift_right_logical3A_1220 : i32 to vector<16xi32>
      %shift_right_logical3A_1222 = arith.shrui %get3A_1212, %shift_right_logical3A_1221 : vector<16xi32>
      %swap3A_1223 = arith.constant 2 : i32
      %swap3A_1224 = arith.index_cast %swap3A_1223 : i32 to index
      %swap3A_1225 = arith.constant 80 : index
      %swap3A_1226 = tpu.vector_load %arg11[%swap3A_1224, %swap3A_1225] {strides = array<i32>} : memref<5x128xi32, #tpu.memory_space<vmem>>, vector<16xi32>,
      tpu.vector_store %arg11[%swap3A_1224, %swap3A_1225], %shift_right_logical3A_1222 {strides = array<i32>} : memref<5x128xi32, #tpu.memory_space<vmem>>, vector<16xi32>,
      %add3A_1227 = arith.constant 2 : i32
      %add3A_1228 = arith.addi %mul3A_808, %add3A_1227 : i32
      %get3A_1229 = arith.index_cast %add3A_1228 : i32 to index
      %get3A_1230 = arith.constant 96 : index
      %get3A_1231 = tpu.vector_load %arg9[%get3A_1229, %get3A_1230] {strides = array<i32>} : memref<79x128xi32, #tpu.memory_space<vmem>>, vector<16xi32>,
      %and3A_1232 = arith.constant 65535 : i32
      %and3A_1233 = vector.broadcast %and3A_1232 : i32 to vector<16xi32>
      %and3A_1234 = arith.andi %get3A_1231, %and3A_1233 : vector<16xi32>
      %swap3A_1235 = arith.constant 2 : i32
      %swap3A_1236 = arith.index_cast %swap3A_1235 : i32 to index
      %swap3A_1237 = arith.constant 96 : index
      %swap3A_1238 = tpu.vector_load %arg10[%swap3A_1236, %swap3A_1237] {strides = array<i32>} : memref<5x128xi32, #tpu.memory_space<vmem>>, vector<16xi32>,
      tpu.vector_store %arg10[%swap3A_1236, %swap3A_1237], %and3A_1234 {strides = array<i32>} : memref<5x128xi32, #tpu.memory_space<vmem>>, vector<16xi32>,
      %shift_right_logical3A_1239 = arith.constant 16 : i32
      %shift_right_logical3A_1240 = vector.broadcast %shift_right_logical3A_1239 : i32 to vector<16xi32>
      %shift_right_logical3A_1241 = arith.shrui %get3A_1231, %shift_right_logical3A_1240 : vector<16xi32>
      %swap3A_1242 = arith.constant 2 : i32
      %swap3A_1243 = arith.index_cast %swap3A_1242 : i32 to index
      %swap3A_1244 = arith.constant 96 : index
      %swap3A_1245 = tpu.vector_load %arg11[%swap3A_1243, %swap3A_1244] {strides = array<i32>} : memref<5x128xi32, #tpu.memory_space<vmem>>, vector<16xi32>,
      tpu.vector_store %arg11[%swap3A_1243, %swap3A_1244], %shift_right_logical3A_1241 {strides = array<i32>} : memref<5x128xi32, #tpu.memory_space<vmem>>, vector<16xi32>,
      %add3A_1246 = arith.constant 2 : i32
      %add3A_1247 = arith.addi %mul3A_808, %add3A_1246 : i32
      %get3A_1248 = arith.index_cast %add3A_1247 : i32 to index
      %get3A_1249 = arith.constant 112 : index
      %get3A_1250 = tpu.vector_load %arg9[%get3A_1248, %get3A_1249] {strides = array<i32>} : memref<79x128xi32, #tpu.memory_space<vmem>>, vector<16xi32>,
      %and3A_1251 = arith.constant 65535 : i32
      %and3A_1252 = vector.broadcast %and3A_1251 : i32 to vector<16xi32>
      %and3A_1253 = arith.andi %get3A_1250, %and3A_1252 : vector<16xi32>
      %swap3A_1254 = arith.constant 2 : i32
      %swap3A_1255 = arith.index_cast %swap3A_1254 : i32 to index
      %swap3A_1256 = arith.constant 112 : index
      %swap3A_1257 = tpu.vector_load %arg10[%swap3A_1255, %swap3A_1256] {strides = array<i32>} : memref<5x128xi32, #tpu.memory_space<vmem>>, vector<16xi32>,
      tpu.vector_store %arg10[%swap3A_1255, %swap3A_1256], %and3A_1253 {strides = array<i32>} : memref<5x128xi32, #tpu.memory_space<vmem>>, vector<16xi32>,
      %shift_right_logical3A_1258 = arith.constant 16 : i32
      %shift_right_logical3A_1259 = vector.broadcast %shift_right_logical3A_1258 : i32 to vector<16xi32>
      %shift_right_logical3A_1260 = arith.shrui %get3A_1250, %shift_right_logical3A_1259 : vector<16xi32>
      %swap3A_1261 = arith.constant 2 : i32
      %swap3A_1262 = arith.index_cast %swap3A_1261 : i32 to index
      %swap3A_1263 = arith.constant 112 : index
      %swap3A_1264 = tpu.vector_load %arg11[%swap3A_1262, %swap3A_1263] {strides = array<i32>} : memref<5x128xi32, #tpu.memory_space<vmem>>, vector<16xi32>,
      tpu.vector_store %arg11[%swap3A_1262, %swap3A_1263], %shift_right_logical3A_1260 {strides = array<i32>} : memref<5x128xi32, #tpu.memory_space<vmem>>, vector<16xi32>,
      %add3A_1265 = arith.constant 3 : i32
      %add3A_1266 = arith.addi %mul3A_808, %add3A_1265 : i32
      %get3A_1267 = arith.index_cast %add3A_1266 : i32 to index
      %get3A_1268 = arith.constant 0 : index
      %get3A_1269 = tpu.vector_load %arg9[%get3A_1267, %get3A_1268] {strides = array<i32>} : memref<79x128xi32, #tpu.memory_space<vmem>>, vector<16xi32>,
      %and3A_1270 = arith.constant 65535 : i32
      %and3A_1271 = vector.broadcast %and3A_1270 : i32 to vector<16xi32>
      %and3A_1272 = arith.andi %get3A_1269, %and3A_1271 : vector<16xi32>
      %swap3A_1273 = arith.constant 3 : i32
      %swap3A_1274 = arith.index_cast %swap3A_1273 : i32 to index
      %swap3A_1275 = arith.constant 0 : index
      %swap3A_1276 = tpu.vector_load %arg10[%swap3A_1274, %swap3A_1275] {strides = array<i32>} : memref<5x128xi32, #tpu.memory_space<vmem>>, vector<16xi32>,
      tpu.vector_store %arg10[%swap3A_1274, %swap3A_1275], %and3A_1272 {strides = array<i32>} : memref<5x128xi32, #tpu.memory_space<vmem>>, vector<16xi32>,
      %shift_right_logical3A_1277 = arith.constant 16 : i32
      %shift_right_logical3A_1278 = vector.broadcast %shift_right_logical3A_1277 : i32 to vector<16xi32>
      %shift_right_logical3A_1279 = arith.shrui %get3A_1269, %shift_right_logical3A_1278 : vector<16xi32>
      %swap3A_1280 = arith.constant 3 : i32
      %swap3A_1281 = arith.index_cast %swap3A_1280 : i32 to index
      %swap3A_1282 = arith.constant 0 : index
      %swap3A_1283 = tpu.vector_load %arg11[%swap3A_1281, %swap3A_1282] {strides = array<i32>} : memref<5x128xi32, #tpu.memory_space<vmem>>, vector<16xi32>,
      tpu.vector_store %arg11[%swap3A_1281, %swap3A_1282], %shift_right_logical3A_1279 {strides = array<i32>} : memref<5x128xi32, #tpu.memory_space<vmem>>, vector<16xi32>,
      %add3A_1284 = arith.constant 3 : i32
      %add3A_1285 = arith.addi %mul3A_808, %add3A_1284 : i32
      %get3A_1286 = arith.index_cast %add3A_1285 : i32 to index
      %get3A_1287 = arith.constant 16 : index
      %get3A_1288 = tpu.vector_load %arg9[%get3A_1286, %get3A_1287] {strides = array<i32>} : memref<79x128xi32, #tpu.memory_space<vmem>>, vector<16xi32>,
      %and3A_1289 = arith.constant 65535 : i32
      %and3A_1290 = vector.broadcast %and3A_1289 : i32 to vector<16xi32>
      %and3A_1291 = arith.andi %get3A_1288, %and3A_1290 : vector<16xi32>
      %swap3A_1292 = arith.constant 3 : i32
      %swap3A_1293 = arith.index_cast %swap3A_1292 : i32 to index
      %swap3A_1294 = arith.constant 16 : index
      %swap3A_1295 = tpu.vector_load %arg10[%swap3A_1293, %swap3A_1294] {strides = array<i32>} : memref<5x128xi32, #tpu.memory_space<vmem>>, vector<16xi32>,
      tpu.vector_store %arg10[%swap3A_1293, %swap3A_1294], %and3A_1291 {strides = array<i32>} : memref<5x128xi32, #tpu.memory_space<vmem>>, vector<16xi32>,
      %shift_right_logical3A_1296 = arith.constant 16 : i32
      %shift_right_logical3A_1297 = vector.broadcast %shift_right_logical3A_1296 : i32 to vector<16xi32>
      %shift_right_logical3A_1298 = arith.shrui %get3A_1288, %shift_right_logical3A_1297 : vector<16xi32>
      %swap3A_1299 = arith.constant 3 : i32
      %swap3A_1300 = arith.index_cast %swap3A_1299 : i32 to index
      %swap3A_1301 = arith.constant 16 : index
      %swap3A_1302 = tpu.vector_load %arg11[%swap3A_1300, %swap3A_1301] {strides = array<i32>} : memref<5x128xi32, #tpu.memory_space<vmem>>, vector<16xi32>,
      tpu.vector_store %arg11[%swap3A_1300, %swap3A_1301], %shift_right_logical3A_1298 {strides = array<i32>} : memref<5x128xi32, #tpu.memory_space<vmem>>, vector<16xi32>,
      %add3A_1303 = arith.constant 3 : i32
      %add3A_1304 = arith.addi %mul3A_808, %add3A_1303 : i32
      %get3A_1305 = arith.index_cast %add3A_1304 : i32 to index
      %get3A_1306 = arith.constant 32 : index
      %get3A_1307 = tpu.vector_load %arg9[%get3A_1305, %get3A_1306] {strides = array<i32>} : memref<79x128xi32, #tpu.memory_space<vmem>>, vector<16xi32>,
      %and3A_1308 = arith.constant 65535 : i32
      %and3A_1309 = vector.broadcast %and3A_1308 : i32 to vector<16xi32>
      %and3A_1310 = arith.andi %get3A_1307, %and3A_1309 : vector<16xi32>
      %swap3A_1311 = arith.constant 3 : i32
      %swap3A_1312 = arith.index_cast %swap3A_1311 : i32 to index
      %swap3A_1313 = arith.constant 32 : index
      %swap3A_1314 = tpu.vector_load %arg10[%swap3A_1312, %swap3A_1313] {strides = array<i32>} : memref<5x128xi32, #tpu.memory_space<vmem>>, vector<16xi32>,
      tpu.vector_store %arg10[%swap3A_1312, %swap3A_1313], %and3A_1310 {strides = array<i32>} : memref<5x128xi32, #tpu.memory_space<vmem>>, vector<16xi32>,
      %shift_right_logical3A_1315 = arith.constant 16 : i32
      %shift_right_logical3A_1316 = vector.broadcast %shift_right_logical3A_1315 : i32 to vector<16xi32>
      %shift_right_logical3A_1317 = arith.shrui %get3A_1307, %shift_right_logical3A_1316 : vector<16xi32>
      %swap3A_1318 = arith.constant 3 : i32
      %swap3A_1319 = arith.index_cast %swap3A_1318 : i32 to index
      %swap3A_1320 = arith.constant 32 : index
      %swap3A_1321 = tpu.vector_load %arg11[%swap3A_1319, %swap3A_1320] {strides = array<i32>} : memref<5x128xi32, #tpu.memory_space<vmem>>, vector<16xi32>,
      tpu.vector_store %arg11[%swap3A_1319, %swap3A_1320], %shift_right_logical3A_1317 {strides = array<i32>} : memref<5x128xi32, #tpu.memory_space<vmem>>, vector<16xi32>,
      %add3A_1322 = arith.constant 3 : i32
      %add3A_1323 = arith.addi %mul3A_808, %add3A_1322 : i32
      %get3A_1324 = arith.index_cast %add3A_1323 : i32 to index
      %get3A_1325 = arith.constant 48 : index
      %get3A_1326 = tpu.vector_load %arg9[%get3A_1324, %get3A_1325] {strides = array<i32>} : memref<79x128xi32, #tpu.memory_space<vmem>>, vector<16xi32>,
      %and3A_1327 = arith.constant 65535 : i32
      %and3A_1328 = vector.broadcast %and3A_1327 : i32 to vector<16xi32>
      %and3A_1329 = arith.andi %get3A_1326, %and3A_1328 : vector<16xi32>
      %swap3A_1330 = arith.constant 3 : i32
      %swap3A_1331 = arith.index_cast %swap3A_1330 : i32 to index
      %swap3A_1332 = arith.constant 48 : index
      %swap3A_1333 = tpu.vector_load %arg10[%swap3A_1331, %swap3A_1332] {strides = array<i32>} : memref<5x128xi32, #tpu.memory_space<vmem>>, vector<16xi32>,
      tpu.vector_store %arg10[%swap3A_1331, %swap3A_1332], %and3A_1329 {strides = array<i32>} : memref<5x128xi32, #tpu.memory_space<vmem>>, vector<16xi32>,
      %shift_right_logical3A_1334 = arith.constant 16 : i32
      %shift_right_logical3A_1335 = vector.broadcast %shift_right_logical3A_1334 : i32 to vector<16xi32>
      %shift_right_logical3A_1336 = arith.shrui %get3A_1326, %shift_right_logical3A_1335 : vector<16xi32>
      %swap3A_1337 = arith.constant 3 : i32
      %swap3A_1338 = arith.index_cast %swap3A_1337 : i32 to index
      %swap3A_1339 = arith.constant 48 : index
      %swap3A_1340 = tpu.vector_load %arg11[%swap3A_1338, %swap3A_1339] {strides = array<i32>} : memref<5x128xi32, #tpu.memory_space<vmem>>, vector<16xi32>,
      tpu.vector_store %arg11[%swap3A_1338, %swap3A_1339], %shift_right_logical3A_1336 {strides = array<i32>} : memref<5x128xi32, #tpu.memory_space<vmem>>, vector<16xi32>,
      %add3A_1341 = arith.constant 3 : i32
      %add3A_1342 = arith.addi %mul3A_808, %add3A_1341 : i32
      %get3A_1343 = arith.index_cast %add3A_1342 : i32 to index
      %get3A_1344 = arith.constant 64 : index
      %get3A_1345 = tpu.vector_load %arg9[%get3A_1343, %get3A_1344] {strides = array<i32>} : memref<79x128xi32, #tpu.memory_space<vmem>>, vector<16xi32>,
      %and3A_1346 = arith.constant 65535 : i32
      %and3A_1347 = vector.broadcast %and3A_1346 : i32 to vector<16xi32>
      %and3A_1348 = arith.andi %get3A_1345, %and3A_1347 : vector<16xi32>
      %swap3A_1349 = arith.constant 3 : i32
      %swap3A_1350 = arith.index_cast %swap3A_1349 : i32 to index
      %swap3A_1351 = arith.constant 64 : index
      %swap3A_1352 = tpu.vector_load %arg10[%swap3A_1350, %swap3A_1351] {strides = array<i32>} : memref<5x128xi32, #tpu.memory_space<vmem>>, vector<16xi32>,
      tpu.vector_store %arg10[%swap3A_1350, %swap3A_1351], %and3A_1348 {strides = array<i32>} : memref<5x128xi32, #tpu.memory_space<vmem>>, vector<16xi32>,
      %shift_right_logical3A_1353 = arith.constant 16 : i32
      %shift_right_logical3A_1354 = vector.broadcast %shift_right_logical3A_1353 : i32 to vector<16xi32>
      %shift_right_logical3A_1355 = arith.shrui %get3A_1345, %shift_right_logical3A_1354 : vector<16xi32>
      %swap3A_1356 = arith.constant 3 : i32
      %swap3A_1357 = arith.index_cast %swap3A_1356 : i32 to index
      %swap3A_1358 = arith.constant 64 : index
      %swap3A_1359 = tpu.vector_load %arg11[%swap3A_1357, %swap3A_1358] {strides = array<i32>} : memref<5x128xi32, #tpu.memory_space<vmem>>, vector<16xi32>,
      tpu.vector_store %arg11[%swap3A_1357, %swap3A_1358], %shift_right_logical3A_1355 {strides = array<i32>} : memref<5x128xi32, #tpu.memory_space<vmem>>, vector<16xi32>,
      %add3A_1360 = arith.constant 3 : i32
      %add3A_1361 = arith.addi %mul3A_808, %add3A_1360 : i32
      %get3A_1362 = arith.index_cast %add3A_1361 : i32 to index
      %get3A_1363 = arith.constant 80 : index
      %get3A_1364 = tpu.vector_load %arg9[%get3A_1362, %get3A_1363] {strides = array<i32>} : memref<79x128xi32, #tpu.memory_space<vmem>>, vector<16xi32>,
      %and3A_1365 = arith.constant 65535 : i32
      %and3A_1366 = vector.broadcast %and3A_1365 : i32 to vector<16xi32>
      %and3A_1367 = arith.andi %get3A_1364, %and3A_1366 : vector<16xi32>
      %swap3A_1368 = arith.constant 3 : i32
      %swap3A_1369 = arith.index_cast %swap3A_1368 : i32 to index
      %swap3A_1370 = arith.constant 80 : index
      %swap3A_1371 = tpu.vector_load %arg10[%swap3A_1369, %swap3A_1370] {strides = array<i32>} : memref<5x128xi32, #tpu.memory_space<vmem>>, vector<16xi32>,
      tpu.vector_store %arg10[%swap3A_1369, %swap3A_1370], %and3A_1367 {strides = array<i32>} : memref<5x128xi32, #tpu.memory_space<vmem>>, vector<16xi32>,
      %shift_right_logical3A_1372 = arith.constant 16 : i32
      %shift_right_logical3A_1373 = vector.broadcast %shift_right_logical3A_1372 : i32 to vector<16xi32>
      %shift_right_logical3A_1374 = arith.shrui %get3A_1364, %shift_right_logical3A_1373 : vector<16xi32>
      %swap3A_1375 = arith.constant 3 : i32
      %swap3A_1376 = arith.index_cast %swap3A_1375 : i32 to index
      %swap3A_1377 = arith.constant 80 : index
      %swap3A_1378 = tpu.vector_load %arg11[%swap3A_1376, %swap3A_1377] {strides = array<i32>} : memref<5x128xi32, #tpu.memory_space<vmem>>, vector<16xi32>,
      tpu.vector_store %arg11[%swap3A_1376, %swap3A_1377], %shift_right_logical3A_1374 {strides = array<i32>} : memref<5x128xi32, #tpu.memory_space<vmem>>, vector<16xi32>,
      %add3A_1379 = arith.constant 3 : i32
      %add3A_1380 = arith.addi %mul3A_808, %add3A_1379 : i32
      %get3A_1381 = arith.index_cast %add3A_1380 : i32 to index
      %get3A_1382 = arith.constant 96 : index
      %get3A_1383 = tpu.vector_load %arg9[%get3A_1381, %get3A_1382] {strides = array<i32>} : memref<79x128xi32, #tpu.memory_space<vmem>>, vector<16xi32>,
      %and3A_1384 = arith.constant 65535 : i32
      %and3A_1385 = vector.broadcast %and3A_1384 : i32 to vector<16xi32>
      %and3A_1386 = arith.andi %get3A_1383, %and3A_1385 : vector<16xi32>
      %swap3A_1387 = arith.constant 3 : i32
      %swap3A_1388 = arith.index_cast %swap3A_1387 : i32 to index
      %swap3A_1389 = arith.constant 96 : index
      %swap3A_1390 = tpu.vector_load %arg10[%swap3A_1388, %swap3A_1389] {strides = array<i32>} : memref<5x128xi32, #tpu.memory_space<vmem>>, vector<16xi32>,
      tpu.vector_store %arg10[%swap3A_1388, %swap3A_1389], %and3A_1386 {strides = array<i32>} : memref<5x128xi32, #tpu.memory_space<vmem>>, vector<16xi32>,
      %shift_right_logical3A_1391 = arith.constant 16 : i32
      %shift_right_logical3A_1392 = vector.broadcast %shift_right_logical3A_1391 : i32 to vector<16xi32>
      %shift_right_logical3A_1393 = arith.shrui %get3A_1383, %shift_right_logical3A_1392 : vector<16xi32>
      %swap3A_1394 = arith.constant 3 : i32
      %swap3A_1395 = arith.index_cast %swap3A_1394 : i32 to index
      %swap3A_1396 = arith.constant 96 : index
      %swap3A_1397 = tpu.vector_load %arg11[%swap3A_1395, %swap3A_1396] {strides = array<i32>} : memref<5x128xi32, #tpu.memory_space<vmem>>, vector<16xi32>,
      tpu.vector_store %arg11[%swap3A_1395, %swap3A_1396], %shift_right_logical3A_1393 {strides = array<i32>} : memref<5x128xi32, #tpu.memory_space<vmem>>, vector<16xi32>,
      %add3A_1398 = arith.constant 3 : i32
      %add3A_1399 = arith.addi %mul3A_808, %add3A_1398 : i32
      %get3A_1400 = arith.index_cast %add3A_1399 : i32 to index
      %get3A_1401 = arith.constant 112 : index
      %get3A_1402 = tpu.vector_load %arg9[%get3A_1400, %get3A_1401] {strides = array<i32>} : memref<79x128xi32, #tpu.memory_space<vmem>>, vector<16xi32>,
      %and3A_1403 = arith.constant 65535 : i32
      %and3A_1404 = vector.broadcast %and3A_1403 : i32 to vector<16xi32>
      %and3A_1405 = arith.andi %get3A_1402, %and3A_1404 : vector<16xi32>
      %swap3A_1406 = arith.constant 3 : i32
      %swap3A_1407 = arith.index_cast %swap3A_1406 : i32 to index
      %swap3A_1408 = arith.constant 112 : index
      %swap3A_1409 = tpu.vector_load %arg10[%swap3A_1407, %swap3A_1408] {strides = array<i32>} : memref<5x128xi32, #tpu.memory_space<vmem>>, vector<16xi32>,
      tpu.vector_store %arg10[%swap3A_1407, %swap3A_1408], %and3A_1405 {strides = array<i32>} : memref<5x128xi32, #tpu.memory_space<vmem>>, vector<16xi32>,
      %shift_right_logical3A_1410 = arith.constant 16 : i32
      %shift_right_logical3A_1411 = vector.broadcast %shift_right_logical3A_1410 : i32 to vector<16xi32>
      %shift_right_logical3A_1412 = arith.shrui %get3A_1402, %shift_right_logical3A_1411 : vector<16xi32>
      %swap3A_1413 = arith.constant 3 : i32
      %swap3A_1414 = arith.index_cast %swap3A_1413 : i32 to index
      %swap3A_1415 = arith.constant 112 : index
      %swap3A_1416 = tpu.vector_load %arg11[%swap3A_1414, %swap3A_1415] {strides = array<i32>} : memref<5x128xi32, #tpu.memory_space<vmem>>, vector<16xi32>,
      tpu.vector_store %arg11[%swap3A_1414, %swap3A_1415], %shift_right_logical3A_1412 {strides = array<i32>} : memref<5x128xi32, #tpu.memory_space<vmem>>, vector<16xi32>,
      %add3A_1417 = arith.constant 4 : i32
      %add3A_1418 = arith.addi %mul3A_808, %add3A_1417 : i32
      %get3A_1419 = arith.index_cast %add3A_1418 : i32 to index
      %get3A_1420 = arith.constant 0 : index
      %get3A_1421 = tpu.vector_load %arg9[%get3A_1419, %get3A_1420] {strides = array<i32>} : memref<79x128xi32, #tpu.memory_space<vmem>>, vector<16xi32>,
      %and3A_1422 = arith.constant 65535 : i32
      %and3A_1423 = vector.broadcast %and3A_1422 : i32 to vector<16xi32>
      %and3A_1424 = arith.andi %get3A_1421, %and3A_1423 : vector<16xi32>
      %swap3A_1425 = arith.constant 4 : i32
      %swap3A_1426 = arith.index_cast %swap3A_1425 : i32 to index
      %swap3A_1427 = arith.constant 0 : index
      %swap3A_1428 = tpu.vector_load %arg10[%swap3A_1426, %swap3A_1427] {strides = array<i32>} : memref<5x128xi32, #tpu.memory_space<vmem>>, vector<16xi32>,
      tpu.vector_store %arg10[%swap3A_1426, %swap3A_1427], %and3A_1424 {strides = array<i32>} : memref<5x128xi32, #tpu.memory_space<vmem>>, vector<16xi32>,
      %shift_right_logical3A_1429 = arith.constant 16 : i32
      %shift_right_logical3A_1430 = vector.broadcast %shift_right_logical3A_1429 : i32 to vector<16xi32>
      %shift_right_logical3A_1431 = arith.shrui %get3A_1421, %shift_right_logical3A_1430 : vector<16xi32>
      %swap3A_1432 = arith.constant 4 : i32
      %swap3A_1433 = arith.index_cast %swap3A_1432 : i32 to index
      %swap3A_1434 = arith.constant 0 : index
      %swap3A_1435 = tpu.vector_load %arg11[%swap3A_1433, %swap3A_1434] {strides = array<i32>} : memref<5x128xi32, #tpu.memory_space<vmem>>, vector<16xi32>,
      tpu.vector_store %arg11[%swap3A_1433, %swap3A_1434], %shift_right_logical3A_1431 {strides = array<i32>} : memref<5x128xi32, #tpu.memory_space<vmem>>, vector<16xi32>,
      %add3A_1436 = arith.constant 4 : i32
      %add3A_1437 = arith.addi %mul3A_808, %add3A_1436 : i32
      %get3A_1438 = arith.index_cast %add3A_1437 : i32 to index
      %get3A_1439 = arith.constant 16 : index
      %get3A_1440 = tpu.vector_load %arg9[%get3A_1438, %get3A_1439] {strides = array<i32>} : memref<79x128xi32, #tpu.memory_space<vmem>>, vector<16xi32>,
      %and3A_1441 = arith.constant 65535 : i32
      %and3A_1442 = vector.broadcast %and3A_1441 : i32 to vector<16xi32>
      %and3A_1443 = arith.andi %get3A_1440, %and3A_1442 : vector<16xi32>
      %swap3A_1444 = arith.constant 4 : i32
      %swap3A_1445 = arith.index_cast %swap3A_1444 : i32 to index
      %swap3A_1446 = arith.constant 16 : index
      %swap3A_1447 = tpu.vector_load %arg10[%swap3A_1445, %swap3A_1446] {strides = array<i32>} : memref<5x128xi32, #tpu.memory_space<vmem>>, vector<16xi32>,
      tpu.vector_store %arg10[%swap3A_1445, %swap3A_1446], %and3A_1443 {strides = array<i32>} : memref<5x128xi32, #tpu.memory_space<vmem>>, vector<16xi32>,
      %shift_right_logical3A_1448 = arith.constant 16 : i32
      %shift_right_logical3A_1449 = vector.broadcast %shift_right_logical3A_1448 : i32 to vector<16xi32>
      %shift_right_logical3A_1450 = arith.shrui %get3A_1440, %shift_right_logical3A_1449 : vector<16xi32>
      %swap3A_1451 = arith.constant 4 : i32
      %swap3A_1452 = arith.index_cast %swap3A_1451 : i32 to index
      %swap3A_1453 = arith.constant 16 : index
      %swap3A_1454 = tpu.vector_load %arg11[%swap3A_1452, %swap3A_1453] {strides = array<i32>} : memref<5x128xi32, #tpu.memory_space<vmem>>, vector<16xi32>,
      tpu.vector_store %arg11[%swap3A_1452, %swap3A_1453], %shift_right_logical3A_1450 {strides = array<i32>} : memref<5x128xi32, #tpu.memory_space<vmem>>, vector<16xi32>,
      %add3A_1455 = arith.constant 4 : i32
      %add3A_1456 = arith.addi %mul3A_808, %add3A_1455 : i32
      %get3A_1457 = arith.index_cast %add3A_1456 : i32 to index
      %get3A_1458 = arith.constant 32 : index
      %get3A_1459 = tpu.vector_load %arg9[%get3A_1457, %get3A_1458] {strides = array<i32>} : memref<79x128xi32, #tpu.memory_space<vmem>>, vector<16xi32>,
      %and3A_1460 = arith.constant 65535 : i32
      %and3A_1461 = vector.broadcast %and3A_1460 : i32 to vector<16xi32>
      %and3A_1462 = arith.andi %get3A_1459, %and3A_1461 : vector<16xi32>
      %swap3A_1463 = arith.constant 4 : i32
      %swap3A_1464 = arith.index_cast %swap3A_1463 : i32 to index
      %swap3A_1465 = arith.constant 32 : index
      %swap3A_1466 = tpu.vector_load %arg10[%swap3A_1464, %swap3A_1465] {strides = array<i32>} : memref<5x128xi32, #tpu.memory_space<vmem>>, vector<16xi32>,
      tpu.vector_store %arg10[%swap3A_1464, %swap3A_1465], %and3A_1462 {strides = array<i32>} : memref<5x128xi32, #tpu.memory_space<vmem>>, vector<16xi32>,
      %shift_right_logical3A_1467 = arith.constant 16 : i32
      %shift_right_logical3A_1468 = vector.broadcast %shift_right_logical3A_1467 : i32 to vector<16xi32>
      %shift_right_logical3A_1469 = arith.shrui %get3A_1459, %shift_right_logical3A_1468 : vector<16xi32>
      %swap3A_1470 = arith.constant 4 : i32
      %swap3A_1471 = arith.index_cast %swap3A_1470 : i32 to index
      %swap3A_1472 = arith.constant 32 : index
      %swap3A_1473 = tpu.vector_load %arg11[%swap3A_1471, %swap3A_1472] {strides = array<i32>} : memref<5x128xi32, #tpu.memory_space<vmem>>, vector<16xi32>,
      tpu.vector_store %arg11[%swap3A_1471, %swap3A_1472], %shift_right_logical3A_1469 {strides = array<i32>} : memref<5x128xi32, #tpu.memory_space<vmem>>, vector<16xi32>,
      %add3A_1474 = arith.constant 4 : i32
      %add3A_1475 = arith.addi %mul3A_808, %add3A_1474 : i32
      %get3A_1476 = arith.index_cast %add3A_1475 : i32 to index
      %get3A_1477 = arith.constant 48 : index
      %get3A_1478 = tpu.vector_load %arg9[%get3A_1476, %get3A_1477] {strides = array<i32>} : memref<79x128xi32, #tpu.memory_space<vmem>>, vector<16xi32>,
      %and3A_1479 = arith.constant 65535 : i32
      %and3A_1480 = vector.broadcast %and3A_1479 : i32 to vector<16xi32>
      %and3A_1481 = arith.andi %get3A_1478, %and3A_1480 : vector<16xi32>
      %swap3A_1482 = arith.constant 4 : i32
      %swap3A_1483 = arith.index_cast %swap3A_1482 : i32 to index
      %swap3A_1484 = arith.constant 48 : index
      %swap3A_1485 = tpu.vector_load %arg10[%swap3A_1483, %swap3A_1484] {strides = array<i32>} : memref<5x128xi32, #tpu.memory_space<vmem>>, vector<16xi32>,
      tpu.vector_store %arg10[%swap3A_1483, %swap3A_1484], %and3A_1481 {strides = array<i32>} : memref<5x128xi32, #tpu.memory_space<vmem>>, vector<16xi32>,
      %shift_right_logical3A_1486 = arith.constant 16 : i32
      %shift_right_logical3A_1487 = vector.broadcast %shift_right_logical3A_1486 : i32 to vector<16xi32>
      %shift_right_logical3A_1488 = arith.shrui %get3A_1478, %shift_right_logical3A_1487 : vector<16xi32>
      %swap3A_1489 = arith.constant 4 : i32
      %swap3A_1490 = arith.index_cast %swap3A_1489 : i32 to index
      %swap3A_1491 = arith.constant 48 : index
      %swap3A_1492 = tpu.vector_load %arg11[%swap3A_1490, %swap3A_1491] {strides = array<i32>} : memref<5x128xi32, #tpu.memory_space<vmem>>, vector<16xi32>,
      tpu.vector_store %arg11[%swap3A_1490, %swap3A_1491], %shift_right_logical3A_1488 {strides = array<i32>} : memref<5x128xi32, #tpu.memory_space<vmem>>, vector<16xi32>,
      %add3A_1493 = arith.constant 4 : i32
      %add3A_1494 = arith.addi %mul3A_808, %add3A_1493 : i32
      %get3A_1495 = arith.index_cast %add3A_1494 : i32 to index
      %get3A_1496 = arith.constant 64 : index
      %get3A_1497 = tpu.vector_load %arg9[%get3A_1495, %get3A_1496] {strides = array<i32>} : memref<79x128xi32, #tpu.memory_space<vmem>>, vector<16xi32>,
      %and3A_1498 = arith.constant 65535 : i32
      %and3A_1499 = vector.broadcast %and3A_1498 : i32 to vector<16xi32>
      %and3A_1500 = arith.andi %get3A_1497, %and3A_1499 : vector<16xi32>
      %swap3A_1501 = arith.constant 4 : i32
      %swap3A_1502 = arith.index_cast %swap3A_1501 : i32 to index
      %swap3A_1503 = arith.constant 64 : index
      %swap3A_1504 = tpu.vector_load %arg10[%swap3A_1502, %swap3A_1503] {strides = array<i32>} : memref<5x128xi32, #tpu.memory_space<vmem>>, vector<16xi32>,
      tpu.vector_store %arg10[%swap3A_1502, %swap3A_1503], %and3A_1500 {strides = array<i32>} : memref<5x128xi32, #tpu.memory_space<vmem>>, vector<16xi32>,
      %shift_right_logical3A_1505 = arith.constant 16 : i32
      %shift_right_logical3A_1506 = vector.broadcast %shift_right_logical3A_1505 : i32 to vector<16xi32>
      %shift_right_logical3A_1507 = arith.shrui %get3A_1497, %shift_right_logical3A_1506 : vector<16xi32>
      %swap3A_1508 = arith.constant 4 : i32
      %swap3A_1509 = arith.index_cast %swap3A_1508 : i32 to index
      %swap3A_1510 = arith.constant 64 : index
      %swap3A_1511 = tpu.vector_load %arg11[%swap3A_1509, %swap3A_1510] {strides = array<i32>} : memref<5x128xi32, #tpu.memory_space<vmem>>, vector<16xi32>,
      tpu.vector_store %arg11[%swap3A_1509, %swap3A_1510], %shift_right_logical3A_1507 {strides = array<i32>} : memref<5x128xi32, #tpu.memory_space<vmem>>, vector<16xi32>,
      %add3A_1512 = arith.constant 4 : i32
      %add3A_1513 = arith.addi %mul3A_808, %add3A_1512 : i32
      %get3A_1514 = arith.index_cast %add3A_1513 : i32 to index
      %get3A_1515 = arith.constant 80 : index
      %get3A_1516 = tpu.vector_load %arg9[%get3A_1514, %get3A_1515] {strides = array<i32>} : memref<79x128xi32, #tpu.memory_space<vmem>>, vector<16xi32>,
      %and3A_1517 = arith.constant 65535 : i32
      %and3A_1518 = vector.broadcast %and3A_1517 : i32 to vector<16xi32>
      %and3A_1519 = arith.andi %get3A_1516, %and3A_1518 : vector<16xi32>
      %swap3A_1520 = arith.constant 4 : i32
      %swap3A_1521 = arith.index_cast %swap3A_1520 : i32 to index
      %swap3A_1522 = arith.constant 80 : index
      %swap3A_1523 = tpu.vector_load %arg10[%swap3A_1521, %swap3A_1522] {strides = array<i32>} : memref<5x128xi32, #tpu.memory_space<vmem>>, vector<16xi32>,
      tpu.vector_store %arg10[%swap3A_1521, %swap3A_1522], %and3A_1519 {strides = array<i32>} : memref<5x128xi32, #tpu.memory_space<vmem>>, vector<16xi32>,
      %shift_right_logical3A_1524 = arith.constant 16 : i32
      %shift_right_logical3A_1525 = vector.broadcast %shift_right_logical3A_1524 : i32 to vector<16xi32>
      %shift_right_logical3A_1526 = arith.shrui %get3A_1516, %shift_right_logical3A_1525 : vector<16xi32>
      %swap3A_1527 = arith.constant 4 : i32
      %swap3A_1528 = arith.index_cast %swap3A_1527 : i32 to index
      %swap3A_1529 = arith.constant 80 : index
      %swap3A_1530 = tpu.vector_load %arg11[%swap3A_1528, %swap3A_1529] {strides = array<i32>} : memref<5x128xi32, #tpu.memory_space<vmem>>, vector<16xi32>,
      tpu.vector_store %arg11[%swap3A_1528, %swap3A_1529], %shift_right_logical3A_1526 {strides = array<i32>} : memref<5x128xi32, #tpu.memory_space<vmem>>, vector<16xi32>,
      %add3A_1531 = arith.constant 4 : i32
      %add3A_1532 = arith.addi %mul3A_808, %add3A_1531 : i32
      %get3A_1533 = arith.index_cast %add3A_1532 : i32 to index
      %get3A_1534 = arith.constant 96 : index
      %get3A_1535 = tpu.vector_load %arg9[%get3A_1533, %get3A_1534] {strides = array<i32>} : memref<79x128xi32, #tpu.memory_space<vmem>>, vector<16xi32>,
      %and3A_1536 = arith.constant 65535 : i32
      %and3A_1537 = vector.broadcast %and3A_1536 : i32 to vector<16xi32>
      %and3A_1538 = arith.andi %get3A_1535, %and3A_1537 : vector<16xi32>
      %swap3A_1539 = arith.constant 4 : i32
      %swap3A_1540 = arith.index_cast %swap3A_1539 : i32 to index
      %swap3A_1541 = arith.constant 96 : index
      %swap3A_1542 = tpu.vector_load %arg10[%swap3A_1540, %swap3A_1541] {strides = array<i32>} : memref<5x128xi32, #tpu.memory_space<vmem>>, vector<16xi32>,
      tpu.vector_store %arg10[%swap3A_1540, %swap3A_1541], %and3A_1538 {strides = array<i32>} : memref<5x128xi32, #tpu.memory_space<vmem>>, vector<16xi32>,
      %shift_right_logical3A_1543 = arith.constant 16 : i32
      %shift_right_logical3A_1544 = vector.broadcast %shift_right_logical3A_1543 : i32 to vector<16xi32>
      %shift_right_logical3A_1545 = arith.shrui %get3A_1535, %shift_right_logical3A_1544 : vector<16xi32>
      %swap3A_1546 = arith.constant 4 : i32
      %swap3A_1547 = arith.index_cast %swap3A_1546 : i32 to index
      %swap3A_1548 = arith.constant 96 : index
      %swap3A_1549 = tpu.vector_load %arg11[%swap3A_1547, %swap3A_1548] {strides = array<i32>} : memref<5x128xi32, #tpu.memory_space<vmem>>, vector<16xi32>,
      tpu.vector_store %arg11[%swap3A_1547, %swap3A_1548], %shift_right_logical3A_1545 {strides = array<i32>} : memref<5x128xi32, #tpu.memory_space<vmem>>, vector<16xi32>,
      %add3A_1550 = arith.constant 4 : i32
      %add3A_1551 = arith.addi %mul3A_808, %add3A_1550 : i32
      %get3A_1552 = arith.index_cast %add3A_1551 : i32 to index
      %get3A_1553 = arith.constant 112 : index
      %get3A_1554 = tpu.vector_load %arg9[%get3A_1552, %get3A_1553] {strides = array<i32>} : memref<79x128xi32, #tpu.memory_space<vmem>>, vector<16xi32>,
      %and3A_1555 = arith.constant 65535 : i32
      %and3A_1556 = vector.broadcast %and3A_1555 : i32 to vector<16xi32>
      %and3A_1557 = arith.andi %get3A_1554, %and3A_1556 : vector<16xi32>
      %swap3A_1558 = arith.constant 4 : i32
      %swap3A_1559 = arith.index_cast %swap3A_1558 : i32 to index
      %swap3A_1560 = arith.constant 112 : index
      %swap3A_1561 = tpu.vector_load %arg10[%swap3A_1559, %swap3A_1560] {strides = array<i32>} : memref<5x128xi32, #tpu.memory_space<vmem>>, vector<16xi32>,
      tpu.vector_store %arg10[%swap3A_1559, %swap3A_1560], %and3A_1557 {strides = array<i32>} : memref<5x128xi32, #tpu.memory_space<vmem>>, vector<16xi32>,
      %shift_right_logical3A_1562 = arith.constant 16 : i32
      %shift_right_logical3A_1563 = vector.broadcast %shift_right_logical3A_1562 : i32 to vector<16xi32>
      %shift_right_logical3A_1564 = arith.shrui %get3A_1554, %shift_right_logical3A_1563 : vector<16xi32>
      %swap3A_1565 = arith.constant 4 : i32
      %swap3A_1566 = arith.index_cast %swap3A_1565 : i32 to index
      %swap3A_1567 = arith.constant 112 : index
      %swap3A_1568 = tpu.vector_load %arg11[%swap3A_1566, %swap3A_1567] {strides = array<i32>} : memref<5x128xi32, #tpu.memory_space<vmem>>, vector<16xi32>,
      tpu.vector_store %arg11[%swap3A_1566, %swap3A_1567], %shift_right_logical3A_1564 {strides = array<i32>} : memref<5x128xi32, #tpu.memory_space<vmem>>, vector<16xi32>,
      %add3A_1569 = arith.constant 0 : i32
      %add3A_1570 = arith.addi %mul3A_808, %add3A_1569 : i32
      %mul3A_1571 = arith.constant 128 : i32
      %mul3A_1572 = arith.muli %add3A_1570, %mul3A_1571 : i32
      %dma_start3A_1573 = arith.constant 0 : i32
      %dma_start3A_1574 = arith.constant 0 : i32
      %dma_start3A_1575 = tpu.memref_slice %arg8[%mul3A_1572, %dma_start3A_1574] : memref<10112x8xf32, #tpu.memory_space<vmem>> -> memref<128x8xf32, #tpu.memory_space<vmem>>
      %dma_start3A_1576 = arith.constant 0 : i32
      %dma_start3A_1577 = tpu.memref_slice %arg10[%dma_start3A_1573, %dma_start3A_1576] : memref<5x128xi32, #tpu.memory_space<vmem>> -> memref<1x128xi32, #tpu.memory_space<vmem>>
      %dma_start3A_1578 = tpu.memref_squeeze %dma_start3A_1577 : memref<1x128xi32, #tpu.memory_space<vmem>> -> memref<128xi32, #tpu.memory_space<vmem>>
      %dma_start3A_1579 = arith.constant 0 : i32
      %dma_start3A_1580 = arith.constant 0 : i32
      %dma_start3A_1581 = tpu.memref_slice %arg15[%dma_start3A_1579, %dma_start3A_1580] : memref<10240x8xf32, #tpu.memory_space<vmem_shared>> -> memref<10240x8xf32, #tpu.memory_space<vmem_shared>>
      tpu.enqueue_indirect_dma source(%dma_start3A_1575 : memref<128x8xf32, #tpu.memory_space<vmem>>) target(%dma_start3A_1581 : memref<10240x8xf32, #tpu.memory_space<vmem_shared>>) offsets(%dma_start3A_1578 : memref<128xi32, #tpu.memory_space<vmem>>) semaphore(%arg18 : memref<!tpu.dma_semaphore, #tpu.memory_space<semaphore_mem>>) {add = true}
      %dma_start3A_1582 = arith.constant 0 : i32
      %dma_start3A_1583 = arith.constant 0 : i32
      %dma_start3A_1584 = tpu.memref_slice %arg8[%mul3A_1572, %dma_start3A_1583] : memref<10112x8xf32, #tpu.memory_space<vmem>> -> memref<128x8xf32, #tpu.memory_space<vmem>>
      %dma_start3A_1585 = arith.constant 0 : i32
      %dma_start3A_1586 = tpu.memref_slice %arg11[%dma_start3A_1582, %dma_start3A_1585] : memref<5x128xi32, #tpu.memory_space<vmem>> -> memref<1x128xi32, #tpu.memory_space<vmem>>
      %dma_start3A_1587 = tpu.memref_squeeze %dma_start3A_1586 : memref<1x128xi32, #tpu.memory_space<vmem>> -> memref<128xi32, #tpu.memory_space<vmem>>
      %dma_start3A_1588 = arith.constant 0 : i32
      %dma_start3A_1589 = arith.constant 0 : i32
      %dma_start3A_1590 = tpu.memref_slice %arg16[%dma_start3A_1588, %dma_start3A_1589] : memref<10240x8xf32, #tpu.memory_space<vmem_shared>> -> memref<10240x8xf32, #tpu.memory_space<vmem_shared>>
      tpu.enqueue_indirect_dma source(%dma_start3A_1584 : memref<128x8xf32, #tpu.memory_space<vmem>>) target(%dma_start3A_1590 : memref<10240x8xf32, #tpu.memory_space<vmem_shared>>) offsets(%dma_start3A_1587 : memref<128xi32, #tpu.memory_space<vmem>>) semaphore(%arg18 : memref<!tpu.dma_semaphore, #tpu.memory_space<semaphore_mem>>) {add = true}
      %add3A_1591 = arith.constant 1 : i32
      %add3A_1592 = arith.addi %mul3A_808, %add3A_1591 : i32
      %mul3A_1593 = arith.constant 128 : i32
      %mul3A_1594 = arith.muli %add3A_1592, %mul3A_1593 : i32
      %dma_start3A_1595 = arith.constant 1 : i32
      %dma_start3A_1596 = arith.constant 0 : i32
      %dma_start3A_1597 = tpu.memref_slice %arg8[%mul3A_1594, %dma_start3A_1596] : memref<10112x8xf32, #tpu.memory_space<vmem>> -> memref<128x8xf32, #tpu.memory_space<vmem>>
      %dma_start3A_1598 = arith.constant 0 : i32
      %dma_start3A_1599 = tpu.memref_slice %arg10[%dma_start3A_1595, %dma_start3A_1598] : memref<5x128xi32, #tpu.memory_space<vmem>> -> memref<1x128xi32, #tpu.memory_space<vmem>>
      %dma_start3A_1600 = tpu.memref_squeeze %dma_start3A_1599 : memref<1x128xi32, #tpu.memory_space<vmem>> -> memref<128xi32, #tpu.memory_space<vmem>>
      %dma_start3A_1601 = arith.constant 0 : i32
      %dma_start3A_1602 = arith.constant 0 : i32
      %dma_start3A_1603 = tpu.memref_slice %arg15[%dma_start3A_1601, %dma_start3A_1602] : memref<10240x8xf32, #tpu.memory_space<vmem_shared>> -> memref<10240x8xf32, #tpu.memory_space<vmem_shared>>
      tpu.enqueue_indirect_dma source(%dma_start3A_1597 : memref<128x8xf32, #tpu.memory_space<vmem>>) target(%dma_start3A_1603 : memref<10240x8xf32, #tpu.memory_space<vmem_shared>>) offsets(%dma_start3A_1600 : memref<128xi32, #tpu.memory_space<vmem>>) semaphore(%arg18 : memref<!tpu.dma_semaphore, #tpu.memory_space<semaphore_mem>>) {add = true}
      %dma_start3A_1604 = arith.constant 1 : i32
      %dma_start3A_1605 = arith.constant 0 : i32
      %dma_start3A_1606 = tpu.memref_slice %arg8[%mul3A_1594, %dma_start3A_1605] : memref<10112x8xf32, #tpu.memory_space<vmem>> -> memref<128x8xf32, #tpu.memory_space<vmem>>
      %dma_start3A_1607 = arith.constant 0 : i32
      %dma_start3A_1608 = tpu.memref_slice %arg11[%dma_start3A_1604, %dma_start3A_1607] : memref<5x128xi32, #tpu.memory_space<vmem>> -> memref<1x128xi32, #tpu.memory_space<vmem>>
      %dma_start3A_1609 = tpu.memref_squeeze %dma_start3A_1608 : memref<1x128xi32, #tpu.memory_space<vmem>> -> memref<128xi32, #tpu.memory_space<vmem>>
      %dma_start3A_1610 = arith.constant 0 : i32
      %dma_start3A_1611 = arith.constant 0 : i32
      %dma_start3A_1612 = tpu.memref_slice %arg16[%dma_start3A_1610, %dma_start3A_1611] : memref<10240x8xf32, #tpu.memory_space<vmem_shared>> -> memref<10240x8xf32, #tpu.memory_space<vmem_shared>>
      tpu.enqueue_indirect_dma source(%dma_start3A_1606 : memref<128x8xf32, #tpu.memory_space<vmem>>) target(%dma_start3A_1612 : memref<10240x8xf32, #tpu.memory_space<vmem_shared>>) offsets(%dma_start3A_1609 : memref<128xi32, #tpu.memory_space<vmem>>) semaphore(%arg18 : memref<!tpu.dma_semaphore, #tpu.memory_space<semaphore_mem>>) {add = true}
      %add3A_1613 = arith.constant 2 : i32
      %add3A_1614 = arith.addi %mul3A_808, %add3A_1613 : i32
      %mul3A_1615 = arith.constant 128 : i32
      %mul3A_1616 = arith.muli %add3A_1614, %mul3A_1615 : i32
      %dma_start3A_1617 = arith.constant 2 : i32
      %dma_start3A_1618 = arith.constant 0 : i32
      %dma_start3A_1619 = tpu.memref_slice %arg8[%mul3A_1616, %dma_start3A_1618] : memref<10112x8xf32, #tpu.memory_space<vmem>> -> memref<128x8xf32, #tpu.memory_space<vmem>>
      %dma_start3A_1620 = arith.constant 0 : i32
      %dma_start3A_1621 = tpu.memref_slice %arg10[%dma_start3A_1617, %dma_start3A_1620] : memref<5x128xi32, #tpu.memory_space<vmem>> -> memref<1x128xi32, #tpu.memory_space<vmem>>
      %dma_start3A_1622 = tpu.memref_squeeze %dma_start3A_1621 : memref<1x128xi32, #tpu.memory_space<vmem>> -> memref<128xi32, #tpu.memory_space<vmem>>
      %dma_start3A_1623 = arith.constant 0 : i32
      %dma_start3A_1624 = arith.constant 0 : i32
      %dma_start3A_1625 = tpu.memref_slice %arg15[%dma_start3A_1623, %dma_start3A_1624] : memref<10240x8xf32, #tpu.memory_space<vmem_shared>> -> memref<10240x8xf32, #tpu.memory_space<vmem_shared>>
      tpu.enqueue_indirect_dma source(%dma_start3A_1619 : memref<128x8xf32, #tpu.memory_space<vmem>>) target(%dma_start3A_1625 : memref<10240x8xf32, #tpu.memory_space<vmem_shared>>) offsets(%dma_start3A_1622 : memref<128xi32, #tpu.memory_space<vmem>>) semaphore(%arg18 : memref<!tpu.dma_semaphore, #tpu.memory_space<semaphore_mem>>) {add = true}
      %dma_start3A_1626 = arith.constant 2 : i32
      %dma_start3A_1627 = arith.constant 0 : i32
      %dma_start3A_1628 = tpu.memref_slice %arg8[%mul3A_1616, %dma_start3A_1627] : memref<10112x8xf32, #tpu.memory_space<vmem>> -> memref<128x8xf32, #tpu.memory_space<vmem>>
      %dma_start3A_1629 = arith.constant 0 : i32
      %dma_start3A_1630 = tpu.memref_slice %arg11[%dma_start3A_1626, %dma_start3A_1629] : memref<5x128xi32, #tpu.memory_space<vmem>> -> memref<1x128xi32, #tpu.memory_space<vmem>>
      %dma_start3A_1631 = tpu.memref_squeeze %dma_start3A_1630 : memref<1x128xi32, #tpu.memory_space<vmem>> -> memref<128xi32, #tpu.memory_space<vmem>>
      %dma_start3A_1632 = arith.constant 0 : i32
      %dma_start3A_1633 = arith.constant 0 : i32
      %dma_start3A_1634 = tpu.memref_slice %arg16[%dma_start3A_1632, %dma_start3A_1633] : memref<10240x8xf32, #tpu.memory_space<vmem_shared>> -> memref<10240x8xf32, #tpu.memory_space<vmem_shared>>
      tpu.enqueue_indirect_dma source(%dma_start3A_1628 : memref<128x8xf32, #tpu.memory_space<vmem>>) target(%dma_start3A_1634 : memref<10240x8xf32, #tpu.memory_space<vmem_shared>>) offsets(%dma_start3A_1631 : memref<128xi32, #tpu.memory_space<vmem>>) semaphore(%arg18 : memref<!tpu.dma_semaphore, #tpu.memory_space<semaphore_mem>>) {add = true}
      %add3A_1635 = arith.constant 3 : i32
      %add3A_1636 = arith.addi %mul3A_808, %add3A_1635 : i32
      %mul3A_1637 = arith.constant 128 : i32
      %mul3A_1638 = arith.muli %add3A_1636, %mul3A_1637 : i32
      %dma_start3A_1639 = arith.constant 3 : i32
      %dma_start3A_1640 = arith.constant 0 : i32
      %dma_start3A_1641 = tpu.memref_slice %arg8[%mul3A_1638, %dma_start3A_1640] : memref<10112x8xf32, #tpu.memory_space<vmem>> -> memref<128x8xf32, #tpu.memory_space<vmem>>
      %dma_start3A_1642 = arith.constant 0 : i32
      %dma_start3A_1643 = tpu.memref_slice %arg10[%dma_start3A_1639, %dma_start3A_1642] : memref<5x128xi32, #tpu.memory_space<vmem>> -> memref<1x128xi32, #tpu.memory_space<vmem>>
      %dma_start3A_1644 = tpu.memref_squeeze %dma_start3A_1643 : memref<1x128xi32, #tpu.memory_space<vmem>> -> memref<128xi32, #tpu.memory_space<vmem>>
      %dma_start3A_1645 = arith.constant 0 : i32
      %dma_start3A_1646 = arith.constant 0 : i32
      %dma_start3A_1647 = tpu.memref_slice %arg15[%dma_start3A_1645, %dma_start3A_1646] : memref<10240x8xf32, #tpu.memory_space<vmem_shared>> -> memref<10240x8xf32, #tpu.memory_space<vmem_shared>>
      tpu.enqueue_indirect_dma source(%dma_start3A_1641 : memref<128x8xf32, #tpu.memory_space<vmem>>) target(%dma_start3A_1647 : memref<10240x8xf32, #tpu.memory_space<vmem_shared>>) offsets(%dma_start3A_1644 : memref<128xi32, #tpu.memory_space<vmem>>) semaphore(%arg18 : memref<!tpu.dma_semaphore, #tpu.memory_space<semaphore_mem>>) {add = true}
      %dma_start3A_1648 = arith.constant 3 : i32
      %dma_start3A_1649 = arith.constant 0 : i32
      %dma_start3A_1650 = tpu.memref_slice %arg8[%mul3A_1638, %dma_start3A_1649] : memref<10112x8xf32, #tpu.memory_space<vmem>> -> memref<128x8xf32, #tpu.memory_space<vmem>>
      %dma_start3A_1651 = arith.constant 0 : i32
      %dma_start3A_1652 = tpu.memref_slice %arg11[%dma_start3A_1648, %dma_start3A_1651] : memref<5x128xi32, #tpu.memory_space<vmem>> -> memref<1x128xi32, #tpu.memory_space<vmem>>
      %dma_start3A_1653 = tpu.memref_squeeze %dma_start3A_1652 : memref<1x128xi32, #tpu.memory_space<vmem>> -> memref<128xi32, #tpu.memory_space<vmem>>
      %dma_start3A_1654 = arith.constant 0 : i32
      %dma_start3A_1655 = arith.constant 0 : i32
      %dma_start3A_1656 = tpu.memref_slice %arg16[%dma_start3A_1654, %dma_start3A_1655] : memref<10240x8xf32, #tpu.memory_space<vmem_shared>> -> memref<10240x8xf32, #tpu.memory_space<vmem_shared>>
      tpu.enqueue_indirect_dma source(%dma_start3A_1650 : memref<128x8xf32, #tpu.memory_space<vmem>>) target(%dma_start3A_1656 : memref<10240x8xf32, #tpu.memory_space<vmem_shared>>) offsets(%dma_start3A_1653 : memref<128xi32, #tpu.memory_space<vmem>>) semaphore(%arg18 : memref<!tpu.dma_semaphore, #tpu.memory_space<semaphore_mem>>) {add = true}
      %add3A_1657 = arith.constant 4 : i32
      %add3A_1658 = arith.addi %mul3A_808, %add3A_1657 : i32
      %mul3A_1659 = arith.constant 128 : i32
      %mul3A_1660 = arith.muli %add3A_1658, %mul3A_1659 : i32
      %dma_start3A_1661 = arith.constant 4 : i32
      %dma_start3A_1662 = arith.constant 0 : i32
      %dma_start3A_1663 = tpu.memref_slice %arg8[%mul3A_1660, %dma_start3A_1662] : memref<10112x8xf32, #tpu.memory_space<vmem>> -> memref<128x8xf32, #tpu.memory_space<vmem>>
      %dma_start3A_1664 = arith.constant 0 : i32
      %dma_start3A_1665 = tpu.memref_slice %arg10[%dma_start3A_1661, %dma_start3A_1664] : memref<5x128xi32, #tpu.memory_space<vmem>> -> memref<1x128xi32, #tpu.memory_space<vmem>>
      %dma_start3A_1666 = tpu.memref_squeeze %dma_start3A_1665 : memref<1x128xi32, #tpu.memory_space<vmem>> -> memref<128xi32, #tpu.memory_space<vmem>>
      %dma_start3A_1667 = arith.constant 0 : i32
      %dma_start3A_1668 = arith.constant 0 : i32
      %dma_start3A_1669 = tpu.memref_slice %arg15[%dma_start3A_1667, %dma_start3A_1668] : memref<10240x8xf32, #tpu.memory_space<vmem_shared>> -> memref<10240x8xf32, #tpu.memory_space<vmem_shared>>
      tpu.enqueue_indirect_dma source(%dma_start3A_1663 : memref<128x8xf32, #tpu.memory_space<vmem>>) target(%dma_start3A_1669 : memref<10240x8xf32, #tpu.memory_space<vmem_shared>>) offsets(%dma_start3A_1666 : memref<128xi32, #tpu.memory_space<vmem>>) semaphore(%arg18 : memref<!tpu.dma_semaphore, #tpu.memory_space<semaphore_mem>>) {add = true}
      %dma_start3A_1670 = arith.constant 4 : i32
      %dma_start3A_1671 = arith.constant 0 : i32
      %dma_start3A_1672 = tpu.memref_slice %arg8[%mul3A_1660, %dma_start3A_1671] : memref<10112x8xf32, #tpu.memory_space<vmem>> -> memref<128x8xf32, #tpu.memory_space<vmem>>
      %dma_start3A_1673 = arith.constant 0 : i32
      %dma_start3A_1674 = tpu.memref_slice %arg11[%dma_start3A_1670, %dma_start3A_1673] : memref<5x128xi32, #tpu.memory_space<vmem>> -> memref<1x128xi32, #tpu.memory_space<vmem>>
      %dma_start3A_1675 = tpu.memref_squeeze %dma_start3A_1674 : memref<1x128xi32, #tpu.memory_space<vmem>> -> memref<128xi32, #tpu.memory_space<vmem>>
      %dma_start3A_1676 = arith.constant 0 : i32
      %dma_start3A_1677 = arith.constant 0 : i32
      %dma_start3A_1678 = tpu.memref_slice %arg16[%dma_start3A_1676, %dma_start3A_1677] : memref<10240x8xf32, #tpu.memory_space<vmem_shared>> -> memref<10240x8xf32, #tpu.memory_space<vmem_shared>>
      tpu.enqueue_indirect_dma source(%dma_start3A_1672 : memref<128x8xf32, #tpu.memory_space<vmem>>) target(%dma_start3A_1678 : memref<10240x8xf32, #tpu.memory_space<vmem_shared>>) offsets(%dma_start3A_1675 : memref<128xi32, #tpu.memory_space<vmem>>) semaphore(%arg18 : memref<!tpu.dma_semaphore, #tpu.memory_space<semaphore_mem>>) {add = true}
      %scan3A_1679 = arith.constant 0 : i32
      %scan3A_1680 = arith.constant 40 : i32
      %scan3A_1681 = arith.addi %scan3A_1679, %scan3A_1680 : i32
      %scan3A_1682 = arith.constant 1 : i32
      scf.for %scan3A_1774 = %scan3A_1679 to %scan3A_1681 step %scan3A_1682  : i32 {
        %mul3A_1775 = arith.constant 1 : i32
        %mul3A_1776 = arith.muli %scan3A_1774, %mul3A_1775 : i32
        %add3A_1777 = arith.constant 0 : i32
        %add3A_1778 = arith.addi %add3A_1777, %mul3A_1776 : i32
        %mul3A_1779 = arith.constant 128 : i32
        %mul3A_1780 = arith.muli %mul3A_808, %mul3A_1779 : i32
        %mul3A_1781 = arith.constant 16 : i32
        %mul3A_1782 = arith.muli %add3A_1778, %mul3A_1781 : i32
        %add3A_1783 = arith.addi %mul3A_1780, %mul3A_1782 : i32
        %add3A_1784 = vector.broadcast %add3A_1783 : i32 to vector<16xi32>
        %add3A_1785 = arith.addi %add3A_1784, %iota3A : vector<16xi32>
        %get3A_1786 = arith.constant 4 : i32
        %get3A_1787 = arith.index_cast %get3A_1786 : i32 to index
        %get3A_1788 = arith.constant 0 : index
        %get3A_1789 = tpu.vector_load %arg12[%get3A_1787, %get3A_1788] {strides = array<i32>} : memref<8x16xf32, #tpu.memory_space<vmem>>, vector<16xf32>,
        %broadcast_in_dim3A = arith.constant 0 : i32
        %broadcast_in_dim3A_1790 = vector.broadcast %broadcast_in_dim3A : i32 to vector<16xi32>
        %gather3A = tpu.vector_load_idx %arg8[%add3A_1785, %broadcast_in_dim3A_1790] : memref<10112x8xf32, #tpu.memory_space<vmem>>[vector<16xi32>, vector<16xi32>], vector<16xf32>,
        %get3A_1791 = arith.constant 0 : i32
        %get3A_1792 = arith.index_cast %get3A_1791 : i32 to index
        %get3A_1793 = arith.constant 0 : index
        %get3A_1794 = tpu.vector_load %arg12[%get3A_1792, %get3A_1793] {strides = array<i32>} : memref<8x16xf32, #tpu.memory_space<vmem>>, vector<16xf32>,
        %mul3A_1795 = arith.mulf %gather3A, %get3A_1794 : vector<16xf32>
        %add3A_1796 = arith.addf %get3A_1789, %mul3A_1795 : vector<16xf32>
        %broadcast_in_dim3A_1797 = arith.constant 1 : i32
        %broadcast_in_dim3A_1798 = vector.broadcast %broadcast_in_dim3A_1797 : i32 to vector<16xi32>
        %gather3A_1799 = tpu.vector_load_idx %arg8[%add3A_1785, %broadcast_in_dim3A_1798] : memref<10112x8xf32, #tpu.memory_space<vmem>>[vector<16xi32>, vector<16xi32>], vector<16xf32>,
        %get3A_1800 = arith.constant 1 : i32
        %get3A_1801 = arith.index_cast %get3A_1800 : i32 to index
        %get3A_1802 = arith.constant 0 : index
        %get3A_1803 = tpu.vector_load %arg12[%get3A_1801, %get3A_1802] {strides = array<i32>} : memref<8x16xf32, #tpu.memory_space<vmem>>, vector<16xf32>,
        %mul3A_1804 = arith.mulf %gather3A_1799, %get3A_1803 : vector<16xf32>
        %add3A_1805 = arith.addf %add3A_1796, %mul3A_1804 : vector<16xf32>
        %broadcast_in_dim3A_1806 = arith.constant 2 : i32
        %broadcast_in_dim3A_1807 = vector.broadcast %broadcast_in_dim3A_1806 : i32 to vector<16xi32>
        %gather3A_1808 = tpu.vector_load_idx %arg8[%add3A_1785, %broadcast_in_dim3A_1807] : memref<10112x8xf32, #tpu.memory_space<vmem>>[vector<16xi32>, vector<16xi32>], vector<16xf32>,
        %get3A_1809 = arith.constant 2 : i32
        %get3A_1810 = arith.index_cast %get3A_1809 : i32 to index
        %get3A_1811 = arith.constant 0 : index
        %get3A_1812 = tpu.vector_load %arg12[%get3A_1810, %get3A_1811] {strides = array<i32>} : memref<8x16xf32, #tpu.memory_space<vmem>>, vector<16xf32>,
        %mul3A_1813 = arith.mulf %gather3A_1808, %get3A_1812 : vector<16xf32>
        %add3A_1814 = arith.addf %add3A_1805, %mul3A_1813 : vector<16xf32>
        %broadcast_in_dim3A_1815 = arith.constant 3 : i32
        %broadcast_in_dim3A_1816 = vector.broadcast %broadcast_in_dim3A_1815 : i32 to vector<16xi32>
        %gather3A_1817 = tpu.vector_load_idx %arg8[%add3A_1785, %broadcast_in_dim3A_1816] : memref<10112x8xf32, #tpu.memory_space<vmem>>[vector<16xi32>, vector<16xi32>], vector<16xf32>,
        %get3A_1818 = arith.constant 3 : i32
        %get3A_1819 = arith.index_cast %get3A_1818 : i32 to index
        %get3A_1820 = arith.constant 0 : index
        %get3A_1821 = tpu.vector_load %arg12[%get3A_1819, %get3A_1820] {strides = array<i32>} : memref<8x16xf32, #tpu.memory_space<vmem>>, vector<16xf32>,
        %mul3A_1822 = arith.mulf %gather3A_1817, %get3A_1821 : vector<16xf32>
        %add3A_1823 = arith.addf %add3A_1814, %mul3A_1822 : vector<16xf32>
        %swap3A_1824 = arith.index_cast %add3A_1783 : i32 to index
        %swap3A_1825 = tpu.vector_load %arg13[%swap3A_1824] {strides = array<i32>} : memref<10112xf32, #tpu.memory_space<vmem>>, vector<16xf32>,
        tpu.vector_store %arg13[%swap3A_1824], %add3A_1823 {strides = array<i32>} : memref<10112xf32, #tpu.memory_space<vmem>>, vector<16xf32>,
      }
      %scan3A_1683 = arith.constant 40 : i32
      %dma_wait3A_1684 = arith.constant 0 : i32
      %dma_wait3A_1685 = arith.constant 0 : i32
      %dma_wait3A_1686 = tpu.memref_slice %arg8[%mul3A_1572, %dma_wait3A_1685] : memref<10112x8xf32, #tpu.memory_space<vmem>> -> memref<128x8xf32, #tpu.memory_space<vmem>>
      %dma_wait3A_1687 = arith.constant 0 : i32
      %dma_wait3A_1688 = tpu.memref_slice %arg10[%dma_wait3A_1684, %dma_wait3A_1687] : memref<5x128xi32, #tpu.memory_space<vmem>> -> memref<1x128xi32, #tpu.memory_space<vmem>>
      %dma_wait3A_1689 = tpu.memref_squeeze %dma_wait3A_1688 : memref<1x128xi32, #tpu.memory_space<vmem>> -> memref<128xi32, #tpu.memory_space<vmem>>
      %dma_wait3A_1690 = arith.constant 0 : i32
      %dma_wait3A_1691 = arith.constant 0 : i32
      %dma_wait3A_1692 = tpu.memref_slice %arg15[%dma_wait3A_1690, %dma_wait3A_1691] : memref<10240x8xf32, #tpu.memory_space<vmem_shared>> -> memref<10240x8xf32, #tpu.memory_space<vmem_shared>>
      tpu.wait_indirect_dma semaphore(%arg18 : memref<!tpu.dma_semaphore, #tpu.memory_space<semaphore_mem>>) src(%dma_wait3A_1686 : memref<128x8xf32, #tpu.memory_space<vmem>>) dst(%dma_wait3A_1692 : memref<10240x8xf32, #tpu.memory_space<vmem_shared>>)
      %dma_wait3A_1693 = arith.constant 0 : i32
      %dma_wait3A_1694 = arith.constant 0 : i32
      %dma_wait3A_1695 = tpu.memref_slice %arg8[%mul3A_1572, %dma_wait3A_1694] : memref<10112x8xf32, #tpu.memory_space<vmem>> -> memref<128x8xf32, #tpu.memory_space<vmem>>
      %dma_wait3A_1696 = arith.constant 0 : i32
      %dma_wait3A_1697 = tpu.memref_slice %arg11[%dma_wait3A_1693, %dma_wait3A_1696] : memref<5x128xi32, #tpu.memory_space<vmem>> -> memref<1x128xi32, #tpu.memory_space<vmem>>
      %dma_wait3A_1698 = tpu.memref_squeeze %dma_wait3A_1697 : memref<1x128xi32, #tpu.memory_space<vmem>> -> memref<128xi32, #tpu.memory_space<vmem>>
      %dma_wait3A_1699 = arith.constant 0 : i32
      %dma_wait3A_1700 = arith.constant 0 : i32
      %dma_wait3A_1701 = tpu.memref_slice %arg16[%dma_wait3A_1699, %dma_wait3A_1700] : memref<10240x8xf32, #tpu.memory_space<vmem_shared>> -> memref<10240x8xf32, #tpu.memory_space<vmem_shared>>
      tpu.wait_indirect_dma semaphore(%arg18 : memref<!tpu.dma_semaphore, #tpu.memory_space<semaphore_mem>>) src(%dma_wait3A_1695 : memref<128x8xf32, #tpu.memory_space<vmem>>) dst(%dma_wait3A_1701 : memref<10240x8xf32, #tpu.memory_space<vmem_shared>>)
      %dma_wait3A_1702 = arith.constant 1 : i32
      %dma_wait3A_1703 = arith.constant 0 : i32
      %dma_wait3A_1704 = tpu.memref_slice %arg8[%mul3A_1594, %dma_wait3A_1703] : memref<10112x8xf32, #tpu.memory_space<vmem>> -> memref<128x8xf32, #tpu.memory_space<vmem>>
      %dma_wait3A_1705 = arith.constant 0 : i32
      %dma_wait3A_1706 = tpu.memref_slice %arg10[%dma_wait3A_1702, %dma_wait3A_1705] : memref<5x128xi32, #tpu.memory_space<vmem>> -> memref<1x128xi32, #tpu.memory_space<vmem>>
      %dma_wait3A_1707 = tpu.memref_squeeze %dma_wait3A_1706 : memref<1x128xi32, #tpu.memory_space<vmem>> -> memref<128xi32, #tpu.memory_space<vmem>>
      %dma_wait3A_1708 = arith.constant 0 : i32
      %dma_wait3A_1709 = arith.constant 0 : i32
      %dma_wait3A_1710 = tpu.memref_slice %arg15[%dma_wait3A_1708, %dma_wait3A_1709] : memref<10240x8xf32, #tpu.memory_space<vmem_shared>> -> memref<10240x8xf32, #tpu.memory_space<vmem_shared>>
      tpu.wait_indirect_dma semaphore(%arg18 : memref<!tpu.dma_semaphore, #tpu.memory_space<semaphore_mem>>) src(%dma_wait3A_1704 : memref<128x8xf32, #tpu.memory_space<vmem>>) dst(%dma_wait3A_1710 : memref<10240x8xf32, #tpu.memory_space<vmem_shared>>)
      %dma_wait3A_1711 = arith.constant 1 : i32
      %dma_wait3A_1712 = arith.constant 0 : i32
      %dma_wait3A_1713 = tpu.memref_slice %arg8[%mul3A_1594, %dma_wait3A_1712] : memref<10112x8xf32, #tpu.memory_space<vmem>> -> memref<128x8xf32, #tpu.memory_space<vmem>>
      %dma_wait3A_1714 = arith.constant 0 : i32
      %dma_wait3A_1715 = tpu.memref_slice %arg11[%dma_wait3A_1711, %dma_wait3A_1714] : memref<5x128xi32, #tpu.memory_space<vmem>> -> memref<1x128xi32, #tpu.memory_space<vmem>>
      %dma_wait3A_1716 = tpu.memref_squeeze %dma_wait3A_1715 : memref<1x128xi32, #tpu.memory_space<vmem>> -> memref<128xi32, #tpu.memory_space<vmem>>
      %dma_wait3A_1717 = arith.constant 0 : i32
      %dma_wait3A_1718 = arith.constant 0 : i32
      %dma_wait3A_1719 = tpu.memref_slice %arg16[%dma_wait3A_1717, %dma_wait3A_1718] : memref<10240x8xf32, #tpu.memory_space<vmem_shared>> -> memref<10240x8xf32, #tpu.memory_space<vmem_shared>>
      tpu.wait_indirect_dma semaphore(%arg18 : memref<!tpu.dma_semaphore, #tpu.memory_space<semaphore_mem>>) src(%dma_wait3A_1713 : memref<128x8xf32, #tpu.memory_space<vmem>>) dst(%dma_wait3A_1719 : memref<10240x8xf32, #tpu.memory_space<vmem_shared>>)
      %dma_wait3A_1720 = arith.constant 2 : i32
      %dma_wait3A_1721 = arith.constant 0 : i32
      %dma_wait3A_1722 = tpu.memref_slice %arg8[%mul3A_1616, %dma_wait3A_1721] : memref<10112x8xf32, #tpu.memory_space<vmem>> -> memref<128x8xf32, #tpu.memory_space<vmem>>
      %dma_wait3A_1723 = arith.constant 0 : i32
      %dma_wait3A_1724 = tpu.memref_slice %arg10[%dma_wait3A_1720, %dma_wait3A_1723] : memref<5x128xi32, #tpu.memory_space<vmem>> -> memref<1x128xi32, #tpu.memory_space<vmem>>
      %dma_wait3A_1725 = tpu.memref_squeeze %dma_wait3A_1724 : memref<1x128xi32, #tpu.memory_space<vmem>> -> memref<128xi32, #tpu.memory_space<vmem>>
      %dma_wait3A_1726 = arith.constant 0 : i32
      %dma_wait3A_1727 = arith.constant 0 : i32
      %dma_wait3A_1728 = tpu.memref_slice %arg15[%dma_wait3A_1726, %dma_wait3A_1727] : memref<10240x8xf32, #tpu.memory_space<vmem_shared>> -> memref<10240x8xf32, #tpu.memory_space<vmem_shared>>
      tpu.wait_indirect_dma semaphore(%arg18 : memref<!tpu.dma_semaphore, #tpu.memory_space<semaphore_mem>>) src(%dma_wait3A_1722 : memref<128x8xf32, #tpu.memory_space<vmem>>) dst(%dma_wait3A_1728 : memref<10240x8xf32, #tpu.memory_space<vmem_shared>>)
      %dma_wait3A_1729 = arith.constant 2 : i32
      %dma_wait3A_1730 = arith.constant 0 : i32
      %dma_wait3A_1731 = tpu.memref_slice %arg8[%mul3A_1616, %dma_wait3A_1730] : memref<10112x8xf32, #tpu.memory_space<vmem>> -> memref<128x8xf32, #tpu.memory_space<vmem>>
      %dma_wait3A_1732 = arith.constant 0 : i32
      %dma_wait3A_1733 = tpu.memref_slice %arg11[%dma_wait3A_1729, %dma_wait3A_1732] : memref<5x128xi32, #tpu.memory_space<vmem>> -> memref<1x128xi32, #tpu.memory_space<vmem>>
      %dma_wait3A_1734 = tpu.memref_squeeze %dma_wait3A_1733 : memref<1x128xi32, #tpu.memory_space<vmem>> -> memref<128xi32, #tpu.memory_space<vmem>>
      %dma_wait3A_1735 = arith.constant 0 : i32
      %dma_wait3A_1736 = arith.constant 0 : i32
      %dma_wait3A_1737 = tpu.memref_slice %arg16[%dma_wait3A_1735, %dma_wait3A_1736] : memref<10240x8xf32, #tpu.memory_space<vmem_shared>> -> memref<10240x8xf32, #tpu.memory_space<vmem_shared>>
      tpu.wait_indirect_dma semaphore(%arg18 : memref<!tpu.dma_semaphore, #tpu.memory_space<semaphore_mem>>) src(%dma_wait3A_1731 : memref<128x8xf32, #tpu.memory_space<vmem>>) dst(%dma_wait3A_1737 : memref<10240x8xf32, #tpu.memory_space<vmem_shared>>)
      %dma_wait3A_1738 = arith.constant 3 : i32
      %dma_wait3A_1739 = arith.constant 0 : i32
      %dma_wait3A_1740 = tpu.memref_slice %arg8[%mul3A_1638, %dma_wait3A_1739] : memref<10112x8xf32, #tpu.memory_space<vmem>> -> memref<128x8xf32, #tpu.memory_space<vmem>>
      %dma_wait3A_1741 = arith.constant 0 : i32
      %dma_wait3A_1742 = tpu.memref_slice %arg10[%dma_wait3A_1738, %dma_wait3A_1741] : memref<5x128xi32, #tpu.memory_space<vmem>> -> memref<1x128xi32, #tpu.memory_space<vmem>>
      %dma_wait3A_1743 = tpu.memref_squeeze %dma_wait3A_1742 : memref<1x128xi32, #tpu.memory_space<vmem>> -> memref<128xi32, #tpu.memory_space<vmem>>
      %dma_wait3A_1744 = arith.constant 0 : i32
      %dma_wait3A_1745 = arith.constant 0 : i32
      %dma_wait3A_1746 = tpu.memref_slice %arg15[%dma_wait3A_1744, %dma_wait3A_1745] : memref<10240x8xf32, #tpu.memory_space<vmem_shared>> -> memref<10240x8xf32, #tpu.memory_space<vmem_shared>>
      tpu.wait_indirect_dma semaphore(%arg18 : memref<!tpu.dma_semaphore, #tpu.memory_space<semaphore_mem>>) src(%dma_wait3A_1740 : memref<128x8xf32, #tpu.memory_space<vmem>>) dst(%dma_wait3A_1746 : memref<10240x8xf32, #tpu.memory_space<vmem_shared>>)
      %dma_wait3A_1747 = arith.constant 3 : i32
      %dma_wait3A_1748 = arith.constant 0 : i32
      %dma_wait3A_1749 = tpu.memref_slice %arg8[%mul3A_1638, %dma_wait3A_1748] : memref<10112x8xf32, #tpu.memory_space<vmem>> -> memref<128x8xf32, #tpu.memory_space<vmem>>
      %dma_wait3A_1750 = arith.constant 0 : i32
      %dma_wait3A_1751 = tpu.memref_slice %arg11[%dma_wait3A_1747, %dma_wait3A_1750] : memref<5x128xi32, #tpu.memory_space<vmem>> -> memref<1x128xi32, #tpu.memory_space<vmem>>
      %dma_wait3A_1752 = tpu.memref_squeeze %dma_wait3A_1751 : memref<1x128xi32, #tpu.memory_space<vmem>> -> memref<128xi32, #tpu.memory_space<vmem>>
      %dma_wait3A_1753 = arith.constant 0 : i32
      %dma_wait3A_1754 = arith.constant 0 : i32
      %dma_wait3A_1755 = tpu.memref_slice %arg16[%dma_wait3A_1753, %dma_wait3A_1754] : memref<10240x8xf32, #tpu.memory_space<vmem_shared>> -> memref<10240x8xf32, #tpu.memory_space<vmem_shared>>
      tpu.wait_indirect_dma semaphore(%arg18 : memref<!tpu.dma_semaphore, #tpu.memory_space<semaphore_mem>>) src(%dma_wait3A_1749 : memref<128x8xf32, #tpu.memory_space<vmem>>) dst(%dma_wait3A_1755 : memref<10240x8xf32, #tpu.memory_space<vmem_shared>>)
      %dma_wait3A_1756 = arith.constant 4 : i32
      %dma_wait3A_1757 = arith.constant 0 : i32
      %dma_wait3A_1758 = tpu.memref_slice %arg8[%mul3A_1660, %dma_wait3A_1757] : memref<10112x8xf32, #tpu.memory_space<vmem>> -> memref<128x8xf32, #tpu.memory_space<vmem>>
      %dma_wait3A_1759 = arith.constant 0 : i32
      %dma_wait3A_1760 = tpu.memref_slice %arg10[%dma_wait3A_1756, %dma_wait3A_1759] : memref<5x128xi32, #tpu.memory_space<vmem>> -> memref<1x128xi32, #tpu.memory_space<vmem>>
      %dma_wait3A_1761 = tpu.memref_squeeze %dma_wait3A_1760 : memref<1x128xi32, #tpu.memory_space<vmem>> -> memref<128xi32, #tpu.memory_space<vmem>>
      %dma_wait3A_1762 = arith.constant 0 : i32
      %dma_wait3A_1763 = arith.constant 0 : i32
      %dma_wait3A_1764 = tpu.memref_slice %arg15[%dma_wait3A_1762, %dma_wait3A_1763] : memref<10240x8xf32, #tpu.memory_space<vmem_shared>> -> memref<10240x8xf32, #tpu.memory_space<vmem_shared>>
      tpu.wait_indirect_dma semaphore(%arg18 : memref<!tpu.dma_semaphore, #tpu.memory_space<semaphore_mem>>) src(%dma_wait3A_1758 : memref<128x8xf32, #tpu.memory_space<vmem>>) dst(%dma_wait3A_1764 : memref<10240x8xf32, #tpu.memory_space<vmem_shared>>)
      %dma_wait3A_1765 = arith.constant 4 : i32
      %dma_wait3A_1766 = arith.constant 0 : i32
      %dma_wait3A_1767 = tpu.memref_slice %arg8[%mul3A_1660, %dma_wait3A_1766] : memref<10112x8xf32, #tpu.memory_space<vmem>> -> memref<128x8xf32, #tpu.memory_space<vmem>>
      %dma_wait3A_1768 = arith.constant 0 : i32
      %dma_wait3A_1769 = tpu.memref_slice %arg11[%dma_wait3A_1765, %dma_wait3A_1768] : memref<5x128xi32, #tpu.memory_space<vmem>> -> memref<1x128xi32, #tpu.memory_space<vmem>>
      %dma_wait3A_1770 = tpu.memref_squeeze %dma_wait3A_1769 : memref<1x128xi32, #tpu.memory_space<vmem>> -> memref<128xi32, #tpu.memory_space<vmem>>
      %dma_wait3A_1771 = arith.constant 0 : i32
      %dma_wait3A_1772 = arith.constant 0 : i32
      %dma_wait3A_1773 = tpu.memref_slice %arg16[%dma_wait3A_1771, %dma_wait3A_1772] : memref<10240x8xf32, #tpu.memory_space<vmem_shared>> -> memref<10240x8xf32, #tpu.memory_space<vmem_shared>>
      tpu.wait_indirect_dma semaphore(%arg18 : memref<!tpu.dma_semaphore, #tpu.memory_space<semaphore_mem>>) src(%dma_wait3A_1767 : memref<128x8xf32, #tpu.memory_space<vmem>>) dst(%dma_wait3A_1773 : memref<10240x8xf32, #tpu.memory_space<vmem_shared>>)
    }
    %scan3A_14 = arith.constant 15 : i32
    %get3A = arith.constant 75 : i32
    %get3A_15 = arith.index_cast %get3A : i32 to index
    %get3A_16 = arith.constant 0 : index
    %get3A_17 = tpu.vector_load %arg9[%get3A_15, %get3A_16] {strides = array<i32>} : memref<79x128xi32, #tpu.memory_space<vmem>>, vector<16xi32>,
    %and3A = arith.constant 65535 : i32
    %and3A_18 = vector.broadcast %and3A : i32 to vector<16xi32>
    %and3A_19 = arith.andi %get3A_17, %and3A_18 : vector<16xi32>
    %swap3A = arith.constant 0 : i32
    %swap3A_20 = arith.index_cast %swap3A : i32 to index
    %swap3A_21 = arith.constant 0 : index
    %swap3A_22 = tpu.vector_load %arg10[%swap3A_20, %swap3A_21] {strides = array<i32>} : memref<5x128xi32, #tpu.memory_space<vmem>>, vector<16xi32>,
    tpu.vector_store %arg10[%swap3A_20, %swap3A_21], %and3A_19 {strides = array<i32>} : memref<5x128xi32, #tpu.memory_space<vmem>>, vector<16xi32>,
    %shift_right_logical3A = arith.constant 16 : i32
    %shift_right_logical3A_23 = vector.broadcast %shift_right_logical3A : i32 to vector<16xi32>
    %shift_right_logical3A_24 = arith.shrui %get3A_17, %shift_right_logical3A_23 : vector<16xi32>
    %swap3A_25 = arith.constant 0 : i32
    %swap3A_26 = arith.index_cast %swap3A_25 : i32 to index
    %swap3A_27 = arith.constant 0 : index
    %swap3A_28 = tpu.vector_load %arg11[%swap3A_26, %swap3A_27] {strides = array<i32>} : memref<5x128xi32, #tpu.memory_space<vmem>>, vector<16xi32>,
    tpu.vector_store %arg11[%swap3A_26, %swap3A_27], %shift_right_logical3A_24 {strides = array<i32>} : memref<5x128xi32, #tpu.memory_space<vmem>>, vector<16xi32>,
    %get3A_29 = arith.constant 75 : i32
    %get3A_30 = arith.index_cast %get3A_29 : i32 to index
    %get3A_31 = arith.constant 16 : index
    %get3A_32 = tpu.vector_load %arg9[%get3A_30, %get3A_31] {strides = array<i32>} : memref<79x128xi32, #tpu.memory_space<vmem>>, vector<16xi32>,
    %and3A_33 = arith.constant 65535 : i32
    %and3A_34 = vector.broadcast %and3A_33 : i32 to vector<16xi32>
    %and3A_35 = arith.andi %get3A_32, %and3A_34 : vector<16xi32>
    %swap3A_36 = arith.constant 0 : i32
    %swap3A_37 = arith.index_cast %swap3A_36 : i32 to index
    %swap3A_38 = arith.constant 16 : index
    %swap3A_39 = tpu.vector_load %arg10[%swap3A_37, %swap3A_38] {strides = array<i32>} : memref<5x128xi32, #tpu.memory_space<vmem>>, vector<16xi32>,
    tpu.vector_store %arg10[%swap3A_37, %swap3A_38], %and3A_35 {strides = array<i32>} : memref<5x128xi32, #tpu.memory_space<vmem>>, vector<16xi32>,
    %shift_right_logical3A_40 = arith.constant 16 : i32
    %shift_right_logical3A_41 = vector.broadcast %shift_right_logical3A_40 : i32 to vector<16xi32>
    %shift_right_logical3A_42 = arith.shrui %get3A_32, %shift_right_logical3A_41 : vector<16xi32>
    %swap3A_43 = arith.constant 0 : i32
    %swap3A_44 = arith.index_cast %swap3A_43 : i32 to index
    %swap3A_45 = arith.constant 16 : index
    %swap3A_46 = tpu.vector_load %arg11[%swap3A_44, %swap3A_45] {strides = array<i32>} : memref<5x128xi32, #tpu.memory_space<vmem>>, vector<16xi32>,
    tpu.vector_store %arg11[%swap3A_44, %swap3A_45], %shift_right_logical3A_42 {strides = array<i32>} : memref<5x128xi32, #tpu.memory_space<vmem>>, vector<16xi32>,
    %get3A_47 = arith.constant 75 : i32
    %get3A_48 = arith.index_cast %get3A_47 : i32 to index
    %get3A_49 = arith.constant 32 : index
    %get3A_50 = tpu.vector_load %arg9[%get3A_48, %get3A_49] {strides = array<i32>} : memref<79x128xi32, #tpu.memory_space<vmem>>, vector<16xi32>,
    %and3A_51 = arith.constant 65535 : i32
    %and3A_52 = vector.broadcast %and3A_51 : i32 to vector<16xi32>
    %and3A_53 = arith.andi %get3A_50, %and3A_52 : vector<16xi32>
    %swap3A_54 = arith.constant 0 : i32
    %swap3A_55 = arith.index_cast %swap3A_54 : i32 to index
    %swap3A_56 = arith.constant 32 : index
    %swap3A_57 = tpu.vector_load %arg10[%swap3A_55, %swap3A_56] {strides = array<i32>} : memref<5x128xi32, #tpu.memory_space<vmem>>, vector<16xi32>,
    tpu.vector_store %arg10[%swap3A_55, %swap3A_56], %and3A_53 {strides = array<i32>} : memref<5x128xi32, #tpu.memory_space<vmem>>, vector<16xi32>,
    %shift_right_logical3A_58 = arith.constant 16 : i32
    %shift_right_logical3A_59 = vector.broadcast %shift_right_logical3A_58 : i32 to vector<16xi32>
    %shift_right_logical3A_60 = arith.shrui %get3A_50, %shift_right_logical3A_59 : vector<16xi32>
    %swap3A_61 = arith.constant 0 : i32
    %swap3A_62 = arith.index_cast %swap3A_61 : i32 to index
    %swap3A_63 = arith.constant 32 : index
    %swap3A_64 = tpu.vector_load %arg11[%swap3A_62, %swap3A_63] {strides = array<i32>} : memref<5x128xi32, #tpu.memory_space<vmem>>, vector<16xi32>,
    tpu.vector_store %arg11[%swap3A_62, %swap3A_63], %shift_right_logical3A_60 {strides = array<i32>} : memref<5x128xi32, #tpu.memory_space<vmem>>, vector<16xi32>,
    %get3A_65 = arith.constant 75 : i32
    %get3A_66 = arith.index_cast %get3A_65 : i32 to index
    %get3A_67 = arith.constant 48 : index
    %get3A_68 = tpu.vector_load %arg9[%get3A_66, %get3A_67] {strides = array<i32>} : memref<79x128xi32, #tpu.memory_space<vmem>>, vector<16xi32>,
    %and3A_69 = arith.constant 65535 : i32
    %and3A_70 = vector.broadcast %and3A_69 : i32 to vector<16xi32>
    %and3A_71 = arith.andi %get3A_68, %and3A_70 : vector<16xi32>
    %swap3A_72 = arith.constant 0 : i32
    %swap3A_73 = arith.index_cast %swap3A_72 : i32 to index
    %swap3A_74 = arith.constant 48 : index
    %swap3A_75 = tpu.vector_load %arg10[%swap3A_73, %swap3A_74] {strides = array<i32>} : memref<5x128xi32, #tpu.memory_space<vmem>>, vector<16xi32>,
    tpu.vector_store %arg10[%swap3A_73, %swap3A_74], %and3A_71 {strides = array<i32>} : memref<5x128xi32, #tpu.memory_space<vmem>>, vector<16xi32>,
    %shift_right_logical3A_76 = arith.constant 16 : i32
    %shift_right_logical3A_77 = vector.broadcast %shift_right_logical3A_76 : i32 to vector<16xi32>
    %shift_right_logical3A_78 = arith.shrui %get3A_68, %shift_right_logical3A_77 : vector<16xi32>
    %swap3A_79 = arith.constant 0 : i32
    %swap3A_80 = arith.index_cast %swap3A_79 : i32 to index
    %swap3A_81 = arith.constant 48 : index
    %swap3A_82 = tpu.vector_load %arg11[%swap3A_80, %swap3A_81] {strides = array<i32>} : memref<5x128xi32, #tpu.memory_space<vmem>>, vector<16xi32>,
    tpu.vector_store %arg11[%swap3A_80, %swap3A_81], %shift_right_logical3A_78 {strides = array<i32>} : memref<5x128xi32, #tpu.memory_space<vmem>>, vector<16xi32>,
    %get3A_83 = arith.constant 75 : i32
    %get3A_84 = arith.index_cast %get3A_83 : i32 to index
    %get3A_85 = arith.constant 64 : index
    %get3A_86 = tpu.vector_load %arg9[%get3A_84, %get3A_85] {strides = array<i32>} : memref<79x128xi32, #tpu.memory_space<vmem>>, vector<16xi32>,
    %and3A_87 = arith.constant 65535 : i32
    %and3A_88 = vector.broadcast %and3A_87 : i32 to vector<16xi32>
    %and3A_89 = arith.andi %get3A_86, %and3A_88 : vector<16xi32>
    %swap3A_90 = arith.constant 0 : i32
    %swap3A_91 = arith.index_cast %swap3A_90 : i32 to index
    %swap3A_92 = arith.constant 64 : index
    %swap3A_93 = tpu.vector_load %arg10[%swap3A_91, %swap3A_92] {strides = array<i32>} : memref<5x128xi32, #tpu.memory_space<vmem>>, vector<16xi32>,
    tpu.vector_store %arg10[%swap3A_91, %swap3A_92], %and3A_89 {strides = array<i32>} : memref<5x128xi32, #tpu.memory_space<vmem>>, vector<16xi32>,
    %shift_right_logical3A_94 = arith.constant 16 : i32
    %shift_right_logical3A_95 = vector.broadcast %shift_right_logical3A_94 : i32 to vector<16xi32>
    %shift_right_logical3A_96 = arith.shrui %get3A_86, %shift_right_logical3A_95 : vector<16xi32>
    %swap3A_97 = arith.constant 0 : i32
    %swap3A_98 = arith.index_cast %swap3A_97 : i32 to index
    %swap3A_99 = arith.constant 64 : index
    %swap3A_100 = tpu.vector_load %arg11[%swap3A_98, %swap3A_99] {strides = array<i32>} : memref<5x128xi32, #tpu.memory_space<vmem>>, vector<16xi32>,
    tpu.vector_store %arg11[%swap3A_98, %swap3A_99], %shift_right_logical3A_96 {strides = array<i32>} : memref<5x128xi32, #tpu.memory_space<vmem>>, vector<16xi32>,
    %get3A_101 = arith.constant 75 : i32
    %get3A_102 = arith.index_cast %get3A_101 : i32 to index
    %get3A_103 = arith.constant 80 : index
    %get3A_104 = tpu.vector_load %arg9[%get3A_102, %get3A_103] {strides = array<i32>} : memref<79x128xi32, #tpu.memory_space<vmem>>, vector<16xi32>,
    %and3A_105 = arith.constant 65535 : i32
    %and3A_106 = vector.broadcast %and3A_105 : i32 to vector<16xi32>
    %and3A_107 = arith.andi %get3A_104, %and3A_106 : vector<16xi32>
    %swap3A_108 = arith.constant 0 : i32
    %swap3A_109 = arith.index_cast %swap3A_108 : i32 to index
    %swap3A_110 = arith.constant 80 : index
    %swap3A_111 = tpu.vector_load %arg10[%swap3A_109, %swap3A_110] {strides = array<i32>} : memref<5x128xi32, #tpu.memory_space<vmem>>, vector<16xi32>,
    tpu.vector_store %arg10[%swap3A_109, %swap3A_110], %and3A_107 {strides = array<i32>} : memref<5x128xi32, #tpu.memory_space<vmem>>, vector<16xi32>,
    %shift_right_logical3A_112 = arith.constant 16 : i32
    %shift_right_logical3A_113 = vector.broadcast %shift_right_logical3A_112 : i32 to vector<16xi32>
    %shift_right_logical3A_114 = arith.shrui %get3A_104, %shift_right_logical3A_113 : vector<16xi32>
    %swap3A_115 = arith.constant 0 : i32
    %swap3A_116 = arith.index_cast %swap3A_115 : i32 to index
    %swap3A_117 = arith.constant 80 : index
    %swap3A_118 = tpu.vector_load %arg11[%swap3A_116, %swap3A_117] {strides = array<i32>} : memref<5x128xi32, #tpu.memory_space<vmem>>, vector<16xi32>,
    tpu.vector_store %arg11[%swap3A_116, %swap3A_117], %shift_right_logical3A_114 {strides = array<i32>} : memref<5x128xi32, #tpu.memory_space<vmem>>, vector<16xi32>,
    %get3A_119 = arith.constant 75 : i32
    %get3A_120 = arith.index_cast %get3A_119 : i32 to index
    %get3A_121 = arith.constant 96 : index
    %get3A_122 = tpu.vector_load %arg9[%get3A_120, %get3A_121] {strides = array<i32>} : memref<79x128xi32, #tpu.memory_space<vmem>>, vector<16xi32>,
    %and3A_123 = arith.constant 65535 : i32
    %and3A_124 = vector.broadcast %and3A_123 : i32 to vector<16xi32>
    %and3A_125 = arith.andi %get3A_122, %and3A_124 : vector<16xi32>
    %swap3A_126 = arith.constant 0 : i32
    %swap3A_127 = arith.index_cast %swap3A_126 : i32 to index
    %swap3A_128 = arith.constant 96 : index
    %swap3A_129 = tpu.vector_load %arg10[%swap3A_127, %swap3A_128] {strides = array<i32>} : memref<5x128xi32, #tpu.memory_space<vmem>>, vector<16xi32>,
    tpu.vector_store %arg10[%swap3A_127, %swap3A_128], %and3A_125 {strides = array<i32>} : memref<5x128xi32, #tpu.memory_space<vmem>>, vector<16xi32>,
    %shift_right_logical3A_130 = arith.constant 16 : i32
    %shift_right_logical3A_131 = vector.broadcast %shift_right_logical3A_130 : i32 to vector<16xi32>
    %shift_right_logical3A_132 = arith.shrui %get3A_122, %shift_right_logical3A_131 : vector<16xi32>
    %swap3A_133 = arith.constant 0 : i32
    %swap3A_134 = arith.index_cast %swap3A_133 : i32 to index
    %swap3A_135 = arith.constant 96 : index
    %swap3A_136 = tpu.vector_load %arg11[%swap3A_134, %swap3A_135] {strides = array<i32>} : memref<5x128xi32, #tpu.memory_space<vmem>>, vector<16xi32>,
    tpu.vector_store %arg11[%swap3A_134, %swap3A_135], %shift_right_logical3A_132 {strides = array<i32>} : memref<5x128xi32, #tpu.memory_space<vmem>>, vector<16xi32>,
    %get3A_137 = arith.constant 75 : i32
    %get3A_138 = arith.index_cast %get3A_137 : i32 to index
    %get3A_139 = arith.constant 112 : index
    %get3A_140 = tpu.vector_load %arg9[%get3A_138, %get3A_139] {strides = array<i32>} : memref<79x128xi32, #tpu.memory_space<vmem>>, vector<16xi32>,
    %and3A_141 = arith.constant 65535 : i32
    %and3A_142 = vector.broadcast %and3A_141 : i32 to vector<16xi32>
    %and3A_143 = arith.andi %get3A_140, %and3A_142 : vector<16xi32>
    %swap3A_144 = arith.constant 0 : i32
    %swap3A_145 = arith.index_cast %swap3A_144 : i32 to index
    %swap3A_146 = arith.constant 112 : index
    %swap3A_147 = tpu.vector_load %arg10[%swap3A_145, %swap3A_146] {strides = array<i32>} : memref<5x128xi32, #tpu.memory_space<vmem>>, vector<16xi32>,
    tpu.vector_store %arg10[%swap3A_145, %swap3A_146], %and3A_143 {strides = array<i32>} : memref<5x128xi32, #tpu.memory_space<vmem>>, vector<16xi32>,
    %shift_right_logical3A_148 = arith.constant 16 : i32
    %shift_right_logical3A_149 = vector.broadcast %shift_right_logical3A_148 : i32 to vector<16xi32>
    %shift_right_logical3A_150 = arith.shrui %get3A_140, %shift_right_logical3A_149 : vector<16xi32>
    %swap3A_151 = arith.constant 0 : i32
    %swap3A_152 = arith.index_cast %swap3A_151 : i32 to index
    %swap3A_153 = arith.constant 112 : index
    %swap3A_154 = tpu.vector_load %arg11[%swap3A_152, %swap3A_153] {strides = array<i32>} : memref<5x128xi32, #tpu.memory_space<vmem>>, vector<16xi32>,
    tpu.vector_store %arg11[%swap3A_152, %swap3A_153], %shift_right_logical3A_150 {strides = array<i32>} : memref<5x128xi32, #tpu.memory_space<vmem>>, vector<16xi32>,
    %get3A_155 = arith.constant 76 : i32
    %get3A_156 = arith.index_cast %get3A_155 : i32 to index
    %get3A_157 = arith.constant 0 : index
    %get3A_158 = tpu.vector_load %arg9[%get3A_156, %get3A_157] {strides = array<i32>} : memref<79x128xi32, #tpu.memory_space<vmem>>, vector<16xi32>,
    %and3A_159 = arith.constant 65535 : i32
    %and3A_160 = vector.broadcast %and3A_159 : i32 to vector<16xi32>
    %and3A_161 = arith.andi %get3A_158, %and3A_160 : vector<16xi32>
    %swap3A_162 = arith.constant 1 : i32
    %swap3A_163 = arith.index_cast %swap3A_162 : i32 to index
    %swap3A_164 = arith.constant 0 : index
    %swap3A_165 = tpu.vector_load %arg10[%swap3A_163, %swap3A_164] {strides = array<i32>} : memref<5x128xi32, #tpu.memory_space<vmem>>, vector<16xi32>,
    tpu.vector_store %arg10[%swap3A_163, %swap3A_164], %and3A_161 {strides = array<i32>} : memref<5x128xi32, #tpu.memory_space<vmem>>, vector<16xi32>,
    %shift_right_logical3A_166 = arith.constant 16 : i32
    %shift_right_logical3A_167 = vector.broadcast %shift_right_logical3A_166 : i32 to vector<16xi32>
    %shift_right_logical3A_168 = arith.shrui %get3A_158, %shift_right_logical3A_167 : vector<16xi32>
    %swap3A_169 = arith.constant 1 : i32
    %swap3A_170 = arith.index_cast %swap3A_169 : i32 to index
    %swap3A_171 = arith.constant 0 : index
    %swap3A_172 = tpu.vector_load %arg11[%swap3A_170, %swap3A_171] {strides = array<i32>} : memref<5x128xi32, #tpu.memory_space<vmem>>, vector<16xi32>,
    tpu.vector_store %arg11[%swap3A_170, %swap3A_171], %shift_right_logical3A_168 {strides = array<i32>} : memref<5x128xi32, #tpu.memory_space<vmem>>, vector<16xi32>,
    %get3A_173 = arith.constant 76 : i32
    %get3A_174 = arith.index_cast %get3A_173 : i32 to index
    %get3A_175 = arith.constant 16 : index
    %get3A_176 = tpu.vector_load %arg9[%get3A_174, %get3A_175] {strides = array<i32>} : memref<79x128xi32, #tpu.memory_space<vmem>>, vector<16xi32>,
    %and3A_177 = arith.constant 65535 : i32
    %and3A_178 = vector.broadcast %and3A_177 : i32 to vector<16xi32>
    %and3A_179 = arith.andi %get3A_176, %and3A_178 : vector<16xi32>
    %swap3A_180 = arith.constant 1 : i32
    %swap3A_181 = arith.index_cast %swap3A_180 : i32 to index
    %swap3A_182 = arith.constant 16 : index
    %swap3A_183 = tpu.vector_load %arg10[%swap3A_181, %swap3A_182] {strides = array<i32>} : memref<5x128xi32, #tpu.memory_space<vmem>>, vector<16xi32>,
    tpu.vector_store %arg10[%swap3A_181, %swap3A_182], %and3A_179 {strides = array<i32>} : memref<5x128xi32, #tpu.memory_space<vmem>>, vector<16xi32>,
    %shift_right_logical3A_184 = arith.constant 16 : i32
    %shift_right_logical3A_185 = vector.broadcast %shift_right_logical3A_184 : i32 to vector<16xi32>
    %shift_right_logical3A_186 = arith.shrui %get3A_176, %shift_right_logical3A_185 : vector<16xi32>
    %swap3A_187 = arith.constant 1 : i32
    %swap3A_188 = arith.index_cast %swap3A_187 : i32 to index
    %swap3A_189 = arith.constant 16 : index
    %swap3A_190 = tpu.vector_load %arg11[%swap3A_188, %swap3A_189] {strides = array<i32>} : memref<5x128xi32, #tpu.memory_space<vmem>>, vector<16xi32>,
    tpu.vector_store %arg11[%swap3A_188, %swap3A_189], %shift_right_logical3A_186 {strides = array<i32>} : memref<5x128xi32, #tpu.memory_space<vmem>>, vector<16xi32>,
    %get3A_191 = arith.constant 76 : i32
    %get3A_192 = arith.index_cast %get3A_191 : i32 to index
    %get3A_193 = arith.constant 32 : index
    %get3A_194 = tpu.vector_load %arg9[%get3A_192, %get3A_193] {strides = array<i32>} : memref<79x128xi32, #tpu.memory_space<vmem>>, vector<16xi32>,
    %and3A_195 = arith.constant 65535 : i32
    %and3A_196 = vector.broadcast %and3A_195 : i32 to vector<16xi32>
    %and3A_197 = arith.andi %get3A_194, %and3A_196 : vector<16xi32>
    %swap3A_198 = arith.constant 1 : i32
    %swap3A_199 = arith.index_cast %swap3A_198 : i32 to index
    %swap3A_200 = arith.constant 32 : index
    %swap3A_201 = tpu.vector_load %arg10[%swap3A_199, %swap3A_200] {strides = array<i32>} : memref<5x128xi32, #tpu.memory_space<vmem>>, vector<16xi32>,
    tpu.vector_store %arg10[%swap3A_199, %swap3A_200], %and3A_197 {strides = array<i32>} : memref<5x128xi32, #tpu.memory_space<vmem>>, vector<16xi32>,
    %shift_right_logical3A_202 = arith.constant 16 : i32
    %shift_right_logical3A_203 = vector.broadcast %shift_right_logical3A_202 : i32 to vector<16xi32>
    %shift_right_logical3A_204 = arith.shrui %get3A_194, %shift_right_logical3A_203 : vector<16xi32>
    %swap3A_205 = arith.constant 1 : i32
    %swap3A_206 = arith.index_cast %swap3A_205 : i32 to index
    %swap3A_207 = arith.constant 32 : index
    %swap3A_208 = tpu.vector_load %arg11[%swap3A_206, %swap3A_207] {strides = array<i32>} : memref<5x128xi32, #tpu.memory_space<vmem>>, vector<16xi32>,
    tpu.vector_store %arg11[%swap3A_206, %swap3A_207], %shift_right_logical3A_204 {strides = array<i32>} : memref<5x128xi32, #tpu.memory_space<vmem>>, vector<16xi32>,
    %get3A_209 = arith.constant 76 : i32
    %get3A_210 = arith.index_cast %get3A_209 : i32 to index
    %get3A_211 = arith.constant 48 : index
    %get3A_212 = tpu.vector_load %arg9[%get3A_210, %get3A_211] {strides = array<i32>} : memref<79x128xi32, #tpu.memory_space<vmem>>, vector<16xi32>,
    %and3A_213 = arith.constant 65535 : i32
    %and3A_214 = vector.broadcast %and3A_213 : i32 to vector<16xi32>
    %and3A_215 = arith.andi %get3A_212, %and3A_214 : vector<16xi32>
    %swap3A_216 = arith.constant 1 : i32
    %swap3A_217 = arith.index_cast %swap3A_216 : i32 to index
    %swap3A_218 = arith.constant 48 : index
    %swap3A_219 = tpu.vector_load %arg10[%swap3A_217, %swap3A_218] {strides = array<i32>} : memref<5x128xi32, #tpu.memory_space<vmem>>, vector<16xi32>,
    tpu.vector_store %arg10[%swap3A_217, %swap3A_218], %and3A_215 {strides = array<i32>} : memref<5x128xi32, #tpu.memory_space<vmem>>, vector<16xi32>,
    %shift_right_logical3A_220 = arith.constant 16 : i32
    %shift_right_logical3A_221 = vector.broadcast %shift_right_logical3A_220 : i32 to vector<16xi32>
    %shift_right_logical3A_222 = arith.shrui %get3A_212, %shift_right_logical3A_221 : vector<16xi32>
    %swap3A_223 = arith.constant 1 : i32
    %swap3A_224 = arith.index_cast %swap3A_223 : i32 to index
    %swap3A_225 = arith.constant 48 : index
    %swap3A_226 = tpu.vector_load %arg11[%swap3A_224, %swap3A_225] {strides = array<i32>} : memref<5x128xi32, #tpu.memory_space<vmem>>, vector<16xi32>,
    tpu.vector_store %arg11[%swap3A_224, %swap3A_225], %shift_right_logical3A_222 {strides = array<i32>} : memref<5x128xi32, #tpu.memory_space<vmem>>, vector<16xi32>,
    %get3A_227 = arith.constant 76 : i32
    %get3A_228 = arith.index_cast %get3A_227 : i32 to index
    %get3A_229 = arith.constant 64 : index
    %get3A_230 = tpu.vector_load %arg9[%get3A_228, %get3A_229] {strides = array<i32>} : memref<79x128xi32, #tpu.memory_space<vmem>>, vector<16xi32>,
    %and3A_231 = arith.constant 65535 : i32
    %and3A_232 = vector.broadcast %and3A_231 : i32 to vector<16xi32>
    %and3A_233 = arith.andi %get3A_230, %and3A_232 : vector<16xi32>
    %swap3A_234 = arith.constant 1 : i32
    %swap3A_235 = arith.index_cast %swap3A_234 : i32 to index
    %swap3A_236 = arith.constant 64 : index
    %swap3A_237 = tpu.vector_load %arg10[%swap3A_235, %swap3A_236] {strides = array<i32>} : memref<5x128xi32, #tpu.memory_space<vmem>>, vector<16xi32>,
    tpu.vector_store %arg10[%swap3A_235, %swap3A_236], %and3A_233 {strides = array<i32>} : memref<5x128xi32, #tpu.memory_space<vmem>>, vector<16xi32>,
    %shift_right_logical3A_238 = arith.constant 16 : i32
    %shift_right_logical3A_239 = vector.broadcast %shift_right_logical3A_238 : i32 to vector<16xi32>
    %shift_right_logical3A_240 = arith.shrui %get3A_230, %shift_right_logical3A_239 : vector<16xi32>
    %swap3A_241 = arith.constant 1 : i32
    %swap3A_242 = arith.index_cast %swap3A_241 : i32 to index
    %swap3A_243 = arith.constant 64 : index
    %swap3A_244 = tpu.vector_load %arg11[%swap3A_242, %swap3A_243] {strides = array<i32>} : memref<5x128xi32, #tpu.memory_space<vmem>>, vector<16xi32>,
    tpu.vector_store %arg11[%swap3A_242, %swap3A_243], %shift_right_logical3A_240 {strides = array<i32>} : memref<5x128xi32, #tpu.memory_space<vmem>>, vector<16xi32>,
    %get3A_245 = arith.constant 76 : i32
    %get3A_246 = arith.index_cast %get3A_245 : i32 to index
    %get3A_247 = arith.constant 80 : index
    %get3A_248 = tpu.vector_load %arg9[%get3A_246, %get3A_247] {strides = array<i32>} : memref<79x128xi32, #tpu.memory_space<vmem>>, vector<16xi32>,
    %and3A_249 = arith.constant 65535 : i32
    %and3A_250 = vector.broadcast %and3A_249 : i32 to vector<16xi32>
    %and3A_251 = arith.andi %get3A_248, %and3A_250 : vector<16xi32>
    %swap3A_252 = arith.constant 1 : i32
    %swap3A_253 = arith.index_cast %swap3A_252 : i32 to index
    %swap3A_254 = arith.constant 80 : index
    %swap3A_255 = tpu.vector_load %arg10[%swap3A_253, %swap3A_254] {strides = array<i32>} : memref<5x128xi32, #tpu.memory_space<vmem>>, vector<16xi32>,
    tpu.vector_store %arg10[%swap3A_253, %swap3A_254], %and3A_251 {strides = array<i32>} : memref<5x128xi32, #tpu.memory_space<vmem>>, vector<16xi32>,
    %shift_right_logical3A_256 = arith.constant 16 : i32
    %shift_right_logical3A_257 = vector.broadcast %shift_right_logical3A_256 : i32 to vector<16xi32>
    %shift_right_logical3A_258 = arith.shrui %get3A_248, %shift_right_logical3A_257 : vector<16xi32>
    %swap3A_259 = arith.constant 1 : i32
    %swap3A_260 = arith.index_cast %swap3A_259 : i32 to index
    %swap3A_261 = arith.constant 80 : index
    %swap3A_262 = tpu.vector_load %arg11[%swap3A_260, %swap3A_261] {strides = array<i32>} : memref<5x128xi32, #tpu.memory_space<vmem>>, vector<16xi32>,
    tpu.vector_store %arg11[%swap3A_260, %swap3A_261], %shift_right_logical3A_258 {strides = array<i32>} : memref<5x128xi32, #tpu.memory_space<vmem>>, vector<16xi32>,
    %get3A_263 = arith.constant 76 : i32
    %get3A_264 = arith.index_cast %get3A_263 : i32 to index
    %get3A_265 = arith.constant 96 : index
    %get3A_266 = tpu.vector_load %arg9[%get3A_264, %get3A_265] {strides = array<i32>} : memref<79x128xi32, #tpu.memory_space<vmem>>, vector<16xi32>,
    %and3A_267 = arith.constant 65535 : i32
    %and3A_268 = vector.broadcast %and3A_267 : i32 to vector<16xi32>
    %and3A_269 = arith.andi %get3A_266, %and3A_268 : vector<16xi32>
    %swap3A_270 = arith.constant 1 : i32
    %swap3A_271 = arith.index_cast %swap3A_270 : i32 to index
    %swap3A_272 = arith.constant 96 : index
    %swap3A_273 = tpu.vector_load %arg10[%swap3A_271, %swap3A_272] {strides = array<i32>} : memref<5x128xi32, #tpu.memory_space<vmem>>, vector<16xi32>,
    tpu.vector_store %arg10[%swap3A_271, %swap3A_272], %and3A_269 {strides = array<i32>} : memref<5x128xi32, #tpu.memory_space<vmem>>, vector<16xi32>,
    %shift_right_logical3A_274 = arith.constant 16 : i32
    %shift_right_logical3A_275 = vector.broadcast %shift_right_logical3A_274 : i32 to vector<16xi32>
    %shift_right_logical3A_276 = arith.shrui %get3A_266, %shift_right_logical3A_275 : vector<16xi32>
    %swap3A_277 = arith.constant 1 : i32
    %swap3A_278 = arith.index_cast %swap3A_277 : i32 to index
    %swap3A_279 = arith.constant 96 : index
    %swap3A_280 = tpu.vector_load %arg11[%swap3A_278, %swap3A_279] {strides = array<i32>} : memref<5x128xi32, #tpu.memory_space<vmem>>, vector<16xi32>,
    tpu.vector_store %arg11[%swap3A_278, %swap3A_279], %shift_right_logical3A_276 {strides = array<i32>} : memref<5x128xi32, #tpu.memory_space<vmem>>, vector<16xi32>,
    %get3A_281 = arith.constant 76 : i32
    %get3A_282 = arith.index_cast %get3A_281 : i32 to index
    %get3A_283 = arith.constant 112 : index
    %get3A_284 = tpu.vector_load %arg9[%get3A_282, %get3A_283] {strides = array<i32>} : memref<79x128xi32, #tpu.memory_space<vmem>>, vector<16xi32>,
    %and3A_285 = arith.constant 65535 : i32
    %and3A_286 = vector.broadcast %and3A_285 : i32 to vector<16xi32>
    %and3A_287 = arith.andi %get3A_284, %and3A_286 : vector<16xi32>
    %swap3A_288 = arith.constant 1 : i32
    %swap3A_289 = arith.index_cast %swap3A_288 : i32 to index
    %swap3A_290 = arith.constant 112 : index
    %swap3A_291 = tpu.vector_load %arg10[%swap3A_289, %swap3A_290] {strides = array<i32>} : memref<5x128xi32, #tpu.memory_space<vmem>>, vector<16xi32>,
    tpu.vector_store %arg10[%swap3A_289, %swap3A_290], %and3A_287 {strides = array<i32>} : memref<5x128xi32, #tpu.memory_space<vmem>>, vector<16xi32>,
    %shift_right_logical3A_292 = arith.constant 16 : i32
    %shift_right_logical3A_293 = vector.broadcast %shift_right_logical3A_292 : i32 to vector<16xi32>
    %shift_right_logical3A_294 = arith.shrui %get3A_284, %shift_right_logical3A_293 : vector<16xi32>
    %swap3A_295 = arith.constant 1 : i32
    %swap3A_296 = arith.index_cast %swap3A_295 : i32 to index
    %swap3A_297 = arith.constant 112 : index
    %swap3A_298 = tpu.vector_load %arg11[%swap3A_296, %swap3A_297] {strides = array<i32>} : memref<5x128xi32, #tpu.memory_space<vmem>>, vector<16xi32>,
    tpu.vector_store %arg11[%swap3A_296, %swap3A_297], %shift_right_logical3A_294 {strides = array<i32>} : memref<5x128xi32, #tpu.memory_space<vmem>>, vector<16xi32>,
    %get3A_299 = arith.constant 77 : i32
    %get3A_300 = arith.index_cast %get3A_299 : i32 to index
    %get3A_301 = arith.constant 0 : index
    %get3A_302 = tpu.vector_load %arg9[%get3A_300, %get3A_301] {strides = array<i32>} : memref<79x128xi32, #tpu.memory_space<vmem>>, vector<16xi32>,
    %and3A_303 = arith.constant 65535 : i32
    %and3A_304 = vector.broadcast %and3A_303 : i32 to vector<16xi32>
    %and3A_305 = arith.andi %get3A_302, %and3A_304 : vector<16xi32>
    %swap3A_306 = arith.constant 2 : i32
    %swap3A_307 = arith.index_cast %swap3A_306 : i32 to index
    %swap3A_308 = arith.constant 0 : index
    %swap3A_309 = tpu.vector_load %arg10[%swap3A_307, %swap3A_308] {strides = array<i32>} : memref<5x128xi32, #tpu.memory_space<vmem>>, vector<16xi32>,
    tpu.vector_store %arg10[%swap3A_307, %swap3A_308], %and3A_305 {strides = array<i32>} : memref<5x128xi32, #tpu.memory_space<vmem>>, vector<16xi32>,
    %shift_right_logical3A_310 = arith.constant 16 : i32
    %shift_right_logical3A_311 = vector.broadcast %shift_right_logical3A_310 : i32 to vector<16xi32>
    %shift_right_logical3A_312 = arith.shrui %get3A_302, %shift_right_logical3A_311 : vector<16xi32>
    %swap3A_313 = arith.constant 2 : i32
    %swap3A_314 = arith.index_cast %swap3A_313 : i32 to index
    %swap3A_315 = arith.constant 0 : index
    %swap3A_316 = tpu.vector_load %arg11[%swap3A_314, %swap3A_315] {strides = array<i32>} : memref<5x128xi32, #tpu.memory_space<vmem>>, vector<16xi32>,
    tpu.vector_store %arg11[%swap3A_314, %swap3A_315], %shift_right_logical3A_312 {strides = array<i32>} : memref<5x128xi32, #tpu.memory_space<vmem>>, vector<16xi32>,
    %get3A_317 = arith.constant 77 : i32
    %get3A_318 = arith.index_cast %get3A_317 : i32 to index
    %get3A_319 = arith.constant 16 : index
    %get3A_320 = tpu.vector_load %arg9[%get3A_318, %get3A_319] {strides = array<i32>} : memref<79x128xi32, #tpu.memory_space<vmem>>, vector<16xi32>,
    %and3A_321 = arith.constant 65535 : i32
    %and3A_322 = vector.broadcast %and3A_321 : i32 to vector<16xi32>
    %and3A_323 = arith.andi %get3A_320, %and3A_322 : vector<16xi32>
    %swap3A_324 = arith.constant 2 : i32
    %swap3A_325 = arith.index_cast %swap3A_324 : i32 to index
    %swap3A_326 = arith.constant 16 : index
    %swap3A_327 = tpu.vector_load %arg10[%swap3A_325, %swap3A_326] {strides = array<i32>} : memref<5x128xi32, #tpu.memory_space<vmem>>, vector<16xi32>,
    tpu.vector_store %arg10[%swap3A_325, %swap3A_326], %and3A_323 {strides = array<i32>} : memref<5x128xi32, #tpu.memory_space<vmem>>, vector<16xi32>,
    %shift_right_logical3A_328 = arith.constant 16 : i32
    %shift_right_logical3A_329 = vector.broadcast %shift_right_logical3A_328 : i32 to vector<16xi32>
    %shift_right_logical3A_330 = arith.shrui %get3A_320, %shift_right_logical3A_329 : vector<16xi32>
    %swap3A_331 = arith.constant 2 : i32
    %swap3A_332 = arith.index_cast %swap3A_331 : i32 to index
    %swap3A_333 = arith.constant 16 : index
    %swap3A_334 = tpu.vector_load %arg11[%swap3A_332, %swap3A_333] {strides = array<i32>} : memref<5x128xi32, #tpu.memory_space<vmem>>, vector<16xi32>,
    tpu.vector_store %arg11[%swap3A_332, %swap3A_333], %shift_right_logical3A_330 {strides = array<i32>} : memref<5x128xi32, #tpu.memory_space<vmem>>, vector<16xi32>,
    %get3A_335 = arith.constant 77 : i32
    %get3A_336 = arith.index_cast %get3A_335 : i32 to index
    %get3A_337 = arith.constant 32 : index
    %get3A_338 = tpu.vector_load %arg9[%get3A_336, %get3A_337] {strides = array<i32>} : memref<79x128xi32, #tpu.memory_space<vmem>>, vector<16xi32>,
    %and3A_339 = arith.constant 65535 : i32
    %and3A_340 = vector.broadcast %and3A_339 : i32 to vector<16xi32>
    %and3A_341 = arith.andi %get3A_338, %and3A_340 : vector<16xi32>
    %swap3A_342 = arith.constant 2 : i32
    %swap3A_343 = arith.index_cast %swap3A_342 : i32 to index
    %swap3A_344 = arith.constant 32 : index
    %swap3A_345 = tpu.vector_load %arg10[%swap3A_343, %swap3A_344] {strides = array<i32>} : memref<5x128xi32, #tpu.memory_space<vmem>>, vector<16xi32>,
    tpu.vector_store %arg10[%swap3A_343, %swap3A_344], %and3A_341 {strides = array<i32>} : memref<5x128xi32, #tpu.memory_space<vmem>>, vector<16xi32>,
    %shift_right_logical3A_346 = arith.constant 16 : i32
    %shift_right_logical3A_347 = vector.broadcast %shift_right_logical3A_346 : i32 to vector<16xi32>
    %shift_right_logical3A_348 = arith.shrui %get3A_338, %shift_right_logical3A_347 : vector<16xi32>
    %swap3A_349 = arith.constant 2 : i32
    %swap3A_350 = arith.index_cast %swap3A_349 : i32 to index
    %swap3A_351 = arith.constant 32 : index
    %swap3A_352 = tpu.vector_load %arg11[%swap3A_350, %swap3A_351] {strides = array<i32>} : memref<5x128xi32, #tpu.memory_space<vmem>>, vector<16xi32>,
    tpu.vector_store %arg11[%swap3A_350, %swap3A_351], %shift_right_logical3A_348 {strides = array<i32>} : memref<5x128xi32, #tpu.memory_space<vmem>>, vector<16xi32>,
    %get3A_353 = arith.constant 77 : i32
    %get3A_354 = arith.index_cast %get3A_353 : i32 to index
    %get3A_355 = arith.constant 48 : index
    %get3A_356 = tpu.vector_load %arg9[%get3A_354, %get3A_355] {strides = array<i32>} : memref<79x128xi32, #tpu.memory_space<vmem>>, vector<16xi32>,
    %and3A_357 = arith.constant 65535 : i32
    %and3A_358 = vector.broadcast %and3A_357 : i32 to vector<16xi32>
    %and3A_359 = arith.andi %get3A_356, %and3A_358 : vector<16xi32>
    %swap3A_360 = arith.constant 2 : i32
    %swap3A_361 = arith.index_cast %swap3A_360 : i32 to index
    %swap3A_362 = arith.constant 48 : index
    %swap3A_363 = tpu.vector_load %arg10[%swap3A_361, %swap3A_362] {strides = array<i32>} : memref<5x128xi32, #tpu.memory_space<vmem>>, vector<16xi32>,
    tpu.vector_store %arg10[%swap3A_361, %swap3A_362], %and3A_359 {strides = array<i32>} : memref<5x128xi32, #tpu.memory_space<vmem>>, vector<16xi32>,
    %shift_right_logical3A_364 = arith.constant 16 : i32
    %shift_right_logical3A_365 = vector.broadcast %shift_right_logical3A_364 : i32 to vector<16xi32>
    %shift_right_logical3A_366 = arith.shrui %get3A_356, %shift_right_logical3A_365 : vector<16xi32>
    %swap3A_367 = arith.constant 2 : i32
    %swap3A_368 = arith.index_cast %swap3A_367 : i32 to index
    %swap3A_369 = arith.constant 48 : index
    %swap3A_370 = tpu.vector_load %arg11[%swap3A_368, %swap3A_369] {strides = array<i32>} : memref<5x128xi32, #tpu.memory_space<vmem>>, vector<16xi32>,
    tpu.vector_store %arg11[%swap3A_368, %swap3A_369], %shift_right_logical3A_366 {strides = array<i32>} : memref<5x128xi32, #tpu.memory_space<vmem>>, vector<16xi32>,
    %get3A_371 = arith.constant 77 : i32
    %get3A_372 = arith.index_cast %get3A_371 : i32 to index
    %get3A_373 = arith.constant 64 : index
    %get3A_374 = tpu.vector_load %arg9[%get3A_372, %get3A_373] {strides = array<i32>} : memref<79x128xi32, #tpu.memory_space<vmem>>, vector<16xi32>,
    %and3A_375 = arith.constant 65535 : i32
    %and3A_376 = vector.broadcast %and3A_375 : i32 to vector<16xi32>
    %and3A_377 = arith.andi %get3A_374, %and3A_376 : vector<16xi32>
    %swap3A_378 = arith.constant 2 : i32
    %swap3A_379 = arith.index_cast %swap3A_378 : i32 to index
    %swap3A_380 = arith.constant 64 : index
    %swap3A_381 = tpu.vector_load %arg10[%swap3A_379, %swap3A_380] {strides = array<i32>} : memref<5x128xi32, #tpu.memory_space<vmem>>, vector<16xi32>,
    tpu.vector_store %arg10[%swap3A_379, %swap3A_380], %and3A_377 {strides = array<i32>} : memref<5x128xi32, #tpu.memory_space<vmem>>, vector<16xi32>,
    %shift_right_logical3A_382 = arith.constant 16 : i32
    %shift_right_logical3A_383 = vector.broadcast %shift_right_logical3A_382 : i32 to vector<16xi32>
    %shift_right_logical3A_384 = arith.shrui %get3A_374, %shift_right_logical3A_383 : vector<16xi32>
    %swap3A_385 = arith.constant 2 : i32
    %swap3A_386 = arith.index_cast %swap3A_385 : i32 to index
    %swap3A_387 = arith.constant 64 : index
    %swap3A_388 = tpu.vector_load %arg11[%swap3A_386, %swap3A_387] {strides = array<i32>} : memref<5x128xi32, #tpu.memory_space<vmem>>, vector<16xi32>,
    tpu.vector_store %arg11[%swap3A_386, %swap3A_387], %shift_right_logical3A_384 {strides = array<i32>} : memref<5x128xi32, #tpu.memory_space<vmem>>, vector<16xi32>,
    %get3A_389 = arith.constant 77 : i32
    %get3A_390 = arith.index_cast %get3A_389 : i32 to index
    %get3A_391 = arith.constant 80 : index
    %get3A_392 = tpu.vector_load %arg9[%get3A_390, %get3A_391] {strides = array<i32>} : memref<79x128xi32, #tpu.memory_space<vmem>>, vector<16xi32>,
    %and3A_393 = arith.constant 65535 : i32
    %and3A_394 = vector.broadcast %and3A_393 : i32 to vector<16xi32>
    %and3A_395 = arith.andi %get3A_392, %and3A_394 : vector<16xi32>
    %swap3A_396 = arith.constant 2 : i32
    %swap3A_397 = arith.index_cast %swap3A_396 : i32 to index
    %swap3A_398 = arith.constant 80 : index
    %swap3A_399 = tpu.vector_load %arg10[%swap3A_397, %swap3A_398] {strides = array<i32>} : memref<5x128xi32, #tpu.memory_space<vmem>>, vector<16xi32>,
    tpu.vector_store %arg10[%swap3A_397, %swap3A_398], %and3A_395 {strides = array<i32>} : memref<5x128xi32, #tpu.memory_space<vmem>>, vector<16xi32>,
    %shift_right_logical3A_400 = arith.constant 16 : i32
    %shift_right_logical3A_401 = vector.broadcast %shift_right_logical3A_400 : i32 to vector<16xi32>
    %shift_right_logical3A_402 = arith.shrui %get3A_392, %shift_right_logical3A_401 : vector<16xi32>
    %swap3A_403 = arith.constant 2 : i32
    %swap3A_404 = arith.index_cast %swap3A_403 : i32 to index
    %swap3A_405 = arith.constant 80 : index
    %swap3A_406 = tpu.vector_load %arg11[%swap3A_404, %swap3A_405] {strides = array<i32>} : memref<5x128xi32, #tpu.memory_space<vmem>>, vector<16xi32>,
    tpu.vector_store %arg11[%swap3A_404, %swap3A_405], %shift_right_logical3A_402 {strides = array<i32>} : memref<5x128xi32, #tpu.memory_space<vmem>>, vector<16xi32>,
    %get3A_407 = arith.constant 77 : i32
    %get3A_408 = arith.index_cast %get3A_407 : i32 to index
    %get3A_409 = arith.constant 96 : index
    %get3A_410 = tpu.vector_load %arg9[%get3A_408, %get3A_409] {strides = array<i32>} : memref<79x128xi32, #tpu.memory_space<vmem>>, vector<16xi32>,
    %and3A_411 = arith.constant 65535 : i32
    %and3A_412 = vector.broadcast %and3A_411 : i32 to vector<16xi32>
    %and3A_413 = arith.andi %get3A_410, %and3A_412 : vector<16xi32>
    %swap3A_414 = arith.constant 2 : i32
    %swap3A_415 = arith.index_cast %swap3A_414 : i32 to index
    %swap3A_416 = arith.constant 96 : index
    %swap3A_417 = tpu.vector_load %arg10[%swap3A_415, %swap3A_416] {strides = array<i32>} : memref<5x128xi32, #tpu.memory_space<vmem>>, vector<16xi32>,
    tpu.vector_store %arg10[%swap3A_415, %swap3A_416], %and3A_413 {strides = array<i32>} : memref<5x128xi32, #tpu.memory_space<vmem>>, vector<16xi32>,
    %shift_right_logical3A_418 = arith.constant 16 : i32
    %shift_right_logical3A_419 = vector.broadcast %shift_right_logical3A_418 : i32 to vector<16xi32>
    %shift_right_logical3A_420 = arith.shrui %get3A_410, %shift_right_logical3A_419 : vector<16xi32>
    %swap3A_421 = arith.constant 2 : i32
    %swap3A_422 = arith.index_cast %swap3A_421 : i32 to index
    %swap3A_423 = arith.constant 96 : index
    %swap3A_424 = tpu.vector_load %arg11[%swap3A_422, %swap3A_423] {strides = array<i32>} : memref<5x128xi32, #tpu.memory_space<vmem>>, vector<16xi32>,
    tpu.vector_store %arg11[%swap3A_422, %swap3A_423], %shift_right_logical3A_420 {strides = array<i32>} : memref<5x128xi32, #tpu.memory_space<vmem>>, vector<16xi32>,
    %get3A_425 = arith.constant 77 : i32
    %get3A_426 = arith.index_cast %get3A_425 : i32 to index
    %get3A_427 = arith.constant 112 : index
    %get3A_428 = tpu.vector_load %arg9[%get3A_426, %get3A_427] {strides = array<i32>} : memref<79x128xi32, #tpu.memory_space<vmem>>, vector<16xi32>,
    %and3A_429 = arith.constant 65535 : i32
    %and3A_430 = vector.broadcast %and3A_429 : i32 to vector<16xi32>
    %and3A_431 = arith.andi %get3A_428, %and3A_430 : vector<16xi32>
    %swap3A_432 = arith.constant 2 : i32
    %swap3A_433 = arith.index_cast %swap3A_432 : i32 to index
    %swap3A_434 = arith.constant 112 : index
    %swap3A_435 = tpu.vector_load %arg10[%swap3A_433, %swap3A_434] {strides = array<i32>} : memref<5x128xi32, #tpu.memory_space<vmem>>, vector<16xi32>,
    tpu.vector_store %arg10[%swap3A_433, %swap3A_434], %and3A_431 {strides = array<i32>} : memref<5x128xi32, #tpu.memory_space<vmem>>, vector<16xi32>,
    %shift_right_logical3A_436 = arith.constant 16 : i32
    %shift_right_logical3A_437 = vector.broadcast %shift_right_logical3A_436 : i32 to vector<16xi32>
    %shift_right_logical3A_438 = arith.shrui %get3A_428, %shift_right_logical3A_437 : vector<16xi32>
    %swap3A_439 = arith.constant 2 : i32
    %swap3A_440 = arith.index_cast %swap3A_439 : i32 to index
    %swap3A_441 = arith.constant 112 : index
    %swap3A_442 = tpu.vector_load %arg11[%swap3A_440, %swap3A_441] {strides = array<i32>} : memref<5x128xi32, #tpu.memory_space<vmem>>, vector<16xi32>,
    tpu.vector_store %arg11[%swap3A_440, %swap3A_441], %shift_right_logical3A_438 {strides = array<i32>} : memref<5x128xi32, #tpu.memory_space<vmem>>, vector<16xi32>,
    %dma_start3A = arith.constant 0 : i32
    %dma_start3A_443 = arith.constant 9600 : i32
    %dma_start3A_444 = arith.constant 0 : i32
    %dma_start3A_445 = tpu.memref_slice %arg8[%dma_start3A_443, %dma_start3A_444] : memref<10112x8xf32, #tpu.memory_space<vmem>> -> memref<128x8xf32, #tpu.memory_space<vmem>>
    %dma_start3A_446 = arith.constant 0 : i32
    %dma_start3A_447 = tpu.memref_slice %arg10[%dma_start3A, %dma_start3A_446] : memref<5x128xi32, #tpu.memory_space<vmem>> -> memref<1x128xi32, #tpu.memory_space<vmem>>
    %dma_start3A_448 = tpu.memref_squeeze %dma_start3A_447 : memref<1x128xi32, #tpu.memory_space<vmem>> -> memref<128xi32, #tpu.memory_space<vmem>>
    %dma_start3A_449 = arith.constant 0 : i32
    %dma_start3A_450 = arith.constant 0 : i32
    %dma_start3A_451 = tpu.memref_slice %arg15[%dma_start3A_449, %dma_start3A_450] : memref<10240x8xf32, #tpu.memory_space<vmem_shared>> -> memref<10240x8xf32, #tpu.memory_space<vmem_shared>>
    tpu.enqueue_indirect_dma source(%dma_start3A_445 : memref<128x8xf32, #tpu.memory_space<vmem>>) target(%dma_start3A_451 : memref<10240x8xf32, #tpu.memory_space<vmem_shared>>) offsets(%dma_start3A_448 : memref<128xi32, #tpu.memory_space<vmem>>) semaphore(%arg18 : memref<!tpu.dma_semaphore, #tpu.memory_space<semaphore_mem>>) {add = true}
    %dma_start3A_452 = arith.constant 0 : i32
    %dma_start3A_453 = arith.constant 9600 : i32
    %dma_start3A_454 = arith.constant 0 : i32
    %dma_start3A_455 = tpu.memref_slice %arg8[%dma_start3A_453, %dma_start3A_454] : memref<10112x8xf32, #tpu.memory_space<vmem>> -> memref<128x8xf32, #tpu.memory_space<vmem>>
    %dma_start3A_456 = arith.constant 0 : i32
    %dma_start3A_457 = tpu.memref_slice %arg11[%dma_start3A_452, %dma_start3A_456] : memref<5x128xi32, #tpu.memory_space<vmem>> -> memref<1x128xi32, #tpu.memory_space<vmem>>
    %dma_start3A_458 = tpu.memref_squeeze %dma_start3A_457 : memref<1x128xi32, #tpu.memory_space<vmem>> -> memref<128xi32, #tpu.memory_space<vmem>>
    %dma_start3A_459 = arith.constant 0 : i32
    %dma_start3A_460 = arith.constant 0 : i32
    %dma_start3A_461 = tpu.memref_slice %arg16[%dma_start3A_459, %dma_start3A_460] : memref<10240x8xf32, #tpu.memory_space<vmem_shared>> -> memref<10240x8xf32, #tpu.memory_space<vmem_shared>>
    tpu.enqueue_indirect_dma source(%dma_start3A_455 : memref<128x8xf32, #tpu.memory_space<vmem>>) target(%dma_start3A_461 : memref<10240x8xf32, #tpu.memory_space<vmem_shared>>) offsets(%dma_start3A_458 : memref<128xi32, #tpu.memory_space<vmem>>) semaphore(%arg18 : memref<!tpu.dma_semaphore, #tpu.memory_space<semaphore_mem>>) {add = true}
    %dma_start3A_462 = arith.constant 1 : i32
    %dma_start3A_463 = arith.constant 9728 : i32
    %dma_start3A_464 = arith.constant 0 : i32
    %dma_start3A_465 = tpu.memref_slice %arg8[%dma_start3A_463, %dma_start3A_464] : memref<10112x8xf32, #tpu.memory_space<vmem>> -> memref<128x8xf32, #tpu.memory_space<vmem>>
    %dma_start3A_466 = arith.constant 0 : i32
    %dma_start3A_467 = tpu.memref_slice %arg10[%dma_start3A_462, %dma_start3A_466] : memref<5x128xi32, #tpu.memory_space<vmem>> -> memref<1x128xi32, #tpu.memory_space<vmem>>
    %dma_start3A_468 = tpu.memref_squeeze %dma_start3A_467 : memref<1x128xi32, #tpu.memory_space<vmem>> -> memref<128xi32, #tpu.memory_space<vmem>>
    %dma_start3A_469 = arith.constant 0 : i32
    %dma_start3A_470 = arith.constant 0 : i32
    %dma_start3A_471 = tpu.memref_slice %arg15[%dma_start3A_469, %dma_start3A_470] : memref<10240x8xf32, #tpu.memory_space<vmem_shared>> -> memref<10240x8xf32, #tpu.memory_space<vmem_shared>>
    tpu.enqueue_indirect_dma source(%dma_start3A_465 : memref<128x8xf32, #tpu.memory_space<vmem>>) target(%dma_start3A_471 : memref<10240x8xf32, #tpu.memory_space<vmem_shared>>) offsets(%dma_start3A_468 : memref<128xi32, #tpu.memory_space<vmem>>) semaphore(%arg18 : memref<!tpu.dma_semaphore, #tpu.memory_space<semaphore_mem>>) {add = true}
    %dma_start3A_472 = arith.constant 1 : i32
    %dma_start3A_473 = arith.constant 9728 : i32
    %dma_start3A_474 = arith.constant 0 : i32
    %dma_start3A_475 = tpu.memref_slice %arg8[%dma_start3A_473, %dma_start3A_474] : memref<10112x8xf32, #tpu.memory_space<vmem>> -> memref<128x8xf32, #tpu.memory_space<vmem>>
    %dma_start3A_476 = arith.constant 0 : i32
    %dma_start3A_477 = tpu.memref_slice %arg11[%dma_start3A_472, %dma_start3A_476] : memref<5x128xi32, #tpu.memory_space<vmem>> -> memref<1x128xi32, #tpu.memory_space<vmem>>
    %dma_start3A_478 = tpu.memref_squeeze %dma_start3A_477 : memref<1x128xi32, #tpu.memory_space<vmem>> -> memref<128xi32, #tpu.memory_space<vmem>>
    %dma_start3A_479 = arith.constant 0 : i32
    %dma_start3A_480 = arith.constant 0 : i32
    %dma_start3A_481 = tpu.memref_slice %arg16[%dma_start3A_479, %dma_start3A_480] : memref<10240x8xf32, #tpu.memory_space<vmem_shared>> -> memref<10240x8xf32, #tpu.memory_space<vmem_shared>>
    tpu.enqueue_indirect_dma source(%dma_start3A_475 : memref<128x8xf32, #tpu.memory_space<vmem>>) target(%dma_start3A_481 : memref<10240x8xf32, #tpu.memory_space<vmem_shared>>) offsets(%dma_start3A_478 : memref<128xi32, #tpu.memory_space<vmem>>) semaphore(%arg18 : memref<!tpu.dma_semaphore, #tpu.memory_space<semaphore_mem>>) {add = true}
    %dma_start3A_482 = arith.constant 2 : i32
    %dma_start3A_483 = arith.constant 9856 : i32
    %dma_start3A_484 = arith.constant 0 : i32
    %dma_start3A_485 = tpu.memref_slice %arg8[%dma_start3A_483, %dma_start3A_484] : memref<10112x8xf32, #tpu.memory_space<vmem>> -> memref<128x8xf32, #tpu.memory_space<vmem>>
    %dma_start3A_486 = arith.constant 0 : i32
    %dma_start3A_487 = tpu.memref_slice %arg10[%dma_start3A_482, %dma_start3A_486] : memref<5x128xi32, #tpu.memory_space<vmem>> -> memref<1x128xi32, #tpu.memory_space<vmem>>
    %dma_start3A_488 = tpu.memref_squeeze %dma_start3A_487 : memref<1x128xi32, #tpu.memory_space<vmem>> -> memref<128xi32, #tpu.memory_space<vmem>>
    %dma_start3A_489 = arith.constant 0 : i32
    %dma_start3A_490 = arith.constant 0 : i32
    %dma_start3A_491 = tpu.memref_slice %arg15[%dma_start3A_489, %dma_start3A_490] : memref<10240x8xf32, #tpu.memory_space<vmem_shared>> -> memref<10240x8xf32, #tpu.memory_space<vmem_shared>>
    tpu.enqueue_indirect_dma source(%dma_start3A_485 : memref<128x8xf32, #tpu.memory_space<vmem>>) target(%dma_start3A_491 : memref<10240x8xf32, #tpu.memory_space<vmem_shared>>) offsets(%dma_start3A_488 : memref<128xi32, #tpu.memory_space<vmem>>) semaphore(%arg18 : memref<!tpu.dma_semaphore, #tpu.memory_space<semaphore_mem>>) {add = true}
    %dma_start3A_492 = arith.constant 2 : i32
    %dma_start3A_493 = arith.constant 9856 : i32
    %dma_start3A_494 = arith.constant 0 : i32
    %dma_start3A_495 = tpu.memref_slice %arg8[%dma_start3A_493, %dma_start3A_494] : memref<10112x8xf32, #tpu.memory_space<vmem>> -> memref<128x8xf32, #tpu.memory_space<vmem>>
    %dma_start3A_496 = arith.constant 0 : i32
    %dma_start3A_497 = tpu.memref_slice %arg11[%dma_start3A_492, %dma_start3A_496] : memref<5x128xi32, #tpu.memory_space<vmem>> -> memref<1x128xi32, #tpu.memory_space<vmem>>
    %dma_start3A_498 = tpu.memref_squeeze %dma_start3A_497 : memref<1x128xi32, #tpu.memory_space<vmem>> -> memref<128xi32, #tpu.memory_space<vmem>>
    %dma_start3A_499 = arith.constant 0 : i32
    %dma_start3A_500 = arith.constant 0 : i32
    %dma_start3A_501 = tpu.memref_slice %arg16[%dma_start3A_499, %dma_start3A_500] : memref<10240x8xf32, #tpu.memory_space<vmem_shared>> -> memref<10240x8xf32, #tpu.memory_space<vmem_shared>>
    tpu.enqueue_indirect_dma source(%dma_start3A_495 : memref<128x8xf32, #tpu.memory_space<vmem>>) target(%dma_start3A_501 : memref<10240x8xf32, #tpu.memory_space<vmem_shared>>) offsets(%dma_start3A_498 : memref<128xi32, #tpu.memory_space<vmem>>) semaphore(%arg18 : memref<!tpu.dma_semaphore, #tpu.memory_space<semaphore_mem>>) {add = true}
    %scan3A_502 = arith.constant 0 : i32
    %scan3A_503 = arith.constant 24 : i32
    %scan3A_504 = arith.addi %scan3A_502, %scan3A_503 : i32
    %scan3A_505 = arith.constant 1 : i32
    scf.for %scan3A_802 = %scan3A_502 to %scan3A_504 step %scan3A_505  : i32 {
      %mul3A_803 = arith.constant 1 : i32
      %mul3A_804 = arith.muli %scan3A_802, %mul3A_803 : i32
      %add3A_805 = arith.constant 0 : i32
      %add3A_806 = arith.addi %add3A_805, %mul3A_804 : i32
      %mul3A_807 = arith.constant 16 : i32
      %mul3A_808 = arith.muli %add3A_806, %mul3A_807 : i32
      %add3A_809 = arith.constant 9600 : i32
      %add3A_810 = arith.addi %add3A_809, %mul3A_808 : i32
      %add3A_811 = vector.broadcast %add3A_810 : i32 to vector<16xi32>
      %add3A_812 = arith.addi %add3A_811, %iota3A : vector<16xi32>
      %get3A_813 = arith.constant 4 : i32
      %get3A_814 = arith.index_cast %get3A_813 : i32 to index
      %get3A_815 = arith.constant 0 : index
      %get3A_816 = tpu.vector_load %arg12[%get3A_814, %get3A_815] {strides = array<i32>} : memref<8x16xf32, #tpu.memory_space<vmem>>, vector<16xf32>,
      %broadcast_in_dim3A = arith.constant 0 : i32
      %broadcast_in_dim3A_817 = vector.broadcast %broadcast_in_dim3A : i32 to vector<16xi32>
      %gather3A = tpu.vector_load_idx %arg8[%add3A_812, %broadcast_in_dim3A_817] : memref<10112x8xf32, #tpu.memory_space<vmem>>[vector<16xi32>, vector<16xi32>], vector<16xf32>,
      %get3A_818 = arith.constant 0 : i32
      %get3A_819 = arith.index_cast %get3A_818 : i32 to index
      %get3A_820 = arith.constant 0 : index
      %get3A_821 = tpu.vector_load %arg12[%get3A_819, %get3A_820] {strides = array<i32>} : memref<8x16xf32, #tpu.memory_space<vmem>>, vector<16xf32>,
      %mul3A_822 = arith.mulf %gather3A, %get3A_821 : vector<16xf32>
      %add3A_823 = arith.addf %get3A_816, %mul3A_822 : vector<16xf32>
      %broadcast_in_dim3A_824 = arith.constant 1 : i32
      %broadcast_in_dim3A_825 = vector.broadcast %broadcast_in_dim3A_824 : i32 to vector<16xi32>
      %gather3A_826 = tpu.vector_load_idx %arg8[%add3A_812, %broadcast_in_dim3A_825] : memref<10112x8xf32, #tpu.memory_space<vmem>>[vector<16xi32>, vector<16xi32>], vector<16xf32>,
      %get3A_827 = arith.constant 1 : i32
      %get3A_828 = arith.index_cast %get3A_827 : i32 to index
      %get3A_829 = arith.constant 0 : index
      %get3A_830 = tpu.vector_load %arg12[%get3A_828, %get3A_829] {strides = array<i32>} : memref<8x16xf32, #tpu.memory_space<vmem>>, vector<16xf32>,
      %mul3A_831 = arith.mulf %gather3A_826, %get3A_830 : vector<16xf32>
      %add3A_832 = arith.addf %add3A_823, %mul3A_831 : vector<16xf32>
      %broadcast_in_dim3A_833 = arith.constant 2 : i32
      %broadcast_in_dim3A_834 = vector.broadcast %broadcast_in_dim3A_833 : i32 to vector<16xi32>
      %gather3A_835 = tpu.vector_load_idx %arg8[%add3A_812, %broadcast_in_dim3A_834] : memref<10112x8xf32, #tpu.memory_space<vmem>>[vector<16xi32>, vector<16xi32>], vector<16xf32>,
      %get3A_836 = arith.constant 2 : i32
      %get3A_837 = arith.index_cast %get3A_836 : i32 to index
      %get3A_838 = arith.constant 0 : index
      %get3A_839 = tpu.vector_load %arg12[%get3A_837, %get3A_838] {strides = array<i32>} : memref<8x16xf32, #tpu.memory_space<vmem>>, vector<16xf32>,
      %mul3A_840 = arith.mulf %gather3A_835, %get3A_839 : vector<16xf32>
      %add3A_841 = arith.addf %add3A_832, %mul3A_840 : vector<16xf32>
      %broadcast_in_dim3A_842 = arith.constant 3 : i32
      %broadcast_in_dim3A_843 = vector.broadcast %broadcast_in_dim3A_842 : i32 to vector<16xi32>
      %gather3A_844 = tpu.vector_load_idx %arg8[%add3A_812, %broadcast_in_dim3A_843] : memref<10112x8xf32, #tpu.memory_space<vmem>>[vector<16xi32>, vector<16xi32>], vector<16xf32>,
      %get3A_845 = arith.constant 3 : i32
      %get3A_846 = arith.index_cast %get3A_845 : i32 to index
      %get3A_847 = arith.constant 0 : index
      %get3A_848 = tpu.vector_load %arg12[%get3A_846, %get3A_847] {strides = array<i32>} : memref<8x16xf32, #tpu.memory_space<vmem>>, vector<16xf32>,
      %mul3A_849 = arith.mulf %gather3A_844, %get3A_848 : vector<16xf32>
      %add3A_850 = arith.addf %add3A_841, %mul3A_849 : vector<16xf32>
      %swap3A_851 = arith.index_cast %add3A_810 : i32 to index
      %swap3A_852 = tpu.vector_load %arg13[%swap3A_851] {strides = array<i32>} : memref<10112xf32, #tpu.memory_space<vmem>>, vector<16xf32>,
      tpu.vector_store %arg13[%swap3A_851], %add3A_850 {strides = array<i32>} : memref<10112xf32, #tpu.memory_space<vmem>>, vector<16xf32>,
    }
    %scan3A_506 = arith.constant 24 : i32
    %dma_wait3A = arith.constant 0 : i32
    %dma_wait3A_507 = arith.constant 9600 : i32
    %dma_wait3A_508 = arith.constant 0 : i32
    %dma_wait3A_509 = tpu.memref_slice %arg8[%dma_wait3A_507, %dma_wait3A_508] : memref<10112x8xf32, #tpu.memory_space<vmem>> -> memref<128x8xf32, #tpu.memory_space<vmem>>
    %dma_wait3A_510 = arith.constant 0 : i32
    %dma_wait3A_511 = tpu.memref_slice %arg10[%dma_wait3A, %dma_wait3A_510] : memref<5x128xi32, #tpu.memory_space<vmem>> -> memref<1x128xi32, #tpu.memory_space<vmem>>
    %dma_wait3A_512 = tpu.memref_squeeze %dma_wait3A_511 : memref<1x128xi32, #tpu.memory_space<vmem>> -> memref<128xi32, #tpu.memory_space<vmem>>
    %dma_wait3A_513 = arith.constant 0 : i32
    %dma_wait3A_514 = arith.constant 0 : i32
    %dma_wait3A_515 = tpu.memref_slice %arg15[%dma_wait3A_513, %dma_wait3A_514] : memref<10240x8xf32, #tpu.memory_space<vmem_shared>> -> memref<10240x8xf32, #tpu.memory_space<vmem_shared>>
    tpu.wait_indirect_dma semaphore(%arg18 : memref<!tpu.dma_semaphore, #tpu.memory_space<semaphore_mem>>) src(%dma_wait3A_509 : memref<128x8xf32, #tpu.memory_space<vmem>>) dst(%dma_wait3A_515 : memref<10240x8xf32, #tpu.memory_space<vmem_shared>>)
    %dma_wait3A_516 = arith.constant 0 : i32
    %dma_wait3A_517 = arith.constant 9600 : i32
    %dma_wait3A_518 = arith.constant 0 : i32
    %dma_wait3A_519 = tpu.memref_slice %arg8[%dma_wait3A_517, %dma_wait3A_518] : memref<10112x8xf32, #tpu.memory_space<vmem>> -> memref<128x8xf32, #tpu.memory_space<vmem>>
    %dma_wait3A_520 = arith.constant 0 : i32
    %dma_wait3A_521 = tpu.memref_slice %arg11[%dma_wait3A_516, %dma_wait3A_520] : memref<5x128xi32, #tpu.memory_space<vmem>> -> memref<1x128xi32, #tpu.memory_space<vmem>>
    %dma_wait3A_522 = tpu.memref_squeeze %dma_wait3A_521 : memref<1x128xi32, #tpu.memory_space<vmem>> -> memref<128xi32, #tpu.memory_space<vmem>>
    %dma_wait3A_523 = arith.constant 0 : i32
    %dma_wait3A_524 = arith.constant 0 : i32
    %dma_wait3A_525 = tpu.memref_slice %arg16[%dma_wait3A_523, %dma_wait3A_524] : memref<10240x8xf32, #tpu.memory_space<vmem_shared>> -> memref<10240x8xf32, #tpu.memory_space<vmem_shared>>
    tpu.wait_indirect_dma semaphore(%arg18 : memref<!tpu.dma_semaphore, #tpu.memory_space<semaphore_mem>>) src(%dma_wait3A_519 : memref<128x8xf32, #tpu.memory_space<vmem>>) dst(%dma_wait3A_525 : memref<10240x8xf32, #tpu.memory_space<vmem_shared>>)
    %dma_wait3A_526 = arith.constant 1 : i32
    %dma_wait3A_527 = arith.constant 9728 : i32
    %dma_wait3A_528 = arith.constant 0 : i32
    %dma_wait3A_529 = tpu.memref_slice %arg8[%dma_wait3A_527, %dma_wait3A_528] : memref<10112x8xf32, #tpu.memory_space<vmem>> -> memref<128x8xf32, #tpu.memory_space<vmem>>
    %dma_wait3A_530 = arith.constant 0 : i32
    %dma_wait3A_531 = tpu.memref_slice %arg10[%dma_wait3A_526, %dma_wait3A_530] : memref<5x128xi32, #tpu.memory_space<vmem>> -> memref<1x128xi32, #tpu.memory_space<vmem>>
    %dma_wait3A_532 = tpu.memref_squeeze %dma_wait3A_531 : memref<1x128xi32, #tpu.memory_space<vmem>> -> memref<128xi32, #tpu.memory_space<vmem>>
    %dma_wait3A_533 = arith.constant 0 : i32
    %dma_wait3A_534 = arith.constant 0 : i32
    %dma_wait3A_535 = tpu.memref_slice %arg15[%dma_wait3A_533, %dma_wait3A_534] : memref<10240x8xf32, #tpu.memory_space<vmem_shared>> -> memref<10240x8xf32, #tpu.memory_space<vmem_shared>>
    tpu.wait_indirect_dma semaphore(%arg18 : memref<!tpu.dma_semaphore, #tpu.memory_space<semaphore_mem>>) src(%dma_wait3A_529 : memref<128x8xf32, #tpu.memory_space<vmem>>) dst(%dma_wait3A_535 : memref<10240x8xf32, #tpu.memory_space<vmem_shared>>)
    %dma_wait3A_536 = arith.constant 1 : i32
    %dma_wait3A_537 = arith.constant 9728 : i32
    %dma_wait3A_538 = arith.constant 0 : i32
    %dma_wait3A_539 = tpu.memref_slice %arg8[%dma_wait3A_537, %dma_wait3A_538] : memref<10112x8xf32, #tpu.memory_space<vmem>> -> memref<128x8xf32, #tpu.memory_space<vmem>>
    %dma_wait3A_540 = arith.constant 0 : i32
    %dma_wait3A_541 = tpu.memref_slice %arg11[%dma_wait3A_536, %dma_wait3A_540] : memref<5x128xi32, #tpu.memory_space<vmem>> -> memref<1x128xi32, #tpu.memory_space<vmem>>
    %dma_wait3A_542 = tpu.memref_squeeze %dma_wait3A_541 : memref<1x128xi32, #tpu.memory_space<vmem>> -> memref<128xi32, #tpu.memory_space<vmem>>
    %dma_wait3A_543 = arith.constant 0 : i32
    %dma_wait3A_544 = arith.constant 0 : i32
    %dma_wait3A_545 = tpu.memref_slice %arg16[%dma_wait3A_543, %dma_wait3A_544] : memref<10240x8xf32, #tpu.memory_space<vmem_shared>> -> memref<10240x8xf32, #tpu.memory_space<vmem_shared>>
    tpu.wait_indirect_dma semaphore(%arg18 : memref<!tpu.dma_semaphore, #tpu.memory_space<semaphore_mem>>) src(%dma_wait3A_539 : memref<128x8xf32, #tpu.memory_space<vmem>>) dst(%dma_wait3A_545 : memref<10240x8xf32, #tpu.memory_space<vmem_shared>>)
    %dma_wait3A_546 = arith.constant 2 : i32
    %dma_wait3A_547 = arith.constant 9856 : i32
    %dma_wait3A_548 = arith.constant 0 : i32
    %dma_wait3A_549 = tpu.memref_slice %arg8[%dma_wait3A_547, %dma_wait3A_548] : memref<10112x8xf32, #tpu.memory_space<vmem>> -> memref<128x8xf32, #tpu.memory_space<vmem>>
    %dma_wait3A_550 = arith.constant 0 : i32
    %dma_wait3A_551 = tpu.memref_slice %arg10[%dma_wait3A_546, %dma_wait3A_550] : memref<5x128xi32, #tpu.memory_space<vmem>> -> memref<1x128xi32, #tpu.memory_space<vmem>>
    %dma_wait3A_552 = tpu.memref_squeeze %dma_wait3A_551 : memref<1x128xi32, #tpu.memory_space<vmem>> -> memref<128xi32, #tpu.memory_space<vmem>>
    %dma_wait3A_553 = arith.constant 0 : i32
    %dma_wait3A_554 = arith.constant 0 : i32
    %dma_wait3A_555 = tpu.memref_slice %arg15[%dma_wait3A_553, %dma_wait3A_554] : memref<10240x8xf32, #tpu.memory_space<vmem_shared>> -> memref<10240x8xf32, #tpu.memory_space<vmem_shared>>
    tpu.wait_indirect_dma semaphore(%arg18 : memref<!tpu.dma_semaphore, #tpu.memory_space<semaphore_mem>>) src(%dma_wait3A_549 : memref<128x8xf32, #tpu.memory_space<vmem>>) dst(%dma_wait3A_555 : memref<10240x8xf32, #tpu.memory_space<vmem_shared>>)
    %dma_wait3A_556 = arith.constant 2 : i32
    %dma_wait3A_557 = arith.constant 9856 : i32
    %dma_wait3A_558 = arith.constant 0 : i32
    %dma_wait3A_559 = tpu.memref_slice %arg8[%dma_wait3A_557, %dma_wait3A_558] : memref<10112x8xf32, #tpu.memory_space<vmem>> -> memref<128x8xf32, #tpu.memory_space<vmem>>
    %dma_wait3A_560 = arith.constant 0 : i32
    %dma_wait3A_561 = tpu.memref_slice %arg11[%dma_wait3A_556, %dma_wait3A_560] : memref<5x128xi32, #tpu.memory_space<vmem>> -> memref<1x128xi32, #tpu.memory_space<vmem>>
    %dma_wait3A_562 = tpu.memref_squeeze %dma_wait3A_561 : memref<1x128xi32, #tpu.memory_space<vmem>> -> memref<128xi32, #tpu.memory_space<vmem>>
    %dma_wait3A_563 = arith.constant 0 : i32
    %dma_wait3A_564 = arith.constant 0 : i32
    %dma_wait3A_565 = tpu.memref_slice %arg16[%dma_wait3A_563, %dma_wait3A_564] : memref<10240x8xf32, #tpu.memory_space<vmem_shared>> -> memref<10240x8xf32, #tpu.memory_space<vmem_shared>>
    tpu.wait_indirect_dma semaphore(%arg18 : memref<!tpu.dma_semaphore, #tpu.memory_space<semaphore_mem>>) src(%dma_wait3A_559 : memref<128x8xf32, #tpu.memory_space<vmem>>) dst(%dma_wait3A_565 : memref<10240x8xf32, #tpu.memory_space<vmem_shared>>)
    %convert_element_type3A_566 = arith.extui %lt3A_1 : i1 to i32
    %cond3A_567 = arith.constant 0 : i32
    %cond3A_568 = arith.cmpi ne, %convert_element_type3A_566, %cond3A_567 : i32
    scf.if %cond3A_568 {
      %get3A_802 = arith.constant 78 : i32
      %get3A_803 = arith.index_cast %get3A_802 : i32 to index
      %get3A_804 = arith.constant 0 : index
      %get3A_805 = tpu.vector_load %arg9[%get3A_803, %get3A_804] {strides = array<i32>} : memref<79x128xi32, #tpu.memory_space<vmem>>, vector<16xi32>,
      %and3A_806 = arith.constant 65535 : i32
      %and3A_807 = vector.broadcast %and3A_806 : i32 to vector<16xi32>
      %and3A_808 = arith.andi %get3A_805, %and3A_807 : vector<16xi32>
      %swap3A_809 = arith.constant 0 : i32
      %swap3A_810 = arith.index_cast %swap3A_809 : i32 to index
      %swap3A_811 = arith.constant 0 : index
      %swap3A_812 = tpu.vector_load %arg10[%swap3A_810, %swap3A_811] {strides = array<i32>} : memref<5x128xi32, #tpu.memory_space<vmem>>, vector<16xi32>,
      tpu.vector_store %arg10[%swap3A_810, %swap3A_811], %and3A_808 {strides = array<i32>} : memref<5x128xi32, #tpu.memory_space<vmem>>, vector<16xi32>,
      %shift_right_logical3A_813 = arith.constant 16 : i32
      %shift_right_logical3A_814 = vector.broadcast %shift_right_logical3A_813 : i32 to vector<16xi32>
      %shift_right_logical3A_815 = arith.shrui %get3A_805, %shift_right_logical3A_814 : vector<16xi32>
      %swap3A_816 = arith.constant 0 : i32
      %swap3A_817 = arith.index_cast %swap3A_816 : i32 to index
      %swap3A_818 = arith.constant 0 : index
      %swap3A_819 = tpu.vector_load %arg11[%swap3A_817, %swap3A_818] {strides = array<i32>} : memref<5x128xi32, #tpu.memory_space<vmem>>, vector<16xi32>,
      tpu.vector_store %arg11[%swap3A_817, %swap3A_818], %shift_right_logical3A_815 {strides = array<i32>} : memref<5x128xi32, #tpu.memory_space<vmem>>, vector<16xi32>,
      %get3A_820 = arith.constant 78 : i32
      %get3A_821 = arith.index_cast %get3A_820 : i32 to index
      %get3A_822 = arith.constant 16 : index
      %get3A_823 = tpu.vector_load %arg9[%get3A_821, %get3A_822] {strides = array<i32>} : memref<79x128xi32, #tpu.memory_space<vmem>>, vector<16xi32>,
      %and3A_824 = arith.constant 65535 : i32
      %and3A_825 = vector.broadcast %and3A_824 : i32 to vector<16xi32>
      %and3A_826 = arith.andi %get3A_823, %and3A_825 : vector<16xi32>
      %swap3A_827 = arith.constant 0 : i32
      %swap3A_828 = arith.index_cast %swap3A_827 : i32 to index
      %swap3A_829 = arith.constant 16 : index
      %swap3A_830 = tpu.vector_load %arg10[%swap3A_828, %swap3A_829] {strides = array<i32>} : memref<5x128xi32, #tpu.memory_space<vmem>>, vector<16xi32>,
      tpu.vector_store %arg10[%swap3A_828, %swap3A_829], %and3A_826 {strides = array<i32>} : memref<5x128xi32, #tpu.memory_space<vmem>>, vector<16xi32>,
      %shift_right_logical3A_831 = arith.constant 16 : i32
      %shift_right_logical3A_832 = vector.broadcast %shift_right_logical3A_831 : i32 to vector<16xi32>
      %shift_right_logical3A_833 = arith.shrui %get3A_823, %shift_right_logical3A_832 : vector<16xi32>
      %swap3A_834 = arith.constant 0 : i32
      %swap3A_835 = arith.index_cast %swap3A_834 : i32 to index
      %swap3A_836 = arith.constant 16 : index
      %swap3A_837 = tpu.vector_load %arg11[%swap3A_835, %swap3A_836] {strides = array<i32>} : memref<5x128xi32, #tpu.memory_space<vmem>>, vector<16xi32>,
      tpu.vector_store %arg11[%swap3A_835, %swap3A_836], %shift_right_logical3A_833 {strides = array<i32>} : memref<5x128xi32, #tpu.memory_space<vmem>>, vector<16xi32>,
      %get3A_838 = arith.constant 78 : i32
      %get3A_839 = arith.index_cast %get3A_838 : i32 to index
      %get3A_840 = arith.constant 32 : index
      %get3A_841 = tpu.vector_load %arg9[%get3A_839, %get3A_840] {strides = array<i32>} : memref<79x128xi32, #tpu.memory_space<vmem>>, vector<16xi32>,
      %and3A_842 = arith.constant 65535 : i32
      %and3A_843 = vector.broadcast %and3A_842 : i32 to vector<16xi32>
      %and3A_844 = arith.andi %get3A_841, %and3A_843 : vector<16xi32>
      %swap3A_845 = arith.constant 0 : i32
      %swap3A_846 = arith.index_cast %swap3A_845 : i32 to index
      %swap3A_847 = arith.constant 32 : index
      %swap3A_848 = tpu.vector_load %arg10[%swap3A_846, %swap3A_847] {strides = array<i32>} : memref<5x128xi32, #tpu.memory_space<vmem>>, vector<16xi32>,
      tpu.vector_store %arg10[%swap3A_846, %swap3A_847], %and3A_844 {strides = array<i32>} : memref<5x128xi32, #tpu.memory_space<vmem>>, vector<16xi32>,
      %shift_right_logical3A_849 = arith.constant 16 : i32
      %shift_right_logical3A_850 = vector.broadcast %shift_right_logical3A_849 : i32 to vector<16xi32>
      %shift_right_logical3A_851 = arith.shrui %get3A_841, %shift_right_logical3A_850 : vector<16xi32>
      %swap3A_852 = arith.constant 0 : i32
      %swap3A_853 = arith.index_cast %swap3A_852 : i32 to index
      %swap3A_854 = arith.constant 32 : index
      %swap3A_855 = tpu.vector_load %arg11[%swap3A_853, %swap3A_854] {strides = array<i32>} : memref<5x128xi32, #tpu.memory_space<vmem>>, vector<16xi32>,
      tpu.vector_store %arg11[%swap3A_853, %swap3A_854], %shift_right_logical3A_851 {strides = array<i32>} : memref<5x128xi32, #tpu.memory_space<vmem>>, vector<16xi32>,
      %get3A_856 = arith.constant 78 : i32
      %get3A_857 = arith.index_cast %get3A_856 : i32 to index
      %get3A_858 = arith.constant 48 : index
      %get3A_859 = tpu.vector_load %arg9[%get3A_857, %get3A_858] {strides = array<i32>} : memref<79x128xi32, #tpu.memory_space<vmem>>, vector<16xi32>,
      %and3A_860 = arith.constant 65535 : i32
      %and3A_861 = vector.broadcast %and3A_860 : i32 to vector<16xi32>
      %and3A_862 = arith.andi %get3A_859, %and3A_861 : vector<16xi32>
      %swap3A_863 = arith.constant 0 : i32
      %swap3A_864 = arith.index_cast %swap3A_863 : i32 to index
      %swap3A_865 = arith.constant 48 : index
      %swap3A_866 = tpu.vector_load %arg10[%swap3A_864, %swap3A_865] {strides = array<i32>} : memref<5x128xi32, #tpu.memory_space<vmem>>, vector<16xi32>,
      tpu.vector_store %arg10[%swap3A_864, %swap3A_865], %and3A_862 {strides = array<i32>} : memref<5x128xi32, #tpu.memory_space<vmem>>, vector<16xi32>,
      %shift_right_logical3A_867 = arith.constant 16 : i32
      %shift_right_logical3A_868 = vector.broadcast %shift_right_logical3A_867 : i32 to vector<16xi32>
      %shift_right_logical3A_869 = arith.shrui %get3A_859, %shift_right_logical3A_868 : vector<16xi32>
      %swap3A_870 = arith.constant 0 : i32
      %swap3A_871 = arith.index_cast %swap3A_870 : i32 to index
      %swap3A_872 = arith.constant 48 : index
      %swap3A_873 = tpu.vector_load %arg11[%swap3A_871, %swap3A_872] {strides = array<i32>} : memref<5x128xi32, #tpu.memory_space<vmem>>, vector<16xi32>,
      tpu.vector_store %arg11[%swap3A_871, %swap3A_872], %shift_right_logical3A_869 {strides = array<i32>} : memref<5x128xi32, #tpu.memory_space<vmem>>, vector<16xi32>,
      %get3A_874 = arith.constant 78 : i32
      %get3A_875 = arith.index_cast %get3A_874 : i32 to index
      %get3A_876 = arith.constant 64 : index
      %get3A_877 = tpu.vector_load %arg9[%get3A_875, %get3A_876] {strides = array<i32>} : memref<79x128xi32, #tpu.memory_space<vmem>>, vector<16xi32>,
      %and3A_878 = arith.constant 65535 : i32
      %and3A_879 = vector.broadcast %and3A_878 : i32 to vector<16xi32>
      %and3A_880 = arith.andi %get3A_877, %and3A_879 : vector<16xi32>
      %swap3A_881 = arith.constant 0 : i32
      %swap3A_882 = arith.index_cast %swap3A_881 : i32 to index
      %swap3A_883 = arith.constant 64 : index
      %swap3A_884 = tpu.vector_load %arg10[%swap3A_882, %swap3A_883] {strides = array<i32>} : memref<5x128xi32, #tpu.memory_space<vmem>>, vector<16xi32>,
      tpu.vector_store %arg10[%swap3A_882, %swap3A_883], %and3A_880 {strides = array<i32>} : memref<5x128xi32, #tpu.memory_space<vmem>>, vector<16xi32>,
      %shift_right_logical3A_885 = arith.constant 16 : i32
      %shift_right_logical3A_886 = vector.broadcast %shift_right_logical3A_885 : i32 to vector<16xi32>
      %shift_right_logical3A_887 = arith.shrui %get3A_877, %shift_right_logical3A_886 : vector<16xi32>
      %swap3A_888 = arith.constant 0 : i32
      %swap3A_889 = arith.index_cast %swap3A_888 : i32 to index
      %swap3A_890 = arith.constant 64 : index
      %swap3A_891 = tpu.vector_load %arg11[%swap3A_889, %swap3A_890] {strides = array<i32>} : memref<5x128xi32, #tpu.memory_space<vmem>>, vector<16xi32>,
      tpu.vector_store %arg11[%swap3A_889, %swap3A_890], %shift_right_logical3A_887 {strides = array<i32>} : memref<5x128xi32, #tpu.memory_space<vmem>>, vector<16xi32>,
      %get3A_892 = arith.constant 78 : i32
      %get3A_893 = arith.index_cast %get3A_892 : i32 to index
      %get3A_894 = arith.constant 80 : index
      %get3A_895 = tpu.vector_load %arg9[%get3A_893, %get3A_894] {strides = array<i32>} : memref<79x128xi32, #tpu.memory_space<vmem>>, vector<16xi32>,
      %and3A_896 = arith.constant 65535 : i32
      %and3A_897 = vector.broadcast %and3A_896 : i32 to vector<16xi32>
      %and3A_898 = arith.andi %get3A_895, %and3A_897 : vector<16xi32>
      %swap3A_899 = arith.constant 0 : i32
      %swap3A_900 = arith.index_cast %swap3A_899 : i32 to index
      %swap3A_901 = arith.constant 80 : index
      %swap3A_902 = tpu.vector_load %arg10[%swap3A_900, %swap3A_901] {strides = array<i32>} : memref<5x128xi32, #tpu.memory_space<vmem>>, vector<16xi32>,
      tpu.vector_store %arg10[%swap3A_900, %swap3A_901], %and3A_898 {strides = array<i32>} : memref<5x128xi32, #tpu.memory_space<vmem>>, vector<16xi32>,
      %shift_right_logical3A_903 = arith.constant 16 : i32
      %shift_right_logical3A_904 = vector.broadcast %shift_right_logical3A_903 : i32 to vector<16xi32>
      %shift_right_logical3A_905 = arith.shrui %get3A_895, %shift_right_logical3A_904 : vector<16xi32>
      %swap3A_906 = arith.constant 0 : i32
      %swap3A_907 = arith.index_cast %swap3A_906 : i32 to index
      %swap3A_908 = arith.constant 80 : index
      %swap3A_909 = tpu.vector_load %arg11[%swap3A_907, %swap3A_908] {strides = array<i32>} : memref<5x128xi32, #tpu.memory_space<vmem>>, vector<16xi32>,
      tpu.vector_store %arg11[%swap3A_907, %swap3A_908], %shift_right_logical3A_905 {strides = array<i32>} : memref<5x128xi32, #tpu.memory_space<vmem>>, vector<16xi32>,
      %get3A_910 = arith.constant 78 : i32
      %get3A_911 = arith.index_cast %get3A_910 : i32 to index
      %get3A_912 = arith.constant 96 : index
      %get3A_913 = tpu.vector_load %arg9[%get3A_911, %get3A_912] {strides = array<i32>} : memref<79x128xi32, #tpu.memory_space<vmem>>, vector<16xi32>,
      %and3A_914 = arith.constant 65535 : i32
      %and3A_915 = vector.broadcast %and3A_914 : i32 to vector<16xi32>
      %and3A_916 = arith.andi %get3A_913, %and3A_915 : vector<16xi32>
      %swap3A_917 = arith.constant 0 : i32
      %swap3A_918 = arith.index_cast %swap3A_917 : i32 to index
      %swap3A_919 = arith.constant 96 : index
      %swap3A_920 = tpu.vector_load %arg10[%swap3A_918, %swap3A_919] {strides = array<i32>} : memref<5x128xi32, #tpu.memory_space<vmem>>, vector<16xi32>,
      tpu.vector_store %arg10[%swap3A_918, %swap3A_919], %and3A_916 {strides = array<i32>} : memref<5x128xi32, #tpu.memory_space<vmem>>, vector<16xi32>,
      %shift_right_logical3A_921 = arith.constant 16 : i32
      %shift_right_logical3A_922 = vector.broadcast %shift_right_logical3A_921 : i32 to vector<16xi32>
      %shift_right_logical3A_923 = arith.shrui %get3A_913, %shift_right_logical3A_922 : vector<16xi32>
      %swap3A_924 = arith.constant 0 : i32
      %swap3A_925 = arith.index_cast %swap3A_924 : i32 to index
      %swap3A_926 = arith.constant 96 : index
      %swap3A_927 = tpu.vector_load %arg11[%swap3A_925, %swap3A_926] {strides = array<i32>} : memref<5x128xi32, #tpu.memory_space<vmem>>, vector<16xi32>,
      tpu.vector_store %arg11[%swap3A_925, %swap3A_926], %shift_right_logical3A_923 {strides = array<i32>} : memref<5x128xi32, #tpu.memory_space<vmem>>, vector<16xi32>,
      %get3A_928 = arith.constant 78 : i32
      %get3A_929 = arith.index_cast %get3A_928 : i32 to index
      %get3A_930 = arith.constant 112 : index
      %get3A_931 = tpu.vector_load %arg9[%get3A_929, %get3A_930] {strides = array<i32>} : memref<79x128xi32, #tpu.memory_space<vmem>>, vector<16xi32>,
      %and3A_932 = arith.constant 65535 : i32
      %and3A_933 = vector.broadcast %and3A_932 : i32 to vector<16xi32>
      %and3A_934 = arith.andi %get3A_931, %and3A_933 : vector<16xi32>
      %swap3A_935 = arith.constant 0 : i32
      %swap3A_936 = arith.index_cast %swap3A_935 : i32 to index
      %swap3A_937 = arith.constant 112 : index
      %swap3A_938 = tpu.vector_load %arg10[%swap3A_936, %swap3A_937] {strides = array<i32>} : memref<5x128xi32, #tpu.memory_space<vmem>>, vector<16xi32>,
      tpu.vector_store %arg10[%swap3A_936, %swap3A_937], %and3A_934 {strides = array<i32>} : memref<5x128xi32, #tpu.memory_space<vmem>>, vector<16xi32>,
      %shift_right_logical3A_939 = arith.constant 16 : i32
      %shift_right_logical3A_940 = vector.broadcast %shift_right_logical3A_939 : i32 to vector<16xi32>
      %shift_right_logical3A_941 = arith.shrui %get3A_931, %shift_right_logical3A_940 : vector<16xi32>
      %swap3A_942 = arith.constant 0 : i32
      %swap3A_943 = arith.index_cast %swap3A_942 : i32 to index
      %swap3A_944 = arith.constant 112 : index
      %swap3A_945 = tpu.vector_load %arg11[%swap3A_943, %swap3A_944] {strides = array<i32>} : memref<5x128xi32, #tpu.memory_space<vmem>>, vector<16xi32>,
      tpu.vector_store %arg11[%swap3A_943, %swap3A_944], %shift_right_logical3A_941 {strides = array<i32>} : memref<5x128xi32, #tpu.memory_space<vmem>>, vector<16xi32>,
      %dma_start3A_946 = arith.constant 0 : i32
      %dma_start3A_947 = arith.constant 9984 : i32
      %dma_start3A_948 = arith.constant 0 : i32
      %dma_start3A_949 = tpu.memref_slice %arg8[%dma_start3A_947, %dma_start3A_948] : memref<10112x8xf32, #tpu.memory_space<vmem>> -> memref<128x8xf32, #tpu.memory_space<vmem>>
      %dma_start3A_950 = arith.constant 0 : i32
      %dma_start3A_951 = tpu.memref_slice %arg10[%dma_start3A_946, %dma_start3A_950] : memref<5x128xi32, #tpu.memory_space<vmem>> -> memref<1x128xi32, #tpu.memory_space<vmem>>
      %dma_start3A_952 = tpu.memref_squeeze %dma_start3A_951 : memref<1x128xi32, #tpu.memory_space<vmem>> -> memref<128xi32, #tpu.memory_space<vmem>>
      %dma_start3A_953 = arith.constant 0 : i32
      %dma_start3A_954 = arith.constant 0 : i32
      %dma_start3A_955 = tpu.memref_slice %arg15[%dma_start3A_953, %dma_start3A_954] : memref<10240x8xf32, #tpu.memory_space<vmem_shared>> -> memref<10240x8xf32, #tpu.memory_space<vmem_shared>>
      tpu.enqueue_indirect_dma source(%dma_start3A_949 : memref<128x8xf32, #tpu.memory_space<vmem>>) target(%dma_start3A_955 : memref<10240x8xf32, #tpu.memory_space<vmem_shared>>) offsets(%dma_start3A_952 : memref<128xi32, #tpu.memory_space<vmem>>) semaphore(%arg18 : memref<!tpu.dma_semaphore, #tpu.memory_space<semaphore_mem>>) {add = true}
      %dma_start3A_956 = arith.constant 0 : i32
      %dma_start3A_957 = arith.constant 9984 : i32
      %dma_start3A_958 = arith.constant 0 : i32
      %dma_start3A_959 = tpu.memref_slice %arg8[%dma_start3A_957, %dma_start3A_958] : memref<10112x8xf32, #tpu.memory_space<vmem>> -> memref<128x8xf32, #tpu.memory_space<vmem>>
      %dma_start3A_960 = arith.constant 0 : i32
      %dma_start3A_961 = tpu.memref_slice %arg11[%dma_start3A_956, %dma_start3A_960] : memref<5x128xi32, #tpu.memory_space<vmem>> -> memref<1x128xi32, #tpu.memory_space<vmem>>
      %dma_start3A_962 = tpu.memref_squeeze %dma_start3A_961 : memref<1x128xi32, #tpu.memory_space<vmem>> -> memref<128xi32, #tpu.memory_space<vmem>>
      %dma_start3A_963 = arith.constant 0 : i32
      %dma_start3A_964 = arith.constant 0 : i32
      %dma_start3A_965 = tpu.memref_slice %arg16[%dma_start3A_963, %dma_start3A_964] : memref<10240x8xf32, #tpu.memory_space<vmem_shared>> -> memref<10240x8xf32, #tpu.memory_space<vmem_shared>>
      tpu.enqueue_indirect_dma source(%dma_start3A_959 : memref<128x8xf32, #tpu.memory_space<vmem>>) target(%dma_start3A_965 : memref<10240x8xf32, #tpu.memory_space<vmem_shared>>) offsets(%dma_start3A_962 : memref<128xi32, #tpu.memory_space<vmem>>) semaphore(%arg18 : memref<!tpu.dma_semaphore, #tpu.memory_space<semaphore_mem>>) {add = true}
      %scan3A_966 = arith.constant 0 : i32
      %scan3A_967 = arith.constant 8 : i32
      %scan3A_968 = arith.addi %scan3A_966, %scan3A_967 : i32
      %scan3A_969 = arith.constant 1 : i32
      scf.for %scan3A_991 = %scan3A_966 to %scan3A_968 step %scan3A_969  : i32 {
        %mul3A_992 = arith.constant 1 : i32
        %mul3A_993 = arith.muli %scan3A_991, %mul3A_992 : i32
        %add3A_994 = arith.constant 0 : i32
        %add3A_995 = arith.addi %add3A_994, %mul3A_993 : i32
        %mul3A_996 = arith.constant 16 : i32
        %mul3A_997 = arith.muli %add3A_995, %mul3A_996 : i32
        %add3A_998 = arith.constant 9984 : i32
        %add3A_999 = arith.addi %add3A_998, %mul3A_997 : i32
        %add3A_1000 = vector.broadcast %add3A_999 : i32 to vector<16xi32>
        %add3A_1001 = arith.addi %add3A_1000, %iota3A : vector<16xi32>
        %get3A_1002 = arith.constant 4 : i32
        %get3A_1003 = arith.index_cast %get3A_1002 : i32 to index
        %get3A_1004 = arith.constant 0 : index
        %get3A_1005 = tpu.vector_load %arg12[%get3A_1003, %get3A_1004] {strides = array<i32>} : memref<8x16xf32, #tpu.memory_space<vmem>>, vector<16xf32>,
        %broadcast_in_dim3A = arith.constant 0 : i32
        %broadcast_in_dim3A_1006 = vector.broadcast %broadcast_in_dim3A : i32 to vector<16xi32>
        %gather3A = tpu.vector_load_idx %arg8[%add3A_1001, %broadcast_in_dim3A_1006] : memref<10112x8xf32, #tpu.memory_space<vmem>>[vector<16xi32>, vector<16xi32>], vector<16xf32>,
        %get3A_1007 = arith.constant 0 : i32
        %get3A_1008 = arith.index_cast %get3A_1007 : i32 to index
        %get3A_1009 = arith.constant 0 : index
        %get3A_1010 = tpu.vector_load %arg12[%get3A_1008, %get3A_1009] {strides = array<i32>} : memref<8x16xf32, #tpu.memory_space<vmem>>, vector<16xf32>,
        %mul3A_1011 = arith.mulf %gather3A, %get3A_1010 : vector<16xf32>
        %add3A_1012 = arith.addf %get3A_1005, %mul3A_1011 : vector<16xf32>
        %broadcast_in_dim3A_1013 = arith.constant 1 : i32
        %broadcast_in_dim3A_1014 = vector.broadcast %broadcast_in_dim3A_1013 : i32 to vector<16xi32>
        %gather3A_1015 = tpu.vector_load_idx %arg8[%add3A_1001, %broadcast_in_dim3A_1014] : memref<10112x8xf32, #tpu.memory_space<vmem>>[vector<16xi32>, vector<16xi32>], vector<16xf32>,
        %get3A_1016 = arith.constant 1 : i32
        %get3A_1017 = arith.index_cast %get3A_1016 : i32 to index
        %get3A_1018 = arith.constant 0 : index
        %get3A_1019 = tpu.vector_load %arg12[%get3A_1017, %get3A_1018] {strides = array<i32>} : memref<8x16xf32, #tpu.memory_space<vmem>>, vector<16xf32>,
        %mul3A_1020 = arith.mulf %gather3A_1015, %get3A_1019 : vector<16xf32>
        %add3A_1021 = arith.addf %add3A_1012, %mul3A_1020 : vector<16xf32>
        %broadcast_in_dim3A_1022 = arith.constant 2 : i32
        %broadcast_in_dim3A_1023 = vector.broadcast %broadcast_in_dim3A_1022 : i32 to vector<16xi32>
        %gather3A_1024 = tpu.vector_load_idx %arg8[%add3A_1001, %broadcast_in_dim3A_1023] : memref<10112x8xf32, #tpu.memory_space<vmem>>[vector<16xi32>, vector<16xi32>], vector<16xf32>,
        %get3A_1025 = arith.constant 2 : i32
        %get3A_1026 = arith.index_cast %get3A_1025 : i32 to index
        %get3A_1027 = arith.constant 0 : index
        %get3A_1028 = tpu.vector_load %arg12[%get3A_1026, %get3A_1027] {strides = array<i32>} : memref<8x16xf32, #tpu.memory_space<vmem>>, vector<16xf32>,
        %mul3A_1029 = arith.mulf %gather3A_1024, %get3A_1028 : vector<16xf32>
        %add3A_1030 = arith.addf %add3A_1021, %mul3A_1029 : vector<16xf32>
        %broadcast_in_dim3A_1031 = arith.constant 3 : i32
        %broadcast_in_dim3A_1032 = vector.broadcast %broadcast_in_dim3A_1031 : i32 to vector<16xi32>
        %gather3A_1033 = tpu.vector_load_idx %arg8[%add3A_1001, %broadcast_in_dim3A_1032] : memref<10112x8xf32, #tpu.memory_space<vmem>>[vector<16xi32>, vector<16xi32>], vector<16xf32>,
        %get3A_1034 = arith.constant 3 : i32
        %get3A_1035 = arith.index_cast %get3A_1034 : i32 to index
        %get3A_1036 = arith.constant 0 : index
        %get3A_1037 = tpu.vector_load %arg12[%get3A_1035, %get3A_1036] {strides = array<i32>} : memref<8x16xf32, #tpu.memory_space<vmem>>, vector<16xf32>,
        %mul3A_1038 = arith.mulf %gather3A_1033, %get3A_1037 : vector<16xf32>
        %add3A_1039 = arith.addf %add3A_1030, %mul3A_1038 : vector<16xf32>
        %swap3A_1040 = arith.index_cast %add3A_999 : i32 to index
        %swap3A_1041 = tpu.vector_load %arg13[%swap3A_1040] {strides = array<i32>} : memref<10112xf32, #tpu.memory_space<vmem>>, vector<16xf32>,
        tpu.vector_store %arg13[%swap3A_1040], %add3A_1039 {strides = array<i32>} : memref<10112xf32, #tpu.memory_space<vmem>>, vector<16xf32>,
      }
      %scan3A_970 = arith.constant 8 : i32
      %dma_wait3A_971 = arith.constant 0 : i32
      %dma_wait3A_972 = arith.constant 9984 : i32
      %dma_wait3A_973 = arith.constant 0 : i32
      %dma_wait3A_974 = tpu.memref_slice %arg8[%dma_wait3A_972, %dma_wait3A_973] : memref<10112x8xf32, #tpu.memory_space<vmem>> -> memref<128x8xf32, #tpu.memory_space<vmem>>
      %dma_wait3A_975 = arith.constant 0 : i32
      %dma_wait3A_976 = tpu.memref_slice %arg10[%dma_wait3A_971, %dma_wait3A_975] : memref<5x128xi32, #tpu.memory_space<vmem>> -> memref<1x128xi32, #tpu.memory_space<vmem>>
      %dma_wait3A_977 = tpu.memref_squeeze %dma_wait3A_976 : memref<1x128xi32, #tpu.memory_space<vmem>> -> memref<128xi32, #tpu.memory_space<vmem>>
      %dma_wait3A_978 = arith.constant 0 : i32
      %dma_wait3A_979 = arith.constant 0 : i32
      %dma_wait3A_980 = tpu.memref_slice %arg15[%dma_wait3A_978, %dma_wait3A_979] : memref<10240x8xf32, #tpu.memory_space<vmem_shared>> -> memref<10240x8xf32, #tpu.memory_space<vmem_shared>>
      tpu.wait_indirect_dma semaphore(%arg18 : memref<!tpu.dma_semaphore, #tpu.memory_space<semaphore_mem>>) src(%dma_wait3A_974 : memref<128x8xf32, #tpu.memory_space<vmem>>) dst(%dma_wait3A_980 : memref<10240x8xf32, #tpu.memory_space<vmem_shared>>)
      %dma_wait3A_981 = arith.constant 0 : i32
      %dma_wait3A_982 = arith.constant 9984 : i32
      %dma_wait3A_983 = arith.constant 0 : i32
      %dma_wait3A_984 = tpu.memref_slice %arg8[%dma_wait3A_982, %dma_wait3A_983] : memref<10112x8xf32, #tpu.memory_space<vmem>> -> memref<128x8xf32, #tpu.memory_space<vmem>>
      %dma_wait3A_985 = arith.constant 0 : i32
      %dma_wait3A_986 = tpu.memref_slice %arg11[%dma_wait3A_981, %dma_wait3A_985] : memref<5x128xi32, #tpu.memory_space<vmem>> -> memref<1x128xi32, #tpu.memory_space<vmem>>
      %dma_wait3A_987 = tpu.memref_squeeze %dma_wait3A_986 : memref<1x128xi32, #tpu.memory_space<vmem>> -> memref<128xi32, #tpu.memory_space<vmem>>
      %dma_wait3A_988 = arith.constant 0 : i32
      %dma_wait3A_989 = arith.constant 0 : i32
      %dma_wait3A_990 = tpu.memref_slice %arg16[%dma_wait3A_988, %dma_wait3A_989] : memref<10240x8xf32, #tpu.memory_space<vmem_shared>> -> memref<10240x8xf32, #tpu.memory_space<vmem_shared>>
      tpu.wait_indirect_dma semaphore(%arg18 : memref<!tpu.dma_semaphore, #tpu.memory_space<semaphore_mem>>) src(%dma_wait3A_984 : memref<128x8xf32, #tpu.memory_space<vmem>>) dst(%dma_wait3A_990 : memref<10240x8xf32, #tpu.memory_space<vmem_shared>>)
    } else {
    }
    %mul3A_569 = arith.constant 9984 : i32
    %mul3A_570 = arith.muli %add3A, %mul3A_569 : i32
    "tpu.region"() ({
      %run_scoped3A_802 = tpu.sem_alloc : memref<!tpu.dma_semaphore, #tpu.memory_space<semaphore_mem>>
      %dma_start3A_803 = arith.constant 0 : i32
      %dma_start3A_804 = tpu.memref_slice %arg13[%dma_start3A_803] : memref<10112xf32, #tpu.memory_space<vmem>> -> memref<9984xf32, #tpu.memory_space<vmem>>
      %dma_start3A_805 = tpu.memref_slice %arg7[%mul3A_570] : memref<320000xf32, #tpu.memory_space<hbm>> -> memref<9984xf32, #tpu.memory_space<hbm>>
      %dma_start3A_806 = tpu.memref_slice %arg7[%mul3A_570] : memref<320000xf32, #tpu.memory_space<hbm>> -> memref<9984xf32, #tpu.memory_space<hbm>>
      %dma_start3A_807 = arith.constant 0 : i32
      %dma_start3A_808 = tpu.memref_slice %arg13[%dma_start3A_807] : memref<10112xf32, #tpu.memory_space<vmem>> -> memref<9984xf32, #tpu.memory_space<vmem>>
      tpu.enqueue_dma source(%dma_start3A_808 : memref<9984xf32, #tpu.memory_space<vmem>>) target(%dma_start3A_806 : memref<9984xf32, #tpu.memory_space<hbm>>) target_semaphore(%run_scoped3A_802 : memref<!tpu.dma_semaphore, #tpu.memory_space<semaphore_mem>>)
      %dma_wait3A_809 = arith.constant 0 : i32
      %dma_wait3A_810 = tpu.memref_slice %arg13[%dma_wait3A_809] : memref<10112xf32, #tpu.memory_space<vmem>> -> memref<9984xf32, #tpu.memory_space<vmem>>
      %dma_wait3A_811 = tpu.memref_slice %arg7[%mul3A_570] : memref<320000xf32, #tpu.memory_space<hbm>> -> memref<9984xf32, #tpu.memory_space<hbm>>
      %dma_wait3A_812 = tpu.memref_slice %arg7[%mul3A_570] : memref<320000xf32, #tpu.memory_space<hbm>> -> memref<9984xf32, #tpu.memory_space<hbm>>
      %dma_wait3A_813 = arith.constant 0 : i32
      %dma_wait3A_814 = tpu.memref_slice %arg13[%dma_wait3A_813] : memref<10112xf32, #tpu.memory_space<vmem>> -> memref<9984xf32, #tpu.memory_space<vmem>>
      tpu.wait_dma2 semaphore(%run_scoped3A_802 : memref<!tpu.dma_semaphore, #tpu.memory_space<semaphore_mem>>) src(%dma_wait3A_814 : memref<9984xf32, #tpu.memory_space<vmem>>) dst(%dma_wait3A_812 : memref<9984xf32, #tpu.memory_space<hbm>>)
      tpu.yield
    }) : () -> ()
    %convert_element_type3A_571 = arith.extui %lt3A_1 : i1 to i32
    %cond3A_572 = arith.constant 0 : i32
    %cond3A_573 = arith.cmpi ne, %convert_element_type3A_571, %cond3A_572 : i32
    scf.if %cond3A_573 {
      %add3A_802 = arith.constant 2496 : i32
      %add3A_803 = arith.addi %add3A_802, %add3A : i32
      %mul3A_804 = arith.constant 128 : i32
      %mul3A_805 = arith.muli %add3A_803, %mul3A_804 : i32
      "tpu.region"() ({
        %run_scoped3A_806 = tpu.sem_alloc : memref<!tpu.dma_semaphore, #tpu.memory_space<semaphore_mem>>
        %dma_start3A_807 = arith.constant 9984 : i32
        %dma_start3A_808 = tpu.memref_slice %arg13[%dma_start3A_807] : memref<10112xf32, #tpu.memory_space<vmem>> -> memref<128xf32, #tpu.memory_space<vmem>>
        %dma_start3A_809 = tpu.memref_slice %arg7[%mul3A_805] : memref<320000xf32, #tpu.memory_space<hbm>> -> memref<128xf32, #tpu.memory_space<hbm>>
        %dma_start3A_810 = tpu.memref_slice %arg7[%mul3A_805] : memref<320000xf32, #tpu.memory_space<hbm>> -> memref<128xf32, #tpu.memory_space<hbm>>
        %dma_start3A_811 = arith.constant 9984 : i32
        %dma_start3A_812 = tpu.memref_slice %arg13[%dma_start3A_811] : memref<10112xf32, #tpu.memory_space<vmem>> -> memref<128xf32, #tpu.memory_space<vmem>>
        tpu.enqueue_dma source(%dma_start3A_812 : memref<128xf32, #tpu.memory_space<vmem>>) target(%dma_start3A_810 : memref<128xf32, #tpu.memory_space<hbm>>) target_semaphore(%run_scoped3A_806 : memref<!tpu.dma_semaphore, #tpu.memory_space<semaphore_mem>>)
        %dma_wait3A_813 = arith.constant 9984 : i32
        %dma_wait3A_814 = tpu.memref_slice %arg13[%dma_wait3A_813] : memref<10112xf32, #tpu.memory_space<vmem>> -> memref<128xf32, #tpu.memory_space<vmem>>
        %dma_wait3A_815 = tpu.memref_slice %arg7[%mul3A_805] : memref<320000xf32, #tpu.memory_space<hbm>> -> memref<128xf32, #tpu.memory_space<hbm>>
        %dma_wait3A_816 = tpu.memref_slice %arg7[%mul3A_805] : memref<320000xf32, #tpu.memory_space<hbm>> -> memref<128xf32, #tpu.memory_space<hbm>>
        %dma_wait3A_817 = arith.constant 9984 : i32
        %dma_wait3A_818 = tpu.memref_slice %arg13[%dma_wait3A_817] : memref<10112xf32, #tpu.memory_space<vmem>> -> memref<128xf32, #tpu.memory_space<vmem>>
        tpu.wait_dma2 semaphore(%run_scoped3A_806 : memref<!tpu.dma_semaphore, #tpu.memory_space<semaphore_mem>>) src(%dma_wait3A_818 : memref<128xf32, #tpu.memory_space<vmem>>) dst(%dma_wait3A_816 : memref<128xf32, #tpu.memory_space<hbm>>)
        tpu.yield
      }) : () -> ()
    } else {
    }
    %barrier3A_574 = arith.constant 0 : index
    tpu.barrier barrier_id(%barrier3A_574)
    %mul3A_575 = arith.constant 640 : i32
    %mul3A_576 = arith.muli %arg1, %mul3A_575 : i32
    "tpu.region"() ({
      %run_scoped3A_802 = tpu.sem_alloc : memref<!tpu.dma_semaphore, #tpu.memory_space<semaphore_mem>>
      %dma_start3A_803 = arith.constant 0 : i32
      %dma_start3A_804 = tpu.memref_slice %arg15[%mul3A_576, %dma_start3A_803] : memref<10240x8xf32, #tpu.memory_space<vmem_shared>> -> memref<640x8xf32, #tpu.memory_space<vmem_shared>>
      %dma_start3A_805 = arith.constant 0 : i32
      %dma_start3A_806 = tpu.memref_slice %arg15[%mul3A_576, %dma_start3A_805] : memref<10240x8xf32, #tpu.memory_space<vmem_shared>> -> memref<640x8xf32, #tpu.memory_space<vmem_shared>>
      tpu.enqueue_dma source(%dma_start3A_806 : memref<640x8xf32, #tpu.memory_space<vmem_shared>>) target(%arg17 : memref<640x8xf32, #tpu.memory_space<vmem>>) target_semaphore(%run_scoped3A_802 : memref<!tpu.dma_semaphore, #tpu.memory_space<semaphore_mem>>)
      %dma_wait3A_807 = arith.constant 0 : i32
      %dma_wait3A_808 = tpu.memref_slice %arg15[%mul3A_576, %dma_wait3A_807] : memref<10240x8xf32, #tpu.memory_space<vmem_shared>> -> memref<640x8xf32, #tpu.memory_space<vmem_shared>>
      %dma_wait3A_809 = arith.constant 0 : i32
      %dma_wait3A_810 = tpu.memref_slice %arg15[%mul3A_576, %dma_wait3A_809] : memref<10240x8xf32, #tpu.memory_space<vmem_shared>> -> memref<640x8xf32, #tpu.memory_space<vmem_shared>>
      tpu.wait_dma2 semaphore(%run_scoped3A_802 : memref<!tpu.dma_semaphore, #tpu.memory_space<semaphore_mem>>) src(%dma_wait3A_810 : memref<640x8xf32, #tpu.memory_space<vmem_shared>>) dst(%arg17 : memref<640x8xf32, #tpu.memory_space<vmem>>)
      tpu.yield
    }) : () -> ()
    %scan3A_577 = arith.constant 0 : i32
    %scan3A_578 = arith.constant 40 : i32
    %scan3A_579 = arith.addi %scan3A_577, %scan3A_578 : i32
    %scan3A_580 = arith.constant 1 : i32
    scf.for %scan3A_802 = %scan3A_577 to %scan3A_579 step %scan3A_580  : i32 {
      %mul3A_803 = arith.constant 1 : i32
      %mul3A_804 = arith.muli %scan3A_802, %mul3A_803 : i32
      %add3A_805 = arith.constant 0 : i32
      %add3A_806 = arith.addi %add3A_805, %mul3A_804 : i32
      %mul3A_807 = arith.constant 16 : i32
      %mul3A_808 = arith.muli %add3A_806, %mul3A_807 : i32
      %add3A_809 = vector.broadcast %mul3A_808 : i32 to vector<16xi32>
      %add3A_810 = arith.addi %add3A_809, %iota3A : vector<16xi32>
      %broadcast_in_dim3A = arith.constant 0 : i32
      %broadcast_in_dim3A_811 = vector.broadcast %broadcast_in_dim3A : i32 to vector<16xi32>
      %gather3A = tpu.vector_load_idx %arg17[%add3A_810, %broadcast_in_dim3A_811] : memref<640x8xf32, #tpu.memory_space<vmem>>[vector<16xi32>, vector<16xi32>], vector<16xf32>,
      %mul3A_812 = arith.constant 16 : i32
      %mul3A_813 = arith.muli %add3A_806, %mul3A_812 : i32
      %swap3A_814 = arith.constant 0 : i32
      %swap3A_815 = arith.index_cast %swap3A_814 : i32 to index
      %swap3A_816 = arith.index_cast %mul3A_813 : i32 to index
      %swap3A_817 = tpu.vector_load %arg14[%swap3A_815, %swap3A_816] {strides = array<i32>} : memref<8x640xf32, #tpu.memory_space<vmem>>, vector<16xf32>,
      tpu.vector_store %arg14[%swap3A_815, %swap3A_816], %gather3A {strides = array<i32>} : memref<8x640xf32, #tpu.memory_space<vmem>>, vector<16xf32>,
    }
    %scan3A_581 = arith.constant 40 : i32
    %mul3A_582 = arith.constant 2 : i32
    %mul3A_583 = arith.muli %arg0, %mul3A_582 : i32
    %add3A_584 = arith.constant 0 : i32
    %add3A_585 = arith.addi %mul3A_583, %add3A_584 : i32
    %mul3A_586 = arith.constant 8 : i32
    %mul3A_587 = arith.muli %add3A_585, %mul3A_586 : i32
    %add3A_588 = arith.constant 0 : i32
    %add3A_589 = arith.addi %mul3A_587, %add3A_588 : i32
    %run_scoped3A = arith.constant 0 : i32
    "tpu.region"() ({
      %run_scoped3A_802 = tpu.sem_alloc : memref<!tpu.dma_semaphore, #tpu.memory_space<semaphore_mem>>
      %dma_start3A_803 = arith.constant 0 : i32
      %dma_start3A_804 = tpu.memref_slice %arg14[%run_scoped3A, %dma_start3A_803] : memref<8x640xf32, #tpu.memory_space<vmem>> -> memref<1x640xf32, #tpu.memory_space<vmem>>
      %dma_start3A_805 = tpu.memref_squeeze %dma_start3A_804 : memref<1x640xf32, #tpu.memory_space<vmem>> -> memref<640xf32, #tpu.memory_space<vmem>>
      %dma_start3A_806 = arith.constant 0 : i32
      %dma_start3A_807 = tpu.memref_slice %arg6[%add3A_589, %arg1, %dma_start3A_806] : memref<32x16x640xf32, #tpu.memory_space<hbm>> -> memref<1x1x640xf32, #tpu.memory_space<hbm>>
      %dma_start3A_808 = tpu.memref_squeeze %dma_start3A_807 : memref<1x1x640xf32, #tpu.memory_space<hbm>> -> memref<640xf32, #tpu.memory_space<hbm>>
      %dma_start3A_809 = arith.constant 0 : i32
      %dma_start3A_810 = tpu.memref_slice %arg6[%add3A_589, %arg1, %dma_start3A_809] : memref<32x16x640xf32, #tpu.memory_space<hbm>> -> memref<1x1x640xf32, #tpu.memory_space<hbm>>
      %dma_start3A_811 = tpu.memref_squeeze %dma_start3A_810 : memref<1x1x640xf32, #tpu.memory_space<hbm>> -> memref<640xf32, #tpu.memory_space<hbm>>
      %dma_start3A_812 = arith.constant 0 : i32
      %dma_start3A_813 = tpu.memref_slice %arg14[%run_scoped3A, %dma_start3A_812] : memref<8x640xf32, #tpu.memory_space<vmem>> -> memref<1x640xf32, #tpu.memory_space<vmem>>
      %dma_start3A_814 = tpu.memref_squeeze %dma_start3A_813 : memref<1x640xf32, #tpu.memory_space<vmem>> -> memref<640xf32, #tpu.memory_space<vmem>>
      tpu.enqueue_dma source(%dma_start3A_814 : memref<640xf32, #tpu.memory_space<vmem>>) target(%dma_start3A_811 : memref<640xf32, #tpu.memory_space<hbm>>) target_semaphore(%run_scoped3A_802 : memref<!tpu.dma_semaphore, #tpu.memory_space<semaphore_mem>>)
      %dma_wait3A_815 = arith.constant 0 : i32
      %dma_wait3A_816 = tpu.memref_slice %arg14[%run_scoped3A, %dma_wait3A_815] : memref<8x640xf32, #tpu.memory_space<vmem>> -> memref<1x640xf32, #tpu.memory_space<vmem>>
      %dma_wait3A_817 = tpu.memref_squeeze %dma_wait3A_816 : memref<1x640xf32, #tpu.memory_space<vmem>> -> memref<640xf32, #tpu.memory_space<vmem>>
      %dma_wait3A_818 = arith.constant 0 : i32
      %dma_wait3A_819 = tpu.memref_slice %arg6[%add3A_589, %arg1, %dma_wait3A_818] : memref<32x16x640xf32, #tpu.memory_space<hbm>> -> memref<1x1x640xf32, #tpu.memory_space<hbm>>
      %dma_wait3A_820 = tpu.memref_squeeze %dma_wait3A_819 : memref<1x1x640xf32, #tpu.memory_space<hbm>> -> memref<640xf32, #tpu.memory_space<hbm>>
      %dma_wait3A_821 = arith.constant 0 : i32
      %dma_wait3A_822 = tpu.memref_slice %arg6[%add3A_589, %arg1, %dma_wait3A_821] : memref<32x16x640xf32, #tpu.memory_space<hbm>> -> memref<1x1x640xf32, #tpu.memory_space<hbm>>
      %dma_wait3A_823 = tpu.memref_squeeze %dma_wait3A_822 : memref<1x1x640xf32, #tpu.memory_space<hbm>> -> memref<640xf32, #tpu.memory_space<hbm>>
      %dma_wait3A_824 = arith.constant 0 : i32
      %dma_wait3A_825 = tpu.memref_slice %arg14[%run_scoped3A, %dma_wait3A_824] : memref<8x640xf32, #tpu.memory_space<vmem>> -> memref<1x640xf32, #tpu.memory_space<vmem>>
      %dma_wait3A_826 = tpu.memref_squeeze %dma_wait3A_825 : memref<1x640xf32, #tpu.memory_space<vmem>> -> memref<640xf32, #tpu.memory_space<vmem>>
      tpu.wait_dma2 semaphore(%run_scoped3A_802 : memref<!tpu.dma_semaphore, #tpu.memory_space<semaphore_mem>>) src(%dma_wait3A_826 : memref<640xf32, #tpu.memory_space<vmem>>) dst(%dma_wait3A_823 : memref<640xf32, #tpu.memory_space<hbm>>)
      tpu.yield
    }) : () -> ()
    %scan3A_590 = arith.constant 0 : i32
    %scan3A_591 = arith.constant 40 : i32
    %scan3A_592 = arith.addi %scan3A_590, %scan3A_591 : i32
    %scan3A_593 = arith.constant 1 : i32
    scf.for %scan3A_802 = %scan3A_590 to %scan3A_592 step %scan3A_593  : i32 {
      %mul3A_803 = arith.constant 1 : i32
      %mul3A_804 = arith.muli %scan3A_802, %mul3A_803 : i32
      %add3A_805 = arith.constant 0 : i32
      %add3A_806 = arith.addi %add3A_805, %mul3A_804 : i32
      %mul3A_807 = arith.constant 16 : i32
      %mul3A_808 = arith.muli %add3A_806, %mul3A_807 : i32
      %add3A_809 = vector.broadcast %mul3A_808 : i32 to vector<16xi32>
      %add3A_810 = arith.addi %add3A_809, %iota3A : vector<16xi32>
      %broadcast_in_dim3A = arith.constant 1 : i32
      %broadcast_in_dim3A_811 = vector.broadcast %broadcast_in_dim3A : i32 to vector<16xi32>
      %gather3A = tpu.vector_load_idx %arg17[%add3A_810, %broadcast_in_dim3A_811] : memref<640x8xf32, #tpu.memory_space<vmem>>[vector<16xi32>, vector<16xi32>], vector<16xf32>,
      %mul3A_812 = arith.constant 16 : i32
      %mul3A_813 = arith.muli %add3A_806, %mul3A_812 : i32
      %swap3A_814 = arith.constant 1 : i32
      %swap3A_815 = arith.index_cast %swap3A_814 : i32 to index
      %swap3A_816 = arith.index_cast %mul3A_813 : i32 to index
      %swap3A_817 = tpu.vector_load %arg14[%swap3A_815, %swap3A_816] {strides = array<i32>} : memref<8x640xf32, #tpu.memory_space<vmem>>, vector<16xf32>,
      tpu.vector_store %arg14[%swap3A_815, %swap3A_816], %gather3A {strides = array<i32>} : memref<8x640xf32, #tpu.memory_space<vmem>>, vector<16xf32>,
    }
    %scan3A_594 = arith.constant 40 : i32
    %mul3A_595 = arith.constant 2 : i32
    %mul3A_596 = arith.muli %arg0, %mul3A_595 : i32
    %add3A_597 = arith.constant 0 : i32
    %add3A_598 = arith.addi %mul3A_596, %add3A_597 : i32
    %mul3A_599 = arith.constant 8 : i32
    %mul3A_600 = arith.muli %add3A_598, %mul3A_599 : i32
    %add3A_601 = arith.constant 1 : i32
    %add3A_602 = arith.addi %mul3A_600, %add3A_601 : i32
    %run_scoped3A_603 = arith.constant 1 : i32
    "tpu.region"() ({
      %run_scoped3A_802 = tpu.sem_alloc : memref<!tpu.dma_semaphore, #tpu.memory_space<semaphore_mem>>
      %dma_start3A_803 = arith.constant 0 : i32
      %dma_start3A_804 = tpu.memref_slice %arg14[%run_scoped3A_603, %dma_start3A_803] : memref<8x640xf32, #tpu.memory_space<vmem>> -> memref<1x640xf32, #tpu.memory_space<vmem>>
      %dma_start3A_805 = tpu.memref_squeeze %dma_start3A_804 : memref<1x640xf32, #tpu.memory_space<vmem>> -> memref<640xf32, #tpu.memory_space<vmem>>
      %dma_start3A_806 = arith.constant 0 : i32
      %dma_start3A_807 = tpu.memref_slice %arg6[%add3A_602, %arg1, %dma_start3A_806] : memref<32x16x640xf32, #tpu.memory_space<hbm>> -> memref<1x1x640xf32, #tpu.memory_space<hbm>>
      %dma_start3A_808 = tpu.memref_squeeze %dma_start3A_807 : memref<1x1x640xf32, #tpu.memory_space<hbm>> -> memref<640xf32, #tpu.memory_space<hbm>>
      %dma_start3A_809 = arith.constant 0 : i32
      %dma_start3A_810 = tpu.memref_slice %arg6[%add3A_602, %arg1, %dma_start3A_809] : memref<32x16x640xf32, #tpu.memory_space<hbm>> -> memref<1x1x640xf32, #tpu.memory_space<hbm>>
      %dma_start3A_811 = tpu.memref_squeeze %dma_start3A_810 : memref<1x1x640xf32, #tpu.memory_space<hbm>> -> memref<640xf32, #tpu.memory_space<hbm>>
      %dma_start3A_812 = arith.constant 0 : i32
      %dma_start3A_813 = tpu.memref_slice %arg14[%run_scoped3A_603, %dma_start3A_812] : memref<8x640xf32, #tpu.memory_space<vmem>> -> memref<1x640xf32, #tpu.memory_space<vmem>>
      %dma_start3A_814 = tpu.memref_squeeze %dma_start3A_813 : memref<1x640xf32, #tpu.memory_space<vmem>> -> memref<640xf32, #tpu.memory_space<vmem>>
      tpu.enqueue_dma source(%dma_start3A_814 : memref<640xf32, #tpu.memory_space<vmem>>) target(%dma_start3A_811 : memref<640xf32, #tpu.memory_space<hbm>>) target_semaphore(%run_scoped3A_802 : memref<!tpu.dma_semaphore, #tpu.memory_space<semaphore_mem>>)
      %dma_wait3A_815 = arith.constant 0 : i32
      %dma_wait3A_816 = tpu.memref_slice %arg14[%run_scoped3A_603, %dma_wait3A_815] : memref<8x640xf32, #tpu.memory_space<vmem>> -> memref<1x640xf32, #tpu.memory_space<vmem>>
      %dma_wait3A_817 = tpu.memref_squeeze %dma_wait3A_816 : memref<1x640xf32, #tpu.memory_space<vmem>> -> memref<640xf32, #tpu.memory_space<vmem>>
      %dma_wait3A_818 = arith.constant 0 : i32
      %dma_wait3A_819 = tpu.memref_slice %arg6[%add3A_602, %arg1, %dma_wait3A_818] : memref<32x16x640xf32, #tpu.memory_space<hbm>> -> memref<1x1x640xf32, #tpu.memory_space<hbm>>
      %dma_wait3A_820 = tpu.memref_squeeze %dma_wait3A_819 : memref<1x1x640xf32, #tpu.memory_space<hbm>> -> memref<640xf32, #tpu.memory_space<hbm>>
      %dma_wait3A_821 = arith.constant 0 : i32
      %dma_wait3A_822 = tpu.memref_slice %arg6[%add3A_602, %arg1, %dma_wait3A_821] : memref<32x16x640xf32, #tpu.memory_space<hbm>> -> memref<1x1x640xf32, #tpu.memory_space<hbm>>
      %dma_wait3A_823 = tpu.memref_squeeze %dma_wait3A_822 : memref<1x1x640xf32, #tpu.memory_space<hbm>> -> memref<640xf32, #tpu.memory_space<hbm>>
      %dma_wait3A_824 = arith.constant 0 : i32
      %dma_wait3A_825 = tpu.memref_slice %arg14[%run_scoped3A_603, %dma_wait3A_824] : memref<8x640xf32, #tpu.memory_space<vmem>> -> memref<1x640xf32, #tpu.memory_space<vmem>>
      %dma_wait3A_826 = tpu.memref_squeeze %dma_wait3A_825 : memref<1x640xf32, #tpu.memory_space<vmem>> -> memref<640xf32, #tpu.memory_space<vmem>>
      tpu.wait_dma2 semaphore(%run_scoped3A_802 : memref<!tpu.dma_semaphore, #tpu.memory_space<semaphore_mem>>) src(%dma_wait3A_826 : memref<640xf32, #tpu.memory_space<vmem>>) dst(%dma_wait3A_823 : memref<640xf32, #tpu.memory_space<hbm>>)
      tpu.yield
    }) : () -> ()
    %scan3A_604 = arith.constant 0 : i32
    %scan3A_605 = arith.constant 40 : i32
    %scan3A_606 = arith.addi %scan3A_604, %scan3A_605 : i32
    %scan3A_607 = arith.constant 1 : i32
    scf.for %scan3A_802 = %scan3A_604 to %scan3A_606 step %scan3A_607  : i32 {
      %mul3A_803 = arith.constant 1 : i32
      %mul3A_804 = arith.muli %scan3A_802, %mul3A_803 : i32
      %add3A_805 = arith.constant 0 : i32
      %add3A_806 = arith.addi %add3A_805, %mul3A_804 : i32
      %mul3A_807 = arith.constant 16 : i32
      %mul3A_808 = arith.muli %add3A_806, %mul3A_807 : i32
      %add3A_809 = vector.broadcast %mul3A_808 : i32 to vector<16xi32>
      %add3A_810 = arith.addi %add3A_809, %iota3A : vector<16xi32>
      %broadcast_in_dim3A = arith.constant 2 : i32
      %broadcast_in_dim3A_811 = vector.broadcast %broadcast_in_dim3A : i32 to vector<16xi32>
      %gather3A = tpu.vector_load_idx %arg17[%add3A_810, %broadcast_in_dim3A_811] : memref<640x8xf32, #tpu.memory_space<vmem>>[vector<16xi32>, vector<16xi32>], vector<16xf32>,
      %mul3A_812 = arith.constant 16 : i32
      %mul3A_813 = arith.muli %add3A_806, %mul3A_812 : i32
      %swap3A_814 = arith.constant 2 : i32
      %swap3A_815 = arith.index_cast %swap3A_814 : i32 to index
      %swap3A_816 = arith.index_cast %mul3A_813 : i32 to index
      %swap3A_817 = tpu.vector_load %arg14[%swap3A_815, %swap3A_816] {strides = array<i32>} : memref<8x640xf32, #tpu.memory_space<vmem>>, vector<16xf32>,
      tpu.vector_store %arg14[%swap3A_815, %swap3A_816], %gather3A {strides = array<i32>} : memref<8x640xf32, #tpu.memory_space<vmem>>, vector<16xf32>,
    }
    %scan3A_608 = arith.constant 40 : i32
    %mul3A_609 = arith.constant 2 : i32
    %mul3A_610 = arith.muli %arg0, %mul3A_609 : i32
    %add3A_611 = arith.constant 0 : i32
    %add3A_612 = arith.addi %mul3A_610, %add3A_611 : i32
    %mul3A_613 = arith.constant 8 : i32
    %mul3A_614 = arith.muli %add3A_612, %mul3A_613 : i32
    %add3A_615 = arith.constant 2 : i32
    %add3A_616 = arith.addi %mul3A_614, %add3A_615 : i32
    %run_scoped3A_617 = arith.constant 2 : i32
    "tpu.region"() ({
      %run_scoped3A_802 = tpu.sem_alloc : memref<!tpu.dma_semaphore, #tpu.memory_space<semaphore_mem>>
      %dma_start3A_803 = arith.constant 0 : i32
      %dma_start3A_804 = tpu.memref_slice %arg14[%run_scoped3A_617, %dma_start3A_803] : memref<8x640xf32, #tpu.memory_space<vmem>> -> memref<1x640xf32, #tpu.memory_space<vmem>>
      %dma_start3A_805 = tpu.memref_squeeze %dma_start3A_804 : memref<1x640xf32, #tpu.memory_space<vmem>> -> memref<640xf32, #tpu.memory_space<vmem>>
      %dma_start3A_806 = arith.constant 0 : i32
      %dma_start3A_807 = tpu.memref_slice %arg6[%add3A_616, %arg1, %dma_start3A_806] : memref<32x16x640xf32, #tpu.memory_space<hbm>> -> memref<1x1x640xf32, #tpu.memory_space<hbm>>
      %dma_start3A_808 = tpu.memref_squeeze %dma_start3A_807 : memref<1x1x640xf32, #tpu.memory_space<hbm>> -> memref<640xf32, #tpu.memory_space<hbm>>
      %dma_start3A_809 = arith.constant 0 : i32
      %dma_start3A_810 = tpu.memref_slice %arg6[%add3A_616, %arg1, %dma_start3A_809] : memref<32x16x640xf32, #tpu.memory_space<hbm>> -> memref<1x1x640xf32, #tpu.memory_space<hbm>>
      %dma_start3A_811 = tpu.memref_squeeze %dma_start3A_810 : memref<1x1x640xf32, #tpu.memory_space<hbm>> -> memref<640xf32, #tpu.memory_space<hbm>>
      %dma_start3A_812 = arith.constant 0 : i32
      %dma_start3A_813 = tpu.memref_slice %arg14[%run_scoped3A_617, %dma_start3A_812] : memref<8x640xf32, #tpu.memory_space<vmem>> -> memref<1x640xf32, #tpu.memory_space<vmem>>
      %dma_start3A_814 = tpu.memref_squeeze %dma_start3A_813 : memref<1x640xf32, #tpu.memory_space<vmem>> -> memref<640xf32, #tpu.memory_space<vmem>>
      tpu.enqueue_dma source(%dma_start3A_814 : memref<640xf32, #tpu.memory_space<vmem>>) target(%dma_start3A_811 : memref<640xf32, #tpu.memory_space<hbm>>) target_semaphore(%run_scoped3A_802 : memref<!tpu.dma_semaphore, #tpu.memory_space<semaphore_mem>>)
      %dma_wait3A_815 = arith.constant 0 : i32
      %dma_wait3A_816 = tpu.memref_slice %arg14[%run_scoped3A_617, %dma_wait3A_815] : memref<8x640xf32, #tpu.memory_space<vmem>> -> memref<1x640xf32, #tpu.memory_space<vmem>>
      %dma_wait3A_817 = tpu.memref_squeeze %dma_wait3A_816 : memref<1x640xf32, #tpu.memory_space<vmem>> -> memref<640xf32, #tpu.memory_space<vmem>>
      %dma_wait3A_818 = arith.constant 0 : i32
      %dma_wait3A_819 = tpu.memref_slice %arg6[%add3A_616, %arg1, %dma_wait3A_818] : memref<32x16x640xf32, #tpu.memory_space<hbm>> -> memref<1x1x640xf32, #tpu.memory_space<hbm>>
      %dma_wait3A_820 = tpu.memref_squeeze %dma_wait3A_819 : memref<1x1x640xf32, #tpu.memory_space<hbm>> -> memref<640xf32, #tpu.memory_space<hbm>>
      %dma_wait3A_821 = arith.constant 0 : i32
      %dma_wait3A_822 = tpu.memref_slice %arg6[%add3A_616, %arg1, %dma_wait3A_821] : memref<32x16x640xf32, #tpu.memory_space<hbm>> -> memref<1x1x640xf32, #tpu.memory_space<hbm>>
      %dma_wait3A_823 = tpu.memref_squeeze %dma_wait3A_822 : memref<1x1x640xf32, #tpu.memory_space<hbm>> -> memref<640xf32, #tpu.memory_space<hbm>>
      %dma_wait3A_824 = arith.constant 0 : i32
      %dma_wait3A_825 = tpu.memref_slice %arg14[%run_scoped3A_617, %dma_wait3A_824] : memref<8x640xf32, #tpu.memory_space<vmem>> -> memref<1x640xf32, #tpu.memory_space<vmem>>
      %dma_wait3A_826 = tpu.memref_squeeze %dma_wait3A_825 : memref<1x640xf32, #tpu.memory_space<vmem>> -> memref<640xf32, #tpu.memory_space<vmem>>
      tpu.wait_dma2 semaphore(%run_scoped3A_802 : memref<!tpu.dma_semaphore, #tpu.memory_space<semaphore_mem>>) src(%dma_wait3A_826 : memref<640xf32, #tpu.memory_space<vmem>>) dst(%dma_wait3A_823 : memref<640xf32, #tpu.memory_space<hbm>>)
      tpu.yield
    }) : () -> ()
    %scan3A_618 = arith.constant 0 : i32
    %scan3A_619 = arith.constant 40 : i32
    %scan3A_620 = arith.addi %scan3A_618, %scan3A_619 : i32
    %scan3A_621 = arith.constant 1 : i32
    scf.for %scan3A_802 = %scan3A_618 to %scan3A_620 step %scan3A_621  : i32 {
      %mul3A_803 = arith.constant 1 : i32
      %mul3A_804 = arith.muli %scan3A_802, %mul3A_803 : i32
      %add3A_805 = arith.constant 0 : i32
      %add3A_806 = arith.addi %add3A_805, %mul3A_804 : i32
      %mul3A_807 = arith.constant 16 : i32
      %mul3A_808 = arith.muli %add3A_806, %mul3A_807 : i32
      %add3A_809 = vector.broadcast %mul3A_808 : i32 to vector<16xi32>
      %add3A_810 = arith.addi %add3A_809, %iota3A : vector<16xi32>
      %broadcast_in_dim3A = arith.constant 3 : i32
      %broadcast_in_dim3A_811 = vector.broadcast %broadcast_in_dim3A : i32 to vector<16xi32>
      %gather3A = tpu.vector_load_idx %arg17[%add3A_810, %broadcast_in_dim3A_811] : memref<640x8xf32, #tpu.memory_space<vmem>>[vector<16xi32>, vector<16xi32>], vector<16xf32>,
      %mul3A_812 = arith.constant 16 : i32
      %mul3A_813 = arith.muli %add3A_806, %mul3A_812 : i32
      %swap3A_814 = arith.constant 3 : i32
      %swap3A_815 = arith.index_cast %swap3A_814 : i32 to index
      %swap3A_816 = arith.index_cast %mul3A_813 : i32 to index
      %swap3A_817 = tpu.vector_load %arg14[%swap3A_815, %swap3A_816] {strides = array<i32>} : memref<8x640xf32, #tpu.memory_space<vmem>>, vector<16xf32>,
      tpu.vector_store %arg14[%swap3A_815, %swap3A_816], %gather3A {strides = array<i32>} : memref<8x640xf32, #tpu.memory_space<vmem>>, vector<16xf32>,
    }
    %scan3A_622 = arith.constant 40 : i32
    %mul3A_623 = arith.constant 2 : i32
    %mul3A_624 = arith.muli %arg0, %mul3A_623 : i32
    %add3A_625 = arith.constant 0 : i32
    %add3A_626 = arith.addi %mul3A_624, %add3A_625 : i32
    %mul3A_627 = arith.constant 8 : i32
    %mul3A_628 = arith.muli %add3A_626, %mul3A_627 : i32
    %add3A_629 = arith.constant 3 : i32
    %add3A_630 = arith.addi %mul3A_628, %add3A_629 : i32
    %run_scoped3A_631 = arith.constant 3 : i32
    "tpu.region"() ({
      %run_scoped3A_802 = tpu.sem_alloc : memref<!tpu.dma_semaphore, #tpu.memory_space<semaphore_mem>>
      %dma_start3A_803 = arith.constant 0 : i32
      %dma_start3A_804 = tpu.memref_slice %arg14[%run_scoped3A_631, %dma_start3A_803] : memref<8x640xf32, #tpu.memory_space<vmem>> -> memref<1x640xf32, #tpu.memory_space<vmem>>
      %dma_start3A_805 = tpu.memref_squeeze %dma_start3A_804 : memref<1x640xf32, #tpu.memory_space<vmem>> -> memref<640xf32, #tpu.memory_space<vmem>>
      %dma_start3A_806 = arith.constant 0 : i32
      %dma_start3A_807 = tpu.memref_slice %arg6[%add3A_630, %arg1, %dma_start3A_806] : memref<32x16x640xf32, #tpu.memory_space<hbm>> -> memref<1x1x640xf32, #tpu.memory_space<hbm>>
      %dma_start3A_808 = tpu.memref_squeeze %dma_start3A_807 : memref<1x1x640xf32, #tpu.memory_space<hbm>> -> memref<640xf32, #tpu.memory_space<hbm>>
      %dma_start3A_809 = arith.constant 0 : i32
      %dma_start3A_810 = tpu.memref_slice %arg6[%add3A_630, %arg1, %dma_start3A_809] : memref<32x16x640xf32, #tpu.memory_space<hbm>> -> memref<1x1x640xf32, #tpu.memory_space<hbm>>
      %dma_start3A_811 = tpu.memref_squeeze %dma_start3A_810 : memref<1x1x640xf32, #tpu.memory_space<hbm>> -> memref<640xf32, #tpu.memory_space<hbm>>
      %dma_start3A_812 = arith.constant 0 : i32
      %dma_start3A_813 = tpu.memref_slice %arg14[%run_scoped3A_631, %dma_start3A_812] : memref<8x640xf32, #tpu.memory_space<vmem>> -> memref<1x640xf32, #tpu.memory_space<vmem>>
      %dma_start3A_814 = tpu.memref_squeeze %dma_start3A_813 : memref<1x640xf32, #tpu.memory_space<vmem>> -> memref<640xf32, #tpu.memory_space<vmem>>
      tpu.enqueue_dma source(%dma_start3A_814 : memref<640xf32, #tpu.memory_space<vmem>>) target(%dma_start3A_811 : memref<640xf32, #tpu.memory_space<hbm>>) target_semaphore(%run_scoped3A_802 : memref<!tpu.dma_semaphore, #tpu.memory_space<semaphore_mem>>)
      %dma_wait3A_815 = arith.constant 0 : i32
      %dma_wait3A_816 = tpu.memref_slice %arg14[%run_scoped3A_631, %dma_wait3A_815] : memref<8x640xf32, #tpu.memory_space<vmem>> -> memref<1x640xf32, #tpu.memory_space<vmem>>
      %dma_wait3A_817 = tpu.memref_squeeze %dma_wait3A_816 : memref<1x640xf32, #tpu.memory_space<vmem>> -> memref<640xf32, #tpu.memory_space<vmem>>
      %dma_wait3A_818 = arith.constant 0 : i32
      %dma_wait3A_819 = tpu.memref_slice %arg6[%add3A_630, %arg1, %dma_wait3A_818] : memref<32x16x640xf32, #tpu.memory_space<hbm>> -> memref<1x1x640xf32, #tpu.memory_space<hbm>>
      %dma_wait3A_820 = tpu.memref_squeeze %dma_wait3A_819 : memref<1x1x640xf32, #tpu.memory_space<hbm>> -> memref<640xf32, #tpu.memory_space<hbm>>
      %dma_wait3A_821 = arith.constant 0 : i32
      %dma_wait3A_822 = tpu.memref_slice %arg6[%add3A_630, %arg1, %dma_wait3A_821] : memref<32x16x640xf32, #tpu.memory_space<hbm>> -> memref<1x1x640xf32, #tpu.memory_space<hbm>>
      %dma_wait3A_823 = tpu.memref_squeeze %dma_wait3A_822 : memref<1x1x640xf32, #tpu.memory_space<hbm>> -> memref<640xf32, #tpu.memory_space<hbm>>
      %dma_wait3A_824 = arith.constant 0 : i32
      %dma_wait3A_825 = tpu.memref_slice %arg14[%run_scoped3A_631, %dma_wait3A_824] : memref<8x640xf32, #tpu.memory_space<vmem>> -> memref<1x640xf32, #tpu.memory_space<vmem>>
      %dma_wait3A_826 = tpu.memref_squeeze %dma_wait3A_825 : memref<1x640xf32, #tpu.memory_space<vmem>> -> memref<640xf32, #tpu.memory_space<vmem>>
      tpu.wait_dma2 semaphore(%run_scoped3A_802 : memref<!tpu.dma_semaphore, #tpu.memory_space<semaphore_mem>>) src(%dma_wait3A_826 : memref<640xf32, #tpu.memory_space<vmem>>) dst(%dma_wait3A_823 : memref<640xf32, #tpu.memory_space<hbm>>)
      tpu.yield
    }) : () -> ()
    %scan3A_632 = arith.constant 0 : i32
    %scan3A_633 = arith.constant 40 : i32
    %scan3A_634 = arith.addi %scan3A_632, %scan3A_633 : i32
    %scan3A_635 = arith.constant 1 : i32
    scf.for %scan3A_802 = %scan3A_632 to %scan3A_634 step %scan3A_635  : i32 {
      %mul3A_803 = arith.constant 1 : i32
      %mul3A_804 = arith.muli %scan3A_802, %mul3A_803 : i32
      %add3A_805 = arith.constant 0 : i32
      %add3A_806 = arith.addi %add3A_805, %mul3A_804 : i32
      %mul3A_807 = arith.constant 16 : i32
      %mul3A_808 = arith.muli %add3A_806, %mul3A_807 : i32
      %add3A_809 = vector.broadcast %mul3A_808 : i32 to vector<16xi32>
      %add3A_810 = arith.addi %add3A_809, %iota3A : vector<16xi32>
      %broadcast_in_dim3A = arith.constant 4 : i32
      %broadcast_in_dim3A_811 = vector.broadcast %broadcast_in_dim3A : i32 to vector<16xi32>
      %gather3A = tpu.vector_load_idx %arg17[%add3A_810, %broadcast_in_dim3A_811] : memref<640x8xf32, #tpu.memory_space<vmem>>[vector<16xi32>, vector<16xi32>], vector<16xf32>,
      %mul3A_812 = arith.constant 16 : i32
      %mul3A_813 = arith.muli %add3A_806, %mul3A_812 : i32
      %swap3A_814 = arith.constant 4 : i32
      %swap3A_815 = arith.index_cast %swap3A_814 : i32 to index
      %swap3A_816 = arith.index_cast %mul3A_813 : i32 to index
      %swap3A_817 = tpu.vector_load %arg14[%swap3A_815, %swap3A_816] {strides = array<i32>} : memref<8x640xf32, #tpu.memory_space<vmem>>, vector<16xf32>,
      tpu.vector_store %arg14[%swap3A_815, %swap3A_816], %gather3A {strides = array<i32>} : memref<8x640xf32, #tpu.memory_space<vmem>>, vector<16xf32>,
    }
    %scan3A_636 = arith.constant 40 : i32
    %mul3A_637 = arith.constant 2 : i32
    %mul3A_638 = arith.muli %arg0, %mul3A_637 : i32
    %add3A_639 = arith.constant 0 : i32
    %add3A_640 = arith.addi %mul3A_638, %add3A_639 : i32
    %mul3A_641 = arith.constant 8 : i32
    %mul3A_642 = arith.muli %add3A_640, %mul3A_641 : i32
    %add3A_643 = arith.constant 4 : i32
    %add3A_644 = arith.addi %mul3A_642, %add3A_643 : i32
    %run_scoped3A_645 = arith.constant 4 : i32
    "tpu.region"() ({
      %run_scoped3A_802 = tpu.sem_alloc : memref<!tpu.dma_semaphore, #tpu.memory_space<semaphore_mem>>
      %dma_start3A_803 = arith.constant 0 : i32
      %dma_start3A_804 = tpu.memref_slice %arg14[%run_scoped3A_645, %dma_start3A_803] : memref<8x640xf32, #tpu.memory_space<vmem>> -> memref<1x640xf32, #tpu.memory_space<vmem>>
      %dma_start3A_805 = tpu.memref_squeeze %dma_start3A_804 : memref<1x640xf32, #tpu.memory_space<vmem>> -> memref<640xf32, #tpu.memory_space<vmem>>
      %dma_start3A_806 = arith.constant 0 : i32
      %dma_start3A_807 = tpu.memref_slice %arg6[%add3A_644, %arg1, %dma_start3A_806] : memref<32x16x640xf32, #tpu.memory_space<hbm>> -> memref<1x1x640xf32, #tpu.memory_space<hbm>>
      %dma_start3A_808 = tpu.memref_squeeze %dma_start3A_807 : memref<1x1x640xf32, #tpu.memory_space<hbm>> -> memref<640xf32, #tpu.memory_space<hbm>>
      %dma_start3A_809 = arith.constant 0 : i32
      %dma_start3A_810 = tpu.memref_slice %arg6[%add3A_644, %arg1, %dma_start3A_809] : memref<32x16x640xf32, #tpu.memory_space<hbm>> -> memref<1x1x640xf32, #tpu.memory_space<hbm>>
      %dma_start3A_811 = tpu.memref_squeeze %dma_start3A_810 : memref<1x1x640xf32, #tpu.memory_space<hbm>> -> memref<640xf32, #tpu.memory_space<hbm>>
      %dma_start3A_812 = arith.constant 0 : i32
      %dma_start3A_813 = tpu.memref_slice %arg14[%run_scoped3A_645, %dma_start3A_812] : memref<8x640xf32, #tpu.memory_space<vmem>> -> memref<1x640xf32, #tpu.memory_space<vmem>>
      %dma_start3A_814 = tpu.memref_squeeze %dma_start3A_813 : memref<1x640xf32, #tpu.memory_space<vmem>> -> memref<640xf32, #tpu.memory_space<vmem>>
      tpu.enqueue_dma source(%dma_start3A_814 : memref<640xf32, #tpu.memory_space<vmem>>) target(%dma_start3A_811 : memref<640xf32, #tpu.memory_space<hbm>>) target_semaphore(%run_scoped3A_802 : memref<!tpu.dma_semaphore, #tpu.memory_space<semaphore_mem>>)
      %dma_wait3A_815 = arith.constant 0 : i32
      %dma_wait3A_816 = tpu.memref_slice %arg14[%run_scoped3A_645, %dma_wait3A_815] : memref<8x640xf32, #tpu.memory_space<vmem>> -> memref<1x640xf32, #tpu.memory_space<vmem>>
      %dma_wait3A_817 = tpu.memref_squeeze %dma_wait3A_816 : memref<1x640xf32, #tpu.memory_space<vmem>> -> memref<640xf32, #tpu.memory_space<vmem>>
      %dma_wait3A_818 = arith.constant 0 : i32
      %dma_wait3A_819 = tpu.memref_slice %arg6[%add3A_644, %arg1, %dma_wait3A_818] : memref<32x16x640xf32, #tpu.memory_space<hbm>> -> memref<1x1x640xf32, #tpu.memory_space<hbm>>
      %dma_wait3A_820 = tpu.memref_squeeze %dma_wait3A_819 : memref<1x1x640xf32, #tpu.memory_space<hbm>> -> memref<640xf32, #tpu.memory_space<hbm>>
      %dma_wait3A_821 = arith.constant 0 : i32
      %dma_wait3A_822 = tpu.memref_slice %arg6[%add3A_644, %arg1, %dma_wait3A_821] : memref<32x16x640xf32, #tpu.memory_space<hbm>> -> memref<1x1x640xf32, #tpu.memory_space<hbm>>
      %dma_wait3A_823 = tpu.memref_squeeze %dma_wait3A_822 : memref<1x1x640xf32, #tpu.memory_space<hbm>> -> memref<640xf32, #tpu.memory_space<hbm>>
      %dma_wait3A_824 = arith.constant 0 : i32
      %dma_wait3A_825 = tpu.memref_slice %arg14[%run_scoped3A_645, %dma_wait3A_824] : memref<8x640xf32, #tpu.memory_space<vmem>> -> memref<1x640xf32, #tpu.memory_space<vmem>>
      %dma_wait3A_826 = tpu.memref_squeeze %dma_wait3A_825 : memref<1x640xf32, #tpu.memory_space<vmem>> -> memref<640xf32, #tpu.memory_space<vmem>>
      tpu.wait_dma2 semaphore(%run_scoped3A_802 : memref<!tpu.dma_semaphore, #tpu.memory_space<semaphore_mem>>) src(%dma_wait3A_826 : memref<640xf32, #tpu.memory_space<vmem>>) dst(%dma_wait3A_823 : memref<640xf32, #tpu.memory_space<hbm>>)
      tpu.yield
    }) : () -> ()
    %scan3A_646 = arith.constant 0 : i32
    %scan3A_647 = arith.constant 40 : i32
    %scan3A_648 = arith.addi %scan3A_646, %scan3A_647 : i32
    %scan3A_649 = arith.constant 1 : i32
    scf.for %scan3A_802 = %scan3A_646 to %scan3A_648 step %scan3A_649  : i32 {
      %mul3A_803 = arith.constant 1 : i32
      %mul3A_804 = arith.muli %scan3A_802, %mul3A_803 : i32
      %add3A_805 = arith.constant 0 : i32
      %add3A_806 = arith.addi %add3A_805, %mul3A_804 : i32
      %mul3A_807 = arith.constant 16 : i32
      %mul3A_808 = arith.muli %add3A_806, %mul3A_807 : i32
      %add3A_809 = vector.broadcast %mul3A_808 : i32 to vector<16xi32>
      %add3A_810 = arith.addi %add3A_809, %iota3A : vector<16xi32>
      %broadcast_in_dim3A = arith.constant 5 : i32
      %broadcast_in_dim3A_811 = vector.broadcast %broadcast_in_dim3A : i32 to vector<16xi32>
      %gather3A = tpu.vector_load_idx %arg17[%add3A_810, %broadcast_in_dim3A_811] : memref<640x8xf32, #tpu.memory_space<vmem>>[vector<16xi32>, vector<16xi32>], vector<16xf32>,
      %mul3A_812 = arith.constant 16 : i32
      %mul3A_813 = arith.muli %add3A_806, %mul3A_812 : i32
      %swap3A_814 = arith.constant 5 : i32
      %swap3A_815 = arith.index_cast %swap3A_814 : i32 to index
      %swap3A_816 = arith.index_cast %mul3A_813 : i32 to index
      %swap3A_817 = tpu.vector_load %arg14[%swap3A_815, %swap3A_816] {strides = array<i32>} : memref<8x640xf32, #tpu.memory_space<vmem>>, vector<16xf32>,
      tpu.vector_store %arg14[%swap3A_815, %swap3A_816], %gather3A {strides = array<i32>} : memref<8x640xf32, #tpu.memory_space<vmem>>, vector<16xf32>,
    }
    %scan3A_650 = arith.constant 40 : i32
    %mul3A_651 = arith.constant 2 : i32
    %mul3A_652 = arith.muli %arg0, %mul3A_651 : i32
    %add3A_653 = arith.constant 0 : i32
    %add3A_654 = arith.addi %mul3A_652, %add3A_653 : i32
    %mul3A_655 = arith.constant 8 : i32
    %mul3A_656 = arith.muli %add3A_654, %mul3A_655 : i32
    %add3A_657 = arith.constant 5 : i32
    %add3A_658 = arith.addi %mul3A_656, %add3A_657 : i32
    %run_scoped3A_659 = arith.constant 5 : i32
    "tpu.region"() ({
      %run_scoped3A_802 = tpu.sem_alloc : memref<!tpu.dma_semaphore, #tpu.memory_space<semaphore_mem>>
      %dma_start3A_803 = arith.constant 0 : i32
      %dma_start3A_804 = tpu.memref_slice %arg14[%run_scoped3A_659, %dma_start3A_803] : memref<8x640xf32, #tpu.memory_space<vmem>> -> memref<1x640xf32, #tpu.memory_space<vmem>>
      %dma_start3A_805 = tpu.memref_squeeze %dma_start3A_804 : memref<1x640xf32, #tpu.memory_space<vmem>> -> memref<640xf32, #tpu.memory_space<vmem>>
      %dma_start3A_806 = arith.constant 0 : i32
      %dma_start3A_807 = tpu.memref_slice %arg6[%add3A_658, %arg1, %dma_start3A_806] : memref<32x16x640xf32, #tpu.memory_space<hbm>> -> memref<1x1x640xf32, #tpu.memory_space<hbm>>
      %dma_start3A_808 = tpu.memref_squeeze %dma_start3A_807 : memref<1x1x640xf32, #tpu.memory_space<hbm>> -> memref<640xf32, #tpu.memory_space<hbm>>
      %dma_start3A_809 = arith.constant 0 : i32
      %dma_start3A_810 = tpu.memref_slice %arg6[%add3A_658, %arg1, %dma_start3A_809] : memref<32x16x640xf32, #tpu.memory_space<hbm>> -> memref<1x1x640xf32, #tpu.memory_space<hbm>>
      %dma_start3A_811 = tpu.memref_squeeze %dma_start3A_810 : memref<1x1x640xf32, #tpu.memory_space<hbm>> -> memref<640xf32, #tpu.memory_space<hbm>>
      %dma_start3A_812 = arith.constant 0 : i32
      %dma_start3A_813 = tpu.memref_slice %arg14[%run_scoped3A_659, %dma_start3A_812] : memref<8x640xf32, #tpu.memory_space<vmem>> -> memref<1x640xf32, #tpu.memory_space<vmem>>
      %dma_start3A_814 = tpu.memref_squeeze %dma_start3A_813 : memref<1x640xf32, #tpu.memory_space<vmem>> -> memref<640xf32, #tpu.memory_space<vmem>>
      tpu.enqueue_dma source(%dma_start3A_814 : memref<640xf32, #tpu.memory_space<vmem>>) target(%dma_start3A_811 : memref<640xf32, #tpu.memory_space<hbm>>) target_semaphore(%run_scoped3A_802 : memref<!tpu.dma_semaphore, #tpu.memory_space<semaphore_mem>>)
      %dma_wait3A_815 = arith.constant 0 : i32
      %dma_wait3A_816 = tpu.memref_slice %arg14[%run_scoped3A_659, %dma_wait3A_815] : memref<8x640xf32, #tpu.memory_space<vmem>> -> memref<1x640xf32, #tpu.memory_space<vmem>>
      %dma_wait3A_817 = tpu.memref_squeeze %dma_wait3A_816 : memref<1x640xf32, #tpu.memory_space<vmem>> -> memref<640xf32, #tpu.memory_space<vmem>>
      %dma_wait3A_818 = arith.constant 0 : i32
      %dma_wait3A_819 = tpu.memref_slice %arg6[%add3A_658, %arg1, %dma_wait3A_818] : memref<32x16x640xf32, #tpu.memory_space<hbm>> -> memref<1x1x640xf32, #tpu.memory_space<hbm>>
      %dma_wait3A_820 = tpu.memref_squeeze %dma_wait3A_819 : memref<1x1x640xf32, #tpu.memory_space<hbm>> -> memref<640xf32, #tpu.memory_space<hbm>>
      %dma_wait3A_821 = arith.constant 0 : i32
      %dma_wait3A_822 = tpu.memref_slice %arg6[%add3A_658, %arg1, %dma_wait3A_821] : memref<32x16x640xf32, #tpu.memory_space<hbm>> -> memref<1x1x640xf32, #tpu.memory_space<hbm>>
      %dma_wait3A_823 = tpu.memref_squeeze %dma_wait3A_822 : memref<1x1x640xf32, #tpu.memory_space<hbm>> -> memref<640xf32, #tpu.memory_space<hbm>>
      %dma_wait3A_824 = arith.constant 0 : i32
      %dma_wait3A_825 = tpu.memref_slice %arg14[%run_scoped3A_659, %dma_wait3A_824] : memref<8x640xf32, #tpu.memory_space<vmem>> -> memref<1x640xf32, #tpu.memory_space<vmem>>
      %dma_wait3A_826 = tpu.memref_squeeze %dma_wait3A_825 : memref<1x640xf32, #tpu.memory_space<vmem>> -> memref<640xf32, #tpu.memory_space<vmem>>
      tpu.wait_dma2 semaphore(%run_scoped3A_802 : memref<!tpu.dma_semaphore, #tpu.memory_space<semaphore_mem>>) src(%dma_wait3A_826 : memref<640xf32, #tpu.memory_space<vmem>>) dst(%dma_wait3A_823 : memref<640xf32, #tpu.memory_space<hbm>>)
      tpu.yield
    }) : () -> ()
    %scan3A_660 = arith.constant 0 : i32
    %scan3A_661 = arith.constant 40 : i32
    %scan3A_662 = arith.addi %scan3A_660, %scan3A_661 : i32
    %scan3A_663 = arith.constant 1 : i32
    scf.for %scan3A_802 = %scan3A_660 to %scan3A_662 step %scan3A_663  : i32 {
      %mul3A_803 = arith.constant 1 : i32
      %mul3A_804 = arith.muli %scan3A_802, %mul3A_803 : i32
      %add3A_805 = arith.constant 0 : i32
      %add3A_806 = arith.addi %add3A_805, %mul3A_804 : i32
      %mul3A_807 = arith.constant 16 : i32
      %mul3A_808 = arith.muli %add3A_806, %mul3A_807 : i32
      %add3A_809 = vector.broadcast %mul3A_808 : i32 to vector<16xi32>
      %add3A_810 = arith.addi %add3A_809, %iota3A : vector<16xi32>
      %broadcast_in_dim3A = arith.constant 6 : i32
      %broadcast_in_dim3A_811 = vector.broadcast %broadcast_in_dim3A : i32 to vector<16xi32>
      %gather3A = tpu.vector_load_idx %arg17[%add3A_810, %broadcast_in_dim3A_811] : memref<640x8xf32, #tpu.memory_space<vmem>>[vector<16xi32>, vector<16xi32>], vector<16xf32>,
      %mul3A_812 = arith.constant 16 : i32
      %mul3A_813 = arith.muli %add3A_806, %mul3A_812 : i32
      %swap3A_814 = arith.constant 6 : i32
      %swap3A_815 = arith.index_cast %swap3A_814 : i32 to index
      %swap3A_816 = arith.index_cast %mul3A_813 : i32 to index
      %swap3A_817 = tpu.vector_load %arg14[%swap3A_815, %swap3A_816] {strides = array<i32>} : memref<8x640xf32, #tpu.memory_space<vmem>>, vector<16xf32>,
      tpu.vector_store %arg14[%swap3A_815, %swap3A_816], %gather3A {strides = array<i32>} : memref<8x640xf32, #tpu.memory_space<vmem>>, vector<16xf32>,
    }
    %scan3A_664 = arith.constant 40 : i32
    %mul3A_665 = arith.constant 2 : i32
    %mul3A_666 = arith.muli %arg0, %mul3A_665 : i32
    %add3A_667 = arith.constant 0 : i32
    %add3A_668 = arith.addi %mul3A_666, %add3A_667 : i32
    %mul3A_669 = arith.constant 8 : i32
    %mul3A_670 = arith.muli %add3A_668, %mul3A_669 : i32
    %add3A_671 = arith.constant 6 : i32
    %add3A_672 = arith.addi %mul3A_670, %add3A_671 : i32
    %run_scoped3A_673 = arith.constant 6 : i32
    "tpu.region"() ({
      %run_scoped3A_802 = tpu.sem_alloc : memref<!tpu.dma_semaphore, #tpu.memory_space<semaphore_mem>>
      %dma_start3A_803 = arith.constant 0 : i32
      %dma_start3A_804 = tpu.memref_slice %arg14[%run_scoped3A_673, %dma_start3A_803] : memref<8x640xf32, #tpu.memory_space<vmem>> -> memref<1x640xf32, #tpu.memory_space<vmem>>
      %dma_start3A_805 = tpu.memref_squeeze %dma_start3A_804 : memref<1x640xf32, #tpu.memory_space<vmem>> -> memref<640xf32, #tpu.memory_space<vmem>>
      %dma_start3A_806 = arith.constant 0 : i32
      %dma_start3A_807 = tpu.memref_slice %arg6[%add3A_672, %arg1, %dma_start3A_806] : memref<32x16x640xf32, #tpu.memory_space<hbm>> -> memref<1x1x640xf32, #tpu.memory_space<hbm>>
      %dma_start3A_808 = tpu.memref_squeeze %dma_start3A_807 : memref<1x1x640xf32, #tpu.memory_space<hbm>> -> memref<640xf32, #tpu.memory_space<hbm>>
      %dma_start3A_809 = arith.constant 0 : i32
      %dma_start3A_810 = tpu.memref_slice %arg6[%add3A_672, %arg1, %dma_start3A_809] : memref<32x16x640xf32, #tpu.memory_space<hbm>> -> memref<1x1x640xf32, #tpu.memory_space<hbm>>
      %dma_start3A_811 = tpu.memref_squeeze %dma_start3A_810 : memref<1x1x640xf32, #tpu.memory_space<hbm>> -> memref<640xf32, #tpu.memory_space<hbm>>
      %dma_start3A_812 = arith.constant 0 : i32
      %dma_start3A_813 = tpu.memref_slice %arg14[%run_scoped3A_673, %dma_start3A_812] : memref<8x640xf32, #tpu.memory_space<vmem>> -> memref<1x640xf32, #tpu.memory_space<vmem>>
      %dma_start3A_814 = tpu.memref_squeeze %dma_start3A_813 : memref<1x640xf32, #tpu.memory_space<vmem>> -> memref<640xf32, #tpu.memory_space<vmem>>
      tpu.enqueue_dma source(%dma_start3A_814 : memref<640xf32, #tpu.memory_space<vmem>>) target(%dma_start3A_811 : memref<640xf32, #tpu.memory_space<hbm>>) target_semaphore(%run_scoped3A_802 : memref<!tpu.dma_semaphore, #tpu.memory_space<semaphore_mem>>)
      %dma_wait3A_815 = arith.constant 0 : i32
      %dma_wait3A_816 = tpu.memref_slice %arg14[%run_scoped3A_673, %dma_wait3A_815] : memref<8x640xf32, #tpu.memory_space<vmem>> -> memref<1x640xf32, #tpu.memory_space<vmem>>
      %dma_wait3A_817 = tpu.memref_squeeze %dma_wait3A_816 : memref<1x640xf32, #tpu.memory_space<vmem>> -> memref<640xf32, #tpu.memory_space<vmem>>
      %dma_wait3A_818 = arith.constant 0 : i32
      %dma_wait3A_819 = tpu.memref_slice %arg6[%add3A_672, %arg1, %dma_wait3A_818] : memref<32x16x640xf32, #tpu.memory_space<hbm>> -> memref<1x1x640xf32, #tpu.memory_space<hbm>>
      %dma_wait3A_820 = tpu.memref_squeeze %dma_wait3A_819 : memref<1x1x640xf32, #tpu.memory_space<hbm>> -> memref<640xf32, #tpu.memory_space<hbm>>
      %dma_wait3A_821 = arith.constant 0 : i32
      %dma_wait3A_822 = tpu.memref_slice %arg6[%add3A_672, %arg1, %dma_wait3A_821] : memref<32x16x640xf32, #tpu.memory_space<hbm>> -> memref<1x1x640xf32, #tpu.memory_space<hbm>>
      %dma_wait3A_823 = tpu.memref_squeeze %dma_wait3A_822 : memref<1x1x640xf32, #tpu.memory_space<hbm>> -> memref<640xf32, #tpu.memory_space<hbm>>
      %dma_wait3A_824 = arith.constant 0 : i32
      %dma_wait3A_825 = tpu.memref_slice %arg14[%run_scoped3A_673, %dma_wait3A_824] : memref<8x640xf32, #tpu.memory_space<vmem>> -> memref<1x640xf32, #tpu.memory_space<vmem>>
      %dma_wait3A_826 = tpu.memref_squeeze %dma_wait3A_825 : memref<1x640xf32, #tpu.memory_space<vmem>> -> memref<640xf32, #tpu.memory_space<vmem>>
      tpu.wait_dma2 semaphore(%run_scoped3A_802 : memref<!tpu.dma_semaphore, #tpu.memory_space<semaphore_mem>>) src(%dma_wait3A_826 : memref<640xf32, #tpu.memory_space<vmem>>) dst(%dma_wait3A_823 : memref<640xf32, #tpu.memory_space<hbm>>)
      tpu.yield
    }) : () -> ()
    %scan3A_674 = arith.constant 0 : i32
    %scan3A_675 = arith.constant 40 : i32
    %scan3A_676 = arith.addi %scan3A_674, %scan3A_675 : i32
    %scan3A_677 = arith.constant 1 : i32
    scf.for %scan3A_802 = %scan3A_674 to %scan3A_676 step %scan3A_677  : i32 {
      %mul3A_803 = arith.constant 1 : i32
      %mul3A_804 = arith.muli %scan3A_802, %mul3A_803 : i32
      %add3A_805 = arith.constant 0 : i32
      %add3A_806 = arith.addi %add3A_805, %mul3A_804 : i32
      %mul3A_807 = arith.constant 16 : i32
      %mul3A_808 = arith.muli %add3A_806, %mul3A_807 : i32
      %add3A_809 = vector.broadcast %mul3A_808 : i32 to vector<16xi32>
      %add3A_810 = arith.addi %add3A_809, %iota3A : vector<16xi32>
      %broadcast_in_dim3A = arith.constant 7 : i32
      %broadcast_in_dim3A_811 = vector.broadcast %broadcast_in_dim3A : i32 to vector<16xi32>
      %gather3A = tpu.vector_load_idx %arg17[%add3A_810, %broadcast_in_dim3A_811] : memref<640x8xf32, #tpu.memory_space<vmem>>[vector<16xi32>, vector<16xi32>], vector<16xf32>,
      %mul3A_812 = arith.constant 16 : i32
      %mul3A_813 = arith.muli %add3A_806, %mul3A_812 : i32
      %swap3A_814 = arith.constant 7 : i32
      %swap3A_815 = arith.index_cast %swap3A_814 : i32 to index
      %swap3A_816 = arith.index_cast %mul3A_813 : i32 to index
      %swap3A_817 = tpu.vector_load %arg14[%swap3A_815, %swap3A_816] {strides = array<i32>} : memref<8x640xf32, #tpu.memory_space<vmem>>, vector<16xf32>,
      tpu.vector_store %arg14[%swap3A_815, %swap3A_816], %gather3A {strides = array<i32>} : memref<8x640xf32, #tpu.memory_space<vmem>>, vector<16xf32>,
    }
    %scan3A_678 = arith.constant 40 : i32
    %mul3A_679 = arith.constant 2 : i32
    %mul3A_680 = arith.muli %arg0, %mul3A_679 : i32
    %add3A_681 = arith.constant 0 : i32
    %add3A_682 = arith.addi %mul3A_680, %add3A_681 : i32
    %mul3A_683 = arith.constant 8 : i32
    %mul3A_684 = arith.muli %add3A_682, %mul3A_683 : i32
    %add3A_685 = arith.constant 7 : i32
    %add3A_686 = arith.addi %mul3A_684, %add3A_685 : i32
    %run_scoped3A_687 = arith.constant 7 : i32
    "tpu.region"() ({
      %run_scoped3A_802 = tpu.sem_alloc : memref<!tpu.dma_semaphore, #tpu.memory_space<semaphore_mem>>
      %dma_start3A_803 = arith.constant 0 : i32
      %dma_start3A_804 = tpu.memref_slice %arg14[%run_scoped3A_687, %dma_start3A_803] : memref<8x640xf32, #tpu.memory_space<vmem>> -> memref<1x640xf32, #tpu.memory_space<vmem>>
      %dma_start3A_805 = tpu.memref_squeeze %dma_start3A_804 : memref<1x640xf32, #tpu.memory_space<vmem>> -> memref<640xf32, #tpu.memory_space<vmem>>
      %dma_start3A_806 = arith.constant 0 : i32
      %dma_start3A_807 = tpu.memref_slice %arg6[%add3A_686, %arg1, %dma_start3A_806] : memref<32x16x640xf32, #tpu.memory_space<hbm>> -> memref<1x1x640xf32, #tpu.memory_space<hbm>>
      %dma_start3A_808 = tpu.memref_squeeze %dma_start3A_807 : memref<1x1x640xf32, #tpu.memory_space<hbm>> -> memref<640xf32, #tpu.memory_space<hbm>>
      %dma_start3A_809 = arith.constant 0 : i32
      %dma_start3A_810 = tpu.memref_slice %arg6[%add3A_686, %arg1, %dma_start3A_809] : memref<32x16x640xf32, #tpu.memory_space<hbm>> -> memref<1x1x640xf32, #tpu.memory_space<hbm>>
      %dma_start3A_811 = tpu.memref_squeeze %dma_start3A_810 : memref<1x1x640xf32, #tpu.memory_space<hbm>> -> memref<640xf32, #tpu.memory_space<hbm>>
      %dma_start3A_812 = arith.constant 0 : i32
      %dma_start3A_813 = tpu.memref_slice %arg14[%run_scoped3A_687, %dma_start3A_812] : memref<8x640xf32, #tpu.memory_space<vmem>> -> memref<1x640xf32, #tpu.memory_space<vmem>>
      %dma_start3A_814 = tpu.memref_squeeze %dma_start3A_813 : memref<1x640xf32, #tpu.memory_space<vmem>> -> memref<640xf32, #tpu.memory_space<vmem>>
      tpu.enqueue_dma source(%dma_start3A_814 : memref<640xf32, #tpu.memory_space<vmem>>) target(%dma_start3A_811 : memref<640xf32, #tpu.memory_space<hbm>>) target_semaphore(%run_scoped3A_802 : memref<!tpu.dma_semaphore, #tpu.memory_space<semaphore_mem>>)
      %dma_wait3A_815 = arith.constant 0 : i32
      %dma_wait3A_816 = tpu.memref_slice %arg14[%run_scoped3A_687, %dma_wait3A_815] : memref<8x640xf32, #tpu.memory_space<vmem>> -> memref<1x640xf32, #tpu.memory_space<vmem>>
      %dma_wait3A_817 = tpu.memref_squeeze %dma_wait3A_816 : memref<1x640xf32, #tpu.memory_space<vmem>> -> memref<640xf32, #tpu.memory_space<vmem>>
      %dma_wait3A_818 = arith.constant 0 : i32
      %dma_wait3A_819 = tpu.memref_slice %arg6[%add3A_686, %arg1, %dma_wait3A_818] : memref<32x16x640xf32, #tpu.memory_space<hbm>> -> memref<1x1x640xf32, #tpu.memory_space<hbm>>
      %dma_wait3A_820 = tpu.memref_squeeze %dma_wait3A_819 : memref<1x1x640xf32, #tpu.memory_space<hbm>> -> memref<640xf32, #tpu.memory_space<hbm>>
      %dma_wait3A_821 = arith.constant 0 : i32
      %dma_wait3A_822 = tpu.memref_slice %arg6[%add3A_686, %arg1, %dma_wait3A_821] : memref<32x16x640xf32, #tpu.memory_space<hbm>> -> memref<1x1x640xf32, #tpu.memory_space<hbm>>
      %dma_wait3A_823 = tpu.memref_squeeze %dma_wait3A_822 : memref<1x1x640xf32, #tpu.memory_space<hbm>> -> memref<640xf32, #tpu.memory_space<hbm>>
      %dma_wait3A_824 = arith.constant 0 : i32
      %dma_wait3A_825 = tpu.memref_slice %arg14[%run_scoped3A_687, %dma_wait3A_824] : memref<8x640xf32, #tpu.memory_space<vmem>> -> memref<1x640xf32, #tpu.memory_space<vmem>>
      %dma_wait3A_826 = tpu.memref_squeeze %dma_wait3A_825 : memref<1x640xf32, #tpu.memory_space<vmem>> -> memref<640xf32, #tpu.memory_space<vmem>>
      tpu.wait_dma2 semaphore(%run_scoped3A_802 : memref<!tpu.dma_semaphore, #tpu.memory_space<semaphore_mem>>) src(%dma_wait3A_826 : memref<640xf32, #tpu.memory_space<vmem>>) dst(%dma_wait3A_823 : memref<640xf32, #tpu.memory_space<hbm>>)
      tpu.yield
    }) : () -> ()
    %mul3A_688 = arith.constant 640 : i32
    %mul3A_689 = arith.muli %arg1, %mul3A_688 : i32
    "tpu.region"() ({
      %run_scoped3A_802 = tpu.sem_alloc : memref<!tpu.dma_semaphore, #tpu.memory_space<semaphore_mem>>
      %dma_start3A_803 = arith.constant 0 : i32
      %dma_start3A_804 = tpu.memref_slice %arg16[%mul3A_689, %dma_start3A_803] : memref<10240x8xf32, #tpu.memory_space<vmem_shared>> -> memref<640x8xf32, #tpu.memory_space<vmem_shared>>
      %dma_start3A_805 = arith.constant 0 : i32
      %dma_start3A_806 = tpu.memref_slice %arg16[%mul3A_689, %dma_start3A_805] : memref<10240x8xf32, #tpu.memory_space<vmem_shared>> -> memref<640x8xf32, #tpu.memory_space<vmem_shared>>
      tpu.enqueue_dma source(%dma_start3A_806 : memref<640x8xf32, #tpu.memory_space<vmem_shared>>) target(%arg17 : memref<640x8xf32, #tpu.memory_space<vmem>>) target_semaphore(%run_scoped3A_802 : memref<!tpu.dma_semaphore, #tpu.memory_space<semaphore_mem>>)
      %dma_wait3A_807 = arith.constant 0 : i32
      %dma_wait3A_808 = tpu.memref_slice %arg16[%mul3A_689, %dma_wait3A_807] : memref<10240x8xf32, #tpu.memory_space<vmem_shared>> -> memref<640x8xf32, #tpu.memory_space<vmem_shared>>
      %dma_wait3A_809 = arith.constant 0 : i32
      %dma_wait3A_810 = tpu.memref_slice %arg16[%mul3A_689, %dma_wait3A_809] : memref<10240x8xf32, #tpu.memory_space<vmem_shared>> -> memref<640x8xf32, #tpu.memory_space<vmem_shared>>
      tpu.wait_dma2 semaphore(%run_scoped3A_802 : memref<!tpu.dma_semaphore, #tpu.memory_space<semaphore_mem>>) src(%dma_wait3A_810 : memref<640x8xf32, #tpu.memory_space<vmem_shared>>) dst(%arg17 : memref<640x8xf32, #tpu.memory_space<vmem>>)
      tpu.yield
    }) : () -> ()
    %scan3A_690 = arith.constant 0 : i32
    %scan3A_691 = arith.constant 40 : i32
    %scan3A_692 = arith.addi %scan3A_690, %scan3A_691 : i32
    %scan3A_693 = arith.constant 1 : i32
    scf.for %scan3A_802 = %scan3A_690 to %scan3A_692 step %scan3A_693  : i32 {
      %mul3A_803 = arith.constant 1 : i32
      %mul3A_804 = arith.muli %scan3A_802, %mul3A_803 : i32
      %add3A_805 = arith.constant 0 : i32
      %add3A_806 = arith.addi %add3A_805, %mul3A_804 : i32
      %mul3A_807 = arith.constant 16 : i32
      %mul3A_808 = arith.muli %add3A_806, %mul3A_807 : i32
      %add3A_809 = vector.broadcast %mul3A_808 : i32 to vector<16xi32>
      %add3A_810 = arith.addi %add3A_809, %iota3A : vector<16xi32>
      %broadcast_in_dim3A = arith.constant 0 : i32
      %broadcast_in_dim3A_811 = vector.broadcast %broadcast_in_dim3A : i32 to vector<16xi32>
      %gather3A = tpu.vector_load_idx %arg17[%add3A_810, %broadcast_in_dim3A_811] : memref<640x8xf32, #tpu.memory_space<vmem>>[vector<16xi32>, vector<16xi32>], vector<16xf32>,
      %mul3A_812 = arith.constant 16 : i32
      %mul3A_813 = arith.muli %add3A_806, %mul3A_812 : i32
      %swap3A_814 = arith.constant 0 : i32
      %swap3A_815 = arith.index_cast %swap3A_814 : i32 to index
      %swap3A_816 = arith.index_cast %mul3A_813 : i32 to index
      %swap3A_817 = tpu.vector_load %arg14[%swap3A_815, %swap3A_816] {strides = array<i32>} : memref<8x640xf32, #tpu.memory_space<vmem>>, vector<16xf32>,
      tpu.vector_store %arg14[%swap3A_815, %swap3A_816], %gather3A {strides = array<i32>} : memref<8x640xf32, #tpu.memory_space<vmem>>, vector<16xf32>,
    }
    %scan3A_694 = arith.constant 40 : i32
    %mul3A_695 = arith.constant 2 : i32
    %mul3A_696 = arith.muli %arg0, %mul3A_695 : i32
    %add3A_697 = arith.constant 1 : i32
    %add3A_698 = arith.addi %mul3A_696, %add3A_697 : i32
    %mul3A_699 = arith.constant 8 : i32
    %mul3A_700 = arith.muli %add3A_698, %mul3A_699 : i32
    %add3A_701 = arith.constant 0 : i32
    %add3A_702 = arith.addi %mul3A_700, %add3A_701 : i32
    %run_scoped3A_703 = arith.constant 0 : i32
    "tpu.region"() ({
      %run_scoped3A_802 = tpu.sem_alloc : memref<!tpu.dma_semaphore, #tpu.memory_space<semaphore_mem>>
      %dma_start3A_803 = arith.constant 0 : i32
      %dma_start3A_804 = tpu.memref_slice %arg14[%run_scoped3A_703, %dma_start3A_803] : memref<8x640xf32, #tpu.memory_space<vmem>> -> memref<1x640xf32, #tpu.memory_space<vmem>>
      %dma_start3A_805 = tpu.memref_squeeze %dma_start3A_804 : memref<1x640xf32, #tpu.memory_space<vmem>> -> memref<640xf32, #tpu.memory_space<vmem>>
      %dma_start3A_806 = arith.constant 0 : i32
      %dma_start3A_807 = tpu.memref_slice %arg6[%add3A_702, %arg1, %dma_start3A_806] : memref<32x16x640xf32, #tpu.memory_space<hbm>> -> memref<1x1x640xf32, #tpu.memory_space<hbm>>
      %dma_start3A_808 = tpu.memref_squeeze %dma_start3A_807 : memref<1x1x640xf32, #tpu.memory_space<hbm>> -> memref<640xf32, #tpu.memory_space<hbm>>
      %dma_start3A_809 = arith.constant 0 : i32
      %dma_start3A_810 = tpu.memref_slice %arg6[%add3A_702, %arg1, %dma_start3A_809] : memref<32x16x640xf32, #tpu.memory_space<hbm>> -> memref<1x1x640xf32, #tpu.memory_space<hbm>>
      %dma_start3A_811 = tpu.memref_squeeze %dma_start3A_810 : memref<1x1x640xf32, #tpu.memory_space<hbm>> -> memref<640xf32, #tpu.memory_space<hbm>>
      %dma_start3A_812 = arith.constant 0 : i32
      %dma_start3A_813 = tpu.memref_slice %arg14[%run_scoped3A_703, %dma_start3A_812] : memref<8x640xf32, #tpu.memory_space<vmem>> -> memref<1x640xf32, #tpu.memory_space<vmem>>
      %dma_start3A_814 = tpu.memref_squeeze %dma_start3A_813 : memref<1x640xf32, #tpu.memory_space<vmem>> -> memref<640xf32, #tpu.memory_space<vmem>>
      tpu.enqueue_dma source(%dma_start3A_814 : memref<640xf32, #tpu.memory_space<vmem>>) target(%dma_start3A_811 : memref<640xf32, #tpu.memory_space<hbm>>) target_semaphore(%run_scoped3A_802 : memref<!tpu.dma_semaphore, #tpu.memory_space<semaphore_mem>>)
      %dma_wait3A_815 = arith.constant 0 : i32
      %dma_wait3A_816 = tpu.memref_slice %arg14[%run_scoped3A_703, %dma_wait3A_815] : memref<8x640xf32, #tpu.memory_space<vmem>> -> memref<1x640xf32, #tpu.memory_space<vmem>>
      %dma_wait3A_817 = tpu.memref_squeeze %dma_wait3A_816 : memref<1x640xf32, #tpu.memory_space<vmem>> -> memref<640xf32, #tpu.memory_space<vmem>>
      %dma_wait3A_818 = arith.constant 0 : i32
      %dma_wait3A_819 = tpu.memref_slice %arg6[%add3A_702, %arg1, %dma_wait3A_818] : memref<32x16x640xf32, #tpu.memory_space<hbm>> -> memref<1x1x640xf32, #tpu.memory_space<hbm>>
      %dma_wait3A_820 = tpu.memref_squeeze %dma_wait3A_819 : memref<1x1x640xf32, #tpu.memory_space<hbm>> -> memref<640xf32, #tpu.memory_space<hbm>>
      %dma_wait3A_821 = arith.constant 0 : i32
      %dma_wait3A_822 = tpu.memref_slice %arg6[%add3A_702, %arg1, %dma_wait3A_821] : memref<32x16x640xf32, #tpu.memory_space<hbm>> -> memref<1x1x640xf32, #tpu.memory_space<hbm>>
      %dma_wait3A_823 = tpu.memref_squeeze %dma_wait3A_822 : memref<1x1x640xf32, #tpu.memory_space<hbm>> -> memref<640xf32, #tpu.memory_space<hbm>>
      %dma_wait3A_824 = arith.constant 0 : i32
      %dma_wait3A_825 = tpu.memref_slice %arg14[%run_scoped3A_703, %dma_wait3A_824] : memref<8x640xf32, #tpu.memory_space<vmem>> -> memref<1x640xf32, #tpu.memory_space<vmem>>
      %dma_wait3A_826 = tpu.memref_squeeze %dma_wait3A_825 : memref<1x640xf32, #tpu.memory_space<vmem>> -> memref<640xf32, #tpu.memory_space<vmem>>
      tpu.wait_dma2 semaphore(%run_scoped3A_802 : memref<!tpu.dma_semaphore, #tpu.memory_space<semaphore_mem>>) src(%dma_wait3A_826 : memref<640xf32, #tpu.memory_space<vmem>>) dst(%dma_wait3A_823 : memref<640xf32, #tpu.memory_space<hbm>>)
      tpu.yield
    }) : () -> ()
    %scan3A_704 = arith.constant 0 : i32
    %scan3A_705 = arith.constant 40 : i32
    %scan3A_706 = arith.addi %scan3A_704, %scan3A_705 : i32
    %scan3A_707 = arith.constant 1 : i32
    scf.for %scan3A_802 = %scan3A_704 to %scan3A_706 step %scan3A_707  : i32 {
      %mul3A_803 = arith.constant 1 : i32
      %mul3A_804 = arith.muli %scan3A_802, %mul3A_803 : i32
      %add3A_805 = arith.constant 0 : i32
      %add3A_806 = arith.addi %add3A_805, %mul3A_804 : i32
      %mul3A_807 = arith.constant 16 : i32
      %mul3A_808 = arith.muli %add3A_806, %mul3A_807 : i32
      %add3A_809 = vector.broadcast %mul3A_808 : i32 to vector<16xi32>
      %add3A_810 = arith.addi %add3A_809, %iota3A : vector<16xi32>
      %broadcast_in_dim3A = arith.constant 1 : i32
      %broadcast_in_dim3A_811 = vector.broadcast %broadcast_in_dim3A : i32 to vector<16xi32>
      %gather3A = tpu.vector_load_idx %arg17[%add3A_810, %broadcast_in_dim3A_811] : memref<640x8xf32, #tpu.memory_space<vmem>>[vector<16xi32>, vector<16xi32>], vector<16xf32>,
      %mul3A_812 = arith.constant 16 : i32
      %mul3A_813 = arith.muli %add3A_806, %mul3A_812 : i32
      %swap3A_814 = arith.constant 1 : i32
      %swap3A_815 = arith.index_cast %swap3A_814 : i32 to index
      %swap3A_816 = arith.index_cast %mul3A_813 : i32 to index
      %swap3A_817 = tpu.vector_load %arg14[%swap3A_815, %swap3A_816] {strides = array<i32>} : memref<8x640xf32, #tpu.memory_space<vmem>>, vector<16xf32>,
      tpu.vector_store %arg14[%swap3A_815, %swap3A_816], %gather3A {strides = array<i32>} : memref<8x640xf32, #tpu.memory_space<vmem>>, vector<16xf32>,
    }
    %scan3A_708 = arith.constant 40 : i32
    %mul3A_709 = arith.constant 2 : i32
    %mul3A_710 = arith.muli %arg0, %mul3A_709 : i32
    %add3A_711 = arith.constant 1 : i32
    %add3A_712 = arith.addi %mul3A_710, %add3A_711 : i32
    %mul3A_713 = arith.constant 8 : i32
    %mul3A_714 = arith.muli %add3A_712, %mul3A_713 : i32
    %add3A_715 = arith.constant 1 : i32
    %add3A_716 = arith.addi %mul3A_714, %add3A_715 : i32
    %run_scoped3A_717 = arith.constant 1 : i32
    "tpu.region"() ({
      %run_scoped3A_802 = tpu.sem_alloc : memref<!tpu.dma_semaphore, #tpu.memory_space<semaphore_mem>>
      %dma_start3A_803 = arith.constant 0 : i32
      %dma_start3A_804 = tpu.memref_slice %arg14[%run_scoped3A_717, %dma_start3A_803] : memref<8x640xf32, #tpu.memory_space<vmem>> -> memref<1x640xf32, #tpu.memory_space<vmem>>
      %dma_start3A_805 = tpu.memref_squeeze %dma_start3A_804 : memref<1x640xf32, #tpu.memory_space<vmem>> -> memref<640xf32, #tpu.memory_space<vmem>>
      %dma_start3A_806 = arith.constant 0 : i32
      %dma_start3A_807 = tpu.memref_slice %arg6[%add3A_716, %arg1, %dma_start3A_806] : memref<32x16x640xf32, #tpu.memory_space<hbm>> -> memref<1x1x640xf32, #tpu.memory_space<hbm>>
      %dma_start3A_808 = tpu.memref_squeeze %dma_start3A_807 : memref<1x1x640xf32, #tpu.memory_space<hbm>> -> memref<640xf32, #tpu.memory_space<hbm>>
      %dma_start3A_809 = arith.constant 0 : i32
      %dma_start3A_810 = tpu.memref_slice %arg6[%add3A_716, %arg1, %dma_start3A_809] : memref<32x16x640xf32, #tpu.memory_space<hbm>> -> memref<1x1x640xf32, #tpu.memory_space<hbm>>
      %dma_start3A_811 = tpu.memref_squeeze %dma_start3A_810 : memref<1x1x640xf32, #tpu.memory_space<hbm>> -> memref<640xf32, #tpu.memory_space<hbm>>
      %dma_start3A_812 = arith.constant 0 : i32
      %dma_start3A_813 = tpu.memref_slice %arg14[%run_scoped3A_717, %dma_start3A_812] : memref<8x640xf32, #tpu.memory_space<vmem>> -> memref<1x640xf32, #tpu.memory_space<vmem>>
      %dma_start3A_814 = tpu.memref_squeeze %dma_start3A_813 : memref<1x640xf32, #tpu.memory_space<vmem>> -> memref<640xf32, #tpu.memory_space<vmem>>
      tpu.enqueue_dma source(%dma_start3A_814 : memref<640xf32, #tpu.memory_space<vmem>>) target(%dma_start3A_811 : memref<640xf32, #tpu.memory_space<hbm>>) target_semaphore(%run_scoped3A_802 : memref<!tpu.dma_semaphore, #tpu.memory_space<semaphore_mem>>)
      %dma_wait3A_815 = arith.constant 0 : i32
      %dma_wait3A_816 = tpu.memref_slice %arg14[%run_scoped3A_717, %dma_wait3A_815] : memref<8x640xf32, #tpu.memory_space<vmem>> -> memref<1x640xf32, #tpu.memory_space<vmem>>
      %dma_wait3A_817 = tpu.memref_squeeze %dma_wait3A_816 : memref<1x640xf32, #tpu.memory_space<vmem>> -> memref<640xf32, #tpu.memory_space<vmem>>
      %dma_wait3A_818 = arith.constant 0 : i32
      %dma_wait3A_819 = tpu.memref_slice %arg6[%add3A_716, %arg1, %dma_wait3A_818] : memref<32x16x640xf32, #tpu.memory_space<hbm>> -> memref<1x1x640xf32, #tpu.memory_space<hbm>>
      %dma_wait3A_820 = tpu.memref_squeeze %dma_wait3A_819 : memref<1x1x640xf32, #tpu.memory_space<hbm>> -> memref<640xf32, #tpu.memory_space<hbm>>
      %dma_wait3A_821 = arith.constant 0 : i32
      %dma_wait3A_822 = tpu.memref_slice %arg6[%add3A_716, %arg1, %dma_wait3A_821] : memref<32x16x640xf32, #tpu.memory_space<hbm>> -> memref<1x1x640xf32, #tpu.memory_space<hbm>>
      %dma_wait3A_823 = tpu.memref_squeeze %dma_wait3A_822 : memref<1x1x640xf32, #tpu.memory_space<hbm>> -> memref<640xf32, #tpu.memory_space<hbm>>
      %dma_wait3A_824 = arith.constant 0 : i32
      %dma_wait3A_825 = tpu.memref_slice %arg14[%run_scoped3A_717, %dma_wait3A_824] : memref<8x640xf32, #tpu.memory_space<vmem>> -> memref<1x640xf32, #tpu.memory_space<vmem>>
      %dma_wait3A_826 = tpu.memref_squeeze %dma_wait3A_825 : memref<1x640xf32, #tpu.memory_space<vmem>> -> memref<640xf32, #tpu.memory_space<vmem>>
      tpu.wait_dma2 semaphore(%run_scoped3A_802 : memref<!tpu.dma_semaphore, #tpu.memory_space<semaphore_mem>>) src(%dma_wait3A_826 : memref<640xf32, #tpu.memory_space<vmem>>) dst(%dma_wait3A_823 : memref<640xf32, #tpu.memory_space<hbm>>)
      tpu.yield
    }) : () -> ()
    %scan3A_718 = arith.constant 0 : i32
    %scan3A_719 = arith.constant 40 : i32
    %scan3A_720 = arith.addi %scan3A_718, %scan3A_719 : i32
    %scan3A_721 = arith.constant 1 : i32
    scf.for %scan3A_802 = %scan3A_718 to %scan3A_720 step %scan3A_721  : i32 {
      %mul3A_803 = arith.constant 1 : i32
      %mul3A_804 = arith.muli %scan3A_802, %mul3A_803 : i32
      %add3A_805 = arith.constant 0 : i32
      %add3A_806 = arith.addi %add3A_805, %mul3A_804 : i32
      %mul3A_807 = arith.constant 16 : i32
      %mul3A_808 = arith.muli %add3A_806, %mul3A_807 : i32
      %add3A_809 = vector.broadcast %mul3A_808 : i32 to vector<16xi32>
      %add3A_810 = arith.addi %add3A_809, %iota3A : vector<16xi32>
      %broadcast_in_dim3A = arith.constant 2 : i32
      %broadcast_in_dim3A_811 = vector.broadcast %broadcast_in_dim3A : i32 to vector<16xi32>
      %gather3A = tpu.vector_load_idx %arg17[%add3A_810, %broadcast_in_dim3A_811] : memref<640x8xf32, #tpu.memory_space<vmem>>[vector<16xi32>, vector<16xi32>], vector<16xf32>,
      %mul3A_812 = arith.constant 16 : i32
      %mul3A_813 = arith.muli %add3A_806, %mul3A_812 : i32
      %swap3A_814 = arith.constant 2 : i32
      %swap3A_815 = arith.index_cast %swap3A_814 : i32 to index
      %swap3A_816 = arith.index_cast %mul3A_813 : i32 to index
      %swap3A_817 = tpu.vector_load %arg14[%swap3A_815, %swap3A_816] {strides = array<i32>} : memref<8x640xf32, #tpu.memory_space<vmem>>, vector<16xf32>,
      tpu.vector_store %arg14[%swap3A_815, %swap3A_816], %gather3A {strides = array<i32>} : memref<8x640xf32, #tpu.memory_space<vmem>>, vector<16xf32>,
    }
    %scan3A_722 = arith.constant 40 : i32
    %mul3A_723 = arith.constant 2 : i32
    %mul3A_724 = arith.muli %arg0, %mul3A_723 : i32
    %add3A_725 = arith.constant 1 : i32
    %add3A_726 = arith.addi %mul3A_724, %add3A_725 : i32
    %mul3A_727 = arith.constant 8 : i32
    %mul3A_728 = arith.muli %add3A_726, %mul3A_727 : i32
    %add3A_729 = arith.constant 2 : i32
    %add3A_730 = arith.addi %mul3A_728, %add3A_729 : i32
    %run_scoped3A_731 = arith.constant 2 : i32
    "tpu.region"() ({
      %run_scoped3A_802 = tpu.sem_alloc : memref<!tpu.dma_semaphore, #tpu.memory_space<semaphore_mem>>
      %dma_start3A_803 = arith.constant 0 : i32
      %dma_start3A_804 = tpu.memref_slice %arg14[%run_scoped3A_731, %dma_start3A_803] : memref<8x640xf32, #tpu.memory_space<vmem>> -> memref<1x640xf32, #tpu.memory_space<vmem>>
      %dma_start3A_805 = tpu.memref_squeeze %dma_start3A_804 : memref<1x640xf32, #tpu.memory_space<vmem>> -> memref<640xf32, #tpu.memory_space<vmem>>
      %dma_start3A_806 = arith.constant 0 : i32
      %dma_start3A_807 = tpu.memref_slice %arg6[%add3A_730, %arg1, %dma_start3A_806] : memref<32x16x640xf32, #tpu.memory_space<hbm>> -> memref<1x1x640xf32, #tpu.memory_space<hbm>>
      %dma_start3A_808 = tpu.memref_squeeze %dma_start3A_807 : memref<1x1x640xf32, #tpu.memory_space<hbm>> -> memref<640xf32, #tpu.memory_space<hbm>>
      %dma_start3A_809 = arith.constant 0 : i32
      %dma_start3A_810 = tpu.memref_slice %arg6[%add3A_730, %arg1, %dma_start3A_809] : memref<32x16x640xf32, #tpu.memory_space<hbm>> -> memref<1x1x640xf32, #tpu.memory_space<hbm>>
      %dma_start3A_811 = tpu.memref_squeeze %dma_start3A_810 : memref<1x1x640xf32, #tpu.memory_space<hbm>> -> memref<640xf32, #tpu.memory_space<hbm>>
      %dma_start3A_812 = arith.constant 0 : i32
      %dma_start3A_813 = tpu.memref_slice %arg14[%run_scoped3A_731, %dma_start3A_812] : memref<8x640xf32, #tpu.memory_space<vmem>> -> memref<1x640xf32, #tpu.memory_space<vmem>>
      %dma_start3A_814 = tpu.memref_squeeze %dma_start3A_813 : memref<1x640xf32, #tpu.memory_space<vmem>> -> memref<640xf32, #tpu.memory_space<vmem>>
      tpu.enqueue_dma source(%dma_start3A_814 : memref<640xf32, #tpu.memory_space<vmem>>) target(%dma_start3A_811 : memref<640xf32, #tpu.memory_space<hbm>>) target_semaphore(%run_scoped3A_802 : memref<!tpu.dma_semaphore, #tpu.memory_space<semaphore_mem>>)
      %dma_wait3A_815 = arith.constant 0 : i32
      %dma_wait3A_816 = tpu.memref_slice %arg14[%run_scoped3A_731, %dma_wait3A_815] : memref<8x640xf32, #tpu.memory_space<vmem>> -> memref<1x640xf32, #tpu.memory_space<vmem>>
      %dma_wait3A_817 = tpu.memref_squeeze %dma_wait3A_816 : memref<1x640xf32, #tpu.memory_space<vmem>> -> memref<640xf32, #tpu.memory_space<vmem>>
      %dma_wait3A_818 = arith.constant 0 : i32
      %dma_wait3A_819 = tpu.memref_slice %arg6[%add3A_730, %arg1, %dma_wait3A_818] : memref<32x16x640xf32, #tpu.memory_space<hbm>> -> memref<1x1x640xf32, #tpu.memory_space<hbm>>
      %dma_wait3A_820 = tpu.memref_squeeze %dma_wait3A_819 : memref<1x1x640xf32, #tpu.memory_space<hbm>> -> memref<640xf32, #tpu.memory_space<hbm>>
      %dma_wait3A_821 = arith.constant 0 : i32
      %dma_wait3A_822 = tpu.memref_slice %arg6[%add3A_730, %arg1, %dma_wait3A_821] : memref<32x16x640xf32, #tpu.memory_space<hbm>> -> memref<1x1x640xf32, #tpu.memory_space<hbm>>
      %dma_wait3A_823 = tpu.memref_squeeze %dma_wait3A_822 : memref<1x1x640xf32, #tpu.memory_space<hbm>> -> memref<640xf32, #tpu.memory_space<hbm>>
      %dma_wait3A_824 = arith.constant 0 : i32
      %dma_wait3A_825 = tpu.memref_slice %arg14[%run_scoped3A_731, %dma_wait3A_824] : memref<8x640xf32, #tpu.memory_space<vmem>> -> memref<1x640xf32, #tpu.memory_space<vmem>>
      %dma_wait3A_826 = tpu.memref_squeeze %dma_wait3A_825 : memref<1x640xf32, #tpu.memory_space<vmem>> -> memref<640xf32, #tpu.memory_space<vmem>>
      tpu.wait_dma2 semaphore(%run_scoped3A_802 : memref<!tpu.dma_semaphore, #tpu.memory_space<semaphore_mem>>) src(%dma_wait3A_826 : memref<640xf32, #tpu.memory_space<vmem>>) dst(%dma_wait3A_823 : memref<640xf32, #tpu.memory_space<hbm>>)
      tpu.yield
    }) : () -> ()
    %scan3A_732 = arith.constant 0 : i32
    %scan3A_733 = arith.constant 40 : i32
    %scan3A_734 = arith.addi %scan3A_732, %scan3A_733 : i32
    %scan3A_735 = arith.constant 1 : i32
    scf.for %scan3A_802 = %scan3A_732 to %scan3A_734 step %scan3A_735  : i32 {
      %mul3A_803 = arith.constant 1 : i32
      %mul3A_804 = arith.muli %scan3A_802, %mul3A_803 : i32
      %add3A_805 = arith.constant 0 : i32
      %add3A_806 = arith.addi %add3A_805, %mul3A_804 : i32
      %mul3A_807 = arith.constant 16 : i32
      %mul3A_808 = arith.muli %add3A_806, %mul3A_807 : i32
      %add3A_809 = vector.broadcast %mul3A_808 : i32 to vector<16xi32>
      %add3A_810 = arith.addi %add3A_809, %iota3A : vector<16xi32>
      %broadcast_in_dim3A = arith.constant 3 : i32
      %broadcast_in_dim3A_811 = vector.broadcast %broadcast_in_dim3A : i32 to vector<16xi32>
      %gather3A = tpu.vector_load_idx %arg17[%add3A_810, %broadcast_in_dim3A_811] : memref<640x8xf32, #tpu.memory_space<vmem>>[vector<16xi32>, vector<16xi32>], vector<16xf32>,
      %mul3A_812 = arith.constant 16 : i32
      %mul3A_813 = arith.muli %add3A_806, %mul3A_812 : i32
      %swap3A_814 = arith.constant 3 : i32
      %swap3A_815 = arith.index_cast %swap3A_814 : i32 to index
      %swap3A_816 = arith.index_cast %mul3A_813 : i32 to index
      %swap3A_817 = tpu.vector_load %arg14[%swap3A_815, %swap3A_816] {strides = array<i32>} : memref<8x640xf32, #tpu.memory_space<vmem>>, vector<16xf32>,
      tpu.vector_store %arg14[%swap3A_815, %swap3A_816], %gather3A {strides = array<i32>} : memref<8x640xf32, #tpu.memory_space<vmem>>, vector<16xf32>,
    }
    %scan3A_736 = arith.constant 40 : i32
    %mul3A_737 = arith.constant 2 : i32
    %mul3A_738 = arith.muli %arg0, %mul3A_737 : i32
    %add3A_739 = arith.constant 1 : i32
    %add3A_740 = arith.addi %mul3A_738, %add3A_739 : i32
    %mul3A_741 = arith.constant 8 : i32
    %mul3A_742 = arith.muli %add3A_740, %mul3A_741 : i32
    %add3A_743 = arith.constant 3 : i32
    %add3A_744 = arith.addi %mul3A_742, %add3A_743 : i32
    %run_scoped3A_745 = arith.constant 3 : i32
    "tpu.region"() ({
      %run_scoped3A_802 = tpu.sem_alloc : memref<!tpu.dma_semaphore, #tpu.memory_space<semaphore_mem>>
      %dma_start3A_803 = arith.constant 0 : i32
      %dma_start3A_804 = tpu.memref_slice %arg14[%run_scoped3A_745, %dma_start3A_803] : memref<8x640xf32, #tpu.memory_space<vmem>> -> memref<1x640xf32, #tpu.memory_space<vmem>>
      %dma_start3A_805 = tpu.memref_squeeze %dma_start3A_804 : memref<1x640xf32, #tpu.memory_space<vmem>> -> memref<640xf32, #tpu.memory_space<vmem>>
      %dma_start3A_806 = arith.constant 0 : i32
      %dma_start3A_807 = tpu.memref_slice %arg6[%add3A_744, %arg1, %dma_start3A_806] : memref<32x16x640xf32, #tpu.memory_space<hbm>> -> memref<1x1x640xf32, #tpu.memory_space<hbm>>
      %dma_start3A_808 = tpu.memref_squeeze %dma_start3A_807 : memref<1x1x640xf32, #tpu.memory_space<hbm>> -> memref<640xf32, #tpu.memory_space<hbm>>
      %dma_start3A_809 = arith.constant 0 : i32
      %dma_start3A_810 = tpu.memref_slice %arg6[%add3A_744, %arg1, %dma_start3A_809] : memref<32x16x640xf32, #tpu.memory_space<hbm>> -> memref<1x1x640xf32, #tpu.memory_space<hbm>>
      %dma_start3A_811 = tpu.memref_squeeze %dma_start3A_810 : memref<1x1x640xf32, #tpu.memory_space<hbm>> -> memref<640xf32, #tpu.memory_space<hbm>>
      %dma_start3A_812 = arith.constant 0 : i32
      %dma_start3A_813 = tpu.memref_slice %arg14[%run_scoped3A_745, %dma_start3A_812] : memref<8x640xf32, #tpu.memory_space<vmem>> -> memref<1x640xf32, #tpu.memory_space<vmem>>
      %dma_start3A_814 = tpu.memref_squeeze %dma_start3A_813 : memref<1x640xf32, #tpu.memory_space<vmem>> -> memref<640xf32, #tpu.memory_space<vmem>>
      tpu.enqueue_dma source(%dma_start3A_814 : memref<640xf32, #tpu.memory_space<vmem>>) target(%dma_start3A_811 : memref<640xf32, #tpu.memory_space<hbm>>) target_semaphore(%run_scoped3A_802 : memref<!tpu.dma_semaphore, #tpu.memory_space<semaphore_mem>>)
      %dma_wait3A_815 = arith.constant 0 : i32
      %dma_wait3A_816 = tpu.memref_slice %arg14[%run_scoped3A_745, %dma_wait3A_815] : memref<8x640xf32, #tpu.memory_space<vmem>> -> memref<1x640xf32, #tpu.memory_space<vmem>>
      %dma_wait3A_817 = tpu.memref_squeeze %dma_wait3A_816 : memref<1x640xf32, #tpu.memory_space<vmem>> -> memref<640xf32, #tpu.memory_space<vmem>>
      %dma_wait3A_818 = arith.constant 0 : i32
      %dma_wait3A_819 = tpu.memref_slice %arg6[%add3A_744, %arg1, %dma_wait3A_818] : memref<32x16x640xf32, #tpu.memory_space<hbm>> -> memref<1x1x640xf32, #tpu.memory_space<hbm>>
      %dma_wait3A_820 = tpu.memref_squeeze %dma_wait3A_819 : memref<1x1x640xf32, #tpu.memory_space<hbm>> -> memref<640xf32, #tpu.memory_space<hbm>>
      %dma_wait3A_821 = arith.constant 0 : i32
      %dma_wait3A_822 = tpu.memref_slice %arg6[%add3A_744, %arg1, %dma_wait3A_821] : memref<32x16x640xf32, #tpu.memory_space<hbm>> -> memref<1x1x640xf32, #tpu.memory_space<hbm>>
      %dma_wait3A_823 = tpu.memref_squeeze %dma_wait3A_822 : memref<1x1x640xf32, #tpu.memory_space<hbm>> -> memref<640xf32, #tpu.memory_space<hbm>>
      %dma_wait3A_824 = arith.constant 0 : i32
      %dma_wait3A_825 = tpu.memref_slice %arg14[%run_scoped3A_745, %dma_wait3A_824] : memref<8x640xf32, #tpu.memory_space<vmem>> -> memref<1x640xf32, #tpu.memory_space<vmem>>
      %dma_wait3A_826 = tpu.memref_squeeze %dma_wait3A_825 : memref<1x640xf32, #tpu.memory_space<vmem>> -> memref<640xf32, #tpu.memory_space<vmem>>
      tpu.wait_dma2 semaphore(%run_scoped3A_802 : memref<!tpu.dma_semaphore, #tpu.memory_space<semaphore_mem>>) src(%dma_wait3A_826 : memref<640xf32, #tpu.memory_space<vmem>>) dst(%dma_wait3A_823 : memref<640xf32, #tpu.memory_space<hbm>>)
      tpu.yield
    }) : () -> ()
    %scan3A_746 = arith.constant 0 : i32
    %scan3A_747 = arith.constant 40 : i32
    %scan3A_748 = arith.addi %scan3A_746, %scan3A_747 : i32
    %scan3A_749 = arith.constant 1 : i32
    scf.for %scan3A_802 = %scan3A_746 to %scan3A_748 step %scan3A_749  : i32 {
      %mul3A_803 = arith.constant 1 : i32
      %mul3A_804 = arith.muli %scan3A_802, %mul3A_803 : i32
      %add3A_805 = arith.constant 0 : i32
      %add3A_806 = arith.addi %add3A_805, %mul3A_804 : i32
      %mul3A_807 = arith.constant 16 : i32
      %mul3A_808 = arith.muli %add3A_806, %mul3A_807 : i32
      %add3A_809 = vector.broadcast %mul3A_808 : i32 to vector<16xi32>
      %add3A_810 = arith.addi %add3A_809, %iota3A : vector<16xi32>
      %broadcast_in_dim3A = arith.constant 4 : i32
      %broadcast_in_dim3A_811 = vector.broadcast %broadcast_in_dim3A : i32 to vector<16xi32>
      %gather3A = tpu.vector_load_idx %arg17[%add3A_810, %broadcast_in_dim3A_811] : memref<640x8xf32, #tpu.memory_space<vmem>>[vector<16xi32>, vector<16xi32>], vector<16xf32>,
      %mul3A_812 = arith.constant 16 : i32
      %mul3A_813 = arith.muli %add3A_806, %mul3A_812 : i32
      %swap3A_814 = arith.constant 4 : i32
      %swap3A_815 = arith.index_cast %swap3A_814 : i32 to index
      %swap3A_816 = arith.index_cast %mul3A_813 : i32 to index
      %swap3A_817 = tpu.vector_load %arg14[%swap3A_815, %swap3A_816] {strides = array<i32>} : memref<8x640xf32, #tpu.memory_space<vmem>>, vector<16xf32>,
      tpu.vector_store %arg14[%swap3A_815, %swap3A_816], %gather3A {strides = array<i32>} : memref<8x640xf32, #tpu.memory_space<vmem>>, vector<16xf32>,
    }
    %scan3A_750 = arith.constant 40 : i32
    %mul3A_751 = arith.constant 2 : i32
    %mul3A_752 = arith.muli %arg0, %mul3A_751 : i32
    %add3A_753 = arith.constant 1 : i32
    %add3A_754 = arith.addi %mul3A_752, %add3A_753 : i32
    %mul3A_755 = arith.constant 8 : i32
    %mul3A_756 = arith.muli %add3A_754, %mul3A_755 : i32
    %add3A_757 = arith.constant 4 : i32
    %add3A_758 = arith.addi %mul3A_756, %add3A_757 : i32
    %run_scoped3A_759 = arith.constant 4 : i32
    "tpu.region"() ({
      %run_scoped3A_802 = tpu.sem_alloc : memref<!tpu.dma_semaphore, #tpu.memory_space<semaphore_mem>>
      %dma_start3A_803 = arith.constant 0 : i32
      %dma_start3A_804 = tpu.memref_slice %arg14[%run_scoped3A_759, %dma_start3A_803] : memref<8x640xf32, #tpu.memory_space<vmem>> -> memref<1x640xf32, #tpu.memory_space<vmem>>
      %dma_start3A_805 = tpu.memref_squeeze %dma_start3A_804 : memref<1x640xf32, #tpu.memory_space<vmem>> -> memref<640xf32, #tpu.memory_space<vmem>>
      %dma_start3A_806 = arith.constant 0 : i32
      %dma_start3A_807 = tpu.memref_slice %arg6[%add3A_758, %arg1, %dma_start3A_806] : memref<32x16x640xf32, #tpu.memory_space<hbm>> -> memref<1x1x640xf32, #tpu.memory_space<hbm>>
      %dma_start3A_808 = tpu.memref_squeeze %dma_start3A_807 : memref<1x1x640xf32, #tpu.memory_space<hbm>> -> memref<640xf32, #tpu.memory_space<hbm>>
      %dma_start3A_809 = arith.constant 0 : i32
      %dma_start3A_810 = tpu.memref_slice %arg6[%add3A_758, %arg1, %dma_start3A_809] : memref<32x16x640xf32, #tpu.memory_space<hbm>> -> memref<1x1x640xf32, #tpu.memory_space<hbm>>
      %dma_start3A_811 = tpu.memref_squeeze %dma_start3A_810 : memref<1x1x640xf32, #tpu.memory_space<hbm>> -> memref<640xf32, #tpu.memory_space<hbm>>
      %dma_start3A_812 = arith.constant 0 : i32
      %dma_start3A_813 = tpu.memref_slice %arg14[%run_scoped3A_759, %dma_start3A_812] : memref<8x640xf32, #tpu.memory_space<vmem>> -> memref<1x640xf32, #tpu.memory_space<vmem>>
      %dma_start3A_814 = tpu.memref_squeeze %dma_start3A_813 : memref<1x640xf32, #tpu.memory_space<vmem>> -> memref<640xf32, #tpu.memory_space<vmem>>
      tpu.enqueue_dma source(%dma_start3A_814 : memref<640xf32, #tpu.memory_space<vmem>>) target(%dma_start3A_811 : memref<640xf32, #tpu.memory_space<hbm>>) target_semaphore(%run_scoped3A_802 : memref<!tpu.dma_semaphore, #tpu.memory_space<semaphore_mem>>)
      %dma_wait3A_815 = arith.constant 0 : i32
      %dma_wait3A_816 = tpu.memref_slice %arg14[%run_scoped3A_759, %dma_wait3A_815] : memref<8x640xf32, #tpu.memory_space<vmem>> -> memref<1x640xf32, #tpu.memory_space<vmem>>
      %dma_wait3A_817 = tpu.memref_squeeze %dma_wait3A_816 : memref<1x640xf32, #tpu.memory_space<vmem>> -> memref<640xf32, #tpu.memory_space<vmem>>
      %dma_wait3A_818 = arith.constant 0 : i32
      %dma_wait3A_819 = tpu.memref_slice %arg6[%add3A_758, %arg1, %dma_wait3A_818] : memref<32x16x640xf32, #tpu.memory_space<hbm>> -> memref<1x1x640xf32, #tpu.memory_space<hbm>>
      %dma_wait3A_820 = tpu.memref_squeeze %dma_wait3A_819 : memref<1x1x640xf32, #tpu.memory_space<hbm>> -> memref<640xf32, #tpu.memory_space<hbm>>
      %dma_wait3A_821 = arith.constant 0 : i32
      %dma_wait3A_822 = tpu.memref_slice %arg6[%add3A_758, %arg1, %dma_wait3A_821] : memref<32x16x640xf32, #tpu.memory_space<hbm>> -> memref<1x1x640xf32, #tpu.memory_space<hbm>>
      %dma_wait3A_823 = tpu.memref_squeeze %dma_wait3A_822 : memref<1x1x640xf32, #tpu.memory_space<hbm>> -> memref<640xf32, #tpu.memory_space<hbm>>
      %dma_wait3A_824 = arith.constant 0 : i32
      %dma_wait3A_825 = tpu.memref_slice %arg14[%run_scoped3A_759, %dma_wait3A_824] : memref<8x640xf32, #tpu.memory_space<vmem>> -> memref<1x640xf32, #tpu.memory_space<vmem>>
      %dma_wait3A_826 = tpu.memref_squeeze %dma_wait3A_825 : memref<1x640xf32, #tpu.memory_space<vmem>> -> memref<640xf32, #tpu.memory_space<vmem>>
      tpu.wait_dma2 semaphore(%run_scoped3A_802 : memref<!tpu.dma_semaphore, #tpu.memory_space<semaphore_mem>>) src(%dma_wait3A_826 : memref<640xf32, #tpu.memory_space<vmem>>) dst(%dma_wait3A_823 : memref<640xf32, #tpu.memory_space<hbm>>)
      tpu.yield
    }) : () -> ()
    %scan3A_760 = arith.constant 0 : i32
    %scan3A_761 = arith.constant 40 : i32
    %scan3A_762 = arith.addi %scan3A_760, %scan3A_761 : i32
    %scan3A_763 = arith.constant 1 : i32
    scf.for %scan3A_802 = %scan3A_760 to %scan3A_762 step %scan3A_763  : i32 {
      %mul3A_803 = arith.constant 1 : i32
      %mul3A_804 = arith.muli %scan3A_802, %mul3A_803 : i32
      %add3A_805 = arith.constant 0 : i32
      %add3A_806 = arith.addi %add3A_805, %mul3A_804 : i32
      %mul3A_807 = arith.constant 16 : i32
      %mul3A_808 = arith.muli %add3A_806, %mul3A_807 : i32
      %add3A_809 = vector.broadcast %mul3A_808 : i32 to vector<16xi32>
      %add3A_810 = arith.addi %add3A_809, %iota3A : vector<16xi32>
      %broadcast_in_dim3A = arith.constant 5 : i32
      %broadcast_in_dim3A_811 = vector.broadcast %broadcast_in_dim3A : i32 to vector<16xi32>
      %gather3A = tpu.vector_load_idx %arg17[%add3A_810, %broadcast_in_dim3A_811] : memref<640x8xf32, #tpu.memory_space<vmem>>[vector<16xi32>, vector<16xi32>], vector<16xf32>,
      %mul3A_812 = arith.constant 16 : i32
      %mul3A_813 = arith.muli %add3A_806, %mul3A_812 : i32
      %swap3A_814 = arith.constant 5 : i32
      %swap3A_815 = arith.index_cast %swap3A_814 : i32 to index
      %swap3A_816 = arith.index_cast %mul3A_813 : i32 to index
      %swap3A_817 = tpu.vector_load %arg14[%swap3A_815, %swap3A_816] {strides = array<i32>} : memref<8x640xf32, #tpu.memory_space<vmem>>, vector<16xf32>,
      tpu.vector_store %arg14[%swap3A_815, %swap3A_816], %gather3A {strides = array<i32>} : memref<8x640xf32, #tpu.memory_space<vmem>>, vector<16xf32>,
    }
    %scan3A_764 = arith.constant 40 : i32
    %mul3A_765 = arith.constant 2 : i32
    %mul3A_766 = arith.muli %arg0, %mul3A_765 : i32
    %add3A_767 = arith.constant 1 : i32
    %add3A_768 = arith.addi %mul3A_766, %add3A_767 : i32
    %mul3A_769 = arith.constant 8 : i32
    %mul3A_770 = arith.muli %add3A_768, %mul3A_769 : i32
    %add3A_771 = arith.constant 5 : i32
    %add3A_772 = arith.addi %mul3A_770, %add3A_771 : i32
    %run_scoped3A_773 = arith.constant 5 : i32
    "tpu.region"() ({
      %run_scoped3A_802 = tpu.sem_alloc : memref<!tpu.dma_semaphore, #tpu.memory_space<semaphore_mem>>
      %dma_start3A_803 = arith.constant 0 : i32
      %dma_start3A_804 = tpu.memref_slice %arg14[%run_scoped3A_773, %dma_start3A_803] : memref<8x640xf32, #tpu.memory_space<vmem>> -> memref<1x640xf32, #tpu.memory_space<vmem>>
      %dma_start3A_805 = tpu.memref_squeeze %dma_start3A_804 : memref<1x640xf32, #tpu.memory_space<vmem>> -> memref<640xf32, #tpu.memory_space<vmem>>
      %dma_start3A_806 = arith.constant 0 : i32
      %dma_start3A_807 = tpu.memref_slice %arg6[%add3A_772, %arg1, %dma_start3A_806] : memref<32x16x640xf32, #tpu.memory_space<hbm>> -> memref<1x1x640xf32, #tpu.memory_space<hbm>>
      %dma_start3A_808 = tpu.memref_squeeze %dma_start3A_807 : memref<1x1x640xf32, #tpu.memory_space<hbm>> -> memref<640xf32, #tpu.memory_space<hbm>>
      %dma_start3A_809 = arith.constant 0 : i32
      %dma_start3A_810 = tpu.memref_slice %arg6[%add3A_772, %arg1, %dma_start3A_809] : memref<32x16x640xf32, #tpu.memory_space<hbm>> -> memref<1x1x640xf32, #tpu.memory_space<hbm>>
      %dma_start3A_811 = tpu.memref_squeeze %dma_start3A_810 : memref<1x1x640xf32, #tpu.memory_space<hbm>> -> memref<640xf32, #tpu.memory_space<hbm>>
      %dma_start3A_812 = arith.constant 0 : i32
      %dma_start3A_813 = tpu.memref_slice %arg14[%run_scoped3A_773, %dma_start3A_812] : memref<8x640xf32, #tpu.memory_space<vmem>> -> memref<1x640xf32, #tpu.memory_space<vmem>>
      %dma_start3A_814 = tpu.memref_squeeze %dma_start3A_813 : memref<1x640xf32, #tpu.memory_space<vmem>> -> memref<640xf32, #tpu.memory_space<vmem>>
      tpu.enqueue_dma source(%dma_start3A_814 : memref<640xf32, #tpu.memory_space<vmem>>) target(%dma_start3A_811 : memref<640xf32, #tpu.memory_space<hbm>>) target_semaphore(%run_scoped3A_802 : memref<!tpu.dma_semaphore, #tpu.memory_space<semaphore_mem>>)
      %dma_wait3A_815 = arith.constant 0 : i32
      %dma_wait3A_816 = tpu.memref_slice %arg14[%run_scoped3A_773, %dma_wait3A_815] : memref<8x640xf32, #tpu.memory_space<vmem>> -> memref<1x640xf32, #tpu.memory_space<vmem>>
      %dma_wait3A_817 = tpu.memref_squeeze %dma_wait3A_816 : memref<1x640xf32, #tpu.memory_space<vmem>> -> memref<640xf32, #tpu.memory_space<vmem>>
      %dma_wait3A_818 = arith.constant 0 : i32
      %dma_wait3A_819 = tpu.memref_slice %arg6[%add3A_772, %arg1, %dma_wait3A_818] : memref<32x16x640xf32, #tpu.memory_space<hbm>> -> memref<1x1x640xf32, #tpu.memory_space<hbm>>
      %dma_wait3A_820 = tpu.memref_squeeze %dma_wait3A_819 : memref<1x1x640xf32, #tpu.memory_space<hbm>> -> memref<640xf32, #tpu.memory_space<hbm>>
      %dma_wait3A_821 = arith.constant 0 : i32
      %dma_wait3A_822 = tpu.memref_slice %arg6[%add3A_772, %arg1, %dma_wait3A_821] : memref<32x16x640xf32, #tpu.memory_space<hbm>> -> memref<1x1x640xf32, #tpu.memory_space<hbm>>
      %dma_wait3A_823 = tpu.memref_squeeze %dma_wait3A_822 : memref<1x1x640xf32, #tpu.memory_space<hbm>> -> memref<640xf32, #tpu.memory_space<hbm>>
      %dma_wait3A_824 = arith.constant 0 : i32
      %dma_wait3A_825 = tpu.memref_slice %arg14[%run_scoped3A_773, %dma_wait3A_824] : memref<8x640xf32, #tpu.memory_space<vmem>> -> memref<1x640xf32, #tpu.memory_space<vmem>>
      %dma_wait3A_826 = tpu.memref_squeeze %dma_wait3A_825 : memref<1x640xf32, #tpu.memory_space<vmem>> -> memref<640xf32, #tpu.memory_space<vmem>>
      tpu.wait_dma2 semaphore(%run_scoped3A_802 : memref<!tpu.dma_semaphore, #tpu.memory_space<semaphore_mem>>) src(%dma_wait3A_826 : memref<640xf32, #tpu.memory_space<vmem>>) dst(%dma_wait3A_823 : memref<640xf32, #tpu.memory_space<hbm>>)
      tpu.yield
    }) : () -> ()
    %scan3A_774 = arith.constant 0 : i32
    %scan3A_775 = arith.constant 40 : i32
    %scan3A_776 = arith.addi %scan3A_774, %scan3A_775 : i32
    %scan3A_777 = arith.constant 1 : i32
    scf.for %scan3A_802 = %scan3A_774 to %scan3A_776 step %scan3A_777  : i32 {
      %mul3A_803 = arith.constant 1 : i32
      %mul3A_804 = arith.muli %scan3A_802, %mul3A_803 : i32
      %add3A_805 = arith.constant 0 : i32
      %add3A_806 = arith.addi %add3A_805, %mul3A_804 : i32
      %mul3A_807 = arith.constant 16 : i32
      %mul3A_808 = arith.muli %add3A_806, %mul3A_807 : i32
      %add3A_809 = vector.broadcast %mul3A_808 : i32 to vector<16xi32>
      %add3A_810 = arith.addi %add3A_809, %iota3A : vector<16xi32>
      %broadcast_in_dim3A = arith.constant 6 : i32
      %broadcast_in_dim3A_811 = vector.broadcast %broadcast_in_dim3A : i32 to vector<16xi32>
      %gather3A = tpu.vector_load_idx %arg17[%add3A_810, %broadcast_in_dim3A_811] : memref<640x8xf32, #tpu.memory_space<vmem>>[vector<16xi32>, vector<16xi32>], vector<16xf32>,
      %mul3A_812 = arith.constant 16 : i32
      %mul3A_813 = arith.muli %add3A_806, %mul3A_812 : i32
      %swap3A_814 = arith.constant 6 : i32
      %swap3A_815 = arith.index_cast %swap3A_814 : i32 to index
      %swap3A_816 = arith.index_cast %mul3A_813 : i32 to index
      %swap3A_817 = tpu.vector_load %arg14[%swap3A_815, %swap3A_816] {strides = array<i32>} : memref<8x640xf32, #tpu.memory_space<vmem>>, vector<16xf32>,
      tpu.vector_store %arg14[%swap3A_815, %swap3A_816], %gather3A {strides = array<i32>} : memref<8x640xf32, #tpu.memory_space<vmem>>, vector<16xf32>,
    }
    %scan3A_778 = arith.constant 40 : i32
    %mul3A_779 = arith.constant 2 : i32
    %mul3A_780 = arith.muli %arg0, %mul3A_779 : i32
    %add3A_781 = arith.constant 1 : i32
    %add3A_782 = arith.addi %mul3A_780, %add3A_781 : i32
    %mul3A_783 = arith.constant 8 : i32
    %mul3A_784 = arith.muli %add3A_782, %mul3A_783 : i32
    %add3A_785 = arith.constant 6 : i32
    %add3A_786 = arith.addi %mul3A_784, %add3A_785 : i32
    %run_scoped3A_787 = arith.constant 6 : i32
    "tpu.region"() ({
      %run_scoped3A_802 = tpu.sem_alloc : memref<!tpu.dma_semaphore, #tpu.memory_space<semaphore_mem>>
      %dma_start3A_803 = arith.constant 0 : i32
      %dma_start3A_804 = tpu.memref_slice %arg14[%run_scoped3A_787, %dma_start3A_803] : memref<8x640xf32, #tpu.memory_space<vmem>> -> memref<1x640xf32, #tpu.memory_space<vmem>>
      %dma_start3A_805 = tpu.memref_squeeze %dma_start3A_804 : memref<1x640xf32, #tpu.memory_space<vmem>> -> memref<640xf32, #tpu.memory_space<vmem>>
      %dma_start3A_806 = arith.constant 0 : i32
      %dma_start3A_807 = tpu.memref_slice %arg6[%add3A_786, %arg1, %dma_start3A_806] : memref<32x16x640xf32, #tpu.memory_space<hbm>> -> memref<1x1x640xf32, #tpu.memory_space<hbm>>
      %dma_start3A_808 = tpu.memref_squeeze %dma_start3A_807 : memref<1x1x640xf32, #tpu.memory_space<hbm>> -> memref<640xf32, #tpu.memory_space<hbm>>
      %dma_start3A_809 = arith.constant 0 : i32
      %dma_start3A_810 = tpu.memref_slice %arg6[%add3A_786, %arg1, %dma_start3A_809] : memref<32x16x640xf32, #tpu.memory_space<hbm>> -> memref<1x1x640xf32, #tpu.memory_space<hbm>>
      %dma_start3A_811 = tpu.memref_squeeze %dma_start3A_810 : memref<1x1x640xf32, #tpu.memory_space<hbm>> -> memref<640xf32, #tpu.memory_space<hbm>>
      %dma_start3A_812 = arith.constant 0 : i32
      %dma_start3A_813 = tpu.memref_slice %arg14[%run_scoped3A_787, %dma_start3A_812] : memref<8x640xf32, #tpu.memory_space<vmem>> -> memref<1x640xf32, #tpu.memory_space<vmem>>
      %dma_start3A_814 = tpu.memref_squeeze %dma_start3A_813 : memref<1x640xf32, #tpu.memory_space<vmem>> -> memref<640xf32, #tpu.memory_space<vmem>>
      tpu.enqueue_dma source(%dma_start3A_814 : memref<640xf32, #tpu.memory_space<vmem>>) target(%dma_start3A_811 : memref<640xf32, #tpu.memory_space<hbm>>) target_semaphore(%run_scoped3A_802 : memref<!tpu.dma_semaphore, #tpu.memory_space<semaphore_mem>>)
      %dma_wait3A_815 = arith.constant 0 : i32
      %dma_wait3A_816 = tpu.memref_slice %arg14[%run_scoped3A_787, %dma_wait3A_815] : memref<8x640xf32, #tpu.memory_space<vmem>> -> memref<1x640xf32, #tpu.memory_space<vmem>>
      %dma_wait3A_817 = tpu.memref_squeeze %dma_wait3A_816 : memref<1x640xf32, #tpu.memory_space<vmem>> -> memref<640xf32, #tpu.memory_space<vmem>>
      %dma_wait3A_818 = arith.constant 0 : i32
      %dma_wait3A_819 = tpu.memref_slice %arg6[%add3A_786, %arg1, %dma_wait3A_818] : memref<32x16x640xf32, #tpu.memory_space<hbm>> -> memref<1x1x640xf32, #tpu.memory_space<hbm>>
      %dma_wait3A_820 = tpu.memref_squeeze %dma_wait3A_819 : memref<1x1x640xf32, #tpu.memory_space<hbm>> -> memref<640xf32, #tpu.memory_space<hbm>>
      %dma_wait3A_821 = arith.constant 0 : i32
      %dma_wait3A_822 = tpu.memref_slice %arg6[%add3A_786, %arg1, %dma_wait3A_821] : memref<32x16x640xf32, #tpu.memory_space<hbm>> -> memref<1x1x640xf32, #tpu.memory_space<hbm>>
      %dma_wait3A_823 = tpu.memref_squeeze %dma_wait3A_822 : memref<1x1x640xf32, #tpu.memory_space<hbm>> -> memref<640xf32, #tpu.memory_space<hbm>>
      %dma_wait3A_824 = arith.constant 0 : i32
      %dma_wait3A_825 = tpu.memref_slice %arg14[%run_scoped3A_787, %dma_wait3A_824] : memref<8x640xf32, #tpu.memory_space<vmem>> -> memref<1x640xf32, #tpu.memory_space<vmem>>
      %dma_wait3A_826 = tpu.memref_squeeze %dma_wait3A_825 : memref<1x640xf32, #tpu.memory_space<vmem>> -> memref<640xf32, #tpu.memory_space<vmem>>
      tpu.wait_dma2 semaphore(%run_scoped3A_802 : memref<!tpu.dma_semaphore, #tpu.memory_space<semaphore_mem>>) src(%dma_wait3A_826 : memref<640xf32, #tpu.memory_space<vmem>>) dst(%dma_wait3A_823 : memref<640xf32, #tpu.memory_space<hbm>>)
      tpu.yield
    }) : () -> ()
    %scan3A_788 = arith.constant 0 : i32
    %scan3A_789 = arith.constant 40 : i32
    %scan3A_790 = arith.addi %scan3A_788, %scan3A_789 : i32
    %scan3A_791 = arith.constant 1 : i32
    scf.for %scan3A_802 = %scan3A_788 to %scan3A_790 step %scan3A_791  : i32 {
      %mul3A_803 = arith.constant 1 : i32
      %mul3A_804 = arith.muli %scan3A_802, %mul3A_803 : i32
      %add3A_805 = arith.constant 0 : i32
      %add3A_806 = arith.addi %add3A_805, %mul3A_804 : i32
      %mul3A_807 = arith.constant 16 : i32
      %mul3A_808 = arith.muli %add3A_806, %mul3A_807 : i32
      %add3A_809 = vector.broadcast %mul3A_808 : i32 to vector<16xi32>
      %add3A_810 = arith.addi %add3A_809, %iota3A : vector<16xi32>
      %broadcast_in_dim3A = arith.constant 7 : i32
      %broadcast_in_dim3A_811 = vector.broadcast %broadcast_in_dim3A : i32 to vector<16xi32>
      %gather3A = tpu.vector_load_idx %arg17[%add3A_810, %broadcast_in_dim3A_811] : memref<640x8xf32, #tpu.memory_space<vmem>>[vector<16xi32>, vector<16xi32>], vector<16xf32>,
      %mul3A_812 = arith.constant 16 : i32
      %mul3A_813 = arith.muli %add3A_806, %mul3A_812 : i32
      %swap3A_814 = arith.constant 7 : i32
      %swap3A_815 = arith.index_cast %swap3A_814 : i32 to index
      %swap3A_816 = arith.index_cast %mul3A_813 : i32 to index
      %swap3A_817 = tpu.vector_load %arg14[%swap3A_815, %swap3A_816] {strides = array<i32>} : memref<8x640xf32, #tpu.memory_space<vmem>>, vector<16xf32>,
      tpu.vector_store %arg14[%swap3A_815, %swap3A_816], %gather3A {strides = array<i32>} : memref<8x640xf32, #tpu.memory_space<vmem>>, vector<16xf32>,
    }
    %scan3A_792 = arith.constant 40 : i32
    %mul3A_793 = arith.constant 2 : i32
    %mul3A_794 = arith.muli %arg0, %mul3A_793 : i32
    %add3A_795 = arith.constant 1 : i32
    %add3A_796 = arith.addi %mul3A_794, %add3A_795 : i32
    %mul3A_797 = arith.constant 8 : i32
    %mul3A_798 = arith.muli %add3A_796, %mul3A_797 : i32
    %add3A_799 = arith.constant 7 : i32
    %add3A_800 = arith.addi %mul3A_798, %add3A_799 : i32
    %run_scoped3A_801 = arith.constant 7 : i32
    "tpu.region"() ({
      %run_scoped3A_802 = tpu.sem_alloc : memref<!tpu.dma_semaphore, #tpu.memory_space<semaphore_mem>>
      %dma_start3A_803 = arith.constant 0 : i32
      %dma_start3A_804 = tpu.memref_slice %arg14[%run_scoped3A_801, %dma_start3A_803] : memref<8x640xf32, #tpu.memory_space<vmem>> -> memref<1x640xf32, #tpu.memory_space<vmem>>
      %dma_start3A_805 = tpu.memref_squeeze %dma_start3A_804 : memref<1x640xf32, #tpu.memory_space<vmem>> -> memref<640xf32, #tpu.memory_space<vmem>>
      %dma_start3A_806 = arith.constant 0 : i32
      %dma_start3A_807 = tpu.memref_slice %arg6[%add3A_800, %arg1, %dma_start3A_806] : memref<32x16x640xf32, #tpu.memory_space<hbm>> -> memref<1x1x640xf32, #tpu.memory_space<hbm>>
      %dma_start3A_808 = tpu.memref_squeeze %dma_start3A_807 : memref<1x1x640xf32, #tpu.memory_space<hbm>> -> memref<640xf32, #tpu.memory_space<hbm>>
      %dma_start3A_809 = arith.constant 0 : i32
      %dma_start3A_810 = tpu.memref_slice %arg6[%add3A_800, %arg1, %dma_start3A_809] : memref<32x16x640xf32, #tpu.memory_space<hbm>> -> memref<1x1x640xf32, #tpu.memory_space<hbm>>
      %dma_start3A_811 = tpu.memref_squeeze %dma_start3A_810 : memref<1x1x640xf32, #tpu.memory_space<hbm>> -> memref<640xf32, #tpu.memory_space<hbm>>
      %dma_start3A_812 = arith.constant 0 : i32
      %dma_start3A_813 = tpu.memref_slice %arg14[%run_scoped3A_801, %dma_start3A_812] : memref<8x640xf32, #tpu.memory_space<vmem>> -> memref<1x640xf32, #tpu.memory_space<vmem>>
      %dma_start3A_814 = tpu.memref_squeeze %dma_start3A_813 : memref<1x640xf32, #tpu.memory_space<vmem>> -> memref<640xf32, #tpu.memory_space<vmem>>
      tpu.enqueue_dma source(%dma_start3A_814 : memref<640xf32, #tpu.memory_space<vmem>>) target(%dma_start3A_811 : memref<640xf32, #tpu.memory_space<hbm>>) target_semaphore(%run_scoped3A_802 : memref<!tpu.dma_semaphore, #tpu.memory_space<semaphore_mem>>)
      %dma_wait3A_815 = arith.constant 0 : i32
      %dma_wait3A_816 = tpu.memref_slice %arg14[%run_scoped3A_801, %dma_wait3A_815] : memref<8x640xf32, #tpu.memory_space<vmem>> -> memref<1x640xf32, #tpu.memory_space<vmem>>
      %dma_wait3A_817 = tpu.memref_squeeze %dma_wait3A_816 : memref<1x640xf32, #tpu.memory_space<vmem>> -> memref<640xf32, #tpu.memory_space<vmem>>
      %dma_wait3A_818 = arith.constant 0 : i32
      %dma_wait3A_819 = tpu.memref_slice %arg6[%add3A_800, %arg1, %dma_wait3A_818] : memref<32x16x640xf32, #tpu.memory_space<hbm>> -> memref<1x1x640xf32, #tpu.memory_space<hbm>>
      %dma_wait3A_820 = tpu.memref_squeeze %dma_wait3A_819 : memref<1x1x640xf32, #tpu.memory_space<hbm>> -> memref<640xf32, #tpu.memory_space<hbm>>
      %dma_wait3A_821 = arith.constant 0 : i32
      %dma_wait3A_822 = tpu.memref_slice %arg6[%add3A_800, %arg1, %dma_wait3A_821] : memref<32x16x640xf32, #tpu.memory_space<hbm>> -> memref<1x1x640xf32, #tpu.memory_space<hbm>>
      %dma_wait3A_823 = tpu.memref_squeeze %dma_wait3A_822 : memref<1x1x640xf32, #tpu.memory_space<hbm>> -> memref<640xf32, #tpu.memory_space<hbm>>
      %dma_wait3A_824 = arith.constant 0 : i32
      %dma_wait3A_825 = tpu.memref_slice %arg14[%run_scoped3A_801, %dma_wait3A_824] : memref<8x640xf32, #tpu.memory_space<vmem>> -> memref<1x640xf32, #tpu.memory_space<vmem>>
      %dma_wait3A_826 = tpu.memref_squeeze %dma_wait3A_825 : memref<1x640xf32, #tpu.memory_space<vmem>> -> memref<640xf32, #tpu.memory_space<vmem>>
      tpu.wait_dma2 semaphore(%run_scoped3A_802 : memref<!tpu.dma_semaphore, #tpu.memory_space<semaphore_mem>>) src(%dma_wait3A_826 : memref<640xf32, #tpu.memory_space<vmem>>) dst(%dma_wait3A_823 : memref<640xf32, #tpu.memory_space<hbm>>)
      tpu.yield
    }) : () -> ()
    return
  }
}

module attributes {stable_mosaic.version = 14 : i64} {
  func.func @_node_body(%arg0: memref<10000x128xf32, #tpu.memory_space<vmem>>, %arg1: memref<2x2x8x10240xf32, #tpu.memory_space<vmem>>, %arg2: memref<1x4xf32, #tpu.memory_space<vmem>>, %arg3: memref<128x10xf32, #tpu.memory_space<vmem>>, %arg4: memref<1x10xf32, #tpu.memory_space<vmem>>, %arg5: memref<4x10xf32, #tpu.memory_space<vmem>>, %arg6: memref<1x10xf32, #tpu.memory_space<vmem>>, %arg7: memref<10x10xf32, #tpu.memory_space<vmem>>, %arg8: memref<10x10xf32, #tpu.memory_space<vmem>>, %arg9: memref<10x10xf32, #tpu.memory_space<vmem>>, %arg10: memref<4x10xf32, #tpu.memory_space<vmem>>, %arg11: memref<1x10xf32, #tpu.memory_space<vmem>>, %arg12: memref<10x10xf32, #tpu.memory_space<vmem>>, %arg13: memref<1x10xf32, #tpu.memory_space<vmem>>, %arg14: memref<10x1xf32, #tpu.memory_space<vmem>>, %arg15: memref<1x1xf32, #tpu.memory_space<vmem>>, %arg16: memref<10000x1xf32, #tpu.memory_space<vmem>>) attributes {dimension_semantics = [], scalar_prefetch = 0 : i64, scratch_operands = 0 : i64, tpu.core_type = #tpu.core_type<tc>} {
    %get3A = arith.constant 0 : index
    %get3A_0 = arith.constant 0 : index
    %get3A_1 = vector.load %arg7[%get3A, %get3A_0] : memref<10x10xf32, #tpu.memory_space<vmem>>, vector<10x10xf32>
    %broadcast_in_dim3A = arith.constant 0.000000e+00 : f32
    %broadcast_in_dim3A_2 = vector.broadcast %broadcast_in_dim3A : f32 to vector<3x10xf32>
    %get3A_3 = arith.constant 0 : index
    %get3A_4 = arith.constant 0 : index
    %get3A_5 = vector.load %arg3[%get3A_3, %get3A_4] : memref<128x10xf32, #tpu.memory_space<vmem>>, vector<128x10xf32>
    %dot_general3A = arith.constant dense<0.000000e+00> : vector<128x10xf32>
    %dot_general3A_6 = tpu.matmul %get3A_5, %get3A_1, %dot_general3A {dimension_numbers = #tpu.dot_dimension_numbers<[1], [0], [0], [1], [0, 0, 1, 1], [], []>, transpose_lhs_hint = false} : vector<128x10xf32>, vector<10x10xf32>, vector<128x10xf32> -> vector<128x10xf32>
    %get3A_7 = arith.constant 0 : index
    %get3A_8 = arith.constant 0 : index
    %get3A_9 = vector.load %arg5[%get3A_7, %get3A_8] : memref<4x10xf32, #tpu.memory_space<vmem>>, vector<4x10xf32>
    %get3A_10 = arith.constant 0 : index
    %get3A_11 = arith.constant 0 : index
    %get3A_12 = vector.load %arg8[%get3A_10, %get3A_11] : memref<10x10xf32, #tpu.memory_space<vmem>>, vector<10x10xf32>
    %dot_general3A_13 = arith.constant dense<0.000000e+00> : vector<4x10xf32>
    %dot_general3A_14 = tpu.matmul %get3A_9, %get3A_12, %dot_general3A_13 {dimension_numbers = #tpu.dot_dimension_numbers<[1], [0], [0], [1], [0, 0, 1, 1], [], []>, transpose_lhs_hint = false} : vector<4x10xf32>, vector<10x10xf32>, vector<4x10xf32> -> vector<4x10xf32>
    %get3A_15 = arith.constant 0 : index
    %get3A_16 = arith.constant 0 : index
    %get3A_17 = vector.load %arg6[%get3A_15, %get3A_16] : memref<1x10xf32, #tpu.memory_space<vmem>>, vector<1x10xf32>
    %get3A_18 = arith.constant 0 : index
    %get3A_19 = arith.constant 0 : index
    %get3A_20 = vector.load %arg8[%get3A_18, %get3A_19] : memref<10x10xf32, #tpu.memory_space<vmem>>, vector<10x10xf32>
    %dot_general3A_21 = arith.constant dense<0.000000e+00> : vector<1x10xf32>
    %dot_general3A_22 = tpu.matmul %get3A_17, %get3A_20, %dot_general3A_21 {dimension_numbers = #tpu.dot_dimension_numbers<[1], [0], [0], [1], [0, 0, 1, 1], [], []>, transpose_lhs_hint = false} : vector<1x10xf32>, vector<10x10xf32>, vector<1x10xf32> -> vector<1x10xf32>
    %concatenate3A = tpu.concatenate %dot_general3A_14, %dot_general3A_22, %broadcast_in_dim3A_2 in 0 : vector<4x10xf32>, vector<1x10xf32>, vector<3x10xf32> -> vector<8x10xf32>
    %get3A_23 = arith.constant 0 : index
    %get3A_24 = arith.constant 0 : index
    %get3A_25 = vector.load %arg5[%get3A_23, %get3A_24] : memref<4x10xf32, #tpu.memory_space<vmem>>, vector<4x10xf32>
    %get3A_26 = arith.constant 0 : index
    %get3A_27 = arith.constant 0 : index
    %get3A_28 = vector.load %arg9[%get3A_26, %get3A_27] : memref<10x10xf32, #tpu.memory_space<vmem>>, vector<10x10xf32>
    %dot_general3A_29 = arith.constant dense<0.000000e+00> : vector<4x10xf32>
    %dot_general3A_30 = tpu.matmul %get3A_25, %get3A_28, %dot_general3A_29 {dimension_numbers = #tpu.dot_dimension_numbers<[1], [0], [0], [1], [0, 0, 1, 1], [], []>, transpose_lhs_hint = false} : vector<4x10xf32>, vector<10x10xf32>, vector<4x10xf32> -> vector<4x10xf32>
    %get3A_31 = arith.constant 0 : index
    %get3A_32 = arith.constant 0 : index
    %get3A_33 = vector.load %arg6[%get3A_31, %get3A_32] : memref<1x10xf32, #tpu.memory_space<vmem>>, vector<1x10xf32>
    %get3A_34 = arith.constant 0 : index
    %get3A_35 = arith.constant 0 : index
    %get3A_36 = vector.load %arg9[%get3A_34, %get3A_35] : memref<10x10xf32, #tpu.memory_space<vmem>>, vector<10x10xf32>
    %dot_general3A_37 = arith.constant dense<0.000000e+00> : vector<1x10xf32>
    %dot_general3A_38 = tpu.matmul %get3A_33, %get3A_36, %dot_general3A_37 {dimension_numbers = #tpu.dot_dimension_numbers<[1], [0], [0], [1], [0, 0, 1, 1], [], []>, transpose_lhs_hint = false} : vector<1x10xf32>, vector<10x10xf32>, vector<1x10xf32> -> vector<1x10xf32>
    %concatenate3A_39 = tpu.concatenate %dot_general3A_30, %dot_general3A_38, %broadcast_in_dim3A_2 in 0 : vector<4x10xf32>, vector<1x10xf32>, vector<3x10xf32> -> vector<8x10xf32>
    %get3A_40 = arith.constant 0 : index
    %get3A_41 = arith.constant 0 : index
    %get3A_42 = vector.load %arg4[%get3A_40, %get3A_41] : memref<1x10xf32, #tpu.memory_space<vmem>>, vector<1x10xf32>
    %dot_general3A_43 = arith.constant dense<0.000000e+00> : vector<1x10xf32>
    %dot_general3A_44 = tpu.matmul %get3A_42, %get3A_1, %dot_general3A_43 {dimension_numbers = #tpu.dot_dimension_numbers<[1], [0], [0], [1], [0, 0, 1, 1], [], []>, transpose_lhs_hint = false} : vector<1x10xf32>, vector<10x10xf32>, vector<1x10xf32> -> vector<1x10xf32>
    %get3A_45 = arith.constant 0 : index
    %get3A_46 = arith.constant 0 : index
    %get3A_47 = vector.load %arg2[%get3A_45, %get3A_46] : memref<1x4xf32, #tpu.memory_space<vmem>>, vector<1x4xf32>
    %get3A_48 = arith.constant 0 : index
    %get3A_49 = arith.constant 0 : index
    %get3A_50 = vector.load %arg10[%get3A_48, %get3A_49] : memref<4x10xf32, #tpu.memory_space<vmem>>, vector<4x10xf32>
    %dot_general3A_51 = arith.constant dense<0.000000e+00> : vector<1x10xf32>
    %dot_general3A_52 = tpu.matmul %get3A_47, %get3A_50, %dot_general3A_51 {dimension_numbers = #tpu.dot_dimension_numbers<[1], [0], [0], [1], [0, 0, 1, 1], [], []>, transpose_lhs_hint = false} : vector<1x4xf32>, vector<4x10xf32>, vector<1x10xf32> -> vector<1x10xf32>
    %add3A = arith.addf %dot_general3A_44, %dot_general3A_52 : vector<1x10xf32>
    %get3A_53 = arith.constant 0 : index
    %get3A_54 = arith.constant 0 : index
    %get3A_55 = vector.load %arg11[%get3A_53, %get3A_54] : memref<1x10xf32, #tpu.memory_space<vmem>>, vector<1x10xf32>
    %add3A_56 = arith.addf %add3A, %get3A_55 : vector<1x10xf32>
    %get3A_57 = arith.constant 0 : index
    %get3A_58 = arith.constant 0 : index
    %get3A_59 = arith.constant 0 : index
    %get3A_60 = arith.constant 0 : index
    %get3A_61 = vector.load %arg1[%get3A_57, %get3A_58, %get3A_59, %get3A_60] : memref<2x2x8x10240xf32, #tpu.memory_space<vmem>>, vector<1x1x8x10240xf32>
    %get3A_62 = vector.shape_cast %get3A_61 : vector<1x1x8x10240xf32> to vector<8x10240xf32>
    %get3A_63 = arith.constant 1 : index
    %get3A_64 = arith.constant 0 : index
    %get3A_65 = arith.constant 0 : index
    %get3A_66 = arith.constant 0 : index
    %get3A_67 = vector.load %arg1[%get3A_63, %get3A_64, %get3A_65, %get3A_66] : memref<2x2x8x10240xf32, #tpu.memory_space<vmem>>, vector<1x1x8x10240xf32>
    %get3A_68 = vector.shape_cast %get3A_67 : vector<1x1x8x10240xf32> to vector<8x10240xf32>
    %add3A_69 = arith.addf %get3A_62, %get3A_68 : vector<8x10240xf32>
    %get3A_70 = arith.constant 0 : index
    %get3A_71 = arith.constant 1 : index
    %get3A_72 = arith.constant 0 : index
    %get3A_73 = arith.constant 0 : index
    %get3A_74 = vector.load %arg1[%get3A_70, %get3A_71, %get3A_72, %get3A_73] : memref<2x2x8x10240xf32, #tpu.memory_space<vmem>>, vector<1x1x8x10240xf32>
    %get3A_75 = vector.shape_cast %get3A_74 : vector<1x1x8x10240xf32> to vector<8x10240xf32>
    %get3A_76 = arith.constant 1 : index
    %get3A_77 = arith.constant 1 : index
    %get3A_78 = arith.constant 0 : index
    %get3A_79 = arith.constant 0 : index
    %get3A_80 = vector.load %arg1[%get3A_76, %get3A_77, %get3A_78, %get3A_79] : memref<2x2x8x10240xf32, #tpu.memory_space<vmem>>, vector<1x1x8x10240xf32>
    %get3A_81 = vector.shape_cast %get3A_80 : vector<1x1x8x10240xf32> to vector<8x10240xf32>
    %add3A_82 = arith.addf %get3A_75, %get3A_81 : vector<8x10240xf32>
    %dot_general3A_83 = arith.constant dense<0.000000e+00> : vector<10240x10xf32>
    %dot_general3A_84 = tpu.matmul %add3A_69, %concatenate3A, %dot_general3A_83 {dimension_numbers = #tpu.dot_dimension_numbers<[0], [0], [1], [1], [0, 1, 1, 1], [], []>, transpose_lhs_hint = false} : vector<8x10240xf32>, vector<8x10xf32>, vector<10240x10xf32> -> vector<10240x10xf32>
    %dot_general3A_85 = arith.constant dense<0.000000e+00> : vector<10240x10xf32>
    %dot_general3A_86 = tpu.matmul %add3A_82, %concatenate3A_39, %dot_general3A_85 {dimension_numbers = #tpu.dot_dimension_numbers<[0], [0], [1], [1], [0, 1, 1, 1], [], []>, transpose_lhs_hint = false} : vector<8x10240xf32>, vector<8x10xf32>, vector<10240x10xf32> -> vector<10240x10xf32>
    %get3A_87 = arith.constant 0 : index
    %get3A_88 = arith.constant 0 : index
    %get3A_89 = vector.load %arg0[%get3A_87, %get3A_88] : memref<10000x128xf32, #tpu.memory_space<vmem>>, vector<10000x128xf32>
    %dot_general3A_90 = arith.constant dense<0.000000e+00> : vector<10000x10xf32>
    %dot_general3A_91 = tpu.matmul %get3A_89, %dot_general3A_6, %dot_general3A_90 {dimension_numbers = #tpu.dot_dimension_numbers<[1], [0], [0], [1], [0, 0, 1, 1], [], []>, transpose_lhs_hint = false} : vector<10000x128xf32>, vector<128x10xf32>, vector<10000x10xf32> -> vector<10000x10xf32>
    %slice3A = vector.extract_strided_slice %dot_general3A_84 {offsets = [0, 0], sizes = [10000, 10], strides = [1, 1]} : vector<10240x10xf32> to vector<10000x10xf32>
    %add3A_92 = arith.addf %dot_general3A_91, %slice3A : vector<10000x10xf32>
    %slice3A_93 = vector.extract_strided_slice %dot_general3A_86 {offsets = [0, 0], sizes = [10000, 10], strides = [1, 1]} : vector<10240x10xf32> to vector<10000x10xf32>
    %add3A_94 = arith.addf %add3A_92, %slice3A_93 : vector<10000x10xf32>
    %add3A_95 = vector.broadcast %add3A_56 : vector<1x10xf32> to vector<10000x10xf32>
    %add3A_96 = arith.addf %add3A_94, %add3A_95 : vector<10000x10xf32>
    %max3A = arith.constant 0.000000e+00 : f32
    %max3A_97 = vector.broadcast %max3A : f32 to vector<10000x10xf32>
    %max3A_98 = arith.maximumf %add3A_96, %max3A_97 : vector<10000x10xf32>
    %get3A_99 = arith.constant 0 : index
    %get3A_100 = arith.constant 0 : index
    %get3A_101 = vector.load %arg12[%get3A_99, %get3A_100] : memref<10x10xf32, #tpu.memory_space<vmem>>, vector<10x10xf32>
    %get3A_102 = arith.constant 0 : index
    %get3A_103 = arith.constant 0 : index
    %get3A_104 = vector.load %arg14[%get3A_102, %get3A_103] : memref<10x1xf32, #tpu.memory_space<vmem>>, vector<10x1xf32>
    %dot_general3A_105 = arith.constant dense<0.000000e+00> : vector<10x1xf32>
    %dot_general3A_106 = tpu.matmul %get3A_101, %get3A_104, %dot_general3A_105 {dimension_numbers = #tpu.dot_dimension_numbers<[1], [0], [0], [1], [0, 0, 1, 1], [], []>, transpose_lhs_hint = false} : vector<10x10xf32>, vector<10x1xf32>, vector<10x1xf32> -> vector<10x1xf32>
    %get3A_107 = arith.constant 0 : index
    %get3A_108 = arith.constant 0 : index
    %get3A_109 = vector.load %arg13[%get3A_107, %get3A_108] : memref<1x10xf32, #tpu.memory_space<vmem>>, vector<1x10xf32>
    %get3A_110 = arith.constant 0 : index
    %get3A_111 = arith.constant 0 : index
    %get3A_112 = vector.load %arg14[%get3A_110, %get3A_111] : memref<10x1xf32, #tpu.memory_space<vmem>>, vector<10x1xf32>
    %dot_general3A_113 = arith.constant dense<0.000000e+00> : vector<1x1xf32>
    %dot_general3A_114 = tpu.matmul %get3A_109, %get3A_112, %dot_general3A_113 {dimension_numbers = #tpu.dot_dimension_numbers<[1], [0], [0], [1], [0, 0, 1, 1], [], []>, transpose_lhs_hint = false} : vector<1x10xf32>, vector<10x1xf32>, vector<1x1xf32> -> vector<1x1xf32>
    %get3A_115 = arith.constant 0 : index
    %get3A_116 = arith.constant 0 : index
    %get3A_117 = vector.load %arg15[%get3A_115, %get3A_116] : memref<1x1xf32, #tpu.memory_space<vmem>>, vector<1x1xf32>
    %add3A_118 = arith.addf %dot_general3A_114, %get3A_117 : vector<1x1xf32>
    %dot_general3A_119 = arith.constant dense<0.000000e+00> : vector<10000x1xf32>
    %dot_general3A_120 = tpu.matmul %max3A_98, %dot_general3A_106, %dot_general3A_119 {dimension_numbers = #tpu.dot_dimension_numbers<[1], [0], [0], [1], [0, 0, 1, 1], [], []>, transpose_lhs_hint = false} : vector<10000x10xf32>, vector<10x1xf32>, vector<10000x1xf32> -> vector<10000x1xf32>
    %add3A_121 = vector.broadcast %add3A_118 : vector<1x1xf32> to vector<10000x1xf32>
    %add3A_122 = arith.addf %dot_general3A_120, %add3A_121 : vector<10000x1xf32>
    %swap3A = arith.constant 0 : index
    %swap3A_123 = arith.constant 0 : index
    %swap3A_124 = vector.load %arg16[%swap3A, %swap3A_123] : memref<10000x1xf32, #tpu.memory_space<vmem>>, vector<10000x1xf32>
    tpu.vector_store %arg16[%swap3A, %swap3A_123], %add3A_122 {strides = array<i32>} : memref<10000x1xf32, #tpu.memory_space<vmem>>, vector<10000x1xf32>,
    return
  }
}

</mosaic_0001>

<sc_bundles>
// kernel: kernel.4.cloned.1.call-start
scs
__scs_entry_jumppad:
0x0: {  	(pc) =	sbr.rel $0x88, $3  }
0x1: {  	(tag) =	ssettag $0x0;
	lr =	simm.s32 $0x1  }
0x2: {  	[smem:$0x3F90] =	sst lr;
	_ =	strace $0xD0000000  }
0x3: {  	_ = 	snop  }
0x4: {  	_ = 	snop  }
0x5: {  	_ = 	snop  }
0x6: {  	_ = 	snop  }
0x7: {  	_ = 	snop  }
__scs_overlays_trampoline_lowered:
0x8: {  	[smem:$0x3F9F] =	sst s0  }
0x9: {  	[smem:$0x3FA0] =	sst s1  }
0xa: {  	[smem:$0x3FA1] =	sst s2  }
0xb: {  	[smem:$0x3FA2] =	sst s3  }
0xc: {  	[smem:$0x3FA3] =	sst s4  }
0xd: {  	[smem:$0x3FA4] =	sst s5  }
0xe: {  	[smem:$0x3FA5] =	sst s6  }
0xf: {  	[smem:$0x3FA6] =	sst s7  }
0x10: {  	[smem:$0x3FA7] =	sst s8  }
0x11: {  	[smem:$0x3FA8] =	sst s9;
	s0 =	simm.s32 @!p0 $0x0  }
0x12: {  	s1 =	sld [smem:$0x3F8E];
	s0 =	simm.s32 @p0 $0x1  }
0x13: {  	[smem:$0x3FA9] =	sst s0;
	s0 =	simm.s32 @!p1 $0x0  }
0x14: {  	s2 =	sld [smem:$0x3F8D];
	s0 =	simm.s32 @p1 $0x1  }
0x15: {  	[smem:$0x3FAA] =	sst s0;
	s0 =	simm.s32 @!p2 $0x0  }
0x16: {  	s3 =	sld [smem:$0x3FDB];
	s0 =	simm.s32 @p2 $0x1  }
0x17: {  	s4 =	simm.s32 $0x1BF5;
	[smem:$0x3FAC] =	sst s0  }
0x18: {  	s0 =	sld [smem:$0x3F8F];
	_ =	swait.ge [sflag:s4], $0x0  }
0x19: {  	s7 =	sld [smem:$0x3F90]  }
0x1a: {  	s8 =	sadd.s32 $0xFFFFE003, lr  }
0x1b: {  	s9 =	sadd.s32 $0xFFFFFEF7, lr;
	s5 =	simm.s32 $0xFFFFFFFF;
	p2 =	slt.u32 s8, $0xFFFFF086  }
0x1c: {  	p1 =	slt.u32 s9, $0xF7A;
	s5 =	simm.s32 @!p2 $0x0  }
0x1d: {  	s5 =	simm.s32 @p1 $0x1;
	p0 =	seq.s32 s7, s2  }
0x1e: {  	s7 =	smul.u32 @!p0 $0xF7A, s2;
	p2 =	seq.s32 @!p0 s5, $0x0  }
0x1f: {  	s9 =	smul.u32 $0xF7A, s1;
	s8 =	simm.s32 @!p0 $0x1BF5;
	p2 =	por !p2, p0  }
0x20: {  	[sflag:s8] =	ssyncset.s32 @!p0 $0xFFFFF086;
	s6 =	sadd.s32 @!p0 s3, s7;
	s7 =	simm.s32 @!p0 $0x108  }
0x21: {  	s3 =	sadd.s32 s3, s9;
	s6 =	sadd.s32 @!p0 $0x88, s6;
	s7 =	simm.s32 @p2 $0x1082  }
0x22: {  	[simem:s7], [sflag:s8] =	dma.local @!p0 [hbm:s6], $0xF7A  }
0x23: {  	s9 =	sor.u32 $0xD0000000, s2;
	s6 =	simm.s32 $0x108;
	_ =	swait.ge @!p0 [sflag:s8], $0x0  }
0x24: {  	s3 =	sadd.s32 $0x88, s3;
	s6 =	simm.s32 @!p1 $0x1082;
	[sflag:s4] =	ssyncset.s32 $0xFFFFF086  }
0x25: {  	[simem:s6], [sflag:s4] =	dma.local [hbm:s3], $0xF7A  }
0x26: {  	[smem:$0x3F90] =	sst s1;
	(tag) =	ssettag s2;
	_ =	strace s9  }
0x27: {  	s1 =	sld [smem:$0x3FA0]  }
0x28: {  	s2 =	sld [smem:$0x3FA1]  }
0x29: {  	s4 =	sld [smem:$0x3FA3]  }
0x2a: {  	p0 =	seq.s32 s5, $0x0;
	s5 =	sld [smem:$0x3FA4]  }
0x2b: {  	s6 =	sld [smem:$0x3FA5]  }
0x2c: {  	s7 =	sld [smem:$0x3FA6]  }
0x2d: {  	s3 =	simm.s32 $0x108;
	s8 =	sld [smem:$0x3FA7]  }
0x2e: {  	s3 =	simm.s32 @!p0 $0x1082;
	s9 =	sld [smem:$0x3FA8]  }
0x2f: {  	lr =	sadd.s32 s0, s3;
	s0 =	sld [smem:$0x3F9F]  }
0x30: {  	s3 =	sld [smem:$0x3FA2]  }
0x31: {  	[smem:$0x3FAB] =	sst s10  }
0x32: {  	s10 =	sld [smem:$0x3FA9];
	_ =	sdelay $0x3  }
0x33: {  	p0 =	seq.s32 s10, $0x1;
	s10 =	sld [smem:$0x3FAB];
	_ =	sdelay $0x3  }
0x34: {  	[smem:$0x3FAB] =	sst s10  }
0x35: {  	s10 =	sld [smem:$0x3FAA];
	_ =	sdelay $0x3  }
0x36: {  	p1 =	seq.s32 s10, $0x1;
	s10 =	sld [smem:$0x3FAB];
	_ =	sdelay $0x3  }
0x37: {  	[smem:$0x3FAB] =	sst s10  }
0x38: {  	s10 =	sld [smem:$0x3FAC]  }
0x39: {  	_ = 	snop;
	(pc) =	sbr.ind lr, $3  }
0x3a: {  	_ = 	snop  }
0x3b: {  	_ = 	snop  }
0x3c: {  	p2 =	seq.s32 s10, $0x1;
	s10 =	sld [smem:$0x3FAB]  }
0x3d: {  	_ =	shalt  }
0x3e: {  	_ =	shalt  }
0x3f: {  	_ =	shalt  }
0x40: {  	_ =	shalt  }
0x41: {  	_ =	shalt  }
0x42: {  	_ =	shalt  }
0x43: {  	_ =	shalt  }
0x44: {  	_ =	shalt  }
0x45: {  	_ =	shalt  }
0x46: {  	_ =	shalt  }
0x47: {  	_ =	shalt  }
0x48: {  	_ =	shalt  }
0x49: {  	_ =	shalt  }
0x4a: {  	_ =	shalt  }
0x4b: {  	_ =	shalt  }
0x4c: {  	_ =	shalt  }
0x4d: {  	_ =	shalt  }
0x4e: {  	_ =	shalt  }
0x4f: {  	_ =	shalt  }
0x50: {  	_ =	shalt  }
0x51: {  	_ =	shalt  }
0x52: {  	_ =	shalt  }
0x53: {  	_ =	shalt  }
0x54: {  	_ =	shalt  }
0x55: {  	_ =	shalt  }
0x56: {  	_ =	shalt  }
0x57: {  	_ =	shalt  }
0x58: {  	_ =	shalt  }
0x59: {  	_ =	shalt  }
0x5a: {  	_ =	shalt  }
0x5b: {  	_ =	shalt  }
0x5c: {  	_ =	shalt  }
0x5d: {  	_ =	shalt  }
0x5e: {  	_ =	shalt  }
0x5f: {  	_ =	shalt  }
0x60: {  	_ =	shalt  }
0x61: {  	_ =	shalt  }
0x62: {  	_ =	shalt  }
0x63: {  	_ =	shalt  }
0x64: {  	_ =	shalt  }
0x65: {  	_ =	shalt  }
0x66: {  	_ =	shalt  }
0x67: {  	_ =	shalt  }
0x68: {  	_ =	shalt  }
0x69: {  	_ =	shalt  }
0x6a: {  	_ =	shalt  }
0x6b: {  	_ =	shalt  }
0x6c: {  	_ =	shalt  }
0x6d: {  	_ =	shalt  }
0x6e: {  	_ =	shalt  }
0x6f: {  	_ =	shalt  }
0x70: {  	_ =	shalt  }
0x71: {  	_ =	shalt  }
0x72: {  	_ =	shalt  }
0x73: {  	_ =	shalt  }
0x74: {  	_ =	shalt  }
0x75: {  	_ =	shalt  }
0x76: {  	_ =	shalt  }
0x77: {  	_ =	shalt  }
0x78: {  	_ =	shalt  }
0x79: {  	_ =	shalt  }
0x7a: {  	_ =	shalt  }
0x7b: {  	_ =	shalt  }
0x7c: {  	_ =	shalt  }
0x7d: {  	_ =	shalt  }
0x7e: {  	_ =	shalt  }
0x7f: {  	_ =	shalt  }
0x80: {  	_ =	shalt  }
0x81: {  	_ =	shalt  }
0x82: {  	_ =	shalt  }
0x83: {  	_ =	shalt  }
0x84: {  	_ =	shalt  }
0x85: {  	_ =	shalt  }
0x86: {  	_ =	shalt  }
0x87: {  	_ =	shalt  }
.Lfunc_end0:
.L_simem_size_0:
called_computation_lowered:
.L_overlay_start_0:
0x88: {  	s2 =	sld [smem:$0x3FD9]  }
0x89: {  	s3 =	sld [smem:$0x3FFE];
	_ =	sdelay $0x1  }
0x8a: {  	s1 =	srdreg.scid  }
0x8b: {  	s0 =	sand.u32 $0x1, s1  }
0x8c: {  	s14 =	sshll.u32 s0, $0xA;
	s2 =	sadd.s32 s3, s2  }
0x8d: {  	s2 =	sadd.s32 s2, s14  }
0x8e: {  	[smem:$0x3FB7] =	sst s2  }
0x8f: {  	_ = 	snop  }
0x90: {  	s2 =	sld [smem:$0x3FD0];
	_ =	sdelay $0x2  }
0x91: {  	s15 =	simm.s32 $0xA;
	s4 =	simm.s32 $0x10  }
0x92: {  	[smem:s4], [sflag:s15] =	dma.local [hbm:s2], $0x1  }
0x93: {  	_ =	swait.eq [sflag:s15], $0x1  }
0x94: {  	[sflag:s15] =	ssyncset.done $0x0  }
0x95: {  	s16 =	sld [smem:$0x10];
	[sflag:s15] =	ssyncadd.s32 $0xFFFFFFFF  }
0x96: {  	s17 =	sld [smem:$0x12];
	(tm) =	ssettm $0x1  }
0x97: {  	s18 =	sld [smem:$0x3FFB];
	_ =	sdelay $0x3  }
0x98: {  	_ =	strace s18  }
0x99: {  	s4 =	sld [smem:$0x3FFC];
	_ =	sdelay $0x3  }
0x9a: {  	_ =	strace s4  }
0x9b: {  	s4 =	sld [smem:$0x3FFD];
	_ =	sdelay $0x3  }
0x9c: {  	_ =	strace s4  }
0x9d: {  	_ =	strace $0x8FFFFFFF  }
0x9e: {  	s19 =	sld [smem:$0x3FDB];
	_ =	sdelay $0x1  }
0x9f: {  	s5 =	simm.s32 $_scs_section_size  }
0xa0: {  	s6 =	simm.s32 $_size__tile_overlayer_lowered;
	s7 =	simm.s32 $_tile_overlayer_lowered  }
0xa1: {  	s22 =	simm.s32 $0x1BFF;
	s21 =	sshll.u32 s7, $0x1;
	s4 =	sadd.s32 s5, s19  }
0xa2: {  	s8 =	simm.s32 $0x0;
	s20 =	sshll.u32 s6, $0x1;
	s6 =	sadd.s32 s21, s4  }
0xa3: {  	[timem:s8], [sflag:s22] =	dma.local [hbm:s6], s20  }
0xa4: {  	_ =	swait.ge [sflag:s22], s20  }
0xa5: {  	s5 =	ssub.s32 $0x0, s20;
	[sflag:s22] =	ssyncset.done $0x0  }
0xa6: {  	[sflag:s22] =	ssyncadd.s32 s5;
	_ =	sdelay $0x1  }
0xa7: {  	s23 =	simm.s32 $0x1B8B  }
0xa8: {  	_ =	swait.ge [sflag:s23], $0x1  }
0xa9: {  	[sflag:s23] =	ssyncset.done $0x0  }
0xaa: {  	s25 =	simm.s32 $0x1B8E;
	s24 =	sld [smem:$0x3FFE];
	[sflag:s23] =	ssyncadd.s32 $0xFFFFFFFF  }
0xab: {  	s26 =	simm.s32 $execute0_lowered;
	[smem:$0x3FD2] =	sst s25  }
0xac: {  	s6 =	sshll.u32 s26, $0x1;
	_ =	strace $0x80000046;
	[dreg:$0x1] =	wrdreg $0xFFFFFFFF  }
0xad: {  	s28 =	simm.s32 $_size_execute0_lowered;
	s4 =	sadd.s32 s4, s6;
	[dreg:$0x0] =	wrdreg $0x0  }
0xae: {  	s6 =	sshll.u32 s28, $0x1;
	[dreg:$0x2] =	wrdreg s4  }
0xaf: {  	[dreg:$0x3] =	wrdreg s6  }
0xb0: {  	[dreg:$0x4] =	wrdreg $0xC0  }
0xb1: {  	_ =	task [dreg:s8], $0x5FFFF  }
0xb2: {  	[dreg:$0x1] =	wrdreg $0xFFFFFFFF  }
0xb3: {  	[dreg:$0x0] =	wrdreg $0x60  }
0xb4: {  	[dreg:$0x2] =	wrdreg s24  }
0xb5: {  	[dreg:$0x3] =	wrdreg s16  }
0xb6: {  	[dreg:$0x4] =	wrdreg s17  }
0xb7: {  	[dreg:$0x5] =	wrdreg $0x1A4800  }
0xb8: {  	[dreg:$0x6] =	wrdreg $0x1B8800  }
0xb9: {  	[dreg:$0x7] =	wrdreg $0x9  }
0xba: {  	_ =	task.clear_ibuf [dreg:s8], $0x8FFFF;
	_ =	strace $0x90000046  }
0xbb: {  	s29 =	simm.s32 $0x9;
	_ =	strace $0x80000048  }
0xbc: {  	_ =	swait.ge [sflag:s29], $0x1  }
0xbd: {  	[sflag:s29] =	ssyncadd.s32 $0xFFFFFFFF  }
0xbe: {  	_ =	strace $0x90000048  }
0xbf: {  	_ =	sfence  }
0xc0: {  	s30 =	sld [smem:$0x0];
	_ =	sdelay $0x2  }
0xc1: {  	s31 =	sshll.u32 s1, $0xD;
	s1 =	sshrl.u32 s1, $0x2  }
0xc2: {  	s3 =	sand.u32 $0x4000, s31;
	s1 =	sadd.s32 s1, s30  }
0xc3: {  	s0 =	sor.u32 s3, s0;
	s1 =	sshll.u32 s1, $0x11  }
0xc4: {  	s0 =	sor.u32 s1, s0  }
0xc5: {  	s0 =	sadd.s32 $0x8F2B, s0  }
0xc6: {  	[sflag:s0] =	ssyncadd.remote.s32 $0x1  }
0xc7: {  	_ =	sfence.sel $0xFFFF  }
0xc8: {  	[dreg:$0x0] =	wrdreg $0xFFFFFFFF;
	(pc) =	sbr.abs _section_cstart, $3  }
0xc9: {  	[dreg:$0x1] =	wrdreg $0xFFFFFFFF  }
0xca: {  	_ =	task.clear_ibuf [dreg:s8], $0x2FFFF;
	_ =	strace $0x9FFFFFFF  }
0xcb: {  	(tm) =	ssettm $0x7FFFFFFF  }
tec
execute0_lowered:
.L_overlay_start_1:
0x0: {  	(tag) =	ssettag $0x1  }
0x1: {  	s0 =	rddreg [dreg:$0x0]  }
0x2: {  	s3 =	rddreg [dreg:$0x3]  }
0x3: {  	s4 =	rddreg [dreg:$0x4];
	s5 =	simm.s32 $0x0;
	s2 =	srdreg.scid  }
0x4: {  	s16 =	stileid.u32;
	[smem:$0x7FF] =	sst s5;
	s1 =	sadd.s32 $0x4E4A00, s0  }
0x5: {  	s6 =	sadd.s32 $0x2A00, s0;
	s2 =	sand.u32 $0x1, s2;
	s10 =	smul.u32 $0x280, s16  }
0x6: {  	s9 =	sadd.s32 $0xC800, s0;
	s12 =	smul.u32 $0x1400, s16;
	s0 =	sadd.s32 $0x16800, s0  }
0x7: {  	s22 =	sshll.u32 s16, $0x7;
	s25 =	sshll.u32 s16, $0x4;
	_ =	strace $0x80000047  }
0x8: {  	s7 =	sshll.u32 s2, $0x4;
	s8 =	ssub.s32 $0x2, s2;
	s2 =	smul.u32 $0x28000, s2  }
0x9: {  	s26 =	sadd.s32 s25, s0;
	s11 =	sor.u32 s16, s7;
	s20 =	sshrl.u32 s8, $0x1  }
0xa: {  	s7 =	sadd.s32 s12, s3;
	s30 =	sadd.s32 $0x9C00, s26;
	s13 =	smul.u32 $0x2700, s11  }
0xb: {  	s14 =	ssub.s32 s8, s20;
	s15 =	smul.u32 $0x4E0, s11;
	s8 =	sadd.s32 s12, s4  }
0xc: {  	s12 =	sor.u32 $0x4E000, s22;
	[dreg:$0xb] =	wrdreg s30;
	s22 =	smax.u32 s14, $0x1  }
0xd: {  	s21 =	sadd.s32 s1, s13;
	[dreg:$0x15] =	wrdreg s22  }
0xe: {  	s2 =	sor.u32 s10, s2;
	s23 =	sadd.s32 s6, s15;
	[dreg:$0x6] =	wrdreg s21  }
0xf: {  	s24 =	sshrl.u32 s12, $0x3;
	s1 =	sadd.s32 s1, s12;
	[dreg:$0x7] =	wrdreg s23  }
0x10: {  	s31 =	sshrl.u32 s2, $0x3;
	s0 =	sadd.s32 s0, s15;
	[dreg:$0x8] =	wrdreg s1  }
0x11: {  	s15 =	sadd.s32 s9, s31;
	s1 =	sadd.s32 s6, s24;
	[dreg:$0xa] =	wrdreg s0  }
0x12: {  	s28 =	simm.s32 $0x19F80;
	s16 =	sadd.s32 $0x1400, s15;
	[dreg:$0x9] =	wrdreg s1  }
0x13: {  	s29 =	simm.s32 $0x0;
	s18 =	sadd.s32 $0x1900, s15;
	[dreg:$0xf] =	wrdreg s16  }
0x14: {  	p0 =	sgt.u32 s11, $0x3;
	s19 =	sadd.s32 $0x1E00, s15;
	[dreg:$0x10] =	wrdreg s18  }
0x15: {  	s11 =	simm.s32 $0x16680;
	s20 =	sadd.s32 $0x2300, s15;
	[dreg:$0x11] =	wrdreg s19  }
0x16: {  	s10 =	sadd.s32 $0x7800, s2;
	s21 =	sadd.s32 $0x2D00, s15;
	[dreg:$0x13] =	wrdreg s20  }
0x17: {  	s17 =	sadd.s32 $0x14000, s2;
	s23 =	sadd.s32 $0x3200, s15;
	[dreg:$0x14] =	wrdreg s21  }
0x18: {  	s14 =	simm.s32 $0x16380;
	s24 =	sadd.s32 $0x3700, s15;
	[dreg:$0x16] =	wrdreg s23  }
0x19: {  	s13 =	sshrl.u32 s10, $0x3;
	s25 =	sadd.s32 $0x3C00, s15;
	[dreg:$0x17] =	wrdreg s24  }
0x1a: {  	s10 =	simm.s32 $0x16400;
	s26 =	sadd.s32 $0x4100, s15;
	[dreg:$0x18] =	wrdreg s25  }
0x1b: {  	s6 =	sadd.s32 $0x5000, s2;
	s30 =	sadd.s32 $0x4600, s15;
	[dreg:$0x19] =	wrdreg s26  }
0x1c: {  	s31 =	sadd.s32 $0x4B00, s15;
	s1 =	sadd.s32 $0x2800, s2;
	[dreg:$0x1a] =	wrdreg s30  }
0x1d: {  	[dreg:$0x1b] =	wrdreg s31;
	s2 =	simm.s32 $0x80;
	s16 =	simm.s32 $0x16500  }
0x1e: {  	s18 =	simm.s32 $0x16580;
	s19 =	simm.s32 $0x16800;
	s0 =	sshrl.u32 s1, $0x3  }
0x1f: {  	s20 =	simm.s32 $0x1;
	s1 =	sshrl.u32 s6, $0x3;
	s0 =	sadd.s32 s9, s0  }
0x20: {  	s23 =	simm.s32 $0x1A200;
	s12 =	sadd.s32 s9, s1;
	[dreg:$0xc] =	wrdreg s0  }
0x21: {  	s6 =	simm.s32 $0x1CC80;
	[dreg:$0xd] =	wrdreg s12;
	s0 =	sadd.s32 s9, s13  }
0x22: {  	s1 =	simm.s32 $0x2;
	[dreg:$0xe] =	wrdreg s0;
	s0 =	sshrl.u32 s17, $0x3  }
0x23: {  	v0 =	vlaneseq.u32;
	s12 =	simm.s32 $0x16480;
	s13 =	simm.s32 $0x16700;
	s0 =	sadd.s32 s9, s0  }
0x24: {  	v0 =	vmul.u32 $0x8, v0;
	s17 =	simm.s32 $0x16780;
	s9 =	simm.s32 $0x16600;
	[dreg:$0x12] =	wrdreg s0  }
.LBB2_1:
0x25: {  	s0 =	rddreg [dreg:$0x1]  }
0x26: {  	[tilespmem:s6], [sflag:$0x2] =	stream.linear.gather [hbm4b:s0+s5], $0x1400, $0x38;
	[tilespmem:$0x1E080] =	vst v63  }
0x27: {  	_ =	swait.ge [sflag:s1], $0x1400  }
0x28: {  	[sflag:s1] =	ssyncset.done $0x0  }
0x29: {  	[sflag:s1] =	ssyncadd.s32 $0xFFFFEC00  }
0x2a: {  	[spmem:s7] =	stream.linear.scatter [tilespmem:s6], [sflag:$0x2], $0x1400, $0x38;
	[tilespmem:$0x1E080] =	vst v63  }
0x2b: {  	_ =	swait.ge [sflag:s1], $0x1400  }
0x2c: {  	[sflag:s1] =	ssyncset.done $0x0  }
0x2d: {  	[sflag:s1] =	ssyncadd.s32 $0xFFFFEC00  }
0x2e: {  	[spmem:s8] =	stream.linear.scatter [tilespmem:s6], [sflag:$0x2], $0x1400, $0x38;
	[tilespmem:$0x1E080] =	vst v63  }
0x2f: {  	_ =	swait.ge [sflag:s1], $0x1400  }
0x30: {  	[sflag:s1] =	ssyncset.done $0x0  }
0x31: {  	[sflag:s1] =	ssyncadd.s32 $0xFFFFEC00  }
0x32: {  	[bflag:$0x0] =	sbarrier.arrive $0xFFFF  }
0x33: {  	s24 =	rddreg [dreg:$0x6]  }
0x34: {  	[tilespmem:s5], [sflag:$0x2] =	stream.linear.gather [hbm4b:s24+s5], $0x13800, $0x38;
	[tilespmem:$0x1E080] =	vst v63  }
0x35: {  	_ =	swait.ge [sflag:s1], $0x13800  }
0x36: {  	[sflag:s1] =	ssyncset.done $0x0  }
0x37: {  	s21 =	simm.s32 $0x13C00;
	s25 =	rddreg [dreg:$0x7];
	[sflag:s1] =	ssyncadd.s32 $0xFFFEC800  }
0x38: {  	[tilespmem:s21], [sflag:$0x2] =	stream.linear.gather [hbm4b:s25+s5], $0x2700, $0x38;
	[tilespmem:$0x1E080] =	vst v63  }
0x39: {  	_ =	swait.ge [sflag:s1], $0x2700  }
0x3a: {  	[sflag:s1] =	ssyncset.done $0x0  }
0x3b: {  	[sflag:s1] =	ssyncadd.s32 $0xFFFFD900  }
0x3c: {  	s31 =	simm.s32 $0x16880;
	s26 =	rddreg [dreg:$0x2]  }
0x3d: {  	[tilespmem:s31], [sflag:$0x2] =	stream.linear.gather [hbm4b:s26+s5], $0x80, $0x38;
	[tilespmem:$0x1E080] =	vst v63  }
0x3e: {  	_ =	swait.ge [sflag:s1], $0x80  }
0x3f: {  	s0 =	simm.s32 @!p0 $0x0;
	[sflag:s1] =	ssyncset.done $0x0  }
0x40: {  	s21 =	simm.s32 @!p0 $0x13800;
	s22 =	rddreg [dreg:$0x8];
	[sflag:s1] =	ssyncadd.s32 $0xFFFFFF80  }
0x41: {  	[tilespmem:s21], [sflag:$0x2] =	stream.linear.gather @!p0 [hbm4b:s22+s0], $0x400, $0x38;
	[tilespmem:$0x1E080] =	vst v63  }
0x42: {  	s21 =	simm.s32 @!p0 $0x2  }
0x43: {  	_ =	swait.ge @!p0 [sflag:s21], $0x400  }
0x44: {  	[sflag:s21] =	ssyncset.done @!p0 $0x0  }
0x45: {  	s22 =	simm.s32 @!p0 $0x16300;
	s24 =	rddreg [dreg:$0x9];
	[sflag:s21] =	ssyncadd.s32 @!p0 $0xFFFFFC00  }
0x46: {  	[tilespmem:s22], [sflag:$0x2] =	stream.linear.gather @!p0 [hbm4b:s24+s0], $0x80, $0x38;
	[tilespmem:$0x1E080] =	vst v63  }
0x47: {  	_ =	swait.ge @!p0 [sflag:s21], $0x80  }
0x48: {  	s30 =	simm.s32 $0x16900;
	[sflag:s21] =	ssyncset.done @!p0 $0x0  }
0x49: {  	s22 =	simm.s32 $0x0;
	[sflag:s21] =	ssyncadd.s32 @!p0 $0xFFFFFF80;
	s21 =	simm.s32 $0x0  }
.LBB2_2:
0x4a: {  	s31 =	smul.u32 $0x280, s21;
	_ =	sdelay $0x1  }
0x4b: {  	v1 =	vld [tilespmem:s31+$0x13C00];
	_ =	sdelay $0x4  }
0x4c: {  	v2 =	vand.u32 $0xFFFF, v1  }
0x4d: {  	v1 =	vshrl.u32 v1, $0x10;
	[tilespmem:$0x16380] =	vst v2  }
0x4e: {  	[tilespmem:$0x16600] =	vst v1  }
0x4f: {  	v1 =	vld [tilespmem:s31+$0x13C10];
	_ =	sdelay $0x4  }
0x50: {  	v2 =	vand.u32 $0xFFFF, v1  }
0x51: {  	v1 =	vshrl.u32 v1, $0x10;
	[tilespmem:$0x16390] =	vst v2  }
0x52: {  	[tilespmem:$0x16610] =	vst v1  }
0x53: {  	v1 =	vld [tilespmem:s31+$0x13C20];
	_ =	sdelay $0x4  }
0x54: {  	v2 =	vand.u32 $0xFFFF, v1  }
0x55: {  	v1 =	vshrl.u32 v1, $0x10;
	[tilespmem:$0x163A0] =	vst v2  }
0x56: {  	[tilespmem:$0x16620] =	vst v1  }
0x57: {  	v1 =	vld [tilespmem:s31+$0x13C30];
	_ =	sdelay $0x4  }
0x58: {  	v2 =	vand.u32 $0xFFFF, v1  }
0x59: {  	v1 =	vshrl.u32 v1, $0x10;
	[tilespmem:$0x163B0] =	vst v2  }
0x5a: {  	[tilespmem:$0x16630] =	vst v1  }
0x5b: {  	v1 =	vld [tilespmem:s31+$0x13C40];
	_ =	sdelay $0x4  }
0x5c: {  	v2 =	vand.u32 $0xFFFF, v1  }
0x5d: {  	v1 =	vshrl.u32 v1, $0x10;
	[tilespmem:$0x163C0] =	vst v2  }
0x5e: {  	[tilespmem:$0x16640] =	vst v1  }
0x5f: {  	v1 =	vld [tilespmem:s31+$0x13C50];
	_ =	sdelay $0x4  }
0x60: {  	v2 =	vand.u32 $0xFFFF, v1  }
0x61: {  	v1 =	vshrl.u32 v1, $0x10;
	[tilespmem:$0x163D0] =	vst v2  }
0x62: {  	[tilespmem:$0x16650] =	vst v1  }
0x63: {  	v1 =	vld [tilespmem:s31+$0x13C60];
	_ =	sdelay $0x4  }
0x64: {  	v2 =	vand.u32 $0xFFFF, v1  }
0x65: {  	v1 =	vshrl.u32 v1, $0x10;
	[tilespmem:$0x163E0] =	vst v2  }
0x66: {  	[tilespmem:$0x16660] =	vst v1  }
0x67: {  	v1 =	vld [tilespmem:s31+$0x13C70];
	_ =	sdelay $0x4  }
0x68: {  	v2 =	vand.u32 $0xFFFF, v1  }
0x69: {  	v1 =	vshrl.u32 v1, $0x10;
	[tilespmem:$0x163F0] =	vst v2  }
0x6a: {  	[tilespmem:$0x16670] =	vst v1  }
0x6b: {  	v1 =	vld [tilespmem:s31+$0x13C80];
	_ =	sdelay $0x4  }
0x6c: {  	v2 =	vand.u32 $0xFFFF, v1  }
0x6d: {  	v1 =	vshrl.u32 v1, $0x10;
	[tilespmem:$0x16400] =	vst v2  }
0x6e: {  	[tilespmem:$0x16680] =	vst v1  }
0x6f: {  	v1 =	vld [tilespmem:s31+$0x13C90];
	_ =	sdelay $0x4  }
0x70: {  	v2 =	vand.u32 $0xFFFF, v1  }
0x71: {  	v1 =	vshrl.u32 v1, $0x10;
	[tilespmem:$0x16410] =	vst v2  }
0x72: {  	[tilespmem:$0x16690] =	vst v1  }
0x73: {  	v1 =	vld [tilespmem:s31+$0x13CA0];
	_ =	sdelay $0x4  }
0x74: {  	v2 =	vand.u32 $0xFFFF, v1  }
0x75: {  	v1 =	vshrl.u32 v1, $0x10;
	[tilespmem:$0x16420] =	vst v2  }
0x76: {  	[tilespmem:$0x166A0] =	vst v1  }
0x77: {  	v1 =	vld [tilespmem:s31+$0x13CB0];
	_ =	sdelay $0x4  }
0x78: {  	v2 =	vand.u32 $0xFFFF, v1  }
0x79: {  	v1 =	vshrl.u32 v1, $0x10;
	[tilespmem:$0x16430] =	vst v2  }
0x7a: {  	[tilespmem:$0x166B0] =	vst v1  }
0x7b: {  	v1 =	vld [tilespmem:s31+$0x13CC0];
	_ =	sdelay $0x4  }
0x7c: {  	v2 =	vand.u32 $0xFFFF, v1  }
0x7d: {  	v1 =	vshrl.u32 v1, $0x10;
	[tilespmem:$0x16440] =	vst v2  }
0x7e: {  	[tilespmem:$0x166C0] =	vst v1  }
0x7f: {  	v1 =	vld [tilespmem:s31+$0x13CD0];
	_ =	sdelay $0x4  }
0x80: {  	v2 =	vand.u32 $0xFFFF, v1  }
0x81: {  	v1 =	vshrl.u32 v1, $0x10;
	[tilespmem:$0x16450] =	vst v2  }
0x82: {  	[tilespmem:$0x166D0] =	vst v1  }
0x83: {  	v1 =	vld [tilespmem:s31+$0x13CE0];
	_ =	sdelay $0x4  }
0x84: {  	v2 =	vand.u32 $0xFFFF, v1  }
0x85: {  	v1 =	vshrl.u32 v1, $0x10;
	[tilespmem:$0x16460] =	vst v2  }
0x86: {  	[tilespmem:$0x166E0] =	vst v1  }
0x87: {  	v1 =	vld [tilespmem:s31+$0x13CF0];
	_ =	sdelay $0x4  }
0x88: {  	v2 =	vand.u32 $0xFFFF, v1  }
0x89: {  	v1 =	vshrl.u32 v1, $0x10;
	[tilespmem:$0x16470] =	vst v2  }
0x8a: {  	[tilespmem:$0x166F0] =	vst v1  }
0x8b: {  	v1 =	vld [tilespmem:s31+$0x13D00];
	_ =	sdelay $0x4  }
0x8c: {  	v2 =	vand.u32 $0xFFFF, v1  }
0x8d: {  	v1 =	vshrl.u32 v1, $0x10;
	[tilespmem:$0x16480] =	vst v2  }
0x8e: {  	[tilespmem:$0x16700] =	vst v1  }
0x8f: {  	v1 =	vld [tilespmem:s31+$0x13D10];
	_ =	sdelay $0x4  }
0x90: {  	v2 =	vand.u32 $0xFFFF, v1  }
0x91: {  	v1 =	vshrl.u32 v1, $0x10;
	[tilespmem:$0x16490] =	vst v2  }
0x92: {  	[tilespmem:$0x16710] =	vst v1  }
0x93: {  	v1 =	vld [tilespmem:s31+$0x13D20];
	_ =	sdelay $0x4  }
0x94: {  	v2 =	vand.u32 $0xFFFF, v1  }
0x95: {  	v1 =	vshrl.u32 v1, $0x10;
	[tilespmem:$0x164A0] =	vst v2  }
0x96: {  	[tilespmem:$0x16720] =	vst v1  }
0x97: {  	v1 =	vld [tilespmem:s31+$0x13D30];
	_ =	sdelay $0x4  }
0x98: {  	v2 =	vand.u32 $0xFFFF, v1  }
0x99: {  	v1 =	vshrl.u32 v1, $0x10;
	[tilespmem:$0x164B0] =	vst v2  }
0x9a: {  	[tilespmem:$0x16730] =	vst v1  }
0x9b: {  	v1 =	vld [tilespmem:s31+$0x13D40];
	_ =	sdelay $0x4  }
0x9c: {  	v2 =	vand.u32 $0xFFFF, v1  }
0x9d: {  	v1 =	vshrl.u32 v1, $0x10;
	[tilespmem:$0x164C0] =	vst v2  }
0x9e: {  	[tilespmem:$0x16740] =	vst v1  }
0x9f: {  	v1 =	vld [tilespmem:s31+$0x13D50];
	_ =	sdelay $0x4  }
0xa0: {  	v2 =	vand.u32 $0xFFFF, v1  }
0xa1: {  	v1 =	vshrl.u32 v1, $0x10;
	[tilespmem:$0x164D0] =	vst v2  }
0xa2: {  	[tilespmem:$0x16750] =	vst v1  }
0xa3: {  	v1 =	vld [tilespmem:s31+$0x13D60];
	_ =	sdelay $0x4  }
0xa4: {  	v2 =	vand.u32 $0xFFFF, v1  }
0xa5: {  	v1 =	vshrl.u32 v1, $0x10;
	[tilespmem:$0x164E0] =	vst v2  }
0xa6: {  	[tilespmem:$0x16760] =	vst v1  }
0xa7: {  	v1 =	vld [tilespmem:s31+$0x13D70];
	_ =	sdelay $0x4  }
0xa8: {  	v2 =	vand.u32 $0xFFFF, v1  }
0xa9: {  	v1 =	vshrl.u32 v1, $0x10;
	[tilespmem:$0x164F0] =	vst v2  }
0xaa: {  	[tilespmem:$0x16770] =	vst v1  }
0xab: {  	v1 =	vld [tilespmem:s31+$0x13D80];
	_ =	sdelay $0x4  }
0xac: {  	v2 =	vand.u32 $0xFFFF, v1  }
0xad: {  	v1 =	vshrl.u32 v1, $0x10;
	[tilespmem:$0x16500] =	vst v2  }
0xae: {  	[tilespmem:$0x16780] =	vst v1  }
0xaf: {  	v1 =	vld [tilespmem:s31+$0x13D90];
	_ =	sdelay $0x4  }
0xb0: {  	v2 =	vand.u32 $0xFFFF, v1  }
0xb1: {  	v1 =	vshrl.u32 v1, $0x10;
	[tilespmem:$0x16510] =	vst v2  }
0xb2: {  	[tilespmem:$0x16790] =	vst v1  }
0xb3: {  	v1 =	vld [tilespmem:s31+$0x13DA0];
	_ =	sdelay $0x4  }
0xb4: {  	v2 =	vand.u32 $0xFFFF, v1  }
0xb5: {  	v1 =	vshrl.u32 v1, $0x10;
	[tilespmem:$0x16520] =	vst v2  }
0xb6: {  	[tilespmem:$0x167A0] =	vst v1  }
0xb7: {  	v1 =	vld [tilespmem:s31+$0x13DB0];
	_ =	sdelay $0x4  }
0xb8: {  	v2 =	vand.u32 $0xFFFF, v1  }
0xb9: {  	v1 =	vshrl.u32 v1, $0x10;
	[tilespmem:$0x16530] =	vst v2  }
0xba: {  	[tilespmem:$0x167B0] =	vst v1  }
0xbb: {  	v1 =	vld [tilespmem:s31+$0x13DC0];
	_ =	sdelay $0x4  }
0xbc: {  	v2 =	vand.u32 $0xFFFF, v1  }
0xbd: {  	v1 =	vshrl.u32 v1, $0x10;
	[tilespmem:$0x16540] =	vst v2  }
0xbe: {  	[tilespmem:$0x167C0] =	vst v1  }
0xbf: {  	v1 =	vld [tilespmem:s31+$0x13DD0];
	_ =	sdelay $0x4  }
0xc0: {  	v2 =	vand.u32 $0xFFFF, v1  }
0xc1: {  	v1 =	vshrl.u32 v1, $0x10;
	[tilespmem:$0x16550] =	vst v2  }
0xc2: {  	[tilespmem:$0x167D0] =	vst v1  }
0xc3: {  	v1 =	vld [tilespmem:s31+$0x13DE0];
	_ =	sdelay $0x4  }
0xc4: {  	v2 =	vand.u32 $0xFFFF, v1  }
0xc5: {  	v1 =	vshrl.u32 v1, $0x10;
	[tilespmem:$0x16560] =	vst v2  }
0xc6: {  	[tilespmem:$0x167E0] =	vst v1  }
0xc7: {  	v1 =	vld [tilespmem:s31+$0x13DF0];
	_ =	sdelay $0x4  }
0xc8: {  	v2 =	vand.u32 $0xFFFF, v1  }
0xc9: {  	v1 =	vshrl.u32 v1, $0x10;
	[tilespmem:$0x16570] =	vst v2  }
0xca: {  	[tilespmem:$0x167F0] =	vst v1  }
0xcb: {  	v1 =	vld [tilespmem:s31+$0x13E00];
	_ =	sdelay $0x4  }
0xcc: {  	v2 =	vand.u32 $0xFFFF, v1  }
0xcd: {  	v1 =	vshrl.u32 v1, $0x10;
	[tilespmem:$0x16580] =	vst v2  }
0xce: {  	[tilespmem:$0x16800] =	vst v1  }
0xcf: {  	v1 =	vld [tilespmem:s31+$0x13E10];
	_ =	sdelay $0x4  }
0xd0: {  	v2 =	vand.u32 $0xFFFF, v1  }
0xd1: {  	v1 =	vshrl.u32 v1, $0x10;
	[tilespmem:$0x16590] =	vst v2  }
0xd2: {  	[tilespmem:$0x16810] =	vst v1  }
0xd3: {  	v1 =	vld [tilespmem:s31+$0x13E20];
	_ =	sdelay $0x4  }
0xd4: {  	v2 =	vand.u32 $0xFFFF, v1  }
0xd5: {  	v1 =	vshrl.u32 v1, $0x10;
	[tilespmem:$0x165A0] =	vst v2  }
0xd6: {  	[tilespmem:$0x16820] =	vst v1  }
0xd7: {  	v1 =	vld [tilespmem:s31+$0x13E30];
	_ =	sdelay $0x4  }
0xd8: {  	v2 =	vand.u32 $0xFFFF, v1  }
0xd9: {  	v1 =	vshrl.u32 v1, $0x10;
	[tilespmem:$0x165B0] =	vst v2  }
0xda: {  	[tilespmem:$0x16830] =	vst v1  }
0xdb: {  	v1 =	vld [tilespmem:s31+$0x13E40];
	_ =	sdelay $0x4  }
0xdc: {  	v2 =	vand.u32 $0xFFFF, v1  }
0xdd: {  	v1 =	vshrl.u32 v1, $0x10;
	[tilespmem:$0x165C0] =	vst v2  }
0xde: {  	[tilespmem:$0x16840] =	vst v1  }
0xdf: {  	v1 =	vld [tilespmem:s31+$0x13E50];
	_ =	sdelay $0x4  }
0xe0: {  	v2 =	vand.u32 $0xFFFF, v1  }
0xe1: {  	v1 =	vshrl.u32 v1, $0x10;
	[tilespmem:$0x165D0] =	vst v2  }
0xe2: {  	[tilespmem:$0x16850] =	vst v1  }
0xe3: {  	v1 =	vld [tilespmem:s31+$0x13E60];
	_ =	sdelay $0x4  }
0xe4: {  	v2 =	vand.u32 $0xFFFF, v1  }
0xe5: {  	v1 =	vshrl.u32 v1, $0x10;
	[tilespmem:$0x165E0] =	vst v2  }
0xe6: {  	[tilespmem:$0x16860] =	vst v1  }
0xe7: {  	v1 =	vld [tilespmem:s31+$0x13E70];
	_ =	sdelay $0x4  }
0xe8: {  	s0 =	smul.u32 $0x5000, s21;
	v2 =	vand.u32 $0xFFFF, v1  }
0xe9: {  	v1 =	vshrl.u32 v1, $0x10;
	[tilespmem:$0x165F0] =	vst v2  }
0xea: {  	s0 =	sshra.s32 s0, $0x2;
	s24 =	sshll.u32 s31, $0x3;
	[tilespmem:$0x16870] =	vst v1  }
0xeb: {  	[spmem:s3] =	stream.indirect.scatter.add.f32 [tilespmem:s0], [sflag:$0x1], $0x8, s14, s2, $0xb8;
	[tilespmem:$0x1E080] =	vst v63  }
0xec: {  	s25 =	sadd.s32 $0x400, s24  }
0xed: {  	[spmem:s4] =	stream.indirect.scatter.add.f32 [tilespmem:s0], [sflag:$0x1], $0x8, s9, s2, $0xb8;
	[tilespmem:$0x1E080] =	vst v63  }
0xee: {  	s0 =	sand.u32 $0x3FFFFC00, s25  }
0xef: {  	[spmem:s3] =	stream.indirect.scatter.add.f32 [tilespmem:s0], [sflag:$0x1], $0x8, s10, s2, $0xb8;
	[tilespmem:$0x1E080] =	vst v63  }
0xf0: {  	s26 =	sadd.s32 $0x800, s24  }
0xf1: {  	[spmem:s4] =	stream.indirect.scatter.add.f32 [tilespmem:s0], [sflag:$0x1], $0x8, s11, s2, $0xb8;
	[tilespmem:$0x1E080] =	vst v63  }
0xf2: {  	s0 =	sand.u32 $0x3FFFFC00, s26  }
0xf3: {  	[spmem:s3] =	stream.indirect.scatter.add.f32 [tilespmem:s0], [sflag:$0x1], $0x8, s12, s2, $0xb8;
	[tilespmem:$0x1E080] =	vst v63  }
0xf4: {  	s25 =	sadd.s32 $0xC00, s24  }
0xf5: {  	[spmem:s4] =	stream.indirect.scatter.add.f32 [tilespmem:s0], [sflag:$0x1], $0x8, s13, s2, $0xb8;
	[tilespmem:$0x1E080] =	vst v63  }
0xf6: {  	s0 =	sand.u32 $0x3FFFFC00, s25  }
0xf7: {  	v1 =	vmov s22;
	[spmem:s3] =	stream.indirect.scatter.add.f32 [tilespmem:s0], [sflag:$0x1], $0x8, s16, s2, $0xb8;
	[tilespmem:$0x1E080] =	vst v63  }
0xf8: {  	v1 =	vshll.u32 v1, $0x3;
	s26 =	sadd.s32 $0x1000, s24  }
0xf9: {  	v1 =	vor.u32 v0, v1;
	[spmem:s4] =	stream.indirect.scatter.add.f32 [tilespmem:s0], [sflag:$0x1], $0x8, s17, s2, $0xb8;
	[tilespmem:$0x1E080] =	vst v63  }
0xfa: {  	s0 =	sand.u32 $0x3FFFFC00, s26  }
0xfb: {  	v2 =	vor.u32 $0x1, v1;
	[spmem:s3] =	stream.indirect.scatter.add.f32 [tilespmem:s0], [sflag:$0x1], $0x8, s18, s2, $0xb8;
	[tilespmem:$0x1E080] =	vst v63  }
0xfc: {  	_ = 	snop  }
0xfd: {  	[spmem:s4] =	stream.indirect.scatter.add.f32 [tilespmem:s0], [sflag:$0x1], $0x8, s19, s2, $0xb8;
	[tilespmem:$0x1E080] =	vst v63  }
0xfe: {  	v5 =	vld.idx.msk [tilespmem:v1+s5+$0x0], $0xffff  }
0xff: {  	v4 =	vor.u32 $0x2, v1;
	v6 =	vld [tilespmem:$0x16880]  }
0x100: {  	v2 =	vld.idx.msk [tilespmem:v2+s5+$0x0], $0xffff  }
0x101: {  	v8 =	vor.u32 $0x3, v1;
	v7 =	vld [tilespmem:$0x16890]  }
0x102: {  	v3 =	vld [tilespmem:$0x168C0];
	_ =	sdelay $0x1  }
0x103: {  	v9 =	vld.idx.msk [tilespmem:v4+s5+$0x0], $0xffff  }
0x104: {  	v10 =	vld [tilespmem:$0x168A0];
	v1 =	vmul.f32 v6, v5  }
0x105: {  	v5 =	vmul.f32 v7, v2;
	v2 =	vld.idx.msk [tilespmem:v8+s5+$0x0], $0xffff  }
0x106: {  	v4 =	vadd.f32 v1, v3;
	v3 =	vld [tilespmem:$0x168B0];
	_ =	sdelay $0x2  }
0x107: {  	s24 =	sadd.s32 $0x10, s22;
	v4 =	vadd.f32 v5, v4;
	v5 =	vmul.f32 v10, v9  }
0x108: {  	s31 =	simm.s32 $0x40;
	s25 =	simm.s32 $0x80;
	s0 =	simm.s32 $0x0;
	v6 =	vmov s24;
	v1 =	vmov s30  }
.LBB2_3:
0x109: {  	p1 =	sne.s32 s25, $0x9C0;
	v6 =	vshll.u32 v6, $0x3;
	v4 =	vadd.f32 v5, v4;
	v2 =	vmul.f32 v3, v2  }
0x10a: {  	v3 =	vor.u32 v0, v6  }
0x10b: {  	v2 =	vadd.f32 v2, v4  }
0x10c: {  	s26 =	sshra.s32 s0, $0x2;
	s0 =	smov.u32 s31;
	s31 =	smov.u32 s25;
	v4 =	vor.u32 $0x1, v3  }
0x10d: {  	[tilespmem:v1+s26+$0x0 ss:$0x1] =	vst.idx.msk $0xffff, v2  }
0x10e: {  	v2 =	vor.u32 $0x2, v3;
	v5 =	vld [tilespmem:$0x168C0]  }
0x10f: {  	v6 =	vld.idx.msk [tilespmem:v3+s5+$0x0], $0xffff  }
0x110: {  	v3 =	vor.u32 $0x3, v3;
	v7 =	vld [tilespmem:$0x16880]  }
0x111: {  	v4 =	vld.idx.msk [tilespmem:v4+s5+$0x0], $0xffff  }
0x112: {  	v8 =	vld [tilespmem:$0x16890]  }
0x113: {  	v9 =	vld.idx.msk [tilespmem:v2+s5+$0x0], $0xffff  }
0x114: {  	v10 =	vld [tilespmem:$0x168A0]  }
0x115: {  	v6 =	vmul.f32 v7, v6;
	v2 =	vld.idx.msk [tilespmem:v3+s5+$0x0], $0xffff  }
.Ltmp0:
0x116: {  	v3 =	vld [tilespmem:$0x168B0];
	(pc) =	sbr.rel @p1 .LBB2_3-.Ltmp0, $3  }
0x117: {  	v5 =	vadd.f32 v6, v5;
	v4 =	vmul.f32 v8, v4;
	_ =	sdelay $0x1  }
0x118: {  	s24 =	sadd.s32 $0x10, s24;
	v4 =	vadd.f32 v4, v5;
	v5 =	vmul.f32 v10, v9  }
0x119: {  	s25 =	sadd.s32 $0x40, s25;
	v6 =	vmov s24  }
0x11a: {  	v4 =	vadd.f32 v5, v4;
	v2 =	vmul.f32 v3, v2  }
0x11b: {  	v6 =	vshll.u32 v6, $0x3  }
0x11c: {  	v3 =	vor.u32 v0, v6;
	v2 =	vadd.f32 v2, v4  }
0x11d: {  	s0 =	sshra.s32 s0, $0x2  }
0x11e: {  	v60 =	vor.u32 $0x1, v3;
	[tilespmem:v1+s0+$0x0 ss:$0x1] =	vst.idx.msk $0xffff, v2  }
0x11f: {  	v2 =	vld [tilespmem:$0x168C0]  }
0x120: {  	v61 =	vor.u32 $0x2, v3;
	v7 =	vld [tilespmem:$0x16880]  }
0x121: {  	v6 =	vld.idx.msk [tilespmem:v3+s5+$0x0], $0xffff  }
0x122: {  	v8 =	vld [tilespmem:$0x16890];
	v3 =	vor.u32 $0x3, v3  }
0x123: {  	v4 =	vld.idx.msk [tilespmem:v60+s5+$0x0], $0xffff  }
0x124: {  	v9 =	vld [tilespmem:$0x168A0]  }
0x125: {  	v5 =	vld.idx.msk [tilespmem:v61+s5+$0x0], $0xffff  }
0x126: {  	v62 =	vld [tilespmem:$0x168B0];
	v6 =	vmul.f32 v7, v6  }
0x127: {  	v3 =	vld.idx.msk [tilespmem:v3+s5+$0x0], $0xffff  }
0x128: {  	v4 =	vmul.f32 v8, v4;
	v2 =	vadd.f32 v6, v2;
	_ =	sdelay $0x1  }
0x129: {  	v63 =	vmul.f32 v9, v5;
	v2 =	vadd.f32 v4, v2;
	_ =	sdelay $0x1  }
0x12a: {  	v3 =	vmul.f32 v62, v3;
	v2 =	vadd.f32 v63, v2;
	_ =	sdelay $0x1  }
0x12b: {  	v2 =	vadd.f32 v3, v2  }
0x12c: {  	s31 =	sshra.s32 s31, $0x2  }
0x12d: {  	[tilespmem:v1+s31+$0x0 ss:$0x1] =	vst.idx.msk $0xffff, v2  }
0x12e: {  	_ =	swait.ge [sflag:s20], $0x400  }
0x12f: {  	[sflag:s20] =	ssyncset.done $0x0  }
0x130: {  	[sflag:s20] =	ssyncadd.s32 $0xFFFFFC00  }
0x131: {  	_ =	swait.ge [sflag:s20], $0x400  }
0x132: {  	[sflag:s20] =	ssyncset.done $0x0  }
0x133: {  	[sflag:s20] =	ssyncadd.s32 $0xFFFFFC00  }
0x134: {  	_ =	swait.ge [sflag:s20], $0x400  }
0x135: {  	[sflag:s20] =	ssyncset.done $0x0  }
0x136: {  	[sflag:s20] =	ssyncadd.s32 $0xFFFFFC00  }
0x137: {  	_ =	swait.ge [sflag:s20], $0x400  }
0x138: {  	[sflag:s20] =	ssyncset.done $0x0  }
0x139: {  	[sflag:s20] =	ssyncadd.s32 $0xFFFFFC00  }
0x13a: {  	_ =	swait.ge [sflag:s20], $0x400  }
0x13b: {  	[sflag:s20] =	ssyncset.done $0x0  }
0x13c: {  	[sflag:s20] =	ssyncadd.s32 $0xFFFFFC00  }
0x13d: {  	_ =	swait.ge [sflag:s20], $0x400  }
0x13e: {  	[sflag:s20] =	ssyncset.done $0x0  }
0x13f: {  	[sflag:s20] =	ssyncadd.s32 $0xFFFFFC00  }
0x140: {  	_ =	swait.ge [sflag:s20], $0x400  }
0x141: {  	[sflag:s20] =	ssyncset.done $0x0  }
0x142: {  	[sflag:s20] =	ssyncadd.s32 $0xFFFFFC00  }
0x143: {  	_ =	swait.ge [sflag:s20], $0x400  }
0x144: {  	[sflag:s20] =	ssyncset.done $0x0  }
0x145: {  	s21 =	sadd.s32 $0x1, s21;
	[sflag:s20] =	ssyncadd.s32 $0xFFFFFC00  }
0x146: {  	p1 =	sne.s32 s21, $0xF;
	_ =	swait.ge [sflag:s20], $0x400  }
.Ltmp1:
0x147: {  	[sflag:s20] =	ssyncset.done $0x0;
	(pc) =	sbr.rel @p1 .LBB2_2-.Ltmp1, $4  }
0x148: {  	[sflag:s20] =	ssyncadd.s32 $0xFFFFFC00  }
0x149: {  	_ =	swait.ge [sflag:s20], $0x400  }
0x14a: {  	[sflag:s20] =	ssyncset.done $0x0  }
0x14b: {  	s30 =	sadd.s32 $0x280, s30;
	s22 =	sadd.s32 $0x280, s22;
	[sflag:s20] =	ssyncadd.s32 $0xFFFFFC00  }
0x14c: {  	v1 =	vld [tilespmem:$0x16180];
	_ =	sdelay $0x1  }
0x14d: {  	v2 =	vld [tilespmem:$0x16190];
	_ =	sdelay $0x1  }
0x14e: {  	v3 =	vld [tilespmem:$0x161A0]  }
0x14f: {  	v4 =	vand.u32 $0xFFFF, v1  }
0x150: {  	v1 =	vshrl.u32 v1, $0x10;
	[tilespmem:$0x16380] =	vst v4;
	v4 =	vld [tilespmem:$0x161B0]  }
0x151: {  	[tilespmem:$0x16600] =	vst v1;
	v1 =	vand.u32 $0xFFFF, v2  }
0x152: {  	[tilespmem:$0x16390] =	vst v1;
	v1 =	vshrl.u32 v2, $0x10;
	v2 =	vld [tilespmem:$0x161C0]  }
0x153: {  	[tilespmem:$0x16610] =	vst v1;
	v1 =	vand.u32 $0xFFFF, v3  }
0x154: {  	[tilespmem:$0x163A0] =	vst v1;
	v1 =	vshrl.u32 v3, $0x10;
	v3 =	vld [tilespmem:$0x161D0]  }
0x155: {  	[tilespmem:$0x16620] =	vst v1;
	v1 =	vand.u32 $0xFFFF, v4  }
0x156: {  	[tilespmem:$0x163B0] =	vst v1;
	v1 =	vshrl.u32 v4, $0x10;
	v4 =	vld [tilespmem:$0x161E0]  }
0x157: {  	[tilespmem:$0x16630] =	vst v1;
	v1 =	vand.u32 $0xFFFF, v2  }
0x158: {  	[tilespmem:$0x163C0] =	vst v1;
	v1 =	vshrl.u32 v2, $0x10;
	v2 =	vld [tilespmem:$0x161F0]  }
0x159: {  	[tilespmem:$0x16640] =	vst v1;
	v1 =	vand.u32 $0xFFFF, v3  }
0x15a: {  	[tilespmem:$0x163D0] =	vst v1;
	v1 =	vshrl.u32 v3, $0x10;
	v3 =	vld [tilespmem:$0x16200]  }
0x15b: {  	[tilespmem:$0x16650] =	vst v1;
	v1 =	vand.u32 $0xFFFF, v4  }
0x15c: {  	[tilespmem:$0x163E0] =	vst v1;
	v1 =	vshrl.u32 v4, $0x10;
	v4 =	vld [tilespmem:$0x16210]  }
0x15d: {  	[tilespmem:$0x16660] =	vst v1;
	v1 =	vand.u32 $0xFFFF, v2  }
0x15e: {  	[tilespmem:$0x163F0] =	vst v1;
	v1 =	vshrl.u32 v2, $0x10;
	v2 =	vld [tilespmem:$0x16220]  }
0x15f: {  	[tilespmem:$0x16670] =	vst v1;
	v1 =	vand.u32 $0xFFFF, v3  }
0x160: {  	[tilespmem:$0x16400] =	vst v1;
	v1 =	vshrl.u32 v3, $0x10;
	v3 =	vld [tilespmem:$0x16230]  }
0x161: {  	[tilespmem:$0x16680] =	vst v1;
	v1 =	vand.u32 $0xFFFF, v4  }
0x162: {  	[tilespmem:$0x16410] =	vst v1;
	v1 =	vshrl.u32 v4, $0x10;
	v4 =	vld [tilespmem:$0x16240]  }
0x163: {  	[tilespmem:$0x16690] =	vst v1;
	v1 =	vand.u32 $0xFFFF, v2  }
0x164: {  	[tilespmem:$0x16420] =	vst v1;
	v1 =	vshrl.u32 v2, $0x10;
	v2 =	vld [tilespmem:$0x16250]  }
0x165: {  	[tilespmem:$0x166A0] =	vst v1;
	v1 =	vand.u32 $0xFFFF, v3  }
0x166: {  	[tilespmem:$0x16430] =	vst v1;
	v1 =	vshrl.u32 v3, $0x10;
	v3 =	vld [tilespmem:$0x16260]  }
0x167: {  	[tilespmem:$0x166B0] =	vst v1;
	v1 =	vand.u32 $0xFFFF, v4  }
0x168: {  	[tilespmem:$0x16440] =	vst v1;
	v1 =	vshrl.u32 v4, $0x10;
	v4 =	vld [tilespmem:$0x16270]  }
0x169: {  	[tilespmem:$0x166C0] =	vst v1;
	v1 =	vand.u32 $0xFFFF, v2  }
0x16a: {  	[tilespmem:$0x16450] =	vst v1;
	v1 =	vshrl.u32 v2, $0x10;
	v2 =	vld [tilespmem:$0x16280]  }
0x16b: {  	[tilespmem:$0x166D0] =	vst v1;
	v1 =	vand.u32 $0xFFFF, v3  }
0x16c: {  	[tilespmem:$0x16460] =	vst v1;
	v1 =	vshrl.u32 v3, $0x10;
	v3 =	vld [tilespmem:$0x16290]  }
0x16d: {  	[tilespmem:$0x166E0] =	vst v1;
	v1 =	vand.u32 $0xFFFF, v4  }
0x16e: {  	[tilespmem:$0x16470] =	vst v1;
	v1 =	vshrl.u32 v4, $0x10;
	v4 =	vld [tilespmem:$0x162A0]  }
0x16f: {  	[tilespmem:$0x166F0] =	vst v1;
	v1 =	vand.u32 $0xFFFF, v2  }
0x170: {  	[tilespmem:$0x16480] =	vst v1;
	v1 =	vshrl.u32 v2, $0x10;
	v2 =	vld [tilespmem:$0x162B0]  }
0x171: {  	[tilespmem:$0x16700] =	vst v1;
	v1 =	vand.u32 $0xFFFF, v3  }
0x172: {  	[tilespmem:$0x16490] =	vst v1;
	v1 =	vshrl.u32 v3, $0x10;
	v3 =	vld [tilespmem:$0x162C0]  }
0x173: {  	[tilespmem:$0x16710] =	vst v1;
	v1 =	vand.u32 $0xFFFF, v4  }
0x174: {  	[tilespmem:$0x164A0] =	vst v1;
	v1 =	vshrl.u32 v4, $0x10;
	v4 =	vld [tilespmem:$0x162D0]  }
0x175: {  	[tilespmem:$0x16720] =	vst v1;
	v1 =	vand.u32 $0xFFFF, v2  }
0x176: {  	[tilespmem:$0x164B0] =	vst v1;
	v1 =	vshrl.u32 v2, $0x10;
	v2 =	vld [tilespmem:$0x162E0]  }
0x177: {  	[tilespmem:$0x16730] =	vst v1;
	v1 =	vand.u32 $0xFFFF, v3  }
0x178: {  	[tilespmem:$0x164C0] =	vst v1;
	v1 =	vshrl.u32 v3, $0x10;
	v3 =	vld [tilespmem:$0x162F0]  }
0x179: {  	[tilespmem:$0x16740] =	vst v1;
	v1 =	vand.u32 $0xFFFF, v4  }
0x17a: {  	[tilespmem:$0x164D0] =	vst v1;
	v1 =	vshrl.u32 v4, $0x10  }
0x17b: {  	[tilespmem:$0x16750] =	vst v1;
	v1 =	vand.u32 $0xFFFF, v2  }
0x17c: {  	[tilespmem:$0x164E0] =	vst v1;
	v1 =	vshrl.u32 v2, $0x10  }
0x17d: {  	[tilespmem:$0x16760] =	vst v1;
	v1 =	vand.u32 $0xFFFF, v3  }
0x17e: {  	[tilespmem:$0x164F0] =	vst v1;
	v1 =	vshrl.u32 v3, $0x10  }
0x17f: {  	s0 =	simm.s32 $0x12C00;
	[tilespmem:$0x16770] =	vst v1  }
0x180: {  	[spmem:s3] =	stream.indirect.scatter.add.f32 [tilespmem:s0], [sflag:$0x1], $0x8, s14, s2, $0xb8;
	[tilespmem:$0x1E080] =	vst v63  }
0x181: {  	_ = 	snop  }
0x182: {  	[spmem:s4] =	stream.indirect.scatter.add.f32 [tilespmem:s0], [sflag:$0x1], $0x8, s9, s2, $0xb8;
	[tilespmem:$0x1E080] =	vst v63  }
0x183: {  	s21 =	simm.s32 $0x13000;
	s25 =	simm.s32 $0x2580  }
0x184: {  	[spmem:s3] =	stream.indirect.scatter.add.f32 [tilespmem:s21], [sflag:$0x1], $0x8, s10, s2, $0xb8;
	[tilespmem:$0x1E080] =	vst v63  }
0x185: {  	v1 =	vmov s25  }
0x186: {  	v1 =	vshll.u32 v1, $0x3;
	[spmem:s4] =	stream.indirect.scatter.add.f32 [tilespmem:s21], [sflag:$0x1], $0x8, s11, s2, $0xb8;
	[tilespmem:$0x1E080] =	vst v63  }
0x187: {  	s26 =	simm.s32 $0x13400;
	v1 =	vor.u32 v0, v1  }
0x188: {  	[spmem:s3] =	stream.indirect.scatter.add.f32 [tilespmem:s26], [sflag:$0x1], $0x8, s12, s2, $0xb8;
	[tilespmem:$0x1E080] =	vst v63  }
0x189: {  	v2 =	vor.u32 $0x1, v1  }
0x18a: {  	[spmem:s4] =	stream.indirect.scatter.add.f32 [tilespmem:s26], [sflag:$0x1], $0x8, s13, s2, $0xb8;
	[tilespmem:$0x1E080] =	vst v63  }
0x18b: {  	v4 =	vor.u32 $0x2, v1;
	v3 =	vld [tilespmem:$0x168C0]  }
0x18c: {  	v5 =	vld.idx.msk [tilespmem:v1+s5+$0x0], $0xffff  }
0x18d: {  	v6 =	vld [tilespmem:$0x16880];
	v1 =	vor.u32 $0x3, v1  }
0x18e: {  	v2 =	vld.idx.msk [tilespmem:v2+s5+$0x0], $0xffff  }
0x18f: {  	v7 =	vld [tilespmem:$0x16890]  }
0x190: {  	v4 =	vld.idx.msk [tilespmem:v4+s5+$0x0], $0xffff  }
0x191: {  	v8 =	vld [tilespmem:$0x168A0]  }
0x192: {  	v5 =	vmul.f32 v6, v5;
	v1 =	vld.idx.msk [tilespmem:v1+s5+$0x0], $0xffff  }
0x193: {  	v6 =	vld [tilespmem:$0x168B0]  }
0x194: {  	v2 =	vmul.f32 v7, v2;
	v3 =	vadd.f32 v5, v3  }
0x195: {  	s30 =	simm.s32 $0x2590  }
0x196: {  	v2 =	vadd.f32 v2, v3;
	v3 =	vmul.f32 v8, v4;
	v4 =	vmov s30  }
0x197: {  	v4 =	vshll.u32 v4, $0x3  }
0x198: {  	v1 =	vmul.f32 v6, v1;
	v2 =	vadd.f32 v3, v2;
	v3 =	vor.u32 v0, v4;
	_ =	sdelay $0x1  }
0x199: {  	v1 =	vadd.f32 v1, v2  }
0x19a: {  	s21 =	simm.s32 $0x18E80  }
0x19b: {  	v2 =	vor.u32 $0x1, v3;
	[tilespmem:s21+$0x0] =	vst v1  }
0x19c: {  	v5 =	vld.idx.msk [tilespmem:v3+s5+$0x0], $0xffff  }
0x19d: {  	v6 =	vld [tilespmem:$0x16880]  }
0x19e: {  	v4 =	vor.u32 $0x2, v3;
	v1 =	vld [tilespmem:$0x168C0]  }
0x19f: {  	v7 =	vld [tilespmem:$0x16890];
	v3 =	vor.u32 $0x3, v3  }
0x1a0: {  	v2 =	vld.idx.msk [tilespmem:v2+s5+$0x0], $0xffff;
	_ =	sdelay $0x1  }
0x1a1: {  	v63 =	vld [tilespmem:$0x168A0];
	v5 =	vmul.f32 v6, v5  }
0x1a2: {  	v4 =	vld.idx.msk [tilespmem:v4+s5+$0x0], $0xffff  }
0x1a3: {  	v5 =	vadd.f32 v5, v1;
	v1 =	vld.idx.msk [tilespmem:v3+s5+$0x0], $0xffff  }
0x1a4: {  	v6 =	vmul.f32 v7, v2;
	v2 =	vld [tilespmem:$0x168B0];
	_ =	sdelay $0x2  }
0x1a5: {  	s31 =	simm.s32 $0x25A0;
	v4 =	vmul.f32 v63, v4;
	v3 =	vadd.f32 v6, v5  }
0x1a6: {  	s0 =	simm.s32 $0x25B0;
	v5 =	vmov s31  }
.LBB2_6:
0x1a7: {  	p1 =	sne.s32 s0, $0x26F0;
	v5 =	vshll.u32 v5, $0x3;
	v3 =	vadd.f32 v4, v3;
	v1 =	vmul.f32 v2, v1  }
0x1a8: {  	v2 =	vor.u32 v0, v5  }
0x1a9: {  	v1 =	vadd.f32 v1, v3  }
0x1aa: {  	s21 =	sadd.s32 $0x10, s21;
	v3 =	vor.u32 $0x1, v2  }
0x1ab: {  	[tilespmem:s21+$0x0] =	vst v1  }
0x1ac: {  	v1 =	vor.u32 $0x2, v2;
	v4 =	vld [tilespmem:$0x168C0]  }
0x1ad: {  	v5 =	vld.idx.msk [tilespmem:v2+s5+$0x0], $0xffff  }
0x1ae: {  	v2 =	vor.u32 $0x3, v2;
	v6 =	vld [tilespmem:$0x16880]  }
0x1af: {  	v3 =	vld.idx.msk [tilespmem:v3+s5+$0x0], $0xffff  }
0x1b0: {  	v7 =	vld [tilespmem:$0x16890]  }
0x1b1: {  	v8 =	vld.idx.msk [tilespmem:v1+s5+$0x0], $0xffff  }
0x1b2: {  	v9 =	vld [tilespmem:$0x168A0]  }
0x1b3: {  	v5 =	vmul.f32 v6, v5;
	v1 =	vld.idx.msk [tilespmem:v2+s5+$0x0], $0xffff  }
.Ltmp2:
0x1b4: {  	v2 =	vld [tilespmem:$0x168B0];
	(pc) =	sbr.rel @p1 .LBB2_6-.Ltmp2, $3  }
0x1b5: {  	v4 =	vadd.f32 v5, v4;
	v3 =	vmul.f32 v7, v3;
	_ =	sdelay $0x1  }
0x1b6: {  	v3 =	vadd.f32 v3, v4;
	v4 =	vmul.f32 v9, v8  }
0x1b7: {  	v5 =	vmov s0;
	s0 =	sadd.s32 $0x10, s0  }
0x1b8: {  	v3 =	vadd.f32 v4, v3;
	v1 =	vmul.f32 v2, v1  }
0x1b9: {  	v5 =	vshll.u32 v5, $0x3  }
0x1ba: {  	v2 =	vor.u32 v0, v5;
	v1 =	vadd.f32 v1, v3  }
0x1bb: {  	s0 =	sadd.s32 $0x10, s21  }
0x1bc: {  	v3 =	vor.u32 $0x1, v2;
	[tilespmem:s0+$0x0] =	vst v1  }
0x1bd: {  	v1 =	vld [tilespmem:$0x168C0]  }
0x1be: {  	v62 =	vor.u32 $0x2, v2;
	v6 =	vld [tilespmem:$0x16880]  }
0x1bf: {  	v5 =	vld.idx.msk [tilespmem:v2+s5+$0x0], $0xffff  }
0x1c0: {  	v7 =	vld [tilespmem:$0x16890];
	v2 =	vor.u32 $0x3, v2  }
0x1c1: {  	v3 =	vld.idx.msk [tilespmem:v3+s5+$0x0], $0xffff  }
0x1c2: {  	v8 =	vld [tilespmem:$0x168A0]  }
0x1c3: {  	v4 =	vld.idx.msk [tilespmem:v62+s5+$0x0], $0xffff  }
0x1c4: {  	v63 =	vld [tilespmem:$0x168B0];
	v5 =	vmul.f32 v6, v5  }
0x1c5: {  	v2 =	vld.idx.msk [tilespmem:v2+s5+$0x0], $0xffff  }
0x1c6: {  	v3 =	vmul.f32 v7, v3;
	v1 =	vadd.f32 v5, v1;
	_ =	sdelay $0x1  }
0x1c7: {  	v1 =	vadd.f32 v3, v1;
	v3 =	vmul.f32 v8, v4;
	_ =	sdelay $0x1  }
0x1c8: {  	v2 =	vmul.f32 v63, v2;
	v1 =	vadd.f32 v3, v1;
	_ =	sdelay $0x1  }
0x1c9: {  	v1 =	vadd.f32 v2, v1  }
0x1ca: {  	s0 =	sadd.s32 $0x10, s0  }
0x1cb: {  	[tilespmem:s0+$0x0] =	vst v1  }
0x1cc: {  	_ =	swait.ge [sflag:s20], $0x400  }
0x1cd: {  	[sflag:s20] =	ssyncset.done $0x0  }
0x1ce: {  	[sflag:s20] =	ssyncadd.s32 $0xFFFFFC00  }
0x1cf: {  	_ =	swait.ge [sflag:s20], $0x400  }
0x1d0: {  	[sflag:s20] =	ssyncset.done $0x0  }
0x1d1: {  	[sflag:s20] =	ssyncadd.s32 $0xFFFFFC00  }
0x1d2: {  	_ =	swait.ge [sflag:s20], $0x400  }
0x1d3: {  	[sflag:s20] =	ssyncset.done $0x0  }
0x1d4: {  	[sflag:s20] =	ssyncadd.s32 $0xFFFFFC00  }
0x1d5: {  	_ =	swait.ge [sflag:s20], $0x400  }
0x1d6: {  	[sflag:s20] =	ssyncset.done $0x0  }
0x1d7: {  	[sflag:s20] =	ssyncadd.s32 $0xFFFFFC00  }
0x1d8: {  	_ =	swait.ge [sflag:s20], $0x400  }
.Ltmp3:
0x1d9: {  	[sflag:s20] =	ssyncset.done $0x0;
	(pc) =	sbr.rel @p0 .LBB2_11-.Ltmp3, $4  }
0x1da: {  	[sflag:s20] =	ssyncadd.s32 $0xFFFFFC00  }
0x1db: {  	_ =	swait.ge [sflag:s20], $0x400  }
0x1dc: {  	s22 =	simm.s32 $0x19080;
	s24 =	simm.s32 $0x19300;
	[sflag:s20] =	ssyncset.done $0x0  }
0x1dd: {  	s26 =	simm.s32 $0x19800;
	s30 =	simm.s32 $0x19A80;
	[sflag:s20] =	ssyncadd.s32 $0xFFFFFC00  }
0x1de: {  	v1 =	vld [tilespmem:$0x16300];
	_ =	sdelay $0x1  }
0x1df: {  	v2 =	vld [tilespmem:$0x16310];
	_ =	sdelay $0x1  }
0x1e0: {  	v3 =	vld [tilespmem:$0x16320]  }
0x1e1: {  	v4 =	vand.u32 $0xFFFF, v1  }
0x1e2: {  	v1 =	vshrl.u32 v1, $0x10;
	[tilespmem:$0x16380] =	vst v4;
	v4 =	vld [tilespmem:$0x16330]  }
0x1e3: {  	[tilespmem:$0x16600] =	vst v1;
	v1 =	vand.u32 $0xFFFF, v2  }
0x1e4: {  	[tilespmem:$0x16390] =	vst v1;
	v1 =	vshrl.u32 v2, $0x10;
	v2 =	vld [tilespmem:$0x16340]  }
0x1e5: {  	[tilespmem:$0x16610] =	vst v1;
	v1 =	vand.u32 $0xFFFF, v3  }
0x1e6: {  	[tilespmem:$0x163A0] =	vst v1;
	v1 =	vshrl.u32 v3, $0x10;
	v3 =	vld [tilespmem:$0x16350]  }
0x1e7: {  	[tilespmem:$0x16620] =	vst v1;
	v1 =	vand.u32 $0xFFFF, v4  }
0x1e8: {  	[tilespmem:$0x163B0] =	vst v1;
	v1 =	vshrl.u32 v4, $0x10;
	v4 =	vld [tilespmem:$0x16360]  }
0x1e9: {  	[tilespmem:$0x16630] =	vst v1;
	v1 =	vand.u32 $0xFFFF, v2  }
0x1ea: {  	[tilespmem:$0x163C0] =	vst v1;
	v1 =	vshrl.u32 v2, $0x10;
	v2 =	vld [tilespmem:$0x16370]  }
0x1eb: {  	[tilespmem:$0x16640] =	vst v1;
	v1 =	vand.u32 $0xFFFF, v3  }
0x1ec: {  	[tilespmem:$0x163D0] =	vst v1;
	v1 =	vshrl.u32 v3, $0x10  }
0x1ed: {  	[tilespmem:$0x16650] =	vst v1;
	v1 =	vand.u32 $0xFFFF, v4  }
0x1ee: {  	[tilespmem:$0x163E0] =	vst v1;
	v1 =	vshrl.u32 v4, $0x10  }
0x1ef: {  	s0 =	simm.s32 $0x2700;
	[tilespmem:$0x16660] =	vst v1;
	v1 =	vand.u32 $0xFFFF, v2  }
0x1f0: {  	v3 =	vmov s0;
	[tilespmem:$0x163F0] =	vst v1;
	v1 =	vshrl.u32 v2, $0x10  }
0x1f1: {  	s21 =	simm.s32 $0x13800;
	v2 =	vshll.u32 v3, $0x3;
	[tilespmem:$0x16670] =	vst v1  }
0x1f2: {  	v1 =	vor.u32 v0, v2;
	[spmem:s3] =	stream.indirect.scatter.add.f32 [tilespmem:s21], [sflag:$0x1], $0x8, s14, s2, $0xb8;
	[tilespmem:$0x1E080] =	vst v63  }
0x1f3: {  	_ = 	snop  }
0x1f4: {  	v2 =	vor.u32 $0x1, v1;
	[spmem:s4] =	stream.indirect.scatter.add.f32 [tilespmem:s21], [sflag:$0x1], $0x8, s9, s2, $0xb8;
	[tilespmem:$0x1E080] =	vst v63  }
0x1f5: {  	v3 =	vld [tilespmem:$0x168C0]  }
0x1f6: {  	v4 =	vor.u32 $0x2, v1;
	v6 =	vld [tilespmem:$0x16880]  }
0x1f7: {  	v5 =	vld.idx.msk [tilespmem:v1+s5+$0x0], $0xffff;
	v1 =	vor.u32 $0x3, v1  }
0x1f8: {  	v7 =	vld [tilespmem:$0x16890]  }
0x1f9: {  	v2 =	vld.idx.msk [tilespmem:v2+s5+$0x0], $0xffff  }
0x1fa: {  	v8 =	vld [tilespmem:$0x168A0]  }
0x1fb: {  	v4 =	vld.idx.msk [tilespmem:v4+s5+$0x0], $0xffff  }
0x1fc: {  	v5 =	vmul.f32 v6, v5;
	v1 =	vld.idx.msk [tilespmem:v1+s5+$0x0], $0xffff  }
0x1fd: {  	v6 =	vld [tilespmem:$0x168B0]  }
0x1fe: {  	v2 =	vmul.f32 v7, v2;
	v3 =	vadd.f32 v5, v3  }
0x1ff: {  	s25 =	simm.s32 $0x2710  }
0x200: {  	v2 =	vadd.f32 v2, v3;
	v3 =	vmul.f32 v8, v4;
	v4 =	vmov s25  }
0x201: {  	v4 =	vshll.u32 v4, $0x3  }
0x202: {  	v1 =	vmul.f32 v6, v1;
	v2 =	vadd.f32 v3, v2;
	v3 =	vor.u32 v0, v4;
	_ =	sdelay $0x1  }
0x203: {  	v1 =	vadd.f32 v1, v2  }
0x204: {  	s21 =	simm.s32 $0x19000  }
0x205: {  	v2 =	vor.u32 $0x1, v3;
	[tilespmem:s21+$0x0] =	vst v1  }
0x206: {  	v5 =	vld.idx.msk [tilespmem:v3+s5+$0x0], $0xffff  }
0x207: {  	v6 =	vld [tilespmem:$0x16880]  }
0x208: {  	v4 =	vor.u32 $0x2, v3;
	v1 =	vld [tilespmem:$0x168C0]  }
0x209: {  	v7 =	vld [tilespmem:$0x16890];
	v3 =	vor.u32 $0x3, v3  }
0x20a: {  	v2 =	vld.idx.msk [tilespmem:v2+s5+$0x0], $0xffff;
	_ =	sdelay $0x1  }
0x20b: {  	v63 =	vld [tilespmem:$0x168A0];
	v5 =	vmul.f32 v6, v5  }
0x20c: {  	v4 =	vld.idx.msk [tilespmem:v4+s5+$0x0], $0xffff  }
0x20d: {  	v5 =	vadd.f32 v5, v1;
	v1 =	vld.idx.msk [tilespmem:v3+s5+$0x0], $0xffff  }
0x20e: {  	v6 =	vmul.f32 v7, v2;
	v2 =	vld [tilespmem:$0x168B0];
	_ =	sdelay $0x2  }
0x20f: {  	s31 =	simm.s32 $0x2720;
	v4 =	vmul.f32 v63, v4;
	v3 =	vadd.f32 v6, v5  }
0x210: {  	s0 =	simm.s32 $0x2730;
	v5 =	vmov s31  }
.LBB2_9:
0x211: {  	p1 =	sne.s32 s0, $0x2770;
	v5 =	vshll.u32 v5, $0x3;
	v3 =	vadd.f32 v4, v3;
	v1 =	vmul.f32 v2, v1  }
0x212: {  	v2 =	vor.u32 v0, v5  }
0x213: {  	v1 =	vadd.f32 v1, v3  }
0x214: {  	s21 =	sadd.s32 $0x10, s21;
	v3 =	vor.u32 $0x1, v2  }
0x215: {  	[tilespmem:s21+$0x0] =	vst v1  }
0x216: {  	v1 =	vor.u32 $0x2, v2;
	v4 =	vld [tilespmem:$0x168C0]  }
0x217: {  	v5 =	vld.idx.msk [tilespmem:v2+s5+$0x0], $0xffff  }
0x218: {  	v2 =	vor.u32 $0x3, v2;
	v6 =	vld [tilespmem:$0x16880]  }
0x219: {  	v3 =	vld.idx.msk [tilespmem:v3+s5+$0x0], $0xffff  }
0x21a: {  	v7 =	vld [tilespmem:$0x16890]  }
0x21b: {  	v8 =	vld.idx.msk [tilespmem:v1+s5+$0x0], $0xffff  }
0x21c: {  	v9 =	vld [tilespmem:$0x168A0]  }
0x21d: {  	v5 =	vmul.f32 v6, v5;
	v1 =	vld.idx.msk [tilespmem:v2+s5+$0x0], $0xffff  }
.Ltmp4:
0x21e: {  	v2 =	vld [tilespmem:$0x168B0];
	(pc) =	sbr.rel @p1 .LBB2_9-.Ltmp4, $3  }
0x21f: {  	v4 =	vadd.f32 v5, v4;
	v3 =	vmul.f32 v7, v3;
	_ =	sdelay $0x1  }
0x220: {  	v3 =	vadd.f32 v3, v4;
	v4 =	vmul.f32 v9, v8  }
0x221: {  	v5 =	vmov s0;
	s0 =	sadd.s32 $0x10, s0  }
0x222: {  	v3 =	vadd.f32 v4, v3;
	v1 =	vmul.f32 v2, v1  }
0x223: {  	v5 =	vshll.u32 v5, $0x3  }
0x224: {  	v2 =	vor.u32 v0, v5;
	v1 =	vadd.f32 v1, v3  }
0x225: {  	s0 =	sadd.s32 $0x10, s21  }
0x226: {  	v3 =	vor.u32 $0x1, v2;
	[tilespmem:s0+$0x0] =	vst v1  }
0x227: {  	v1 =	vld [tilespmem:$0x168C0]  }
0x228: {  	v62 =	vor.u32 $0x2, v2;
	v6 =	vld [tilespmem:$0x16880]  }
0x229: {  	v5 =	vld.idx.msk [tilespmem:v2+s5+$0x0], $0xffff  }
0x22a: {  	v7 =	vld [tilespmem:$0x16890];
	v2 =	vor.u32 $0x3, v2  }
0x22b: {  	v3 =	vld.idx.msk [tilespmem:v3+s5+$0x0], $0xffff  }
0x22c: {  	v8 =	vld [tilespmem:$0x168A0]  }
0x22d: {  	v4 =	vld.idx.msk [tilespmem:v62+s5+$0x0], $0xffff  }
0x22e: {  	v63 =	vld [tilespmem:$0x168B0];
	v5 =	vmul.f32 v6, v5  }
0x22f: {  	v2 =	vld.idx.msk [tilespmem:v2+s5+$0x0], $0xffff  }
0x230: {  	v3 =	vmul.f32 v7, v3;
	v1 =	vadd.f32 v5, v1;
	_ =	sdelay $0x1  }
0x231: {  	v1 =	vadd.f32 v3, v1;
	v3 =	vmul.f32 v8, v4;
	_ =	sdelay $0x1  }
0x232: {  	v2 =	vmul.f32 v63, v2;
	v1 =	vadd.f32 v3, v1;
	_ =	sdelay $0x1  }
0x233: {  	v1 =	vadd.f32 v2, v1  }
0x234: {  	s0 =	sadd.s32 $0x10, s0  }
0x235: {  	[tilespmem:s0+$0x0] =	vst v1  }
0x236: {  	_ =	swait.ge [sflag:s20], $0x400  }
0x237: {  	[sflag:s20] =	ssyncset.done $0x0  }
0x238: {  	[sflag:s20] =	ssyncadd.s32 $0xFFFFFC00  }
0x239: {  	_ =	swait.ge [sflag:s20], $0x400  }
0x23a: {  	[sflag:s20] =	ssyncset.done $0x0  }
0x23b: {  	s25 =	simm.s32 $0x16900;
	s21 =	rddreg [dreg:$0xa];
	[sflag:s20] =	ssyncadd.s32 $0xFFFFFC00  }
0x23c: {  	[hbm4b:s21+s5] =	stream.linear.scatter [tilespmem:s25], [sflag:$0x2], $0x2700, $0x38;
	[tilespmem:$0x1E080] =	vst v63  }
0x23d: {  	_ =	swait.ge [sflag:s1], $0x2700  }
0x23e: {  	s25 =	simm.s32 $0x19000;
	[sflag:s1] =	ssyncset.done $0x0  }
.Ltmp5:
0x23f: {  	s21 =	rddreg [dreg:$0xb];
	[sflag:s1] =	ssyncadd.s32 $0xFFFFD900;
	(pc) =	sbr.rel .LBB2_12-.Ltmp5, $4  }
0x240: {  	[hbm4b:s21+s5] =	stream.linear.scatter [tilespmem:s25], [sflag:$0x2], $0x80, $0x38;
	[tilespmem:$0x1E080] =	vst v63  }
0x241: {  	_ =	swait.ge [sflag:s1], $0x80  }
0x242: {  	[sflag:s1] =	ssyncset.done $0x0  }
0x243: {  	s31 =	simm.s32 $0x19D00;
	s25 =	simm.s32 $0x19580;
	[sflag:s1] =	ssyncadd.s32 $0xFFFFFF80  }
.LBB2_11:
0x244: {  	s0 =	rddreg [dreg:$0xa];
	s21 =	simm.s32 $0x16900  }
0x245: {  	[hbm4b:s0+s5] =	stream.linear.scatter [tilespmem:s21], [sflag:$0x2], $0x2700, $0x38;
	[tilespmem:$0x1E080] =	vst v63  }
0x246: {  	_ =	swait.ge [sflag:s1], $0x2700  }
0x247: {  	[sflag:s1] =	ssyncset.done $0x0  }
0x248: {  	s25 =	simm.s32 $0x19580;
	s31 =	simm.s32 $0x19D00;
	[sflag:s1] =	ssyncadd.s32 $0xFFFFD900  }
.LBB2_12:
0x249: {  	s0 =	simm.s32 $0x0  }
0x24a: {  	v1 =	vmov s0  }
0x24b: {  	v1 =	vshll.u32 v1, $0x3  }
0x24c: {  	[bflag:$0x0] =	sbarrier.arrive $0xFFFF;
	v1 =	vor.u32 v0, v1  }
0x24d: {  	[tilespmem:s6], [sflag:$0x2] =	stream.linear.gather [spmem:s7], $0x1400, $0x38;
	[tilespmem:$0x1E080] =	vst v63  }
0x24e: {  	_ =	swait.ge [sflag:s1], $0x1400  }
0x24f: {  	s21 =	simm.s32 $0x10;
	[sflag:s1] =	ssyncset.done $0x0  }
0x250: {  	v2 =	vmov s21;
	[sflag:s1] =	ssyncadd.s32 $0xFFFFEC00  }
0x251: {  	v2 =	vshll.u32 v2, $0x3;
	v1 =	vld.idx.msk [tilespmem:v1+s6+$0x0], $0xffff  }
0x252: {  	v3 =	vor.u32 v0, v2;
	_ =	sdelay $0x2  }
0x253: {  	s0 =	simm.s32 $0x19080  }
0x254: {  	s21 =	simm.s32 $0x20;
	[tilespmem:s0+$0x0] =	vst v1  }
0x255: {  	v2 =	vmov s21;
	s21 =	simm.s32 $0x30;
	v1 =	vld.idx.msk [tilespmem:v3+s6+$0x0], $0xffff  }
.LBB2_13:
0x256: {  	p1 =	sne.s32 s21, $0x270;
	v2 =	vshll.u32 v2, $0x3  }
0x257: {  	v3 =	vor.u32 v0, v2  }
.Ltmp6:
0x258: {  	(pc) =	sbr.rel @p1 .LBB2_13-.Ltmp6, $4  }
0x259: {  	_ = 	snop  }
0x25a: {  	s0 =	sadd.s32 $0x10, s0  }
0x25b: {  	[tilespmem:s0+$0x0] =	vst v1  }
0x25c: {  	v2 =	vmov s21;
	s21 =	sadd.s32 $0x10, s21;
	v1 =	vld.idx.msk [tilespmem:v3+s6+$0x0], $0xffff  }
0x25d: {  	v2 =	vshll.u32 v2, $0x3  }
0x25e: {  	v2 =	vor.u32 v0, v2;
	_ =	sdelay $0x2  }
0x25f: {  	s0 =	sadd.s32 $0x10, s0  }
0x260: {  	[tilespmem:s0+$0x0] =	vst v1  }
0x261: {  	v1 =	vld.idx.msk [tilespmem:v2+s6+$0x0], $0xffff  }
0x262: {  	s21 =	simm.s32 $0x0  }
0x263: {  	v2 =	vmov s21  }
0x264: {  	v2 =	vshll.u32 v2, $0x3  }
0x265: {  	s0 =	sadd.s32 $0x10, s0;
	v2 =	vor.u32 v0, v2  }
0x266: {  	[tilespmem:s0+$0x0] =	vst v1;
	v1 =	vor.u32 $0x1, v2  }
0x267: {  	[hbm4b:s15+s21] =	stream.linear.scatter [tilespmem:s22], [sflag:$0x2], $0x280, $0x38;
	[tilespmem:$0x1E080] =	vst v63  }
0x268: {  	_ =	swait.ge [sflag:s1], $0x280  }
0x269: {  	[sflag:s1] =	ssyncset.done $0x0  }
0x26a: {  	s21 =	simm.s32 $0x10;
	[sflag:s1] =	ssyncadd.s32 $0xFFFFFD80  }
0x26b: {  	v3 =	vld.idx.msk [tilespmem:v1+s6+$0x0], $0xffff;
	v1 =	vmov s21  }
0x26c: {  	v1 =	vshll.u32 v1, $0x3  }
0x26d: {  	v1 =	vor.u32 v0, v1  }
0x26e: {  	v1 =	vor.u32 $0x1, v1;
	_ =	sdelay $0x2  }
0x26f: {  	s0 =	simm.s32 $0x19300;
	s21 =	simm.s32 $0x20  }
0x270: {  	v2 =	vmov s21;
	s21 =	simm.s32 $0x30;
	[tilespmem:s0+$0x0] =	vst v3  }
.LBB2_15:
0x271: {  	p1 =	sne.s32 s21, $0x270;
	v2 =	vshll.u32 v2, $0x3;
	v3 =	vld.idx.msk [tilespmem:v1+s6+$0x0], $0xffff  }
0x272: {  	v1 =	vor.u32 v0, v2  }
.Ltmp7:
0x273: {  	v1 =	vor.u32 $0x1, v1;
	(pc) =	sbr.rel @p1 .LBB2_15-.Ltmp7, $3  }
0x274: {  	_ =	sdelay $0x1  }
0x275: {  	s0 =	sadd.s32 $0x10, s0  }
0x276: {  	v2 =	vmov s21;
	s21 =	sadd.s32 $0x10, s21;
	[tilespmem:s0+$0x0] =	vst v3  }
0x277: {  	_ =	sdelay $0x2  }
0x278: {  	v2 =	vshll.u32 v2, $0x3  }
0x279: {  	v1 =	vld.idx.msk [tilespmem:v1+s6+$0x0], $0xffff;
	v2 =	vor.u32 v0, v2  }
0x27a: {  	v2 =	vor.u32 $0x1, v2;
	_ =	sdelay $0x2  }
0x27b: {  	s0 =	sadd.s32 $0x10, s0  }
0x27c: {  	[tilespmem:s0+$0x0] =	vst v1  }
0x27d: {  	v1 =	vld.idx.msk [tilespmem:v2+s6+$0x0], $0xffff  }
0x27e: {  	s21 =	simm.s32 $0x0  }
0x27f: {  	v2 =	vmov s21  }
0x280: {  	v2 =	vshll.u32 v2, $0x3  }
0x281: {  	s0 =	sadd.s32 $0x10, s0;
	v2 =	vor.u32 v0, v2  }
0x282: {  	[tilespmem:s0+$0x0] =	vst v1;
	v1 =	vor.u32 $0x2, v2;
	s0 =	rddreg [dreg:$0xc]  }
0x283: {  	[hbm4b:s0+s21] =	stream.linear.scatter [tilespmem:s24], [sflag:$0x2], $0x280, $0x38;
	[tilespmem:$0x1E080] =	vst v63  }
0x284: {  	_ =	swait.ge [sflag:s1], $0x280  }
0x285: {  	[sflag:s1] =	ssyncset.done $0x0  }
0x286: {  	s21 =	simm.s32 $0x10;
	[sflag:s1] =	ssyncadd.s32 $0xFFFFFD80  }
0x287: {  	v3 =	vld.idx.msk [tilespmem:v1+s6+$0x0], $0xffff;
	v1 =	vmov s21  }
0x288: {  	v1 =	vshll.u32 v1, $0x3  }
0x289: {  	v1 =	vor.u32 v0, v1  }
0x28a: {  	v1 =	vor.u32 $0x2, v1;
	_ =	sdelay $0x2  }
0x28b: {  	s0 =	simm.s32 $0x19580;
	s21 =	simm.s32 $0x20  }
0x28c: {  	v2 =	vmov s21;
	s21 =	simm.s32 $0x30;
	[tilespmem:s0+$0x0] =	vst v3  }
.LBB2_17:
0x28d: {  	p1 =	sne.s32 s21, $0x270;
	v2 =	vshll.u32 v2, $0x3;
	v3 =	vld.idx.msk [tilespmem:v1+s6+$0x0], $0xffff  }
0x28e: {  	v1 =	vor.u32 v0, v2  }
.Ltmp8:
0x28f: {  	v1 =	vor.u32 $0x2, v1;
	(pc) =	sbr.rel @p1 .LBB2_17-.Ltmp8, $3  }
0x290: {  	_ =	sdelay $0x1  }
0x291: {  	s0 =	sadd.s32 $0x10, s0  }
0x292: {  	v2 =	vmov s21;
	s21 =	sadd.s32 $0x10, s21;
	[tilespmem:s0+$0x0] =	vst v3  }
0x293: {  	_ =	sdelay $0x2  }
0x294: {  	v2 =	vshll.u32 v2, $0x3  }
0x295: {  	v1 =	vld.idx.msk [tilespmem:v1+s6+$0x0], $0xffff;
	v2 =	vor.u32 v0, v2  }
0x296: {  	v2 =	vor.u32 $0x2, v2;
	_ =	sdelay $0x2  }
0x297: {  	s0 =	sadd.s32 $0x10, s0  }
0x298: {  	[tilespmem:s0+$0x0] =	vst v1  }
0x299: {  	v1 =	vld.idx.msk [tilespmem:v2+s6+$0x0], $0xffff  }
0x29a: {  	s21 =	simm.s32 $0x0  }
0x29b: {  	v2 =	vmov s21  }
0x29c: {  	v2 =	vshll.u32 v2, $0x3  }
0x29d: {  	s0 =	sadd.s32 $0x10, s0;
	v2 =	vor.u32 v0, v2  }
0x29e: {  	[tilespmem:s0+$0x0] =	vst v1;
	v1 =	vor.u32 $0x3, v2;
	s0 =	rddreg [dreg:$0xd]  }
0x29f: {  	[hbm4b:s0+s21] =	stream.linear.scatter [tilespmem:s25], [sflag:$0x2], $0x280, $0x38;
	[tilespmem:$0x1E080] =	vst v63  }
0x2a0: {  	_ =	swait.ge [sflag:s1], $0x280  }
0x2a1: {  	[sflag:s1] =	ssyncset.done $0x0  }
0x2a2: {  	s21 =	simm.s32 $0x10;
	[sflag:s1] =	ssyncadd.s32 $0xFFFFFD80  }
0x2a3: {  	v3 =	vld.idx.msk [tilespmem:v1+s6+$0x0], $0xffff;
	v1 =	vmov s21  }
0x2a4: {  	v1 =	vshll.u32 v1, $0x3  }
0x2a5: {  	v1 =	vor.u32 v0, v1  }
0x2a6: {  	v1 =	vor.u32 $0x3, v1;
	_ =	sdelay $0x2  }
0x2a7: {  	s0 =	simm.s32 $0x19800;
	s21 =	simm.s32 $0x20  }
0x2a8: {  	v2 =	vmov s21;
	s21 =	simm.s32 $0x30;
	[tilespmem:s0+$0x0] =	vst v3  }
.LBB2_19:
0x2a9: {  	p1 =	sne.s32 s21, $0x270;
	v2 =	vshll.u32 v2, $0x3;
	v3 =	vld.idx.msk [tilespmem:v1+s6+$0x0], $0xffff  }
0x2aa: {  	v1 =	vor.u32 v0, v2  }
.Ltmp9:
0x2ab: {  	v1 =	vor.u32 $0x3, v1;
	(pc) =	sbr.rel @p1 .LBB2_19-.Ltmp9, $3  }
0x2ac: {  	_ =	sdelay $0x1  }
0x2ad: {  	s0 =	sadd.s32 $0x10, s0  }
0x2ae: {  	v2 =	vmov s21;
	s21 =	sadd.s32 $0x10, s21;
	[tilespmem:s0+$0x0] =	vst v3  }
0x2af: {  	_ =	sdelay $0x2  }
0x2b0: {  	v2 =	vshll.u32 v2, $0x3  }
0x2b1: {  	v1 =	vld.idx.msk [tilespmem:v1+s6+$0x0], $0xffff;
	v2 =	vor.u32 v0, v2  }
0x2b2: {  	v2 =	vor.u32 $0x3, v2;
	_ =	sdelay $0x2  }
0x2b3: {  	s0 =	sadd.s32 $0x10, s0  }
0x2b4: {  	[tilespmem:s0+$0x0] =	vst v1  }
0x2b5: {  	v1 =	vld.idx.msk [tilespmem:v2+s6+$0x0], $0xffff  }
0x2b6: {  	s21 =	simm.s32 $0x0  }
0x2b7: {  	v2 =	vmov s21  }
0x2b8: {  	v2 =	vshll.u32 v2, $0x3  }
0x2b9: {  	s0 =	sadd.s32 $0x10, s0;
	v2 =	vor.u32 v0, v2  }
0x2ba: {  	[tilespmem:s0+$0x0] =	vst v1;
	v1 =	vor.u32 $0x4, v2;
	s0 =	rddreg [dreg:$0xe]  }
0x2bb: {  	[hbm4b:s0+s21] =	stream.linear.scatter [tilespmem:s26], [sflag:$0x2], $0x280, $0x38;
	[tilespmem:$0x1E080] =	vst v63  }
0x2bc: {  	_ =	swait.ge [sflag:s1], $0x280  }
0x2bd: {  	[sflag:s1] =	ssyncset.done $0x0  }
0x2be: {  	s21 =	simm.s32 $0x10;
	[sflag:s1] =	ssyncadd.s32 $0xFFFFFD80  }
0x2bf: {  	v3 =	vld.idx.msk [tilespmem:v1+s6+$0x0], $0xffff;
	v1 =	vmov s21  }
0x2c0: {  	v1 =	vshll.u32 v1, $0x3  }
0x2c1: {  	v1 =	vor.u32 v0, v1  }
0x2c2: {  	v1 =	vor.u32 $0x4, v1;
	_ =	sdelay $0x2  }
0x2c3: {  	s0 =	simm.s32 $0x19A80;
	s21 =	simm.s32 $0x20  }
0x2c4: {  	v2 =	vmov s21;
	s21 =	simm.s32 $0x30;
	[tilespmem:s0+$0x0] =	vst v3  }
.LBB2_21:
0x2c5: {  	p1 =	sne.s32 s21, $0x270;
	v2 =	vshll.u32 v2, $0x3;
	v3 =	vld.idx.msk [tilespmem:v1+s6+$0x0], $0xffff  }
0x2c6: {  	v1 =	vor.u32 v0, v2  }
.Ltmp10:
0x2c7: {  	v1 =	vor.u32 $0x4, v1;
	(pc) =	sbr.rel @p1 .LBB2_21-.Ltmp10, $3  }
0x2c8: {  	_ =	sdelay $0x1  }
0x2c9: {  	s0 =	sadd.s32 $0x10, s0  }
0x2ca: {  	v2 =	vmov s21;
	s21 =	sadd.s32 $0x10, s21;
	[tilespmem:s0+$0x0] =	vst v3  }
0x2cb: {  	_ =	sdelay $0x2  }
0x2cc: {  	v2 =	vshll.u32 v2, $0x3  }
0x2cd: {  	v1 =	vld.idx.msk [tilespmem:v1+s6+$0x0], $0xffff;
	v2 =	vor.u32 v0, v2  }
0x2ce: {  	v2 =	vor.u32 $0x4, v2;
	_ =	sdelay $0x2  }
0x2cf: {  	s0 =	sadd.s32 $0x10, s0  }
0x2d0: {  	[tilespmem:s0+$0x0] =	vst v1  }
0x2d1: {  	v1 =	vld.idx.msk [tilespmem:v2+s6+$0x0], $0xffff  }
0x2d2: {  	s21 =	simm.s32 $0x0  }
0x2d3: {  	v2 =	vmov s21  }
0x2d4: {  	v2 =	vshll.u32 v2, $0x3  }
0x2d5: {  	s0 =	sadd.s32 $0x10, s0;
	v2 =	vor.u32 v0, v2  }
0x2d6: {  	[tilespmem:s0+$0x0] =	vst v1;
	v1 =	vor.u32 $0x5, v2;
	s0 =	rddreg [dreg:$0xf]  }
0x2d7: {  	[hbm4b:s0+s21] =	stream.linear.scatter [tilespmem:s30], [sflag:$0x2], $0x280, $0x38;
	[tilespmem:$0x1E080] =	vst v63  }
0x2d8: {  	_ =	swait.ge [sflag:s1], $0x280  }
0x2d9: {  	[sflag:s1] =	ssyncset.done $0x0  }
0x2da: {  	s21 =	simm.s32 $0x10;
	[sflag:s1] =	ssyncadd.s32 $0xFFFFFD80  }
0x2db: {  	v3 =	vld.idx.msk [tilespmem:v1+s6+$0x0], $0xffff;
	v1 =	vmov s21  }
0x2dc: {  	v1 =	vshll.u32 v1, $0x3  }
0x2dd: {  	v1 =	vor.u32 v0, v1  }
0x2de: {  	v1 =	vor.u32 $0x5, v1;
	_ =	sdelay $0x2  }
0x2df: {  	s0 =	simm.s32 $0x19D00;
	s21 =	simm.s32 $0x20  }
0x2e0: {  	v2 =	vmov s21;
	s21 =	simm.s32 $0x30;
	[tilespmem:s0+$0x0] =	vst v3  }
.LBB2_23:
0x2e1: {  	p1 =	sne.s32 s21, $0x270;
	v2 =	vshll.u32 v2, $0x3;
	v3 =	vld.idx.msk [tilespmem:v1+s6+$0x0], $0xffff  }
0x2e2: {  	v1 =	vor.u32 v0, v2  }
.Ltmp11:
0x2e3: {  	v1 =	vor.u32 $0x5, v1;
	(pc) =	sbr.rel @p1 .LBB2_23-.Ltmp11, $3  }
0x2e4: {  	_ =	sdelay $0x1  }
0x2e5: {  	s0 =	sadd.s32 $0x10, s0  }
0x2e6: {  	v2 =	vmov s21;
	s21 =	sadd.s32 $0x10, s21;
	[tilespmem:s0+$0x0] =	vst v3  }
0x2e7: {  	_ =	sdelay $0x2  }
0x2e8: {  	v2 =	vshll.u32 v2, $0x3  }
0x2e9: {  	v1 =	vld.idx.msk [tilespmem:v1+s6+$0x0], $0xffff;
	v2 =	vor.u32 v0, v2  }
0x2ea: {  	v2 =	vor.u32 $0x5, v2;
	_ =	sdelay $0x2  }
0x2eb: {  	s0 =	sadd.s32 $0x10, s0  }
0x2ec: {  	[tilespmem:s0+$0x0] =	vst v1  }
0x2ed: {  	v1 =	vld.idx.msk [tilespmem:v2+s6+$0x0], $0xffff  }
0x2ee: {  	s21 =	simm.s32 $0x0  }
0x2ef: {  	v2 =	vmov s21  }
0x2f0: {  	v2 =	vshll.u32 v2, $0x3  }
0x2f1: {  	s0 =	sadd.s32 $0x10, s0;
	v2 =	vor.u32 v0, v2  }
0x2f2: {  	[tilespmem:s0+$0x0] =	vst v1;
	v1 =	vor.u32 $0x6, v2;
	s0 =	rddreg [dreg:$0x10]  }
0x2f3: {  	[hbm4b:s0+s21] =	stream.linear.scatter [tilespmem:s31], [sflag:$0x2], $0x280, $0x38;
	[tilespmem:$0x1E080] =	vst v63  }
0x2f4: {  	_ =	swait.ge [sflag:s1], $0x280  }
0x2f5: {  	[sflag:s1] =	ssyncset.done $0x0  }
0x2f6: {  	s21 =	simm.s32 $0x10;
	[sflag:s1] =	ssyncadd.s32 $0xFFFFFD80  }
0x2f7: {  	v3 =	vld.idx.msk [tilespmem:v1+s6+$0x0], $0xffff;
	v1 =	vmov s21  }
0x2f8: {  	v1 =	vshll.u32 v1, $0x3  }
0x2f9: {  	v1 =	vor.u32 v0, v1  }
0x2fa: {  	v1 =	vor.u32 $0x6, v1;
	_ =	sdelay $0x2  }
0x2fb: {  	s0 =	simm.s32 $0x19F80;
	s21 =	simm.s32 $0x20  }
0x2fc: {  	v2 =	vmov s21;
	s21 =	simm.s32 $0x30;
	[tilespmem:s0+$0x0] =	vst v3  }
.LBB2_25:
0x2fd: {  	p1 =	sne.s32 s21, $0x270;
	v2 =	vshll.u32 v2, $0x3;
	v3 =	vld.idx.msk [tilespmem:v1+s6+$0x0], $0xffff  }
0x2fe: {  	v1 =	vor.u32 v0, v2  }
.Ltmp12:
0x2ff: {  	v1 =	vor.u32 $0x6, v1;
	(pc) =	sbr.rel @p1 .LBB2_25-.Ltmp12, $3  }
0x300: {  	_ =	sdelay $0x1  }
0x301: {  	s0 =	sadd.s32 $0x10, s0  }
0x302: {  	v2 =	vmov s21;
	s21 =	sadd.s32 $0x10, s21;
	[tilespmem:s0+$0x0] =	vst v3  }
0x303: {  	_ =	sdelay $0x2  }
0x304: {  	v2 =	vshll.u32 v2, $0x3  }
0x305: {  	v1 =	vld.idx.msk [tilespmem:v1+s6+$0x0], $0xffff;
	v2 =	vor.u32 v0, v2  }
0x306: {  	v2 =	vor.u32 $0x6, v2;
	_ =	sdelay $0x2  }
0x307: {  	s0 =	sadd.s32 $0x10, s0  }
0x308: {  	[tilespmem:s0+$0x0] =	vst v1  }
0x309: {  	v1 =	vld.idx.msk [tilespmem:v2+s6+$0x0], $0xffff  }
0x30a: {  	s21 =	simm.s32 $0x0  }
0x30b: {  	v2 =	vmov s21  }
0x30c: {  	v2 =	vshll.u32 v2, $0x3  }
0x30d: {  	s0 =	sadd.s32 $0x10, s0;
	v2 =	vor.u32 v0, v2  }
0x30e: {  	[tilespmem:s0+$0x0] =	vst v1;
	v1 =	vor.u32 $0x7, v2;
	s0 =	rddreg [dreg:$0x11]  }
0x30f: {  	[hbm4b:s0+s21] =	stream.linear.scatter [tilespmem:s28], [sflag:$0x2], $0x280, $0x38;
	[tilespmem:$0x1E080] =	vst v63  }
0x310: {  	_ =	swait.ge [sflag:s1], $0x280  }
0x311: {  	[sflag:s1] =	ssyncset.done $0x0  }
0x312: {  	s21 =	simm.s32 $0x10;
	[sflag:s1] =	ssyncadd.s32 $0xFFFFFD80  }
0x313: {  	v3 =	vld.idx.msk [tilespmem:v1+s6+$0x0], $0xffff;
	v1 =	vmov s21  }
0x314: {  	v1 =	vshll.u32 v1, $0x3  }
0x315: {  	v1 =	vor.u32 v0, v1  }
0x316: {  	v1 =	vor.u32 $0x7, v1;
	_ =	sdelay $0x2  }
0x317: {  	s0 =	simm.s32 $0x1A200;
	s21 =	simm.s32 $0x20  }
0x318: {  	v2 =	vmov s21;
	s21 =	simm.s32 $0x30;
	[tilespmem:s0+$0x0] =	vst v3  }
.LBB2_27:
0x319: {  	p1 =	sne.s32 s21, $0x270;
	v2 =	vshll.u32 v2, $0x3;
	v3 =	vld.idx.msk [tilespmem:v1+s6+$0x0], $0xffff  }
0x31a: {  	v1 =	vor.u32 v0, v2  }
.Ltmp13:
0x31b: {  	v1 =	vor.u32 $0x7, v1;
	(pc) =	sbr.rel @p1 .LBB2_27-.Ltmp13, $3  }
0x31c: {  	_ =	sdelay $0x1  }
0x31d: {  	s0 =	sadd.s32 $0x10, s0  }
0x31e: {  	v2 =	vmov s21;
	s21 =	sadd.s32 $0x10, s21;
	[tilespmem:s0+$0x0] =	vst v3  }
0x31f: {  	_ =	sdelay $0x2  }
0x320: {  	v2 =	vshll.u32 v2, $0x3  }
0x321: {  	v1 =	vld.idx.msk [tilespmem:v1+s6+$0x0], $0xffff;
	v2 =	vor.u32 v0, v2  }
0x322: {  	v2 =	vor.u32 $0x7, v2;
	_ =	sdelay $0x2  }
0x323: {  	s0 =	sadd.s32 $0x10, s0  }
0x324: {  	[tilespmem:s0+$0x0] =	vst v1  }
0x325: {  	v1 =	vld.idx.msk [tilespmem:v2+s6+$0x0], $0xffff;
	_ =	sdelay $0x3  }
0x326: {  	s0 =	sadd.s32 $0x10, s0  }
0x327: {  	s21 =	rddreg [dreg:$0x13];
	[tilespmem:s0+$0x0] =	vst v1;
	s0 =	simm.s32 $0x0  }
0x328: {  	[hbm4b:s21+s0] =	stream.linear.scatter [tilespmem:s23], [sflag:$0x2], $0x280, $0x38;
	[tilespmem:$0x1E080] =	vst v63  }
0x329: {  	v1 =	vmov s0;
	_ =	swait.ge [sflag:s1], $0x280  }
0x32a: {  	v1 =	vshll.u32 v1, $0x3;
	[sflag:s1] =	ssyncset.done $0x0  }
0x32b: {  	v1 =	vor.u32 v0, v1;
	[sflag:s1] =	ssyncadd.s32 $0xFFFFFD80  }
0x32c: {  	[tilespmem:s6], [sflag:$0x2] =	stream.linear.gather [spmem:s8], $0x1400, $0x38;
	[tilespmem:$0x1E080] =	vst v63  }
0x32d: {  	_ =	swait.ge [sflag:s1], $0x1400  }
0x32e: {  	s21 =	simm.s32 $0x10;
	[sflag:s1] =	ssyncset.done $0x0  }
0x32f: {  	v2 =	vmov s21;
	[sflag:s1] =	ssyncadd.s32 $0xFFFFEC00  }
0x330: {  	v2 =	vshll.u32 v2, $0x3;
	v1 =	vld.idx.msk [tilespmem:v1+s6+$0x0], $0xffff  }
0x331: {  	v3 =	vor.u32 v0, v2;
	_ =	sdelay $0x2  }
0x332: {  	s0 =	simm.s32 $0x19080  }
0x333: {  	s21 =	simm.s32 $0x20;
	[tilespmem:s0+$0x0] =	vst v1  }
0x334: {  	v2 =	vmov s21;
	s21 =	simm.s32 $0x30;
	v1 =	vld.idx.msk [tilespmem:v3+s6+$0x0], $0xffff  }
.LBB2_29:
0x335: {  	p1 =	sne.s32 s21, $0x270;
	v2 =	vshll.u32 v2, $0x3  }
0x336: {  	v3 =	vor.u32 v0, v2  }
.Ltmp14:
0x337: {  	(pc) =	sbr.rel @p1 .LBB2_29-.Ltmp14, $4  }
0x338: {  	_ = 	snop  }
0x339: {  	s0 =	sadd.s32 $0x10, s0  }
0x33a: {  	[tilespmem:s0+$0x0] =	vst v1  }
0x33b: {  	v2 =	vmov s21;
	s21 =	sadd.s32 $0x10, s21;
	v1 =	vld.idx.msk [tilespmem:v3+s6+$0x0], $0xffff  }
0x33c: {  	v2 =	vshll.u32 v2, $0x3  }
0x33d: {  	v2 =	vor.u32 v0, v2;
	_ =	sdelay $0x2  }
0x33e: {  	s0 =	sadd.s32 $0x10, s0  }
0x33f: {  	[tilespmem:s0+$0x0] =	vst v1  }
0x340: {  	v1 =	vld.idx.msk [tilespmem:v2+s6+$0x0], $0xffff  }
0x341: {  	s21 =	simm.s32 $0x0  }
0x342: {  	v2 =	vmov s21  }
0x343: {  	v2 =	vshll.u32 v2, $0x3  }
0x344: {  	s0 =	sadd.s32 $0x10, s0;
	v2 =	vor.u32 v0, v2  }
0x345: {  	[tilespmem:s0+$0x0] =	vst v1;
	v1 =	vor.u32 $0x1, v2;
	s0 =	rddreg [dreg:$0x12]  }
0x346: {  	[hbm4b:s0+s21] =	stream.linear.scatter [tilespmem:s22], [sflag:$0x2], $0x280, $0x38;
	[tilespmem:$0x1E080] =	vst v63  }
0x347: {  	_ =	swait.ge [sflag:s1], $0x280  }
0x348: {  	[sflag:s1] =	ssyncset.done $0x0  }
0x349: {  	s21 =	simm.s32 $0x10;
	[sflag:s1] =	ssyncadd.s32 $0xFFFFFD80  }
0x34a: {  	v3 =	vld.idx.msk [tilespmem:v1+s6+$0x0], $0xffff;
	v1 =	vmov s21  }
0x34b: {  	v1 =	vshll.u32 v1, $0x3  }
0x34c: {  	v1 =	vor.u32 v0, v1  }
0x34d: {  	v1 =	vor.u32 $0x1, v1;
	_ =	sdelay $0x2  }
0x34e: {  	s0 =	simm.s32 $0x19300;
	s22 =	simm.s32 $0x20  }
0x34f: {  	v2 =	vmov s22;
	s21 =	simm.s32 $0x30;
	[tilespmem:s0+$0x0] =	vst v3  }
.LBB2_31:
0x350: {  	p1 =	sne.s32 s21, $0x270;
	v2 =	vshll.u32 v2, $0x3;
	v3 =	vld.idx.msk [tilespmem:v1+s6+$0x0], $0xffff  }
0x351: {  	v1 =	vor.u32 v0, v2  }
.Ltmp15:
0x352: {  	v1 =	vor.u32 $0x1, v1;
	(pc) =	sbr.rel @p1 .LBB2_31-.Ltmp15, $3  }
0x353: {  	_ =	sdelay $0x1  }
0x354: {  	s0 =	sadd.s32 $0x10, s0  }
0x355: {  	v2 =	vmov s21;
	s21 =	sadd.s32 $0x10, s21;
	[tilespmem:s0+$0x0] =	vst v3  }
0x356: {  	_ =	sdelay $0x2  }
0x357: {  	v2 =	vshll.u32 v2, $0x3  }
0x358: {  	v1 =	vld.idx.msk [tilespmem:v1+s6+$0x0], $0xffff;
	v2 =	vor.u32 v0, v2  }
0x359: {  	v2 =	vor.u32 $0x1, v2;
	_ =	sdelay $0x2  }
0x35a: {  	s0 =	sadd.s32 $0x10, s0  }
0x35b: {  	[tilespmem:s0+$0x0] =	vst v1  }
0x35c: {  	v1 =	vld.idx.msk [tilespmem:v2+s6+$0x0], $0xffff  }
0x35d: {  	s21 =	simm.s32 $0x0  }
0x35e: {  	v2 =	vmov s21  }
0x35f: {  	v2 =	vshll.u32 v2, $0x3  }
0x360: {  	s0 =	sadd.s32 $0x10, s0;
	v2 =	vor.u32 v0, v2  }
0x361: {  	s22 =	rddreg [dreg:$0x14];
	[tilespmem:s0+$0x0] =	vst v1;
	v1 =	vor.u32 $0x2, v2  }
0x362: {  	[hbm4b:s22+s21] =	stream.linear.scatter [tilespmem:s24], [sflag:$0x2], $0x280, $0x38;
	[tilespmem:$0x1E080] =	vst v63  }
0x363: {  	_ =	swait.ge [sflag:s1], $0x280  }
0x364: {  	[sflag:s1] =	ssyncset.done $0x0  }
0x365: {  	s22 =	simm.s32 $0x10;
	[sflag:s1] =	ssyncadd.s32 $0xFFFFFD80  }
0x366: {  	v3 =	vld.idx.msk [tilespmem:v1+s6+$0x0], $0xffff;
	v1 =	vmov s22  }
0x367: {  	v1 =	vshll.u32 v1, $0x3  }
0x368: {  	v1 =	vor.u32 v0, v1  }
0x369: {  	v1 =	vor.u32 $0x2, v1;
	_ =	sdelay $0x2  }
0x36a: {  	s0 =	simm.s32 $0x19580;
	s24 =	simm.s32 $0x20  }
0x36b: {  	s21 =	simm.s32 $0x30;
	v2 =	vmov s24;
	[tilespmem:s0+$0x0] =	vst v3  }
.LBB2_33:
0x36c: {  	p1 =	sne.s32 s21, $0x270;
	v2 =	vshll.u32 v2, $0x3;
	v3 =	vld.idx.msk [tilespmem:v1+s6+$0x0], $0xffff  }
0x36d: {  	v1 =	vor.u32 v0, v2  }
.Ltmp16:
0x36e: {  	v1 =	vor.u32 $0x2, v1;
	(pc) =	sbr.rel @p1 .LBB2_33-.Ltmp16, $3  }
0x36f: {  	_ =	sdelay $0x1  }
0x370: {  	s0 =	sadd.s32 $0x10, s0  }
0x371: {  	v2 =	vmov s21;
	s21 =	sadd.s32 $0x10, s21;
	[tilespmem:s0+$0x0] =	vst v3  }
0x372: {  	_ =	sdelay $0x2  }
0x373: {  	v2 =	vshll.u32 v2, $0x3  }
0x374: {  	v1 =	vld.idx.msk [tilespmem:v1+s6+$0x0], $0xffff;
	v2 =	vor.u32 v0, v2  }
0x375: {  	v2 =	vor.u32 $0x2, v2;
	_ =	sdelay $0x2  }
0x376: {  	s0 =	sadd.s32 $0x10, s0  }
0x377: {  	[tilespmem:s0+$0x0] =	vst v1  }
0x378: {  	v1 =	vld.idx.msk [tilespmem:v2+s6+$0x0], $0xffff  }
0x379: {  	s21 =	simm.s32 $0x0  }
0x37a: {  	v2 =	vmov s21  }
0x37b: {  	v2 =	vshll.u32 v2, $0x3  }
0x37c: {  	s0 =	sadd.s32 $0x10, s0;
	v2 =	vor.u32 v0, v2  }
0x37d: {  	s22 =	rddreg [dreg:$0x16];
	[tilespmem:s0+$0x0] =	vst v1;
	v1 =	vor.u32 $0x3, v2  }
0x37e: {  	[hbm4b:s22+s21] =	stream.linear.scatter [tilespmem:s25], [sflag:$0x2], $0x280, $0x38;
	[tilespmem:$0x1E080] =	vst v63  }
0x37f: {  	_ =	swait.ge [sflag:s1], $0x280  }
0x380: {  	[sflag:s1] =	ssyncset.done $0x0  }
0x381: {  	s24 =	simm.s32 $0x10;
	[sflag:s1] =	ssyncadd.s32 $0xFFFFFD80  }
0x382: {  	v3 =	vld.idx.msk [tilespmem:v1+s6+$0x0], $0xffff;
	v1 =	vmov s24  }
0x383: {  	v1 =	vshll.u32 v1, $0x3  }
0x384: {  	v1 =	vor.u32 v0, v1  }
0x385: {  	v1 =	vor.u32 $0x3, v1;
	_ =	sdelay $0x2  }
0x386: {  	s0 =	simm.s32 $0x19800;
	s25 =	simm.s32 $0x20  }
0x387: {  	s21 =	simm.s32 $0x30;
	v2 =	vmov s25;
	[tilespmem:s0+$0x0] =	vst v3  }
.LBB2_35:
0x388: {  	p1 =	sne.s32 s21, $0x270;
	v2 =	vshll.u32 v2, $0x3;
	v3 =	vld.idx.msk [tilespmem:v1+s6+$0x0], $0xffff  }
0x389: {  	v1 =	vor.u32 v0, v2  }
.Ltmp17:
0x38a: {  	v1 =	vor.u32 $0x3, v1;
	(pc) =	sbr.rel @p1 .LBB2_35-.Ltmp17, $3  }
0x38b: {  	_ =	sdelay $0x1  }
0x38c: {  	s0 =	sadd.s32 $0x10, s0  }
0x38d: {  	v2 =	vmov s21;
	s21 =	sadd.s32 $0x10, s21;
	[tilespmem:s0+$0x0] =	vst v3  }
0x38e: {  	_ =	sdelay $0x2  }
0x38f: {  	v2 =	vshll.u32 v2, $0x3  }
0x390: {  	v1 =	vld.idx.msk [tilespmem:v1+s6+$0x0], $0xffff;
	v2 =	vor.u32 v0, v2  }
0x391: {  	v2 =	vor.u32 $0x3, v2;
	_ =	sdelay $0x2  }
0x392: {  	s0 =	sadd.s32 $0x10, s0  }
0x393: {  	[tilespmem:s0+$0x0] =	vst v1  }
0x394: {  	v1 =	vld.idx.msk [tilespmem:v2+s6+$0x0], $0xffff  }
0x395: {  	s21 =	simm.s32 $0x0  }
0x396: {  	v2 =	vmov s21  }
0x397: {  	v2 =	vshll.u32 v2, $0x3  }
0x398: {  	s0 =	sadd.s32 $0x10, s0;
	v2 =	vor.u32 v0, v2  }
0x399: {  	s24 =	rddreg [dreg:$0x17];
	[tilespmem:s0+$0x0] =	vst v1;
	v1 =	vor.u32 $0x4, v2  }
0x39a: {  	[hbm4b:s24+s21] =	stream.linear.scatter [tilespmem:s26], [sflag:$0x2], $0x280, $0x38;
	[tilespmem:$0x1E080] =	vst v63  }
0x39b: {  	_ =	swait.ge [sflag:s1], $0x280  }
0x39c: {  	[sflag:s1] =	ssyncset.done $0x0  }
0x39d: {  	s25 =	simm.s32 $0x10;
	[sflag:s1] =	ssyncadd.s32 $0xFFFFFD80  }
0x39e: {  	v3 =	vld.idx.msk [tilespmem:v1+s6+$0x0], $0xffff;
	v1 =	vmov s25  }
0x39f: {  	v1 =	vshll.u32 v1, $0x3  }
0x3a0: {  	v1 =	vor.u32 v0, v1  }
0x3a1: {  	v1 =	vor.u32 $0x4, v1;
	_ =	sdelay $0x2  }
0x3a2: {  	s0 =	simm.s32 $0x19A80;
	s26 =	simm.s32 $0x20  }
0x3a3: {  	s21 =	simm.s32 $0x30;
	v2 =	vmov s26;
	[tilespmem:s0+$0x0] =	vst v3  }
.LBB2_37:
0x3a4: {  	p1 =	sne.s32 s21, $0x270;
	v2 =	vshll.u32 v2, $0x3;
	v3 =	vld.idx.msk [tilespmem:v1+s6+$0x0], $0xffff  }
0x3a5: {  	v1 =	vor.u32 v0, v2  }
.Ltmp18:
0x3a6: {  	v1 =	vor.u32 $0x4, v1;
	(pc) =	sbr.rel @p1 .LBB2_37-.Ltmp18, $3  }
0x3a7: {  	_ =	sdelay $0x1  }
0x3a8: {  	s0 =	sadd.s32 $0x10, s0  }
0x3a9: {  	v2 =	vmov s21;
	s21 =	sadd.s32 $0x10, s21;
	[tilespmem:s0+$0x0] =	vst v3  }
0x3aa: {  	_ =	sdelay $0x2  }
0x3ab: {  	v2 =	vshll.u32 v2, $0x3  }
0x3ac: {  	v1 =	vld.idx.msk [tilespmem:v1+s6+$0x0], $0xffff;
	v2 =	vor.u32 v0, v2  }
0x3ad: {  	v2 =	vor.u32 $0x4, v2;
	_ =	sdelay $0x2  }
0x3ae: {  	s0 =	sadd.s32 $0x10, s0  }
0x3af: {  	[tilespmem:s0+$0x0] =	vst v1  }
0x3b0: {  	v1 =	vld.idx.msk [tilespmem:v2+s6+$0x0], $0xffff  }
0x3b1: {  	s21 =	simm.s32 $0x0  }
0x3b2: {  	v2 =	vmov s21  }
0x3b3: {  	v2 =	vshll.u32 v2, $0x3  }
0x3b4: {  	s0 =	sadd.s32 $0x10, s0;
	v2 =	vor.u32 v0, v2  }
0x3b5: {  	s25 =	rddreg [dreg:$0x18];
	[tilespmem:s0+$0x0] =	vst v1;
	v1 =	vor.u32 $0x5, v2  }
0x3b6: {  	[hbm4b:s25+s21] =	stream.linear.scatter [tilespmem:s30], [sflag:$0x2], $0x280, $0x38;
	[tilespmem:$0x1E080] =	vst v63  }
0x3b7: {  	_ =	swait.ge [sflag:s1], $0x280  }
0x3b8: {  	[sflag:s1] =	ssyncset.done $0x0  }
0x3b9: {  	s26 =	simm.s32 $0x10;
	[sflag:s1] =	ssyncadd.s32 $0xFFFFFD80  }
0x3ba: {  	v3 =	vld.idx.msk [tilespmem:v1+s6+$0x0], $0xffff;
	v1 =	vmov s26  }
0x3bb: {  	v1 =	vshll.u32 v1, $0x3  }
0x3bc: {  	v1 =	vor.u32 v0, v1  }
0x3bd: {  	v1 =	vor.u32 $0x5, v1;
	_ =	sdelay $0x2  }
0x3be: {  	s0 =	simm.s32 $0x19D00;
	s30 =	simm.s32 $0x20  }
0x3bf: {  	s21 =	simm.s32 $0x30;
	v2 =	vmov s30;
	[tilespmem:s0+$0x0] =	vst v3  }
.LBB2_39:
0x3c0: {  	p1 =	sne.s32 s21, $0x270;
	v2 =	vshll.u32 v2, $0x3;
	v3 =	vld.idx.msk [tilespmem:v1+s6+$0x0], $0xffff  }
0x3c1: {  	v1 =	vor.u32 v0, v2  }
.Ltmp19:
0x3c2: {  	v1 =	vor.u32 $0x5, v1;
	(pc) =	sbr.rel @p1 .LBB2_39-.Ltmp19, $3  }
0x3c3: {  	_ =	sdelay $0x1  }
0x3c4: {  	s0 =	sadd.s32 $0x10, s0  }
0x3c5: {  	v2 =	vmov s21;
	s21 =	sadd.s32 $0x10, s21;
	[tilespmem:s0+$0x0] =	vst v3  }
0x3c6: {  	_ =	sdelay $0x2  }
0x3c7: {  	v2 =	vshll.u32 v2, $0x3  }
0x3c8: {  	v1 =	vld.idx.msk [tilespmem:v1+s6+$0x0], $0xffff;
	v2 =	vor.u32 v0, v2  }
0x3c9: {  	v2 =	vor.u32 $0x5, v2;
	_ =	sdelay $0x2  }
0x3ca: {  	s0 =	sadd.s32 $0x10, s0  }
0x3cb: {  	[tilespmem:s0+$0x0] =	vst v1  }
0x3cc: {  	v1 =	vld.idx.msk [tilespmem:v2+s6+$0x0], $0xffff  }
0x3cd: {  	s21 =	simm.s32 $0x0  }
0x3ce: {  	v2 =	vmov s21  }
0x3cf: {  	v2 =	vshll.u32 v2, $0x3  }
0x3d0: {  	s0 =	sadd.s32 $0x10, s0;
	v2 =	vor.u32 v0, v2  }
0x3d1: {  	s26 =	rddreg [dreg:$0x19];
	[tilespmem:s0+$0x0] =	vst v1;
	v1 =	vor.u32 $0x6, v2  }
0x3d2: {  	[hbm4b:s26+s21] =	stream.linear.scatter [tilespmem:s31], [sflag:$0x2], $0x280, $0x38;
	[tilespmem:$0x1E080] =	vst v63  }
0x3d3: {  	_ =	swait.ge [sflag:s1], $0x280  }
0x3d4: {  	[sflag:s1] =	ssyncset.done $0x0  }
0x3d5: {  	s30 =	simm.s32 $0x10;
	[sflag:s1] =	ssyncadd.s32 $0xFFFFFD80  }
0x3d6: {  	v3 =	vld.idx.msk [tilespmem:v1+s6+$0x0], $0xffff;
	v1 =	vmov s30  }
0x3d7: {  	v1 =	vshll.u32 v1, $0x3  }
0x3d8: {  	v1 =	vor.u32 v0, v1  }
0x3d9: {  	v1 =	vor.u32 $0x6, v1;
	_ =	sdelay $0x2  }
0x3da: {  	s0 =	simm.s32 $0x19F80;
	s31 =	simm.s32 $0x20  }
0x3db: {  	s21 =	simm.s32 $0x30;
	v2 =	vmov s31;
	[tilespmem:s0+$0x0] =	vst v3  }
.LBB2_41:
0x3dc: {  	p1 =	sne.s32 s21, $0x270;
	v2 =	vshll.u32 v2, $0x3;
	v3 =	vld.idx.msk [tilespmem:v1+s6+$0x0], $0xffff  }
0x3dd: {  	v1 =	vor.u32 v0, v2  }
.Ltmp20:
0x3de: {  	v1 =	vor.u32 $0x6, v1;
	(pc) =	sbr.rel @p1 .LBB2_41-.Ltmp20, $3  }
0x3df: {  	_ =	sdelay $0x1  }
0x3e0: {  	s0 =	sadd.s32 $0x10, s0  }
0x3e1: {  	v2 =	vmov s21;
	s21 =	sadd.s32 $0x10, s21;
	[tilespmem:s0+$0x0] =	vst v3  }
0x3e2: {  	_ =	sdelay $0x2  }
0x3e3: {  	v2 =	vshll.u32 v2, $0x3  }
0x3e4: {  	v1 =	vld.idx.msk [tilespmem:v1+s6+$0x0], $0xffff;
	v2 =	vor.u32 v0, v2  }
0x3e5: {  	v2 =	vor.u32 $0x6, v2;
	_ =	sdelay $0x2  }
0x3e6: {  	s0 =	sadd.s32 $0x10, s0  }
0x3e7: {  	[tilespmem:s0+$0x0] =	vst v1  }
0x3e8: {  	v1 =	vld.idx.msk [tilespmem:v2+s6+$0x0], $0xffff  }
0x3e9: {  	s21 =	simm.s32 $0x0  }
0x3ea: {  	v2 =	vmov s21  }
0x3eb: {  	v2 =	vshll.u32 v2, $0x3  }
0x3ec: {  	s0 =	sadd.s32 $0x10, s0;
	v2 =	vor.u32 v0, v2  }
0x3ed: {  	s26 =	rddreg [dreg:$0x1a];
	[tilespmem:s0+$0x0] =	vst v1;
	v1 =	vor.u32 $0x7, v2  }
0x3ee: {  	[hbm4b:s26+s21] =	stream.linear.scatter [tilespmem:s28], [sflag:$0x2], $0x280, $0x38;
	[tilespmem:$0x1E080] =	vst v63  }
0x3ef: {  	_ =	swait.ge [sflag:s1], $0x280  }
0x3f0: {  	[sflag:s1] =	ssyncset.done $0x0  }
0x3f1: {  	s30 =	simm.s32 $0x10;
	[sflag:s1] =	ssyncadd.s32 $0xFFFFFD80  }
0x3f2: {  	v3 =	vld.idx.msk [tilespmem:v1+s6+$0x0], $0xffff;
	v1 =	vmov s30  }
0x3f3: {  	v1 =	vshll.u32 v1, $0x3  }
0x3f4: {  	v1 =	vor.u32 v0, v1  }
0x3f5: {  	v1 =	vor.u32 $0x7, v1;
	_ =	sdelay $0x2  }
0x3f6: {  	s31 =	simm.s32 $0x20;
	s0 =	simm.s32 $0x1A200  }
0x3f7: {  	v2 =	vmov s31;
	s21 =	simm.s32 $0x30;
	[tilespmem:s0+$0x0] =	vst v3  }
.LBB2_43:
0x3f8: {  	p1 =	sne.s32 s21, $0x270;
	v2 =	vshll.u32 v2, $0x3;
	v3 =	vld.idx.msk [tilespmem:v1+s6+$0x0], $0xffff  }
0x3f9: {  	v1 =	vor.u32 v0, v2  }
.Ltmp21:
0x3fa: {  	v1 =	vor.u32 $0x7, v1;
	(pc) =	sbr.rel @p1 .LBB2_43-.Ltmp21, $3  }
0x3fb: {  	_ =	sdelay $0x1  }
0x3fc: {  	s0 =	sadd.s32 $0x10, s0  }
0x3fd: {  	v2 =	vmov s21;
	s21 =	sadd.s32 $0x10, s21;
	[tilespmem:s0+$0x0] =	vst v3  }
0x3fe: {  	_ =	sdelay $0x2  }
0x3ff: {  	v2 =	vshll.u32 v2, $0x3  }
0x400: {  	v1 =	vld.idx.msk [tilespmem:v1+s6+$0x0], $0xffff;
	v2 =	vor.u32 v0, v2  }
0x401: {  	v2 =	vor.u32 $0x7, v2;
	_ =	sdelay $0x2  }
0x402: {  	s0 =	sadd.s32 $0x10, s0  }
0x403: {  	[tilespmem:s0+$0x0] =	vst v1  }
0x404: {  	v1 =	vld.idx.msk [tilespmem:v2+s6+$0x0], $0xffff;
	_ =	sdelay $0x3  }
0x405: {  	s0 =	sadd.s32 $0x10, s0  }
0x406: {  	s30 =	rddreg [dreg:$0x1b];
	[tilespmem:s0+$0x0] =	vst v1  }
0x407: {  	[hbm4b:s30+s5] =	stream.linear.scatter [tilespmem:s23], [sflag:$0x2], $0x280, $0x38;
	[tilespmem:$0x1E080] =	vst v63  }
0x408: {  	_ =	swait.ge [sflag:s1], $0x280  }
0x409: {  	s29 =	sadd.s32 $0x1, s29;
	s31 =	rddreg [dreg:$0x15]  }
0x40a: {  	p1 =	sne.s32 s29, s31  }
.Ltmp22:
0x40b: {  	_ = 	snop;
	(pc) =	sbr.rel @p1 .LBB2_1-.Ltmp22, $3  }
0x40c: {  	_ =	sdelay $0x1  }
0x40d: {  	[sflag:s1] =	ssyncset.done $0x0  }
0x40e: {  	[sflag:s1] =	ssyncadd.s32 $0xFFFFFD80  }
0x40f: {  	_ =	sfence.sel $0x180000  }
0x410: {  	[bflag:$0x0] =	sbarrier.arrive $0xFFFF  }
0x411: {  	_ =	strace $0x90000047  }
0x412: {  	s0 =	stileid.u32;
	[bflag:$0x2] =	sbarrier.arrive $0xFFFF  }
0x413: {  	p0 =	sne.s32 s0, $0x0;
	s0 =	rddreg [dreg:$0x5]  }
0x414: {  	s0 =	sadd.s32 @!p0 $0x100000, s0  }
0x415: {  	[sflag:s0] =	ssyncadd.tile.s32 @!p0 $0x1;
	_ =	shalt  }
.Lfunc_end2:
_tile_overlayer_lowered:
.L_overlay_start_2:
0x416: {  	(tag) =	ssettag $0x2  }
0x417: {  	s0 =	rddreg [dreg:$0x0];
	s2 =	stileid.u32  }
0x418: {  	s1 =	rddreg [dreg:$0x1];
	p0 =	sne.s32 s2, $0x0  }
0x419: {  	s3 =	rddreg [dreg:$0x2];
	[bflag:$0x3] =	sbarrier.arrive $0xFFFF;
	s2 =	simm.s32 @!p0 $0x1C02  }
0x41a: {  	[timem:s3], [sflag:s2] =	dma.local @!p0 [hbm:s0], s1  }
0x41b: {  	s0 =	simm.s32 @!p0 $0x2  }
0x41c: {  	_ =	swait.ge @!p0 [sflag:s0], s1  }
0x41d: {  	s1 =	ssub.s32 @!p0 $0x0, s1;
	[sflag:s0] =	ssyncset.done @!p0 $0x0  }
0x41e: {  	[sflag:s0] =	ssyncadd.s32 @!p0 s1  }
0x41f: {  	[bflag:$0x3] =	sbarrier.arrive $0xFFFF  }
0x420: {  	_ =	shalt  }

</sc_bundles>
